<compile_context>
chip_gen: v7x
topology: tpu7x:2x2x1
jax: 0.10.2.dev20260603
libtpu: 0.0.44.dev20260713+nightly
codegen_flags: <defaults>
</compile_context>

<pallas_src>
import functools

import jax
import jax.numpy as jnp
from jax import lax
from jax.experimental import pallas as pl
from jax.experimental.pallas import tpu as pltpu
from jax.experimental.pallas import tpu_sc as plsc

_N = 10000
_E = 320000
_D = 128
_H = 64

_NC = 2
_NS = 16
_NW = _NC * _NS
_NPAD = 10240
_ROWS_PER_SUB = _NPAD // _NS
_CHUNK = 128
_INNER = 8
_OUTER0 = 19
_OUTER1 = 1
_CPW0 = _INNER * _OUTER0
_CPW1 = _INNER * _OUTER1
_NCHUNKS = _NS * (_CPW0 + _CPW1)
_EPAD = _NCHUNKS * _CHUNK


_HALF = _INNER // 2


def _sc_pass_body(with_cnt, stage_y, *refs):
    if with_cnt:
        (y, srcm, dstm, za, zc, ones_h, agg_out, cnt_out,
         agg_sh, cnt_sh, *rest) = refs
    else:
        (y, srcm, dstm, za, agg_out, agg_sh, *rest) = refs
    if stage_y:
        y_sh, *rest = rest
    if with_cnt:
        (src_v, dst_v, buf_a, buf_b, ones_v,
         sem_g, sem_sa, sem_sb, sem_o) = rest
    else:
        (src_v, dst_v, buf_a, buf_b,
         sem_g, sem_sa, sem_sb, sem_o) = rest
    cid = lax.axis_index("c")
    sid = lax.axis_index("s")
    row0 = sid * _ROWS_PER_SUB
    stripe = pl.ds(row0, _ROWS_PER_SUB)
    y_src = y_sh if stage_y else y
    if stage_y:
        pltpu.sync_copy(y.at[stripe], y_sh.at[stripe])
    pltpu.sync_copy(za, agg_sh.at[stripe])
    if with_cnt:
        pltpu.sync_copy(zc, cnt_sh.at[stripe])
        pltpu.sync_copy(ones_h, ones_v)
    plsc.subcore_barrier()

    idx_row0 = jnp.where(cid == 0, sid * _CPW0, _NS * _CPW0 + sid * _CPW1)
    outer = jnp.where(cid == 0, _OUTER0, _OUTER1)

    def load_idx(j, p):
        base = idx_row0 + j * _INNER
        pltpu.sync_copy(srcm.at[pl.ds(base, _INNER)], src_v.at[p])
        pltpu.sync_copy(dstm.at[pl.ds(base, _INNER)], dst_v.at[p])

    def fire_gathers(p, t0, buf):
        return [
            pltpu.async_copy(
                y_src.at[src_v.at[p, t0 + t]],
                buf.at[pl.ds(t * _CHUNK, _CHUNK)], sem_g)
            for t in range(_HALF)
        ]

    def fire_scatters(p, t0, buf, sem):
        ds = []
        for t in range(_HALF):
            ds.append(pltpu.async_copy(
                buf.at[pl.ds(t * _CHUNK, _CHUNK)],
                agg_sh.at[dst_v.at[p, t0 + t]], sem, add=True))
            if with_cnt:
                ds.append(pltpu.async_copy(
                    ones_v, cnt_sh.at[dst_v.at[p, t0 + t]], sem_o, add=True))
        return ds

    def drain(buf, sem):
        for t in range(_HALF):
            pltpu.make_async_copy(
                buf.at[pl.ds(t * _CHUNK, _CHUNK)],
                agg_sh.at[pl.ds(0, _CHUNK)], sem).wait()

    def drain_ones():
        for _ in range(_INNER):
            pltpu.make_async_copy(
                ones_v, cnt_sh.at[pl.ds(0, _CHUNK)], sem_o).wait()

    load_idx(0, 0)

    @pl.loop(0, outer)
    def _(j):
        p = j % 2

        @pl.when(j != 0)
        def _():
            drain(buf_a, sem_sa)

        gA = fire_gathers(p, 0, buf_a)

        @pl.when(j != 0)
        def _():
            drain(buf_b, sem_sb)
            if with_cnt:
                drain_ones()

        for d in gA:
            d.wait()
        fire_scatters(p, 0, buf_a, sem_sa)
        gB = fire_gathers(p, _HALF, buf_b)

        @pl.when(j != outer - 1)
        def _():
            load_idx(j + 1, 1 - p)

        for d in gB:
            d.wait()
        fire_scatters(p, _HALF, buf_b, sem_sb)

    drain(buf_a, sem_sa)
    drain(buf_b, sem_sb)
    if with_cnt:
        drain_ones()
    plsc.subcore_barrier()
    sl = pl.ds(row0, _ROWS_PER_SUB)
    pltpu.sync_copy(agg_sh.at[sl], agg_out.at[cid, sl])
    if with_cnt:
        pltpu.sync_copy(cnt_sh.at[sl], cnt_out.at[cid, sl])


def _make_sc_pass(with_cnt, stage_y):
    mesh = plsc.VectorSubcoreMesh(core_axis_name="c", subcore_axis_name="s")
    out_type = [jax.ShapeDtypeStruct((_NC, _NPAD, _H), jnp.bfloat16)]
    scratch = [
        pltpu.VMEM_SHARED((_NPAD, _H), jnp.bfloat16),
    ]
    if stage_y:
        scratch.append(pltpu.VMEM_SHARED((_NPAD, _H), jnp.float32))
    scratch += [
        pltpu.VMEM((2, _INNER, _CHUNK), jnp.int32),
        pltpu.VMEM((2, _INNER, _CHUNK), jnp.int32),
        pltpu.VMEM((_HALF * _CHUNK, _H), jnp.bfloat16),
        pltpu.VMEM((_HALF * _CHUNK, _H), jnp.bfloat16),
    ]
    if with_cnt:
        out_type.append(jax.ShapeDtypeStruct((_NC, _NPAD, 16), jnp.float32))
        scratch.insert(1, pltpu.VMEM_SHARED((_NPAD, 16), jnp.float32))
        scratch.append(pltpu.VMEM((_CHUNK, 16), jnp.float32))
    scratch += [pltpu.SemaphoreType.DMA] * 4
    return pl.kernel(
        functools.partial(_sc_pass_body, with_cnt, stage_y),
        out_type=out_type,
        mesh=mesh,
        scratch_types=scratch,
        compiler_params=pltpu.CompilerParams(use_tc_tiling_on_sc=False),
        name="sage_edge_pass_cnt" if with_cnt else "sage_edge_pass",
    )


_sc_pass_cnt = _make_sc_pass(True, False)
_sc_pass = _make_sc_pass(False, False)

_BM = 1024


def _tc_a_body(x_ref, wl_ref, wr_ref, b_ref, y_ref, z_ref):
    x = x_ref[...].astype(jnp.bfloat16)
    y_ref[...] = jnp.dot(
        x, wl_ref[...].astype(jnp.bfloat16), preferred_element_type=jnp.float32
    ).astype(jnp.bfloat16)
    z_ref[...] = (
        jnp.dot(x, wr_ref[...].astype(jnp.bfloat16),
                preferred_element_type=jnp.float32) + b_ref[...]
    )


def _tc_b_body(a, c, z1, wl, wr, b, y2, z2):
    av = a[...].astype(jnp.float32)
    cv = c[...]
    cnt = cv[0][:, :1] + cv[1][:, :1]
    mean = (av[0] + av[1]) / jnp.maximum(cnt, 1.0)
    h = (jnp.maximum(mean + z1[...], 0.0)).astype(jnp.bfloat16)
    y2[...] = jnp.dot(
        h, wl[...], preferred_element_type=jnp.float32
    ).astype(jnp.bfloat16)
    z2[...] = jnp.dot(h, wr[...], preferred_element_type=jnp.float32) + b[...]


def _tc_c_body(a, c, z2, wo, b, o):
    av = a[...].astype(jnp.float32)
    cv = c[...]
    cnt = cv[0][:, :1] + cv[1][:, :1]
    mean = (av[0] + av[1]) / jnp.maximum(cnt, 1.0)
    h = jnp.maximum(mean + z2[...], 0.0)
    o[...] = jnp.sum(h * wo[...], axis=1) + b[0, 0]


def _rows_spec(w):
    return pl.BlockSpec((_BM, w), lambda i: (i, 0))


def _prows_spec(w):
    return pl.BlockSpec((_NC, _BM, w), lambda i: (0, i, 0))


def _full_spec(shape):
    return pl.BlockSpec(shape, lambda i: tuple(0 for _ in shape))


_GRID = (_NPAD // _BM,)

_tc_a = pl.pallas_call(
    _tc_a_body,
    grid=_GRID,
    in_specs=[_rows_spec(_D), _full_spec((_D, _H)), _full_spec((_D, _H)),
              _full_spec((1, _H))],
    out_specs=[_rows_spec(_H), _rows_spec(_H)],
    out_shape=[jax.ShapeDtypeStruct((_NPAD, _H), jnp.bfloat16),
               jax.ShapeDtypeStruct((_NPAD, _H), jnp.float32)],
)

_tc_b = pl.pallas_call(
    _tc_b_body,
    grid=_GRID,
    in_specs=[_prows_spec(_H), _prows_spec(16),
              _rows_spec(_H), _full_spec((_H, _H)), _full_spec((_H, _H)),
              _full_spec((1, _H))],
    out_specs=[_rows_spec(_H), _rows_spec(_H)],
    out_shape=[jax.ShapeDtypeStruct((_NPAD, _H), jnp.bfloat16),
               jax.ShapeDtypeStruct((_NPAD, _H), jnp.float32)],
)

_tc_c = pl.pallas_call(
    _tc_c_body,
    grid=_GRID,
    in_specs=[_prows_spec(_H), _prows_spec(16),
              _rows_spec(_H), _full_spec((1, _H)), _full_spec((1, 1))],
    out_specs=pl.BlockSpec((_BM,), lambda i: (i,)),
    out_shape=jax.ShapeDtypeStruct((_NPAD,), jnp.float32),
)


def kernel(x, edge_index, W1l, b1l, W1r, W2l, b2l, W2r, Wo, bo):
    xp = jnp.zeros((_NPAD, _D), jnp.float32).at[:_N].set(x)
    pad = jnp.full((_EPAD - _E,), _NPAD - 1, jnp.int32)
    srcm = jnp.concatenate([edge_index[0], pad]).reshape(_EPAD // _CHUNK, _CHUNK)
    dstm = jnp.concatenate([edge_index[1], pad]).reshape(_EPAD // _CHUNK, _CHUNK)
    za = jnp.zeros((_ROWS_PER_SUB, _H), jnp.bfloat16)
    zc = jnp.zeros((_ROWS_PER_SUB, 16), jnp.float32)
    ones_h = jnp.ones((_CHUNK, 16), jnp.float32)

    y1, z1 = _tc_a(xp, W1l, W1r, b1l.reshape(1, _H))
    agg1, cnt = _sc_pass_cnt(y1, srcm, dstm, za, zc, ones_h)
    y2, z2 = _tc_b(agg1, cnt, z1, W2l, W2r, b2l.reshape(1, _H))
    (agg2,) = _sc_pass(y2, srcm, dstm, za)
    out = _tc_c(agg2, cnt, z2, Wo.reshape(1, _H), bo.reshape(1, 1))
    return out[:_N]

# --- scband reference (transcript-rebuilt; emitter-appended) ---
"""Pipeline reference for scband-base-sage-36507222016454 (READ-ONLY COPY).

The authoritative reference and input builder live on the scoring server;
editing this copy changes nothing except your own understanding.
"""

import jax, jax.numpy as jnp
import numpy as np

N = 10000
E = 320000
D = 128
H = 64

def setup_inputs(seed: int = 0):
    key = jax.random.key(seed)
    ks = jax.random.split(key, 12)
    x = jax.random.normal(ks[0], (N, D), dtype=jnp.float32)
    edge_index = jax.random.randint(ks[1], (2, E), 0, N, dtype=jnp.int32)
    s = 0.05
    W1l = jax.random.normal(ks[2], (D, H), dtype=jnp.float32) * s
    b1l = jnp.zeros((H,), dtype=jnp.float32)
    W1r = jax.random.normal(ks[3], (D, H), dtype=jnp.float32) * s
    W2l = jax.random.normal(ks[4], (H, H), dtype=jnp.float32) * s
    b2l = jnp.zeros((H,), dtype=jnp.float32)
    W2r = jax.random.normal(ks[5], (H, H), dtype=jnp.float32) * s
    Wo = jax.random.normal(ks[6], (H, 1), dtype=jnp.float32) * s
    bo = jnp.zeros((1,), dtype=jnp.float32)
    return {"x": x, "edge_index": edge_index, "W1l": W1l, "b1l": b1l, "W1r": W1r,
            "W2l": W2l, "b2l": b2l, "W2r": W2r, "Wo": Wo, "bo": bo}

def _sage_conv(x, src, dst, Wl, bl, Wr):
    # PyG SAGEConv with mean aggregation: lin_l(mean_j x_j) + lin_r(x_i)
    msgs = jnp.take(x, src, axis=0)
    agg = jax.ops.segment_sum(msgs, dst, num_segments=N)
    cnt = jax.ops.segment_sum(jnp.ones((src.shape[0],), x.dtype), dst, num_segments=N)
    mean = agg / jnp.maximum(cnt, 1.0)[:, None]
    return mean @ Wl + bl + x @ Wr

def reference(x, edge_index, W1l, b1l, W1r, W2l, b2l, W2r, Wo, bo):
    src = edge_index[0]
    dst = edge_index[1]
    h = _sage_conv(x, src, dst, W1l, b1l, W1r)
    h = jax.nn.relu(h)
    # dropout is identity in eval mode
    h = _sage_conv(h, src, dst, W2l, b2l, W2r)
    h = jax.nn.relu(h)
    out = h @ Wo + bo
    return out.squeeze(-1)

if __name__ == "__main__":
    import jax
    _d = setup_inputs()
    print(jax.jit(kernel)(*tuple(_d.values())))

</pallas_src>

<mosaic_0001>
#map = affine_map<(d0, d1) -> (0, 0)>
#map1 = affine_map<(d0, d1) -> (0, 0, 0)>
module attributes {stable_mosaic.version = 14 : i64} {
  func.func @sage_edge_pass_cnt(%arg0: i32, %arg1: i32, %arg2: memref<10240x64xbf16, #tpu.memory_space<hbm>>, %arg3: memref<2560x128xi32, #tpu.memory_space<hbm>>, %arg4: memref<2560x128xi32, #tpu.memory_space<hbm>>, %arg5: memref<640x64xbf16, #tpu.memory_space<hbm>>, %arg6: memref<640x16xf32, #tpu.memory_space<hbm>>, %arg7: memref<128x16xf32, #tpu.memory_space<hbm>>, %arg8: memref<2x10240x64xbf16, #tpu.memory_space<hbm>>, %arg9: memref<2x10240x16xf32, #tpu.memory_space<hbm>>, %arg10: memref<10240x64xbf16, #tpu.memory_space<vmem_shared>>, %arg11: memref<10240x16xf32, #tpu.memory_space<vmem_shared>>, %arg12: memref<2x8x128xi32, #tpu.memory_space<vmem>>, %arg13: memref<2x8x128xi32, #tpu.memory_space<vmem>>, %arg14: memref<512x64xbf16, #tpu.memory_space<vmem>>, %arg15: memref<512x64xbf16, #tpu.memory_space<vmem>>, %arg16: memref<128x16xf32, #tpu.memory_space<vmem>>, %arg17: memref<!tpu.dma_semaphore, #tpu.memory_space<semaphore_mem>>, %arg18: memref<!tpu.dma_semaphore, #tpu.memory_space<semaphore_mem>>, %arg19: memref<!tpu.dma_semaphore, #tpu.memory_space<semaphore_mem>>, %arg20: memref<!tpu.dma_semaphore, #tpu.memory_space<semaphore_mem>>) attributes {dimension_semantics = [#tpu.dimension_semantics<core_parallel>, #tpu.dimension_semantics<subcore_parallel>], iteration_bounds = array<i64: 2, 16>, scalar_prefetch = 0 : i64, scratch_operands = 11 : i64, tpu.core_type = #tpu.core_type<sc_vector_subcore>, window_params = [{transform_indices = #map}, {transform_indices = #map}, {transform_indices = #map}, {transform_indices = #map}, {transform_indices = #map}, {transform_indices = #map}, {transform_indices = #map1}, {transform_indices = #map1}]} {
    %mul3A = arith.constant 640 : i32
    %mul3A_0 = arith.muli %arg1, %mul3A : i32
    "tpu.region"() ({
      %run_scoped3A_174 = tpu.sem_alloc : memref<!tpu.dma_semaphore, #tpu.memory_space<semaphore_mem>>
      %dma_start3A = arith.constant 0 : i32
      %dma_start3A_175 = tpu.memref_slice %arg10[%mul3A_0, %dma_start3A] : memref<10240x64xbf16, #tpu.memory_space<vmem_shared>> -> memref<640x64xbf16, #tpu.memory_space<vmem_shared>>
      tpu.enqueue_dma source(%arg5 : memref<640x64xbf16, #tpu.memory_space<hbm>>) target(%dma_start3A_175 : memref<640x64xbf16, #tpu.memory_space<vmem_shared>>) target_semaphore(%run_scoped3A_174 : memref<!tpu.dma_semaphore, #tpu.memory_space<semaphore_mem>>)
      %dma_wait3A_176 = arith.constant 0 : i32
      %dma_wait3A_177 = tpu.memref_slice %arg10[%mul3A_0, %dma_wait3A_176] : memref<10240x64xbf16, #tpu.memory_space<vmem_shared>> -> memref<640x64xbf16, #tpu.memory_space<vmem_shared>>
      tpu.wait_dma2 semaphore(%run_scoped3A_174 : memref<!tpu.dma_semaphore, #tpu.memory_space<semaphore_mem>>) src(%arg5 : memref<640x64xbf16, #tpu.memory_space<hbm>>) dst(%dma_wait3A_177 : memref<640x64xbf16, #tpu.memory_space<vmem_shared>>)
      tpu.yield
    }) : () -> ()
    "tpu.region"() ({
      %run_scoped3A_174 = tpu.sem_alloc : memref<!tpu.dma_semaphore, #tpu.memory_space<semaphore_mem>>
      %dma_start3A = arith.constant 0 : i32
      %dma_start3A_175 = tpu.memref_slice %arg11[%mul3A_0, %dma_start3A] : memref<10240x16xf32, #tpu.memory_space<vmem_shared>> -> memref<640x16xf32, #tpu.memory_space<vmem_shared>>
      tpu.enqueue_dma source(%arg6 : memref<640x16xf32, #tpu.memory_space<hbm>>) target(%dma_start3A_175 : memref<640x16xf32, #tpu.memory_space<vmem_shared>>) target_semaphore(%run_scoped3A_174 : memref<!tpu.dma_semaphore, #tpu.memory_space<semaphore_mem>>)
      %dma_wait3A_176 = arith.constant 0 : i32
      %dma_wait3A_177 = tpu.memref_slice %arg11[%mul3A_0, %dma_wait3A_176] : memref<10240x16xf32, #tpu.memory_space<vmem_shared>> -> memref<640x16xf32, #tpu.memory_space<vmem_shared>>
      tpu.wait_dma2 semaphore(%run_scoped3A_174 : memref<!tpu.dma_semaphore, #tpu.memory_space<semaphore_mem>>) src(%arg6 : memref<640x16xf32, #tpu.memory_space<hbm>>) dst(%dma_wait3A_177 : memref<640x16xf32, #tpu.memory_space<vmem_shared>>)
      tpu.yield
    }) : () -> ()
    "tpu.region"() ({
      %run_scoped3A_174 = tpu.sem_alloc : memref<!tpu.dma_semaphore, #tpu.memory_space<semaphore_mem>>
      tpu.enqueue_dma source(%arg7 : memref<128x16xf32, #tpu.memory_space<hbm>>) target(%arg16 : memref<128x16xf32, #tpu.memory_space<vmem>>) target_semaphore(%run_scoped3A_174 : memref<!tpu.dma_semaphore, #tpu.memory_space<semaphore_mem>>)
      tpu.wait_dma2 semaphore(%run_scoped3A_174 : memref<!tpu.dma_semaphore, #tpu.memory_space<semaphore_mem>>) src(%arg7 : memref<128x16xf32, #tpu.memory_space<hbm>>) dst(%arg16 : memref<128x16xf32, #tpu.memory_space<vmem>>)
      tpu.yield
    }) : () -> ()
    %barrier3A = arith.constant 0 : index
    tpu.barrier barrier_id(%barrier3A)
    %eq3A = arith.constant 0 : i32
    %eq3A_1 = arith.cmpi eq, %arg0, %eq3A : i32
    %mul3A_2 = arith.constant 152 : i32
    %mul3A_3 = arith.muli %arg1, %mul3A_2 : i32
    %mul3A_4 = arith.constant 8 : i32
    %mul3A_5 = arith.muli %arg1, %mul3A_4 : i32
    %add3A = arith.constant 2432 : i32
    %add3A_6 = arith.addi %add3A, %mul3A_5 : i32
    %select_n3A = arith.select %eq3A_1, %mul3A_3, %add3A_6 : i32
    %eq3A_7 = arith.constant 0 : i32
    %eq3A_8 = arith.cmpi eq, %arg0, %eq3A_7 : i32
    %jit3A = arith.constant 19 : i32
    %jit3A_9 = arith.constant 1 : i32
    %select_n3A_10 = arith.select %eq3A_8, %jit3A, %jit3A_9 : i32
    %add3A_11 = arith.constant 0 : i32
    %add3A_12 = arith.addi %select_n3A, %add3A_11 : i32
    %run_scoped3A = arith.constant 0 : i32
    "tpu.region"() ({
      %run_scoped3A_174 = tpu.sem_alloc : memref<!tpu.dma_semaphore, #tpu.memory_space<semaphore_mem>>
      %dma_start3A = arith.constant 0 : i32
      %dma_start3A_175 = arith.constant 0 : i32
      %dma_start3A_176 = tpu.memref_slice %arg12[%run_scoped3A, %dma_start3A, %dma_start3A_175] : memref<2x8x128xi32, #tpu.memory_space<vmem>> -> memref<1x8x128xi32, #tpu.memory_space<vmem>>
      %dma_start3A_177 = tpu.memref_squeeze %dma_start3A_176 : memref<1x8x128xi32, #tpu.memory_space<vmem>> -> memref<8x128xi32, #tpu.memory_space<vmem>>
      %dma_start3A_178 = arith.constant 0 : i32
      %dma_start3A_179 = tpu.memref_slice %arg3[%add3A_12, %dma_start3A_178] : memref<2560x128xi32, #tpu.memory_space<hbm>> -> memref<8x128xi32, #tpu.memory_space<hbm>>
      %dma_start3A_180 = arith.constant 0 : i32
      %dma_start3A_181 = arith.constant 0 : i32
      %dma_start3A_182 = tpu.memref_slice %arg12[%run_scoped3A, %dma_start3A_180, %dma_start3A_181] : memref<2x8x128xi32, #tpu.memory_space<vmem>> -> memref<1x8x128xi32, #tpu.memory_space<vmem>>
      %dma_start3A_183 = tpu.memref_squeeze %dma_start3A_182 : memref<1x8x128xi32, #tpu.memory_space<vmem>> -> memref<8x128xi32, #tpu.memory_space<vmem>>
      %dma_start3A_184 = arith.constant 0 : i32
      %dma_start3A_185 = tpu.memref_slice %arg3[%add3A_12, %dma_start3A_184] : memref<2560x128xi32, #tpu.memory_space<hbm>> -> memref<8x128xi32, #tpu.memory_space<hbm>>
      tpu.enqueue_dma source(%dma_start3A_185 : memref<8x128xi32, #tpu.memory_space<hbm>>) target(%dma_start3A_183 : memref<8x128xi32, #tpu.memory_space<vmem>>) target_semaphore(%run_scoped3A_174 : memref<!tpu.dma_semaphore, #tpu.memory_space<semaphore_mem>>)
      %dma_wait3A_186 = arith.constant 0 : i32
      %dma_wait3A_187 = arith.constant 0 : i32
      %dma_wait3A_188 = tpu.memref_slice %arg12[%run_scoped3A, %dma_wait3A_186, %dma_wait3A_187] : memref<2x8x128xi32, #tpu.memory_space<vmem>> -> memref<1x8x128xi32, #tpu.memory_space<vmem>>
      %dma_wait3A_189 = tpu.memref_squeeze %dma_wait3A_188 : memref<1x8x128xi32, #tpu.memory_space<vmem>> -> memref<8x128xi32, #tpu.memory_space<vmem>>
      %dma_wait3A_190 = arith.constant 0 : i32
      %dma_wait3A_191 = tpu.memref_slice %arg3[%add3A_12, %dma_wait3A_190] : memref<2560x128xi32, #tpu.memory_space<hbm>> -> memref<8x128xi32, #tpu.memory_space<hbm>>
      %dma_wait3A_192 = arith.constant 0 : i32
      %dma_wait3A_193 = arith.constant 0 : i32
      %dma_wait3A_194 = tpu.memref_slice %arg12[%run_scoped3A, %dma_wait3A_192, %dma_wait3A_193] : memref<2x8x128xi32, #tpu.memory_space<vmem>> -> memref<1x8x128xi32, #tpu.memory_space<vmem>>
      %dma_wait3A_195 = tpu.memref_squeeze %dma_wait3A_194 : memref<1x8x128xi32, #tpu.memory_space<vmem>> -> memref<8x128xi32, #tpu.memory_space<vmem>>
      %dma_wait3A_196 = arith.constant 0 : i32
      %dma_wait3A_197 = tpu.memref_slice %arg3[%add3A_12, %dma_wait3A_196] : memref<2560x128xi32, #tpu.memory_space<hbm>> -> memref<8x128xi32, #tpu.memory_space<hbm>>
      tpu.wait_dma2 semaphore(%run_scoped3A_174 : memref<!tpu.dma_semaphore, #tpu.memory_space<semaphore_mem>>) src(%dma_wait3A_197 : memref<8x128xi32, #tpu.memory_space<hbm>>) dst(%dma_wait3A_195 : memref<8x128xi32, #tpu.memory_space<vmem>>)
      tpu.yield
    }) : () -> ()
    %run_scoped3A_13 = arith.constant 0 : i32
    "tpu.region"() ({
      %run_scoped3A_174 = tpu.sem_alloc : memref<!tpu.dma_semaphore, #tpu.memory_space<semaphore_mem>>
      %dma_start3A = arith.constant 0 : i32
      %dma_start3A_175 = arith.constant 0 : i32
      %dma_start3A_176 = tpu.memref_slice %arg13[%run_scoped3A_13, %dma_start3A, %dma_start3A_175] : memref<2x8x128xi32, #tpu.memory_space<vmem>> -> memref<1x8x128xi32, #tpu.memory_space<vmem>>
      %dma_start3A_177 = tpu.memref_squeeze %dma_start3A_176 : memref<1x8x128xi32, #tpu.memory_space<vmem>> -> memref<8x128xi32, #tpu.memory_space<vmem>>
      %dma_start3A_178 = arith.constant 0 : i32
      %dma_start3A_179 = tpu.memref_slice %arg4[%add3A_12, %dma_start3A_178] : memref<2560x128xi32, #tpu.memory_space<hbm>> -> memref<8x128xi32, #tpu.memory_space<hbm>>
      %dma_start3A_180 = arith.constant 0 : i32
      %dma_start3A_181 = arith.constant 0 : i32
      %dma_start3A_182 = tpu.memref_slice %arg13[%run_scoped3A_13, %dma_start3A_180, %dma_start3A_181] : memref<2x8x128xi32, #tpu.memory_space<vmem>> -> memref<1x8x128xi32, #tpu.memory_space<vmem>>
      %dma_start3A_183 = tpu.memref_squeeze %dma_start3A_182 : memref<1x8x128xi32, #tpu.memory_space<vmem>> -> memref<8x128xi32, #tpu.memory_space<vmem>>
      %dma_start3A_184 = arith.constant 0 : i32
      %dma_start3A_185 = tpu.memref_slice %arg4[%add3A_12, %dma_start3A_184] : memref<2560x128xi32, #tpu.memory_space<hbm>> -> memref<8x128xi32, #tpu.memory_space<hbm>>
      tpu.enqueue_dma source(%dma_start3A_185 : memref<8x128xi32, #tpu.memory_space<hbm>>) target(%dma_start3A_183 : memref<8x128xi32, #tpu.memory_space<vmem>>) target_semaphore(%run_scoped3A_174 : memref<!tpu.dma_semaphore, #tpu.memory_space<semaphore_mem>>)
      %dma_wait3A_186 = arith.constant 0 : i32
      %dma_wait3A_187 = arith.constant 0 : i32
      %dma_wait3A_188 = tpu.memref_slice %arg13[%run_scoped3A_13, %dma_wait3A_186, %dma_wait3A_187] : memref<2x8x128xi32, #tpu.memory_space<vmem>> -> memref<1x8x128xi32, #tpu.memory_space<vmem>>
      %dma_wait3A_189 = tpu.memref_squeeze %dma_wait3A_188 : memref<1x8x128xi32, #tpu.memory_space<vmem>> -> memref<8x128xi32, #tpu.memory_space<vmem>>
      %dma_wait3A_190 = arith.constant 0 : i32
      %dma_wait3A_191 = tpu.memref_slice %arg4[%add3A_12, %dma_wait3A_190] : memref<2560x128xi32, #tpu.memory_space<hbm>> -> memref<8x128xi32, #tpu.memory_space<hbm>>
      %dma_wait3A_192 = arith.constant 0 : i32
      %dma_wait3A_193 = arith.constant 0 : i32
      %dma_wait3A_194 = tpu.memref_slice %arg13[%run_scoped3A_13, %dma_wait3A_192, %dma_wait3A_193] : memref<2x8x128xi32, #tpu.memory_space<vmem>> -> memref<1x8x128xi32, #tpu.memory_space<vmem>>
      %dma_wait3A_195 = tpu.memref_squeeze %dma_wait3A_194 : memref<1x8x128xi32, #tpu.memory_space<vmem>> -> memref<8x128xi32, #tpu.memory_space<vmem>>
      %dma_wait3A_196 = arith.constant 0 : i32
      %dma_wait3A_197 = tpu.memref_slice %arg4[%add3A_12, %dma_wait3A_196] : memref<2560x128xi32, #tpu.memory_space<hbm>> -> memref<8x128xi32, #tpu.memory_space<hbm>>
      tpu.wait_dma2 semaphore(%run_scoped3A_174 : memref<!tpu.dma_semaphore, #tpu.memory_space<semaphore_mem>>) src(%dma_wait3A_197 : memref<8x128xi32, #tpu.memory_space<hbm>>) dst(%dma_wait3A_195 : memref<8x128xi32, #tpu.memory_space<vmem>>)
      tpu.yield
    }) : () -> ()
    %sub3A = arith.constant 0 : i32
    %sub3A_14 = arith.subi %select_n3A_10, %sub3A : i32
    %sub3A_15 = arith.constant 1 : i32
    %sub3A_16 = arith.constant 1 : i32
    %sub3A_17 = arith.subi %sub3A_15, %sub3A_16 : i32
    %add3A_18 = arith.addi %sub3A_14, %sub3A_17 : i32
    %div3A = arith.constant 1 : i32
    %div3A_19 = arith.divsi %add3A_18, %div3A : i32
    %while3A = arith.constant 1 : i32
    %while3A_20 = arith.constant 0 : i32
    %while3A_21 = arith.constant 0 : i32
    %while3A_22 = arith.subi %div3A_19, %while3A_21 : i32
    %while3A_23 = arith.addi %while3A_21, %while3A_22 : i32
    %while3A_24 = arith.constant 1 : i32
    %while3A_25 = arith.divsi %while3A_22, %while3A_24 : i32
    %while3A_26 = arith.muli %while3A_25, %while3A_24 : i32
    %while3A_27 = arith.addi %while3A_21, %while3A_26 : i32
    %while3A_28 = arith.constant 1 : i32
    scf.for %while3A_174 = %while3A_21 to %while3A_27 step %while3A_28  : i32 {
      %mul3A_175 = arith.muli %while3A_174, %while3A : i32
      %add3A_176 = arith.addi %while3A_20, %mul3A_175 : i32
      %jit3A_177 = arith.constant 2 : i32
      %eq3A_178 = arith.constant 0 : i32
      %eq3A_179 = arith.cmpi eq, %jit3A_177, %eq3A_178 : i32
      %jit3A_180 = arith.constant 1 : i32
      %select_n3A_181 = arith.select %eq3A_179, %jit3A_180, %jit3A_177 : i32
      %rem3A = arith.remsi %add3A_176, %select_n3A_181 : i32
      %ne3A = arith.constant 0 : i32
      %ne3A_182 = arith.cmpi ne, %rem3A, %ne3A : i32
      %lt3A = arith.constant 0 : i32
      %lt3A_183 = arith.cmpi slt, %rem3A, %lt3A : i32
      %lt3A_184 = arith.constant 0 : i32
      %lt3A_185 = arith.cmpi slt, %select_n3A_181, %lt3A_184 : i32
      %ne3A_186 = arith.xori %lt3A_183, %lt3A_185 : i1
      %and3A = arith.andi %ne3A_186, %ne3A_182 : i1
      %add3A_187 = arith.addi %rem3A, %select_n3A_181 : i32
      %select_n3A_188 = arith.select %and3A, %add3A_187, %rem3A : i32
      %ne3A_189 = arith.constant 0 : i32
      %ne3A_190 = arith.cmpi ne, %add3A_176, %ne3A_189 : i32
      %convert_element_type3A = arith.extui %ne3A_190 : i1 to i32
      %cond3A = arith.constant 0 : i32
      %cond3A_191 = arith.cmpi ne, %convert_element_type3A, %cond3A : i32
      scf.if %cond3A_191 {
        %dma_wait3A_498 = arith.constant 0 : i32
        %dma_wait3A_499 = arith.constant 0 : i32
        %dma_wait3A_500 = tpu.memref_slice %arg14[%dma_wait3A_498, %dma_wait3A_499] : memref<512x64xbf16, #tpu.memory_space<vmem>> -> memref<128x64xbf16, #tpu.memory_space<vmem>>
        %dma_wait3A_501 = arith.constant 0 : i32
        %dma_wait3A_502 = arith.constant 0 : i32
        %dma_wait3A_503 = tpu.memref_slice %arg10[%dma_wait3A_501, %dma_wait3A_502] : memref<10240x64xbf16, #tpu.memory_space<vmem_shared>> -> memref<128x64xbf16, #tpu.memory_space<vmem_shared>>
        %dma_wait3A_504 = arith.constant 0 : i32
        %dma_wait3A_505 = arith.constant 0 : i32
        %dma_wait3A_506 = tpu.memref_slice %arg10[%dma_wait3A_504, %dma_wait3A_505] : memref<10240x64xbf16, #tpu.memory_space<vmem_shared>> -> memref<128x64xbf16, #tpu.memory_space<vmem_shared>>
        %dma_wait3A_507 = arith.constant 0 : i32
        %dma_wait3A_508 = arith.constant 0 : i32
        %dma_wait3A_509 = tpu.memref_slice %arg14[%dma_wait3A_507, %dma_wait3A_508] : memref<512x64xbf16, #tpu.memory_space<vmem>> -> memref<128x64xbf16, #tpu.memory_space<vmem>>
        tpu.wait_dma2 semaphore(%arg18 : memref<!tpu.dma_semaphore, #tpu.memory_space<semaphore_mem>>) src(%dma_wait3A_509 : memref<128x64xbf16, #tpu.memory_space<vmem>>) dst(%dma_wait3A_506 : memref<128x64xbf16, #tpu.memory_space<vmem_shared>>)
        %dma_wait3A_510 = arith.constant 128 : i32
        %dma_wait3A_511 = arith.constant 0 : i32
        %dma_wait3A_512 = tpu.memref_slice %arg14[%dma_wait3A_510, %dma_wait3A_511] : memref<512x64xbf16, #tpu.memory_space<vmem>> -> memref<128x64xbf16, #tpu.memory_space<vmem>>
        %dma_wait3A_513 = arith.constant 0 : i32
        %dma_wait3A_514 = arith.constant 0 : i32
        %dma_wait3A_515 = tpu.memref_slice %arg10[%dma_wait3A_513, %dma_wait3A_514] : memref<10240x64xbf16, #tpu.memory_space<vmem_shared>> -> memref<128x64xbf16, #tpu.memory_space<vmem_shared>>
        %dma_wait3A_516 = arith.constant 0 : i32
        %dma_wait3A_517 = arith.constant 0 : i32
        %dma_wait3A_518 = tpu.memref_slice %arg10[%dma_wait3A_516, %dma_wait3A_517] : memref<10240x64xbf16, #tpu.memory_space<vmem_shared>> -> memref<128x64xbf16, #tpu.memory_space<vmem_shared>>
        %dma_wait3A_519 = arith.constant 128 : i32
        %dma_wait3A_520 = arith.constant 0 : i32
        %dma_wait3A_521 = tpu.memref_slice %arg14[%dma_wait3A_519, %dma_wait3A_520] : memref<512x64xbf16, #tpu.memory_space<vmem>> -> memref<128x64xbf16, #tpu.memory_space<vmem>>
        tpu.wait_dma2 semaphore(%arg18 : memref<!tpu.dma_semaphore, #tpu.memory_space<semaphore_mem>>) src(%dma_wait3A_521 : memref<128x64xbf16, #tpu.memory_space<vmem>>) dst(%dma_wait3A_518 : memref<128x64xbf16, #tpu.memory_space<vmem_shared>>)
        %dma_wait3A_522 = arith.constant 256 : i32
        %dma_wait3A_523 = arith.constant 0 : i32
        %dma_wait3A_524 = tpu.memref_slice %arg14[%dma_wait3A_522, %dma_wait3A_523] : memref<512x64xbf16, #tpu.memory_space<vmem>> -> memref<128x64xbf16, #tpu.memory_space<vmem>>
        %dma_wait3A_525 = arith.constant 0 : i32
        %dma_wait3A_526 = arith.constant 0 : i32
        %dma_wait3A_527 = tpu.memref_slice %arg10[%dma_wait3A_525, %dma_wait3A_526] : memref<10240x64xbf16, #tpu.memory_space<vmem_shared>> -> memref<128x64xbf16, #tpu.memory_space<vmem_shared>>
        %dma_wait3A_528 = arith.constant 0 : i32
        %dma_wait3A_529 = arith.constant 0 : i32
        %dma_wait3A_530 = tpu.memref_slice %arg10[%dma_wait3A_528, %dma_wait3A_529] : memref<10240x64xbf16, #tpu.memory_space<vmem_shared>> -> memref<128x64xbf16, #tpu.memory_space<vmem_shared>>
        %dma_wait3A_531 = arith.constant 256 : i32
        %dma_wait3A_532 = arith.constant 0 : i32
        %dma_wait3A_533 = tpu.memref_slice %arg14[%dma_wait3A_531, %dma_wait3A_532] : memref<512x64xbf16, #tpu.memory_space<vmem>> -> memref<128x64xbf16, #tpu.memory_space<vmem>>
        tpu.wait_dma2 semaphore(%arg18 : memref<!tpu.dma_semaphore, #tpu.memory_space<semaphore_mem>>) src(%dma_wait3A_533 : memref<128x64xbf16, #tpu.memory_space<vmem>>) dst(%dma_wait3A_530 : memref<128x64xbf16, #tpu.memory_space<vmem_shared>>)
        %dma_wait3A_534 = arith.constant 384 : i32
        %dma_wait3A_535 = arith.constant 0 : i32
        %dma_wait3A_536 = tpu.memref_slice %arg14[%dma_wait3A_534, %dma_wait3A_535] : memref<512x64xbf16, #tpu.memory_space<vmem>> -> memref<128x64xbf16, #tpu.memory_space<vmem>>
        %dma_wait3A_537 = arith.constant 0 : i32
        %dma_wait3A_538 = arith.constant 0 : i32
        %dma_wait3A_539 = tpu.memref_slice %arg10[%dma_wait3A_537, %dma_wait3A_538] : memref<10240x64xbf16, #tpu.memory_space<vmem_shared>> -> memref<128x64xbf16, #tpu.memory_space<vmem_shared>>
        %dma_wait3A_540 = arith.constant 0 : i32
        %dma_wait3A_541 = arith.constant 0 : i32
        %dma_wait3A_542 = tpu.memref_slice %arg10[%dma_wait3A_540, %dma_wait3A_541] : memref<10240x64xbf16, #tpu.memory_space<vmem_shared>> -> memref<128x64xbf16, #tpu.memory_space<vmem_shared>>
        %dma_wait3A_543 = arith.constant 384 : i32
        %dma_wait3A_544 = arith.constant 0 : i32
        %dma_wait3A_545 = tpu.memref_slice %arg14[%dma_wait3A_543, %dma_wait3A_544] : memref<512x64xbf16, #tpu.memory_space<vmem>> -> memref<128x64xbf16, #tpu.memory_space<vmem>>
        tpu.wait_dma2 semaphore(%arg18 : memref<!tpu.dma_semaphore, #tpu.memory_space<semaphore_mem>>) src(%dma_wait3A_545 : memref<128x64xbf16, #tpu.memory_space<vmem>>) dst(%dma_wait3A_542 : memref<128x64xbf16, #tpu.memory_space<vmem_shared>>)
      } else {
      }
      %dma_start3A = arith.constant 0 : i32
      %dma_start3A_192 = arith.constant 0 : i32
      %dma_start3A_193 = arith.constant 0 : i32
      %dma_start3A_194 = tpu.memref_slice %arg14[%dma_start3A_192, %dma_start3A_193] : memref<512x64xbf16, #tpu.memory_space<vmem>> -> memref<128x64xbf16, #tpu.memory_space<vmem>>
      %dma_start3A_195 = arith.constant 0 : i32
      %dma_start3A_196 = tpu.memref_slice %arg12[%select_n3A_188, %dma_start3A, %dma_start3A_195] : memref<2x8x128xi32, #tpu.memory_space<vmem>> -> memref<1x1x128xi32, #tpu.memory_space<vmem>>
      %dma_start3A_197 = tpu.memref_squeeze %dma_start3A_196 : memref<1x1x128xi32, #tpu.memory_space<vmem>> -> memref<128xi32, #tpu.memory_space<vmem>>
      %dma_start3A_198 = arith.constant 0 : i32
      %dma_start3A_199 = arith.constant 0 : i32
      %dma_start3A_200 = tpu.memref_slice %arg2[%dma_start3A_198, %dma_start3A_199] : memref<10240x64xbf16, #tpu.memory_space<hbm>> -> memref<10240x64xbf16, #tpu.memory_space<hbm>>
      tpu.enqueue_indirect_dma source(%dma_start3A_200 : memref<10240x64xbf16, #tpu.memory_space<hbm>>) target(%dma_start3A_194 : memref<128x64xbf16, #tpu.memory_space<vmem>>) offsets(%dma_start3A_197 : memref<128xi32, #tpu.memory_space<vmem>>) semaphore(%arg17 : memref<!tpu.dma_semaphore, #tpu.memory_space<semaphore_mem>>)
      %dma_start3A_201 = arith.constant 1 : i32
      %dma_start3A_202 = arith.constant 128 : i32
      %dma_start3A_203 = arith.constant 0 : i32
      %dma_start3A_204 = tpu.memref_slice %arg14[%dma_start3A_202, %dma_start3A_203] : memref<512x64xbf16, #tpu.memory_space<vmem>> -> memref<128x64xbf16, #tpu.memory_space<vmem>>
      %dma_start3A_205 = arith.constant 0 : i32
      %dma_start3A_206 = tpu.memref_slice %arg12[%select_n3A_188, %dma_start3A_201, %dma_start3A_205] : memref<2x8x128xi32, #tpu.memory_space<vmem>> -> memref<1x1x128xi32, #tpu.memory_space<vmem>>
      %dma_start3A_207 = tpu.memref_squeeze %dma_start3A_206 : memref<1x1x128xi32, #tpu.memory_space<vmem>> -> memref<128xi32, #tpu.memory_space<vmem>>
      %dma_start3A_208 = arith.constant 0 : i32
      %dma_start3A_209 = arith.constant 0 : i32
      %dma_start3A_210 = tpu.memref_slice %arg2[%dma_start3A_208, %dma_start3A_209] : memref<10240x64xbf16, #tpu.memory_space<hbm>> -> memref<10240x64xbf16, #tpu.memory_space<hbm>>
      tpu.enqueue_indirect_dma source(%dma_start3A_210 : memref<10240x64xbf16, #tpu.memory_space<hbm>>) target(%dma_start3A_204 : memref<128x64xbf16, #tpu.memory_space<vmem>>) offsets(%dma_start3A_207 : memref<128xi32, #tpu.memory_space<vmem>>) semaphore(%arg17 : memref<!tpu.dma_semaphore, #tpu.memory_space<semaphore_mem>>)
      %dma_start3A_211 = arith.constant 2 : i32
      %dma_start3A_212 = arith.constant 256 : i32
      %dma_start3A_213 = arith.constant 0 : i32
      %dma_start3A_214 = tpu.memref_slice %arg14[%dma_start3A_212, %dma_start3A_213] : memref<512x64xbf16, #tpu.memory_space<vmem>> -> memref<128x64xbf16, #tpu.memory_space<vmem>>
      %dma_start3A_215 = arith.constant 0 : i32
      %dma_start3A_216 = tpu.memref_slice %arg12[%select_n3A_188, %dma_start3A_211, %dma_start3A_215] : memref<2x8x128xi32, #tpu.memory_space<vmem>> -> memref<1x1x128xi32, #tpu.memory_space<vmem>>
      %dma_start3A_217 = tpu.memref_squeeze %dma_start3A_216 : memref<1x1x128xi32, #tpu.memory_space<vmem>> -> memref<128xi32, #tpu.memory_space<vmem>>
      %dma_start3A_218 = arith.constant 0 : i32
      %dma_start3A_219 = arith.constant 0 : i32
      %dma_start3A_220 = tpu.memref_slice %arg2[%dma_start3A_218, %dma_start3A_219] : memref<10240x64xbf16, #tpu.memory_space<hbm>> -> memref<10240x64xbf16, #tpu.memory_space<hbm>>
      tpu.enqueue_indirect_dma source(%dma_start3A_220 : memref<10240x64xbf16, #tpu.memory_space<hbm>>) target(%dma_start3A_214 : memref<128x64xbf16, #tpu.memory_space<vmem>>) offsets(%dma_start3A_217 : memref<128xi32, #tpu.memory_space<vmem>>) semaphore(%arg17 : memref<!tpu.dma_semaphore, #tpu.memory_space<semaphore_mem>>)
      %dma_start3A_221 = arith.constant 3 : i32
      %dma_start3A_222 = arith.constant 384 : i32
      %dma_start3A_223 = arith.constant 0 : i32
      %dma_start3A_224 = tpu.memref_slice %arg14[%dma_start3A_222, %dma_start3A_223] : memref<512x64xbf16, #tpu.memory_space<vmem>> -> memref<128x64xbf16, #tpu.memory_space<vmem>>
      %dma_start3A_225 = arith.constant 0 : i32
      %dma_start3A_226 = tpu.memref_slice %arg12[%select_n3A_188, %dma_start3A_221, %dma_start3A_225] : memref<2x8x128xi32, #tpu.memory_space<vmem>> -> memref<1x1x128xi32, #tpu.memory_space<vmem>>
      %dma_start3A_227 = tpu.memref_squeeze %dma_start3A_226 : memref<1x1x128xi32, #tpu.memory_space<vmem>> -> memref<128xi32, #tpu.memory_space<vmem>>
      %dma_start3A_228 = arith.constant 0 : i32
      %dma_start3A_229 = arith.constant 0 : i32
      %dma_start3A_230 = tpu.memref_slice %arg2[%dma_start3A_228, %dma_start3A_229] : memref<10240x64xbf16, #tpu.memory_space<hbm>> -> memref<10240x64xbf16, #tpu.memory_space<hbm>>
      tpu.enqueue_indirect_dma source(%dma_start3A_230 : memref<10240x64xbf16, #tpu.memory_space<hbm>>) target(%dma_start3A_224 : memref<128x64xbf16, #tpu.memory_space<vmem>>) offsets(%dma_start3A_227 : memref<128xi32, #tpu.memory_space<vmem>>) semaphore(%arg17 : memref<!tpu.dma_semaphore, #tpu.memory_space<semaphore_mem>>)
      %ne3A_231 = arith.constant 0 : i32
      %ne3A_232 = arith.cmpi ne, %add3A_176, %ne3A_231 : i32
      %convert_element_type3A_233 = arith.extui %ne3A_232 : i1 to i32
      %cond3A_234 = arith.constant 0 : i32
      %cond3A_235 = arith.cmpi ne, %convert_element_type3A_233, %cond3A_234 : i32
      scf.if %cond3A_235 {
        %dma_wait3A_498 = arith.constant 0 : i32
        %dma_wait3A_499 = arith.constant 0 : i32
        %dma_wait3A_500 = tpu.memref_slice %arg15[%dma_wait3A_498, %dma_wait3A_499] : memref<512x64xbf16, #tpu.memory_space<vmem>> -> memref<128x64xbf16, #tpu.memory_space<vmem>>
        %dma_wait3A_501 = arith.constant 0 : i32
        %dma_wait3A_502 = arith.constant 0 : i32
        %dma_wait3A_503 = tpu.memref_slice %arg10[%dma_wait3A_501, %dma_wait3A_502] : memref<10240x64xbf16, #tpu.memory_space<vmem_shared>> -> memref<128x64xbf16, #tpu.memory_space<vmem_shared>>
        %dma_wait3A_504 = arith.constant 0 : i32
        %dma_wait3A_505 = arith.constant 0 : i32
        %dma_wait3A_506 = tpu.memref_slice %arg10[%dma_wait3A_504, %dma_wait3A_505] : memref<10240x64xbf16, #tpu.memory_space<vmem_shared>> -> memref<128x64xbf16, #tpu.memory_space<vmem_shared>>
        %dma_wait3A_507 = arith.constant 0 : i32
        %dma_wait3A_508 = arith.constant 0 : i32
        %dma_wait3A_509 = tpu.memref_slice %arg15[%dma_wait3A_507, %dma_wait3A_508] : memref<512x64xbf16, #tpu.memory_space<vmem>> -> memref<128x64xbf16, #tpu.memory_space<vmem>>
        tpu.wait_dma2 semaphore(%arg19 : memref<!tpu.dma_semaphore, #tpu.memory_space<semaphore_mem>>) src(%dma_wait3A_509 : memref<128x64xbf16, #tpu.memory_space<vmem>>) dst(%dma_wait3A_506 : memref<128x64xbf16, #tpu.memory_space<vmem_shared>>)
        %dma_wait3A_510 = arith.constant 128 : i32
        %dma_wait3A_511 = arith.constant 0 : i32
        %dma_wait3A_512 = tpu.memref_slice %arg15[%dma_wait3A_510, %dma_wait3A_511] : memref<512x64xbf16, #tpu.memory_space<vmem>> -> memref<128x64xbf16, #tpu.memory_space<vmem>>
        %dma_wait3A_513 = arith.constant 0 : i32
        %dma_wait3A_514 = arith.constant 0 : i32
        %dma_wait3A_515 = tpu.memref_slice %arg10[%dma_wait3A_513, %dma_wait3A_514] : memref<10240x64xbf16, #tpu.memory_space<vmem_shared>> -> memref<128x64xbf16, #tpu.memory_space<vmem_shared>>
        %dma_wait3A_516 = arith.constant 0 : i32
        %dma_wait3A_517 = arith.constant 0 : i32
        %dma_wait3A_518 = tpu.memref_slice %arg10[%dma_wait3A_516, %dma_wait3A_517] : memref<10240x64xbf16, #tpu.memory_space<vmem_shared>> -> memref<128x64xbf16, #tpu.memory_space<vmem_shared>>
        %dma_wait3A_519 = arith.constant 128 : i32
        %dma_wait3A_520 = arith.constant 0 : i32
        %dma_wait3A_521 = tpu.memref_slice %arg15[%dma_wait3A_519, %dma_wait3A_520] : memref<512x64xbf16, #tpu.memory_space<vmem>> -> memref<128x64xbf16, #tpu.memory_space<vmem>>
        tpu.wait_dma2 semaphore(%arg19 : memref<!tpu.dma_semaphore, #tpu.memory_space<semaphore_mem>>) src(%dma_wait3A_521 : memref<128x64xbf16, #tpu.memory_space<vmem>>) dst(%dma_wait3A_518 : memref<128x64xbf16, #tpu.memory_space<vmem_shared>>)
        %dma_wait3A_522 = arith.constant 256 : i32
        %dma_wait3A_523 = arith.constant 0 : i32
        %dma_wait3A_524 = tpu.memref_slice %arg15[%dma_wait3A_522, %dma_wait3A_523] : memref<512x64xbf16, #tpu.memory_space<vmem>> -> memref<128x64xbf16, #tpu.memory_space<vmem>>
        %dma_wait3A_525 = arith.constant 0 : i32
        %dma_wait3A_526 = arith.constant 0 : i32
        %dma_wait3A_527 = tpu.memref_slice %arg10[%dma_wait3A_525, %dma_wait3A_526] : memref<10240x64xbf16, #tpu.memory_space<vmem_shared>> -> memref<128x64xbf16, #tpu.memory_space<vmem_shared>>
        %dma_wait3A_528 = arith.constant 0 : i32
        %dma_wait3A_529 = arith.constant 0 : i32
        %dma_wait3A_530 = tpu.memref_slice %arg10[%dma_wait3A_528, %dma_wait3A_529] : memref<10240x64xbf16, #tpu.memory_space<vmem_shared>> -> memref<128x64xbf16, #tpu.memory_space<vmem_shared>>
        %dma_wait3A_531 = arith.constant 256 : i32
        %dma_wait3A_532 = arith.constant 0 : i32
        %dma_wait3A_533 = tpu.memref_slice %arg15[%dma_wait3A_531, %dma_wait3A_532] : memref<512x64xbf16, #tpu.memory_space<vmem>> -> memref<128x64xbf16, #tpu.memory_space<vmem>>
        tpu.wait_dma2 semaphore(%arg19 : memref<!tpu.dma_semaphore, #tpu.memory_space<semaphore_mem>>) src(%dma_wait3A_533 : memref<128x64xbf16, #tpu.memory_space<vmem>>) dst(%dma_wait3A_530 : memref<128x64xbf16, #tpu.memory_space<vmem_shared>>)
        %dma_wait3A_534 = arith.constant 384 : i32
        %dma_wait3A_535 = arith.constant 0 : i32
        %dma_wait3A_536 = tpu.memref_slice %arg15[%dma_wait3A_534, %dma_wait3A_535] : memref<512x64xbf16, #tpu.memory_space<vmem>> -> memref<128x64xbf16, #tpu.memory_space<vmem>>
        %dma_wait3A_537 = arith.constant 0 : i32
        %dma_wait3A_538 = arith.constant 0 : i32
        %dma_wait3A_539 = tpu.memref_slice %arg10[%dma_wait3A_537, %dma_wait3A_538] : memref<10240x64xbf16, #tpu.memory_space<vmem_shared>> -> memref<128x64xbf16, #tpu.memory_space<vmem_shared>>
        %dma_wait3A_540 = arith.constant 0 : i32
        %dma_wait3A_541 = arith.constant 0 : i32
        %dma_wait3A_542 = tpu.memref_slice %arg10[%dma_wait3A_540, %dma_wait3A_541] : memref<10240x64xbf16, #tpu.memory_space<vmem_shared>> -> memref<128x64xbf16, #tpu.memory_space<vmem_shared>>
        %dma_wait3A_543 = arith.constant 384 : i32
        %dma_wait3A_544 = arith.constant 0 : i32
        %dma_wait3A_545 = tpu.memref_slice %arg15[%dma_wait3A_543, %dma_wait3A_544] : memref<512x64xbf16, #tpu.memory_space<vmem>> -> memref<128x64xbf16, #tpu.memory_space<vmem>>
        tpu.wait_dma2 semaphore(%arg19 : memref<!tpu.dma_semaphore, #tpu.memory_space<semaphore_mem>>) src(%dma_wait3A_545 : memref<128x64xbf16, #tpu.memory_space<vmem>>) dst(%dma_wait3A_542 : memref<128x64xbf16, #tpu.memory_space<vmem_shared>>)
        %dma_wait3A_546 = arith.constant 0 : i32
        %dma_wait3A_547 = arith.constant 0 : i32
        %dma_wait3A_548 = tpu.memref_slice %arg11[%dma_wait3A_546, %dma_wait3A_547] : memref<10240x16xf32, #tpu.memory_space<vmem_shared>> -> memref<128x16xf32, #tpu.memory_space<vmem_shared>>
        %dma_wait3A_549 = arith.constant 0 : i32
        %dma_wait3A_550 = arith.constant 0 : i32
        %dma_wait3A_551 = tpu.memref_slice %arg11[%dma_wait3A_549, %dma_wait3A_550] : memref<10240x16xf32, #tpu.memory_space<vmem_shared>> -> memref<128x16xf32, #tpu.memory_space<vmem_shared>>
        tpu.wait_dma2 semaphore(%arg20 : memref<!tpu.dma_semaphore, #tpu.memory_space<semaphore_mem>>) src(%arg16 : memref<128x16xf32, #tpu.memory_space<vmem>>) dst(%dma_wait3A_551 : memref<128x16xf32, #tpu.memory_space<vmem_shared>>)
        %dma_wait3A_552 = arith.constant 0 : i32
        %dma_wait3A_553 = arith.constant 0 : i32
        %dma_wait3A_554 = tpu.memref_slice %arg11[%dma_wait3A_552, %dma_wait3A_553] : memref<10240x16xf32, #tpu.memory_space<vmem_shared>> -> memref<128x16xf32, #tpu.memory_space<vmem_shared>>
        %dma_wait3A_555 = arith.constant 0 : i32
        %dma_wait3A_556 = arith.constant 0 : i32
        %dma_wait3A_557 = tpu.memref_slice %arg11[%dma_wait3A_555, %dma_wait3A_556] : memref<10240x16xf32, #tpu.memory_space<vmem_shared>> -> memref<128x16xf32, #tpu.memory_space<vmem_shared>>
        tpu.wait_dma2 semaphore(%arg20 : memref<!tpu.dma_semaphore, #tpu.memory_space<semaphore_mem>>) src(%arg16 : memref<128x16xf32, #tpu.memory_space<vmem>>) dst(%dma_wait3A_557 : memref<128x16xf32, #tpu.memory_space<vmem_shared>>)
        %dma_wait3A_558 = arith.constant 0 : i32
        %dma_wait3A_559 = arith.constant 0 : i32
        %dma_wait3A_560 = tpu.memref_slice %arg11[%dma_wait3A_558, %dma_wait3A_559] : memref<10240x16xf32, #tpu.memory_space<vmem_shared>> -> memref<128x16xf32, #tpu.memory_space<vmem_shared>>
        %dma_wait3A_561 = arith.constant 0 : i32
        %dma_wait3A_562 = arith.constant 0 : i32
        %dma_wait3A_563 = tpu.memref_slice %arg11[%dma_wait3A_561, %dma_wait3A_562] : memref<10240x16xf32, #tpu.memory_space<vmem_shared>> -> memref<128x16xf32, #tpu.memory_space<vmem_shared>>
        tpu.wait_dma2 semaphore(%arg20 : memref<!tpu.dma_semaphore, #tpu.memory_space<semaphore_mem>>) src(%arg16 : memref<128x16xf32, #tpu.memory_space<vmem>>) dst(%dma_wait3A_563 : memref<128x16xf32, #tpu.memory_space<vmem_shared>>)
        %dma_wait3A_564 = arith.constant 0 : i32
        %dma_wait3A_565 = arith.constant 0 : i32
        %dma_wait3A_566 = tpu.memref_slice %arg11[%dma_wait3A_564, %dma_wait3A_565] : memref<10240x16xf32, #tpu.memory_space<vmem_shared>> -> memref<128x16xf32, #tpu.memory_space<vmem_shared>>
        %dma_wait3A_567 = arith.constant 0 : i32
        %dma_wait3A_568 = arith.constant 0 : i32
        %dma_wait3A_569 = tpu.memref_slice %arg11[%dma_wait3A_567, %dma_wait3A_568] : memref<10240x16xf32, #tpu.memory_space<vmem_shared>> -> memref<128x16xf32, #tpu.memory_space<vmem_shared>>
        tpu.wait_dma2 semaphore(%arg20 : memref<!tpu.dma_semaphore, #tpu.memory_space<semaphore_mem>>) src(%arg16 : memref<128x16xf32, #tpu.memory_space<vmem>>) dst(%dma_wait3A_569 : memref<128x16xf32, #tpu.memory_space<vmem_shared>>)
        %dma_wait3A_570 = arith.constant 0 : i32
        %dma_wait3A_571 = arith.constant 0 : i32
        %dma_wait3A_572 = tpu.memref_slice %arg11[%dma_wait3A_570, %dma_wait3A_571] : memref<10240x16xf32, #tpu.memory_space<vmem_shared>> -> memref<128x16xf32, #tpu.memory_space<vmem_shared>>
        %dma_wait3A_573 = arith.constant 0 : i32
        %dma_wait3A_574 = arith.constant 0 : i32
        %dma_wait3A_575 = tpu.memref_slice %arg11[%dma_wait3A_573, %dma_wait3A_574] : memref<10240x16xf32, #tpu.memory_space<vmem_shared>> -> memref<128x16xf32, #tpu.memory_space<vmem_shared>>
        tpu.wait_dma2 semaphore(%arg20 : memref<!tpu.dma_semaphore, #tpu.memory_space<semaphore_mem>>) src(%arg16 : memref<128x16xf32, #tpu.memory_space<vmem>>) dst(%dma_wait3A_575 : memref<128x16xf32, #tpu.memory_space<vmem_shared>>)
        %dma_wait3A_576 = arith.constant 0 : i32
        %dma_wait3A_577 = arith.constant 0 : i32
        %dma_wait3A_578 = tpu.memref_slice %arg11[%dma_wait3A_576, %dma_wait3A_577] : memref<10240x16xf32, #tpu.memory_space<vmem_shared>> -> memref<128x16xf32, #tpu.memory_space<vmem_shared>>
        %dma_wait3A_579 = arith.constant 0 : i32
        %dma_wait3A_580 = arith.constant 0 : i32
        %dma_wait3A_581 = tpu.memref_slice %arg11[%dma_wait3A_579, %dma_wait3A_580] : memref<10240x16xf32, #tpu.memory_space<vmem_shared>> -> memref<128x16xf32, #tpu.memory_space<vmem_shared>>
        tpu.wait_dma2 semaphore(%arg20 : memref<!tpu.dma_semaphore, #tpu.memory_space<semaphore_mem>>) src(%arg16 : memref<128x16xf32, #tpu.memory_space<vmem>>) dst(%dma_wait3A_581 : memref<128x16xf32, #tpu.memory_space<vmem_shared>>)
        %dma_wait3A_582 = arith.constant 0 : i32
        %dma_wait3A_583 = arith.constant 0 : i32
        %dma_wait3A_584 = tpu.memref_slice %arg11[%dma_wait3A_582, %dma_wait3A_583] : memref<10240x16xf32, #tpu.memory_space<vmem_shared>> -> memref<128x16xf32, #tpu.memory_space<vmem_shared>>
        %dma_wait3A_585 = arith.constant 0 : i32
        %dma_wait3A_586 = arith.constant 0 : i32
        %dma_wait3A_587 = tpu.memref_slice %arg11[%dma_wait3A_585, %dma_wait3A_586] : memref<10240x16xf32, #tpu.memory_space<vmem_shared>> -> memref<128x16xf32, #tpu.memory_space<vmem_shared>>
        tpu.wait_dma2 semaphore(%arg20 : memref<!tpu.dma_semaphore, #tpu.memory_space<semaphore_mem>>) src(%arg16 : memref<128x16xf32, #tpu.memory_space<vmem>>) dst(%dma_wait3A_587 : memref<128x16xf32, #tpu.memory_space<vmem_shared>>)
        %dma_wait3A_588 = arith.constant 0 : i32
        %dma_wait3A_589 = arith.constant 0 : i32
        %dma_wait3A_590 = tpu.memref_slice %arg11[%dma_wait3A_588, %dma_wait3A_589] : memref<10240x16xf32, #tpu.memory_space<vmem_shared>> -> memref<128x16xf32, #tpu.memory_space<vmem_shared>>
        %dma_wait3A_591 = arith.constant 0 : i32
        %dma_wait3A_592 = arith.constant 0 : i32
        %dma_wait3A_593 = tpu.memref_slice %arg11[%dma_wait3A_591, %dma_wait3A_592] : memref<10240x16xf32, #tpu.memory_space<vmem_shared>> -> memref<128x16xf32, #tpu.memory_space<vmem_shared>>
        tpu.wait_dma2 semaphore(%arg20 : memref<!tpu.dma_semaphore, #tpu.memory_space<semaphore_mem>>) src(%arg16 : memref<128x16xf32, #tpu.memory_space<vmem>>) dst(%dma_wait3A_593 : memref<128x16xf32, #tpu.memory_space<vmem_shared>>)
      } else {
      }
      %dma_wait3A_236 = arith.constant 0 : i32
      %dma_wait3A_237 = arith.constant 0 : i32
      %dma_wait3A_238 = arith.constant 0 : i32
      %dma_wait3A_239 = tpu.memref_slice %arg14[%dma_wait3A_237, %dma_wait3A_238] : memref<512x64xbf16, #tpu.memory_space<vmem>> -> memref<128x64xbf16, #tpu.memory_space<vmem>>
      %dma_wait3A_240 = arith.constant 0 : i32
      %dma_wait3A_241 = tpu.memref_slice %arg12[%select_n3A_188, %dma_wait3A_236, %dma_wait3A_240] : memref<2x8x128xi32, #tpu.memory_space<vmem>> -> memref<1x1x128xi32, #tpu.memory_space<vmem>>
      %dma_wait3A_242 = tpu.memref_squeeze %dma_wait3A_241 : memref<1x1x128xi32, #tpu.memory_space<vmem>> -> memref<128xi32, #tpu.memory_space<vmem>>
      %dma_wait3A_243 = arith.constant 0 : i32
      %dma_wait3A_244 = arith.constant 0 : i32
      %dma_wait3A_245 = tpu.memref_slice %arg2[%dma_wait3A_243, %dma_wait3A_244] : memref<10240x64xbf16, #tpu.memory_space<hbm>> -> memref<10240x64xbf16, #tpu.memory_space<hbm>>
      tpu.wait_indirect_dma semaphore(%arg17 : memref<!tpu.dma_semaphore, #tpu.memory_space<semaphore_mem>>) src(%dma_wait3A_245 : memref<10240x64xbf16, #tpu.memory_space<hbm>>) dst(%dma_wait3A_239 : memref<128x64xbf16, #tpu.memory_space<vmem>>)
      %dma_wait3A_246 = arith.constant 1 : i32
      %dma_wait3A_247 = arith.constant 128 : i32
      %dma_wait3A_248 = arith.constant 0 : i32
      %dma_wait3A_249 = tpu.memref_slice %arg14[%dma_wait3A_247, %dma_wait3A_248] : memref<512x64xbf16, #tpu.memory_space<vmem>> -> memref<128x64xbf16, #tpu.memory_space<vmem>>
      %dma_wait3A_250 = arith.constant 0 : i32
      %dma_wait3A_251 = tpu.memref_slice %arg12[%select_n3A_188, %dma_wait3A_246, %dma_wait3A_250] : memref<2x8x128xi32, #tpu.memory_space<vmem>> -> memref<1x1x128xi32, #tpu.memory_space<vmem>>
      %dma_wait3A_252 = tpu.memref_squeeze %dma_wait3A_251 : memref<1x1x128xi32, #tpu.memory_space<vmem>> -> memref<128xi32, #tpu.memory_space<vmem>>
      %dma_wait3A_253 = arith.constant 0 : i32
      %dma_wait3A_254 = arith.constant 0 : i32
      %dma_wait3A_255 = tpu.memref_slice %arg2[%dma_wait3A_253, %dma_wait3A_254] : memref<10240x64xbf16, #tpu.memory_space<hbm>> -> memref<10240x64xbf16, #tpu.memory_space<hbm>>
      tpu.wait_indirect_dma semaphore(%arg17 : memref<!tpu.dma_semaphore, #tpu.memory_space<semaphore_mem>>) src(%dma_wait3A_255 : memref<10240x64xbf16, #tpu.memory_space<hbm>>) dst(%dma_wait3A_249 : memref<128x64xbf16, #tpu.memory_space<vmem>>)
      %dma_wait3A_256 = arith.constant 2 : i32
      %dma_wait3A_257 = arith.constant 256 : i32
      %dma_wait3A_258 = arith.constant 0 : i32
      %dma_wait3A_259 = tpu.memref_slice %arg14[%dma_wait3A_257, %dma_wait3A_258] : memref<512x64xbf16, #tpu.memory_space<vmem>> -> memref<128x64xbf16, #tpu.memory_space<vmem>>
      %dma_wait3A_260 = arith.constant 0 : i32
      %dma_wait3A_261 = tpu.memref_slice %arg12[%select_n3A_188, %dma_wait3A_256, %dma_wait3A_260] : memref<2x8x128xi32, #tpu.memory_space<vmem>> -> memref<1x1x128xi32, #tpu.memory_space<vmem>>
      %dma_wait3A_262 = tpu.memref_squeeze %dma_wait3A_261 : memref<1x1x128xi32, #tpu.memory_space<vmem>> -> memref<128xi32, #tpu.memory_space<vmem>>
      %dma_wait3A_263 = arith.constant 0 : i32
      %dma_wait3A_264 = arith.constant 0 : i32
      %dma_wait3A_265 = tpu.memref_slice %arg2[%dma_wait3A_263, %dma_wait3A_264] : memref<10240x64xbf16, #tpu.memory_space<hbm>> -> memref<10240x64xbf16, #tpu.memory_space<hbm>>
      tpu.wait_indirect_dma semaphore(%arg17 : memref<!tpu.dma_semaphore, #tpu.memory_space<semaphore_mem>>) src(%dma_wait3A_265 : memref<10240x64xbf16, #tpu.memory_space<hbm>>) dst(%dma_wait3A_259 : memref<128x64xbf16, #tpu.memory_space<vmem>>)
      %dma_wait3A_266 = arith.constant 3 : i32
      %dma_wait3A_267 = arith.constant 384 : i32
      %dma_wait3A_268 = arith.constant 0 : i32
      %dma_wait3A_269 = tpu.memref_slice %arg14[%dma_wait3A_267, %dma_wait3A_268] : memref<512x64xbf16, #tpu.memory_space<vmem>> -> memref<128x64xbf16, #tpu.memory_space<vmem>>
      %dma_wait3A_270 = arith.constant 0 : i32
      %dma_wait3A_271 = tpu.memref_slice %arg12[%select_n3A_188, %dma_wait3A_266, %dma_wait3A_270] : memref<2x8x128xi32, #tpu.memory_space<vmem>> -> memref<1x1x128xi32, #tpu.memory_space<vmem>>
      %dma_wait3A_272 = tpu.memref_squeeze %dma_wait3A_271 : memref<1x1x128xi32, #tpu.memory_space<vmem>> -> memref<128xi32, #tpu.memory_space<vmem>>
      %dma_wait3A_273 = arith.constant 0 : i32
      %dma_wait3A_274 = arith.constant 0 : i32
      %dma_wait3A_275 = tpu.memref_slice %arg2[%dma_wait3A_273, %dma_wait3A_274] : memref<10240x64xbf16, #tpu.memory_space<hbm>> -> memref<10240x64xbf16, #tpu.memory_space<hbm>>
      tpu.wait_indirect_dma semaphore(%arg17 : memref<!tpu.dma_semaphore, #tpu.memory_space<semaphore_mem>>) src(%dma_wait3A_275 : memref<10240x64xbf16, #tpu.memory_space<hbm>>) dst(%dma_wait3A_269 : memref<128x64xbf16, #tpu.memory_space<vmem>>)
      %dma_start3A_276 = arith.constant 0 : i32
      %dma_start3A_277 = arith.constant 0 : i32
      %dma_start3A_278 = arith.constant 0 : i32
      %dma_start3A_279 = tpu.memref_slice %arg14[%dma_start3A_277, %dma_start3A_278] : memref<512x64xbf16, #tpu.memory_space<vmem>> -> memref<128x64xbf16, #tpu.memory_space<vmem>>
      %dma_start3A_280 = arith.constant 0 : i32
      %dma_start3A_281 = tpu.memref_slice %arg13[%select_n3A_188, %dma_start3A_276, %dma_start3A_280] : memref<2x8x128xi32, #tpu.memory_space<vmem>> -> memref<1x1x128xi32, #tpu.memory_space<vmem>>
      %dma_start3A_282 = tpu.memref_squeeze %dma_start3A_281 : memref<1x1x128xi32, #tpu.memory_space<vmem>> -> memref<128xi32, #tpu.memory_space<vmem>>
      %dma_start3A_283 = arith.constant 0 : i32
      %dma_start3A_284 = arith.constant 0 : i32
      %dma_start3A_285 = tpu.memref_slice %arg10[%dma_start3A_283, %dma_start3A_284] : memref<10240x64xbf16, #tpu.memory_space<vmem_shared>> -> memref<10240x64xbf16, #tpu.memory_space<vmem_shared>>
      tpu.enqueue_indirect_dma source(%dma_start3A_279 : memref<128x64xbf16, #tpu.memory_space<vmem>>) target(%dma_start3A_285 : memref<10240x64xbf16, #tpu.memory_space<vmem_shared>>) offsets(%dma_start3A_282 : memref<128xi32, #tpu.memory_space<vmem>>) semaphore(%arg18 : memref<!tpu.dma_semaphore, #tpu.memory_space<semaphore_mem>>) {add = true}
      %dma_start3A_286 = arith.constant 0 : i32
      %dma_start3A_287 = arith.constant 0 : i32
      %dma_start3A_288 = tpu.memref_slice %arg13[%select_n3A_188, %dma_start3A_286, %dma_start3A_287] : memref<2x8x128xi32, #tpu.memory_space<vmem>> -> memref<1x1x128xi32, #tpu.memory_space<vmem>>
      %dma_start3A_289 = tpu.memref_squeeze %dma_start3A_288 : memref<1x1x128xi32, #tpu.memory_space<vmem>> -> memref<128xi32, #tpu.memory_space<vmem>>
      %dma_start3A_290 = arith.constant 0 : i32
      %dma_start3A_291 = arith.constant 0 : i32
      %dma_start3A_292 = tpu.memref_slice %arg11[%dma_start3A_290, %dma_start3A_291] : memref<10240x16xf32, #tpu.memory_space<vmem_shared>> -> memref<10240x16xf32, #tpu.memory_space<vmem_shared>>
      tpu.enqueue_indirect_dma source(%arg16 : memref<128x16xf32, #tpu.memory_space<vmem>>) target(%dma_start3A_292 : memref<10240x16xf32, #tpu.memory_space<vmem_shared>>) offsets(%dma_start3A_289 : memref<128xi32, #tpu.memory_space<vmem>>) semaphore(%arg20 : memref<!tpu.dma_semaphore, #tpu.memory_space<semaphore_mem>>) {add = true}
      %dma_start3A_293 = arith.constant 1 : i32
      %dma_start3A_294 = arith.constant 128 : i32
      %dma_start3A_295 = arith.constant 0 : i32
      %dma_start3A_296 = tpu.memref_slice %arg14[%dma_start3A_294, %dma_start3A_295] : memref<512x64xbf16, #tpu.memory_space<vmem>> -> memref<128x64xbf16, #tpu.memory_space<vmem>>
      %dma_start3A_297 = arith.constant 0 : i32
      %dma_start3A_298 = tpu.memref_slice %arg13[%select_n3A_188, %dma_start3A_293, %dma_start3A_297] : memref<2x8x128xi32, #tpu.memory_space<vmem>> -> memref<1x1x128xi32, #tpu.memory_space<vmem>>
      %dma_start3A_299 = tpu.memref_squeeze %dma_start3A_298 : memref<1x1x128xi32, #tpu.memory_space<vmem>> -> memref<128xi32, #tpu.memory_space<vmem>>
      %dma_start3A_300 = arith.constant 0 : i32
      %dma_start3A_301 = arith.constant 0 : i32
      %dma_start3A_302 = tpu.memref_slice %arg10[%dma_start3A_300, %dma_start3A_301] : memref<10240x64xbf16, #tpu.memory_space<vmem_shared>> -> memref<10240x64xbf16, #tpu.memory_space<vmem_shared>>
      tpu.enqueue_indirect_dma source(%dma_start3A_296 : memref<128x64xbf16, #tpu.memory_space<vmem>>) target(%dma_start3A_302 : memref<10240x64xbf16, #tpu.memory_space<vmem_shared>>) offsets(%dma_start3A_299 : memref<128xi32, #tpu.memory_space<vmem>>) semaphore(%arg18 : memref<!tpu.dma_semaphore, #tpu.memory_space<semaphore_mem>>) {add = true}
      %dma_start3A_303 = arith.constant 1 : i32
      %dma_start3A_304 = arith.constant 0 : i32
      %dma_start3A_305 = tpu.memref_slice %arg13[%select_n3A_188, %dma_start3A_303, %dma_start3A_304] : memref<2x8x128xi32, #tpu.memory_space<vmem>> -> memref<1x1x128xi32, #tpu.memory_space<vmem>>
      %dma_start3A_306 = tpu.memref_squeeze %dma_start3A_305 : memref<1x1x128xi32, #tpu.memory_space<vmem>> -> memref<128xi32, #tpu.memory_space<vmem>>
      %dma_start3A_307 = arith.constant 0 : i32
      %dma_start3A_308 = arith.constant 0 : i32
      %dma_start3A_309 = tpu.memref_slice %arg11[%dma_start3A_307, %dma_start3A_308] : memref<10240x16xf32, #tpu.memory_space<vmem_shared>> -> memref<10240x16xf32, #tpu.memory_space<vmem_shared>>
      tpu.enqueue_indirect_dma source(%arg16 : memref<128x16xf32, #tpu.memory_space<vmem>>) target(%dma_start3A_309 : memref<10240x16xf32, #tpu.memory_space<vmem_shared>>) offsets(%dma_start3A_306 : memref<128xi32, #tpu.memory_space<vmem>>) semaphore(%arg20 : memref<!tpu.dma_semaphore, #tpu.memory_space<semaphore_mem>>) {add = true}
      %dma_start3A_310 = arith.constant 2 : i32
      %dma_start3A_311 = arith.constant 256 : i32
      %dma_start3A_312 = arith.constant 0 : i32
      %dma_start3A_313 = tpu.memref_slice %arg14[%dma_start3A_311, %dma_start3A_312] : memref<512x64xbf16, #tpu.memory_space<vmem>> -> memref<128x64xbf16, #tpu.memory_space<vmem>>
      %dma_start3A_314 = arith.constant 0 : i32
      %dma_start3A_315 = tpu.memref_slice %arg13[%select_n3A_188, %dma_start3A_310, %dma_start3A_314] : memref<2x8x128xi32, #tpu.memory_space<vmem>> -> memref<1x1x128xi32, #tpu.memory_space<vmem>>
      %dma_start3A_316 = tpu.memref_squeeze %dma_start3A_315 : memref<1x1x128xi32, #tpu.memory_space<vmem>> -> memref<128xi32, #tpu.memory_space<vmem>>
      %dma_start3A_317 = arith.constant 0 : i32
      %dma_start3A_318 = arith.constant 0 : i32
      %dma_start3A_319 = tpu.memref_slice %arg10[%dma_start3A_317, %dma_start3A_318] : memref<10240x64xbf16, #tpu.memory_space<vmem_shared>> -> memref<10240x64xbf16, #tpu.memory_space<vmem_shared>>
      tpu.enqueue_indirect_dma source(%dma_start3A_313 : memref<128x64xbf16, #tpu.memory_space<vmem>>) target(%dma_start3A_319 : memref<10240x64xbf16, #tpu.memory_space<vmem_shared>>) offsets(%dma_start3A_316 : memref<128xi32, #tpu.memory_space<vmem>>) semaphore(%arg18 : memref<!tpu.dma_semaphore, #tpu.memory_space<semaphore_mem>>) {add = true}
      %dma_start3A_320 = arith.constant 2 : i32
      %dma_start3A_321 = arith.constant 0 : i32
      %dma_start3A_322 = tpu.memref_slice %arg13[%select_n3A_188, %dma_start3A_320, %dma_start3A_321] : memref<2x8x128xi32, #tpu.memory_space<vmem>> -> memref<1x1x128xi32, #tpu.memory_space<vmem>>
      %dma_start3A_323 = tpu.memref_squeeze %dma_start3A_322 : memref<1x1x128xi32, #tpu.memory_space<vmem>> -> memref<128xi32, #tpu.memory_space<vmem>>
      %dma_start3A_324 = arith.constant 0 : i32
      %dma_start3A_325 = arith.constant 0 : i32
      %dma_start3A_326 = tpu.memref_slice %arg11[%dma_start3A_324, %dma_start3A_325] : memref<10240x16xf32, #tpu.memory_space<vmem_shared>> -> memref<10240x16xf32, #tpu.memory_space<vmem_shared>>
      tpu.enqueue_indirect_dma source(%arg16 : memref<128x16xf32, #tpu.memory_space<vmem>>) target(%dma_start3A_326 : memref<10240x16xf32, #tpu.memory_space<vmem_shared>>) offsets(%dma_start3A_323 : memref<128xi32, #tpu.memory_space<vmem>>) semaphore(%arg20 : memref<!tpu.dma_semaphore, #tpu.memory_space<semaphore_mem>>) {add = true}
      %dma_start3A_327 = arith.constant 3 : i32
      %dma_start3A_328 = arith.constant 384 : i32
      %dma_start3A_329 = arith.constant 0 : i32
      %dma_start3A_330 = tpu.memref_slice %arg14[%dma_start3A_328, %dma_start3A_329] : memref<512x64xbf16, #tpu.memory_space<vmem>> -> memref<128x64xbf16, #tpu.memory_space<vmem>>
      %dma_start3A_331 = arith.constant 0 : i32
      %dma_start3A_332 = tpu.memref_slice %arg13[%select_n3A_188, %dma_start3A_327, %dma_start3A_331] : memref<2x8x128xi32, #tpu.memory_space<vmem>> -> memref<1x1x128xi32, #tpu.memory_space<vmem>>
      %dma_start3A_333 = tpu.memref_squeeze %dma_start3A_332 : memref<1x1x128xi32, #tpu.memory_space<vmem>> -> memref<128xi32, #tpu.memory_space<vmem>>
      %dma_start3A_334 = arith.constant 0 : i32
      %dma_start3A_335 = arith.constant 0 : i32
      %dma_start3A_336 = tpu.memref_slice %arg10[%dma_start3A_334, %dma_start3A_335] : memref<10240x64xbf16, #tpu.memory_space<vmem_shared>> -> memref<10240x64xbf16, #tpu.memory_space<vmem_shared>>
      tpu.enqueue_indirect_dma source(%dma_start3A_330 : memref<128x64xbf16, #tpu.memory_space<vmem>>) target(%dma_start3A_336 : memref<10240x64xbf16, #tpu.memory_space<vmem_shared>>) offsets(%dma_start3A_333 : memref<128xi32, #tpu.memory_space<vmem>>) semaphore(%arg18 : memref<!tpu.dma_semaphore, #tpu.memory_space<semaphore_mem>>) {add = true}
      %dma_start3A_337 = arith.constant 3 : i32
      %dma_start3A_338 = arith.constant 0 : i32
      %dma_start3A_339 = tpu.memref_slice %arg13[%select_n3A_188, %dma_start3A_337, %dma_start3A_338] : memref<2x8x128xi32, #tpu.memory_space<vmem>> -> memref<1x1x128xi32, #tpu.memory_space<vmem>>
      %dma_start3A_340 = tpu.memref_squeeze %dma_start3A_339 : memref<1x1x128xi32, #tpu.memory_space<vmem>> -> memref<128xi32, #tpu.memory_space<vmem>>
      %dma_start3A_341 = arith.constant 0 : i32
      %dma_start3A_342 = arith.constant 0 : i32
      %dma_start3A_343 = tpu.memref_slice %arg11[%dma_start3A_341, %dma_start3A_342] : memref<10240x16xf32, #tpu.memory_space<vmem_shared>> -> memref<10240x16xf32, #tpu.memory_space<vmem_shared>>
      tpu.enqueue_indirect_dma source(%arg16 : memref<128x16xf32, #tpu.memory_space<vmem>>) target(%dma_start3A_343 : memref<10240x16xf32, #tpu.memory_space<vmem_shared>>) offsets(%dma_start3A_340 : memref<128xi32, #tpu.memory_space<vmem>>) semaphore(%arg20 : memref<!tpu.dma_semaphore, #tpu.memory_space<semaphore_mem>>) {add = true}
      %dma_start3A_344 = arith.constant 4 : i32
      %dma_start3A_345 = arith.constant 0 : i32
      %dma_start3A_346 = arith.constant 0 : i32
      %dma_start3A_347 = tpu.memref_slice %arg15[%dma_start3A_345, %dma_start3A_346] : memref<512x64xbf16, #tpu.memory_space<vmem>> -> memref<128x64xbf16, #tpu.memory_space<vmem>>
      %dma_start3A_348 = arith.constant 0 : i32
      %dma_start3A_349 = tpu.memref_slice %arg12[%select_n3A_188, %dma_start3A_344, %dma_start3A_348] : memref<2x8x128xi32, #tpu.memory_space<vmem>> -> memref<1x1x128xi32, #tpu.memory_space<vmem>>
      %dma_start3A_350 = tpu.memref_squeeze %dma_start3A_349 : memref<1x1x128xi32, #tpu.memory_space<vmem>> -> memref<128xi32, #tpu.memory_space<vmem>>
      %dma_start3A_351 = arith.constant 0 : i32
      %dma_start3A_352 = arith.constant 0 : i32
      %dma_start3A_353 = tpu.memref_slice %arg2[%dma_start3A_351, %dma_start3A_352] : memref<10240x64xbf16, #tpu.memory_space<hbm>> -> memref<10240x64xbf16, #tpu.memory_space<hbm>>
      tpu.enqueue_indirect_dma source(%dma_start3A_353 : memref<10240x64xbf16, #tpu.memory_space<hbm>>) target(%dma_start3A_347 : memref<128x64xbf16, #tpu.memory_space<vmem>>) offsets(%dma_start3A_350 : memref<128xi32, #tpu.memory_space<vmem>>) semaphore(%arg17 : memref<!tpu.dma_semaphore, #tpu.memory_space<semaphore_mem>>)
      %dma_start3A_354 = arith.constant 5 : i32
      %dma_start3A_355 = arith.constant 128 : i32
      %dma_start3A_356 = arith.constant 0 : i32
      %dma_start3A_357 = tpu.memref_slice %arg15[%dma_start3A_355, %dma_start3A_356] : memref<512x64xbf16, #tpu.memory_space<vmem>> -> memref<128x64xbf16, #tpu.memory_space<vmem>>
      %dma_start3A_358 = arith.constant 0 : i32
      %dma_start3A_359 = tpu.memref_slice %arg12[%select_n3A_188, %dma_start3A_354, %dma_start3A_358] : memref<2x8x128xi32, #tpu.memory_space<vmem>> -> memref<1x1x128xi32, #tpu.memory_space<vmem>>
      %dma_start3A_360 = tpu.memref_squeeze %dma_start3A_359 : memref<1x1x128xi32, #tpu.memory_space<vmem>> -> memref<128xi32, #tpu.memory_space<vmem>>
      %dma_start3A_361 = arith.constant 0 : i32
      %dma_start3A_362 = arith.constant 0 : i32
      %dma_start3A_363 = tpu.memref_slice %arg2[%dma_start3A_361, %dma_start3A_362] : memref<10240x64xbf16, #tpu.memory_space<hbm>> -> memref<10240x64xbf16, #tpu.memory_space<hbm>>
      tpu.enqueue_indirect_dma source(%dma_start3A_363 : memref<10240x64xbf16, #tpu.memory_space<hbm>>) target(%dma_start3A_357 : memref<128x64xbf16, #tpu.memory_space<vmem>>) offsets(%dma_start3A_360 : memref<128xi32, #tpu.memory_space<vmem>>) semaphore(%arg17 : memref<!tpu.dma_semaphore, #tpu.memory_space<semaphore_mem>>)
      %dma_start3A_364 = arith.constant 6 : i32
      %dma_start3A_365 = arith.constant 256 : i32
      %dma_start3A_366 = arith.constant 0 : i32
      %dma_start3A_367 = tpu.memref_slice %arg15[%dma_start3A_365, %dma_start3A_366] : memref<512x64xbf16, #tpu.memory_space<vmem>> -> memref<128x64xbf16, #tpu.memory_space<vmem>>
      %dma_start3A_368 = arith.constant 0 : i32
      %dma_start3A_369 = tpu.memref_slice %arg12[%select_n3A_188, %dma_start3A_364, %dma_start3A_368] : memref<2x8x128xi32, #tpu.memory_space<vmem>> -> memref<1x1x128xi32, #tpu.memory_space<vmem>>
      %dma_start3A_370 = tpu.memref_squeeze %dma_start3A_369 : memref<1x1x128xi32, #tpu.memory_space<vmem>> -> memref<128xi32, #tpu.memory_space<vmem>>
      %dma_start3A_371 = arith.constant 0 : i32
      %dma_start3A_372 = arith.constant 0 : i32
      %dma_start3A_373 = tpu.memref_slice %arg2[%dma_start3A_371, %dma_start3A_372] : memref<10240x64xbf16, #tpu.memory_space<hbm>> -> memref<10240x64xbf16, #tpu.memory_space<hbm>>
      tpu.enqueue_indirect_dma source(%dma_start3A_373 : memref<10240x64xbf16, #tpu.memory_space<hbm>>) target(%dma_start3A_367 : memref<128x64xbf16, #tpu.memory_space<vmem>>) offsets(%dma_start3A_370 : memref<128xi32, #tpu.memory_space<vmem>>) semaphore(%arg17 : memref<!tpu.dma_semaphore, #tpu.memory_space<semaphore_mem>>)
      %dma_start3A_374 = arith.constant 7 : i32
      %dma_start3A_375 = arith.constant 384 : i32
      %dma_start3A_376 = arith.constant 0 : i32
      %dma_start3A_377 = tpu.memref_slice %arg15[%dma_start3A_375, %dma_start3A_376] : memref<512x64xbf16, #tpu.memory_space<vmem>> -> memref<128x64xbf16, #tpu.memory_space<vmem>>
      %dma_start3A_378 = arith.constant 0 : i32
      %dma_start3A_379 = tpu.memref_slice %arg12[%select_n3A_188, %dma_start3A_374, %dma_start3A_378] : memref<2x8x128xi32, #tpu.memory_space<vmem>> -> memref<1x1x128xi32, #tpu.memory_space<vmem>>
      %dma_start3A_380 = tpu.memref_squeeze %dma_start3A_379 : memref<1x1x128xi32, #tpu.memory_space<vmem>> -> memref<128xi32, #tpu.memory_space<vmem>>
      %dma_start3A_381 = arith.constant 0 : i32
      %dma_start3A_382 = arith.constant 0 : i32
      %dma_start3A_383 = tpu.memref_slice %arg2[%dma_start3A_381, %dma_start3A_382] : memref<10240x64xbf16, #tpu.memory_space<hbm>> -> memref<10240x64xbf16, #tpu.memory_space<hbm>>
      tpu.enqueue_indirect_dma source(%dma_start3A_383 : memref<10240x64xbf16, #tpu.memory_space<hbm>>) target(%dma_start3A_377 : memref<128x64xbf16, #tpu.memory_space<vmem>>) offsets(%dma_start3A_380 : memref<128xi32, #tpu.memory_space<vmem>>) semaphore(%arg17 : memref<!tpu.dma_semaphore, #tpu.memory_space<semaphore_mem>>)
      %sub3A_384 = arith.constant 1 : i32
      %sub3A_385 = arith.subi %select_n3A_10, %sub3A_384 : i32
      %ne3A_386 = arith.cmpi ne, %add3A_176, %sub3A_385 : i32
      %convert_element_type3A_387 = arith.extui %ne3A_386 : i1 to i32
      %cond3A_388 = arith.constant 0 : i32
      %cond3A_389 = arith.cmpi ne, %convert_element_type3A_387, %cond3A_388 : i32
      scf.if %cond3A_389 {
        %add3A_498 = arith.constant 1 : i32
        %add3A_499 = arith.addi %add3A_176, %add3A_498 : i32
        %sub3A_500 = arith.constant 1 : i32
        %sub3A_501 = arith.subi %sub3A_500, %select_n3A_188 : i32
        %mul3A_502 = arith.constant 8 : i32
        %mul3A_503 = arith.muli %add3A_499, %mul3A_502 : i32
        %add3A_504 = arith.addi %select_n3A, %mul3A_503 : i32
        "tpu.region"() ({
          %run_scoped3A_505 = tpu.sem_alloc : memref<!tpu.dma_semaphore, #tpu.memory_space<semaphore_mem>>
          %dma_start3A_506 = arith.constant 0 : i32
          %dma_start3A_507 = arith.constant 0 : i32
          %dma_start3A_508 = tpu.memref_slice %arg12[%sub3A_501, %dma_start3A_506, %dma_start3A_507] : memref<2x8x128xi32, #tpu.memory_space<vmem>> -> memref<1x8x128xi32, #tpu.memory_space<vmem>>
          %dma_start3A_509 = tpu.memref_squeeze %dma_start3A_508 : memref<1x8x128xi32, #tpu.memory_space<vmem>> -> memref<8x128xi32, #tpu.memory_space<vmem>>
          %dma_start3A_510 = arith.constant 0 : i32
          %dma_start3A_511 = tpu.memref_slice %arg3[%add3A_504, %dma_start3A_510] : memref<2560x128xi32, #tpu.memory_space<hbm>> -> memref<8x128xi32, #tpu.memory_space<hbm>>
          %dma_start3A_512 = arith.constant 0 : i32
          %dma_start3A_513 = arith.constant 0 : i32
          %dma_start3A_514 = tpu.memref_slice %arg12[%sub3A_501, %dma_start3A_512, %dma_start3A_513] : memref<2x8x128xi32, #tpu.memory_space<vmem>> -> memref<1x8x128xi32, #tpu.memory_space<vmem>>
          %dma_start3A_515 = tpu.memref_squeeze %dma_start3A_514 : memref<1x8x128xi32, #tpu.memory_space<vmem>> -> memref<8x128xi32, #tpu.memory_space<vmem>>
          %dma_start3A_516 = arith.constant 0 : i32
          %dma_start3A_517 = tpu.memref_slice %arg3[%add3A_504, %dma_start3A_516] : memref<2560x128xi32, #tpu.memory_space<hbm>> -> memref<8x128xi32, #tpu.memory_space<hbm>>
          tpu.enqueue_dma source(%dma_start3A_517 : memref<8x128xi32, #tpu.memory_space<hbm>>) target(%dma_start3A_515 : memref<8x128xi32, #tpu.memory_space<vmem>>) target_semaphore(%run_scoped3A_505 : memref<!tpu.dma_semaphore, #tpu.memory_space<semaphore_mem>>)
          %dma_wait3A_518 = arith.constant 0 : i32
          %dma_wait3A_519 = arith.constant 0 : i32
          %dma_wait3A_520 = tpu.memref_slice %arg12[%sub3A_501, %dma_wait3A_518, %dma_wait3A_519] : memref<2x8x128xi32, #tpu.memory_space<vmem>> -> memref<1x8x128xi32, #tpu.memory_space<vmem>>
          %dma_wait3A_521 = tpu.memref_squeeze %dma_wait3A_520 : memref<1x8x128xi32, #tpu.memory_space<vmem>> -> memref<8x128xi32, #tpu.memory_space<vmem>>
          %dma_wait3A_522 = arith.constant 0 : i32
          %dma_wait3A_523 = tpu.memref_slice %arg3[%add3A_504, %dma_wait3A_522] : memref<2560x128xi32, #tpu.memory_space<hbm>> -> memref<8x128xi32, #tpu.memory_space<hbm>>
          %dma_wait3A_524 = arith.constant 0 : i32
          %dma_wait3A_525 = arith.constant 0 : i32
          %dma_wait3A_526 = tpu.memref_slice %arg12[%sub3A_501, %dma_wait3A_524, %dma_wait3A_525] : memref<2x8x128xi32, #tpu.memory_space<vmem>> -> memref<1x8x128xi32, #tpu.memory_space<vmem>>
          %dma_wait3A_527 = tpu.memref_squeeze %dma_wait3A_526 : memref<1x8x128xi32, #tpu.memory_space<vmem>> -> memref<8x128xi32, #tpu.memory_space<vmem>>
          %dma_wait3A_528 = arith.constant 0 : i32
          %dma_wait3A_529 = tpu.memref_slice %arg3[%add3A_504, %dma_wait3A_528] : memref<2560x128xi32, #tpu.memory_space<hbm>> -> memref<8x128xi32, #tpu.memory_space<hbm>>
          tpu.wait_dma2 semaphore(%run_scoped3A_505 : memref<!tpu.dma_semaphore, #tpu.memory_space<semaphore_mem>>) src(%dma_wait3A_529 : memref<8x128xi32, #tpu.memory_space<hbm>>) dst(%dma_wait3A_527 : memref<8x128xi32, #tpu.memory_space<vmem>>)
          tpu.yield
        }) : () -> ()
        "tpu.region"() ({
          %run_scoped3A_505 = tpu.sem_alloc : memref<!tpu.dma_semaphore, #tpu.memory_space<semaphore_mem>>
          %dma_start3A_506 = arith.constant 0 : i32
          %dma_start3A_507 = arith.constant 0 : i32
          %dma_start3A_508 = tpu.memref_slice %arg13[%sub3A_501, %dma_start3A_506, %dma_start3A_507] : memref<2x8x128xi32, #tpu.memory_space<vmem>> -> memref<1x8x128xi32, #tpu.memory_space<vmem>>
          %dma_start3A_509 = tpu.memref_squeeze %dma_start3A_508 : memref<1x8x128xi32, #tpu.memory_space<vmem>> -> memref<8x128xi32, #tpu.memory_space<vmem>>
          %dma_start3A_510 = arith.constant 0 : i32
          %dma_start3A_511 = tpu.memref_slice %arg4[%add3A_504, %dma_start3A_510] : memref<2560x128xi32, #tpu.memory_space<hbm>> -> memref<8x128xi32, #tpu.memory_space<hbm>>
          %dma_start3A_512 = arith.constant 0 : i32
          %dma_start3A_513 = arith.constant 0 : i32
          %dma_start3A_514 = tpu.memref_slice %arg13[%sub3A_501, %dma_start3A_512, %dma_start3A_513] : memref<2x8x128xi32, #tpu.memory_space<vmem>> -> memref<1x8x128xi32, #tpu.memory_space<vmem>>
          %dma_start3A_515 = tpu.memref_squeeze %dma_start3A_514 : memref<1x8x128xi32, #tpu.memory_space<vmem>> -> memref<8x128xi32, #tpu.memory_space<vmem>>
          %dma_start3A_516 = arith.constant 0 : i32
          %dma_start3A_517 = tpu.memref_slice %arg4[%add3A_504, %dma_start3A_516] : memref<2560x128xi32, #tpu.memory_space<hbm>> -> memref<8x128xi32, #tpu.memory_space<hbm>>
          tpu.enqueue_dma source(%dma_start3A_517 : memref<8x128xi32, #tpu.memory_space<hbm>>) target(%dma_start3A_515 : memref<8x128xi32, #tpu.memory_space<vmem>>) target_semaphore(%run_scoped3A_505 : memref<!tpu.dma_semaphore, #tpu.memory_space<semaphore_mem>>)
          %dma_wait3A_518 = arith.constant 0 : i32
          %dma_wait3A_519 = arith.constant 0 : i32
          %dma_wait3A_520 = tpu.memref_slice %arg13[%sub3A_501, %dma_wait3A_518, %dma_wait3A_519] : memref<2x8x128xi32, #tpu.memory_space<vmem>> -> memref<1x8x128xi32, #tpu.memory_space<vmem>>
          %dma_wait3A_521 = tpu.memref_squeeze %dma_wait3A_520 : memref<1x8x128xi32, #tpu.memory_space<vmem>> -> memref<8x128xi32, #tpu.memory_space<vmem>>
          %dma_wait3A_522 = arith.constant 0 : i32
          %dma_wait3A_523 = tpu.memref_slice %arg4[%add3A_504, %dma_wait3A_522] : memref<2560x128xi32, #tpu.memory_space<hbm>> -> memref<8x128xi32, #tpu.memory_space<hbm>>
          %dma_wait3A_524 = arith.constant 0 : i32
          %dma_wait3A_525 = arith.constant 0 : i32
          %dma_wait3A_526 = tpu.memref_slice %arg13[%sub3A_501, %dma_wait3A_524, %dma_wait3A_525] : memref<2x8x128xi32, #tpu.memory_space<vmem>> -> memref<1x8x128xi32, #tpu.memory_space<vmem>>
          %dma_wait3A_527 = tpu.memref_squeeze %dma_wait3A_526 : memref<1x8x128xi32, #tpu.memory_space<vmem>> -> memref<8x128xi32, #tpu.memory_space<vmem>>
          %dma_wait3A_528 = arith.constant 0 : i32
          %dma_wait3A_529 = tpu.memref_slice %arg4[%add3A_504, %dma_wait3A_528] : memref<2560x128xi32, #tpu.memory_space<hbm>> -> memref<8x128xi32, #tpu.memory_space<hbm>>
          tpu.wait_dma2 semaphore(%run_scoped3A_505 : memref<!tpu.dma_semaphore, #tpu.memory_space<semaphore_mem>>) src(%dma_wait3A_529 : memref<8x128xi32, #tpu.memory_space<hbm>>) dst(%dma_wait3A_527 : memref<8x128xi32, #tpu.memory_space<vmem>>)
          tpu.yield
        }) : () -> ()
      } else {
      }
      %dma_wait3A_390 = arith.constant 4 : i32
      %dma_wait3A_391 = arith.constant 0 : i32
      %dma_wait3A_392 = arith.constant 0 : i32
      %dma_wait3A_393 = tpu.memref_slice %arg15[%dma_wait3A_391, %dma_wait3A_392] : memref<512x64xbf16, #tpu.memory_space<vmem>> -> memref<128x64xbf16, #tpu.memory_space<vmem>>
      %dma_wait3A_394 = arith.constant 0 : i32
      %dma_wait3A_395 = tpu.memref_slice %arg12[%select_n3A_188, %dma_wait3A_390, %dma_wait3A_394] : memref<2x8x128xi32, #tpu.memory_space<vmem>> -> memref<1x1x128xi32, #tpu.memory_space<vmem>>
      %dma_wait3A_396 = tpu.memref_squeeze %dma_wait3A_395 : memref<1x1x128xi32, #tpu.memory_space<vmem>> -> memref<128xi32, #tpu.memory_space<vmem>>
      %dma_wait3A_397 = arith.constant 0 : i32
      %dma_wait3A_398 = arith.constant 0 : i32
      %dma_wait3A_399 = tpu.memref_slice %arg2[%dma_wait3A_397, %dma_wait3A_398] : memref<10240x64xbf16, #tpu.memory_space<hbm>> -> memref<10240x64xbf16, #tpu.memory_space<hbm>>
      tpu.wait_indirect_dma semaphore(%arg17 : memref<!tpu.dma_semaphore, #tpu.memory_space<semaphore_mem>>) src(%dma_wait3A_399 : memref<10240x64xbf16, #tpu.memory_space<hbm>>) dst(%dma_wait3A_393 : memref<128x64xbf16, #tpu.memory_space<vmem>>)
      %dma_wait3A_400 = arith.constant 5 : i32
      %dma_wait3A_401 = arith.constant 128 : i32
      %dma_wait3A_402 = arith.constant 0 : i32
      %dma_wait3A_403 = tpu.memref_slice %arg15[%dma_wait3A_401, %dma_wait3A_402] : memref<512x64xbf16, #tpu.memory_space<vmem>> -> memref<128x64xbf16, #tpu.memory_space<vmem>>
      %dma_wait3A_404 = arith.constant 0 : i32
      %dma_wait3A_405 = tpu.memref_slice %arg12[%select_n3A_188, %dma_wait3A_400, %dma_wait3A_404] : memref<2x8x128xi32, #tpu.memory_space<vmem>> -> memref<1x1x128xi32, #tpu.memory_space<vmem>>
      %dma_wait3A_406 = tpu.memref_squeeze %dma_wait3A_405 : memref<1x1x128xi32, #tpu.memory_space<vmem>> -> memref<128xi32, #tpu.memory_space<vmem>>
      %dma_wait3A_407 = arith.constant 0 : i32
      %dma_wait3A_408 = arith.constant 0 : i32
      %dma_wait3A_409 = tpu.memref_slice %arg2[%dma_wait3A_407, %dma_wait3A_408] : memref<10240x64xbf16, #tpu.memory_space<hbm>> -> memref<10240x64xbf16, #tpu.memory_space<hbm>>
      tpu.wait_indirect_dma semaphore(%arg17 : memref<!tpu.dma_semaphore, #tpu.memory_space<semaphore_mem>>) src(%dma_wait3A_409 : memref<10240x64xbf16, #tpu.memory_space<hbm>>) dst(%dma_wait3A_403 : memref<128x64xbf16, #tpu.memory_space<vmem>>)
      %dma_wait3A_410 = arith.constant 6 : i32
      %dma_wait3A_411 = arith.constant 256 : i32
      %dma_wait3A_412 = arith.constant 0 : i32
      %dma_wait3A_413 = tpu.memref_slice %arg15[%dma_wait3A_411, %dma_wait3A_412] : memref<512x64xbf16, #tpu.memory_space<vmem>> -> memref<128x64xbf16, #tpu.memory_space<vmem>>
      %dma_wait3A_414 = arith.constant 0 : i32
      %dma_wait3A_415 = tpu.memref_slice %arg12[%select_n3A_188, %dma_wait3A_410, %dma_wait3A_414] : memref<2x8x128xi32, #tpu.memory_space<vmem>> -> memref<1x1x128xi32, #tpu.memory_space<vmem>>
      %dma_wait3A_416 = tpu.memref_squeeze %dma_wait3A_415 : memref<1x1x128xi32, #tpu.memory_space<vmem>> -> memref<128xi32, #tpu.memory_space<vmem>>
      %dma_wait3A_417 = arith.constant 0 : i32
      %dma_wait3A_418 = arith.constant 0 : i32
      %dma_wait3A_419 = tpu.memref_slice %arg2[%dma_wait3A_417, %dma_wait3A_418] : memref<10240x64xbf16, #tpu.memory_space<hbm>> -> memref<10240x64xbf16, #tpu.memory_space<hbm>>
      tpu.wait_indirect_dma semaphore(%arg17 : memref<!tpu.dma_semaphore, #tpu.memory_space<semaphore_mem>>) src(%dma_wait3A_419 : memref<10240x64xbf16, #tpu.memory_space<hbm>>) dst(%dma_wait3A_413 : memref<128x64xbf16, #tpu.memory_space<vmem>>)
      %dma_wait3A_420 = arith.constant 7 : i32
      %dma_wait3A_421 = arith.constant 384 : i32
      %dma_wait3A_422 = arith.constant 0 : i32
      %dma_wait3A_423 = tpu.memref_slice %arg15[%dma_wait3A_421, %dma_wait3A_422] : memref<512x64xbf16, #tpu.memory_space<vmem>> -> memref<128x64xbf16, #tpu.memory_space<vmem>>
      %dma_wait3A_424 = arith.constant 0 : i32
      %dma_wait3A_425 = tpu.memref_slice %arg12[%select_n3A_188, %dma_wait3A_420, %dma_wait3A_424] : memref<2x8x128xi32, #tpu.memory_space<vmem>> -> memref<1x1x128xi32, #tpu.memory_space<vmem>>
      %dma_wait3A_426 = tpu.memref_squeeze %dma_wait3A_425 : memref<1x1x128xi32, #tpu.memory_space<vmem>> -> memref<128xi32, #tpu.memory_space<vmem>>
      %dma_wait3A_427 = arith.constant 0 : i32
      %dma_wait3A_428 = arith.constant 0 : i32
      %dma_wait3A_429 = tpu.memref_slice %arg2[%dma_wait3A_427, %dma_wait3A_428] : memref<10240x64xbf16, #tpu.memory_space<hbm>> -> memref<10240x64xbf16, #tpu.memory_space<hbm>>
      tpu.wait_indirect_dma semaphore(%arg17 : memref<!tpu.dma_semaphore, #tpu.memory_space<semaphore_mem>>) src(%dma_wait3A_429 : memref<10240x64xbf16, #tpu.memory_space<hbm>>) dst(%dma_wait3A_423 : memref<128x64xbf16, #tpu.memory_space<vmem>>)
      %dma_start3A_430 = arith.constant 4 : i32
      %dma_start3A_431 = arith.constant 0 : i32
      %dma_start3A_432 = arith.constant 0 : i32
      %dma_start3A_433 = tpu.memref_slice %arg15[%dma_start3A_431, %dma_start3A_432] : memref<512x64xbf16, #tpu.memory_space<vmem>> -> memref<128x64xbf16, #tpu.memory_space<vmem>>
      %dma_start3A_434 = arith.constant 0 : i32
      %dma_start3A_435 = tpu.memref_slice %arg13[%select_n3A_188, %dma_start3A_430, %dma_start3A_434] : memref<2x8x128xi32, #tpu.memory_space<vmem>> -> memref<1x1x128xi32, #tpu.memory_space<vmem>>
      %dma_start3A_436 = tpu.memref_squeeze %dma_start3A_435 : memref<1x1x128xi32, #tpu.memory_space<vmem>> -> memref<128xi32, #tpu.memory_space<vmem>>
      %dma_start3A_437 = arith.constant 0 : i32
      %dma_start3A_438 = arith.constant 0 : i32
      %dma_start3A_439 = tpu.memref_slice %arg10[%dma_start3A_437, %dma_start3A_438] : memref<10240x64xbf16, #tpu.memory_space<vmem_shared>> -> memref<10240x64xbf16, #tpu.memory_space<vmem_shared>>
      tpu.enqueue_indirect_dma source(%dma_start3A_433 : memref<128x64xbf16, #tpu.memory_space<vmem>>) target(%dma_start3A_439 : memref<10240x64xbf16, #tpu.memory_space<vmem_shared>>) offsets(%dma_start3A_436 : memref<128xi32, #tpu.memory_space<vmem>>) semaphore(%arg19 : memref<!tpu.dma_semaphore, #tpu.memory_space<semaphore_mem>>) {add = true}
      %dma_start3A_440 = arith.constant 4 : i32
      %dma_start3A_441 = arith.constant 0 : i32
      %dma_start3A_442 = tpu.memref_slice %arg13[%select_n3A_188, %dma_start3A_440, %dma_start3A_441] : memref<2x8x128xi32, #tpu.memory_space<vmem>> -> memref<1x1x128xi32, #tpu.memory_space<vmem>>
      %dma_start3A_443 = tpu.memref_squeeze %dma_start3A_442 : memref<1x1x128xi32, #tpu.memory_space<vmem>> -> memref<128xi32, #tpu.memory_space<vmem>>
      %dma_start3A_444 = arith.constant 0 : i32
      %dma_start3A_445 = arith.constant 0 : i32
      %dma_start3A_446 = tpu.memref_slice %arg11[%dma_start3A_444, %dma_start3A_445] : memref<10240x16xf32, #tpu.memory_space<vmem_shared>> -> memref<10240x16xf32, #tpu.memory_space<vmem_shared>>
      tpu.enqueue_indirect_dma source(%arg16 : memref<128x16xf32, #tpu.memory_space<vmem>>) target(%dma_start3A_446 : memref<10240x16xf32, #tpu.memory_space<vmem_shared>>) offsets(%dma_start3A_443 : memref<128xi32, #tpu.memory_space<vmem>>) semaphore(%arg20 : memref<!tpu.dma_semaphore, #tpu.memory_space<semaphore_mem>>) {add = true}
      %dma_start3A_447 = arith.constant 5 : i32
      %dma_start3A_448 = arith.constant 128 : i32
      %dma_start3A_449 = arith.constant 0 : i32
      %dma_start3A_450 = tpu.memref_slice %arg15[%dma_start3A_448, %dma_start3A_449] : memref<512x64xbf16, #tpu.memory_space<vmem>> -> memref<128x64xbf16, #tpu.memory_space<vmem>>
      %dma_start3A_451 = arith.constant 0 : i32
      %dma_start3A_452 = tpu.memref_slice %arg13[%select_n3A_188, %dma_start3A_447, %dma_start3A_451] : memref<2x8x128xi32, #tpu.memory_space<vmem>> -> memref<1x1x128xi32, #tpu.memory_space<vmem>>
      %dma_start3A_453 = tpu.memref_squeeze %dma_start3A_452 : memref<1x1x128xi32, #tpu.memory_space<vmem>> -> memref<128xi32, #tpu.memory_space<vmem>>
      %dma_start3A_454 = arith.constant 0 : i32
      %dma_start3A_455 = arith.constant 0 : i32
      %dma_start3A_456 = tpu.memref_slice %arg10[%dma_start3A_454, %dma_start3A_455] : memref<10240x64xbf16, #tpu.memory_space<vmem_shared>> -> memref<10240x64xbf16, #tpu.memory_space<vmem_shared>>
      tpu.enqueue_indirect_dma source(%dma_start3A_450 : memref<128x64xbf16, #tpu.memory_space<vmem>>) target(%dma_start3A_456 : memref<10240x64xbf16, #tpu.memory_space<vmem_shared>>) offsets(%dma_start3A_453 : memref<128xi32, #tpu.memory_space<vmem>>) semaphore(%arg19 : memref<!tpu.dma_semaphore, #tpu.memory_space<semaphore_mem>>) {add = true}
      %dma_start3A_457 = arith.constant 5 : i32
      %dma_start3A_458 = arith.constant 0 : i32
      %dma_start3A_459 = tpu.memref_slice %arg13[%select_n3A_188, %dma_start3A_457, %dma_start3A_458] : memref<2x8x128xi32, #tpu.memory_space<vmem>> -> memref<1x1x128xi32, #tpu.memory_space<vmem>>
      %dma_start3A_460 = tpu.memref_squeeze %dma_start3A_459 : memref<1x1x128xi32, #tpu.memory_space<vmem>> -> memref<128xi32, #tpu.memory_space<vmem>>
      %dma_start3A_461 = arith.constant 0 : i32
      %dma_start3A_462 = arith.constant 0 : i32
      %dma_start3A_463 = tpu.memref_slice %arg11[%dma_start3A_461, %dma_start3A_462] : memref<10240x16xf32, #tpu.memory_space<vmem_shared>> -> memref<10240x16xf32, #tpu.memory_space<vmem_shared>>
      tpu.enqueue_indirect_dma source(%arg16 : memref<128x16xf32, #tpu.memory_space<vmem>>) target(%dma_start3A_463 : memref<10240x16xf32, #tpu.memory_space<vmem_shared>>) offsets(%dma_start3A_460 : memref<128xi32, #tpu.memory_space<vmem>>) semaphore(%arg20 : memref<!tpu.dma_semaphore, #tpu.memory_space<semaphore_mem>>) {add = true}
      %dma_start3A_464 = arith.constant 6 : i32
      %dma_start3A_465 = arith.constant 256 : i32
      %dma_start3A_466 = arith.constant 0 : i32
      %dma_start3A_467 = tpu.memref_slice %arg15[%dma_start3A_465, %dma_start3A_466] : memref<512x64xbf16, #tpu.memory_space<vmem>> -> memref<128x64xbf16, #tpu.memory_space<vmem>>
      %dma_start3A_468 = arith.constant 0 : i32
      %dma_start3A_469 = tpu.memref_slice %arg13[%select_n3A_188, %dma_start3A_464, %dma_start3A_468] : memref<2x8x128xi32, #tpu.memory_space<vmem>> -> memref<1x1x128xi32, #tpu.memory_space<vmem>>
      %dma_start3A_470 = tpu.memref_squeeze %dma_start3A_469 : memref<1x1x128xi32, #tpu.memory_space<vmem>> -> memref<128xi32, #tpu.memory_space<vmem>>
      %dma_start3A_471 = arith.constant 0 : i32
      %dma_start3A_472 = arith.constant 0 : i32
      %dma_start3A_473 = tpu.memref_slice %arg10[%dma_start3A_471, %dma_start3A_472] : memref<10240x64xbf16, #tpu.memory_space<vmem_shared>> -> memref<10240x64xbf16, #tpu.memory_space<vmem_shared>>
      tpu.enqueue_indirect_dma source(%dma_start3A_467 : memref<128x64xbf16, #tpu.memory_space<vmem>>) target(%dma_start3A_473 : memref<10240x64xbf16, #tpu.memory_space<vmem_shared>>) offsets(%dma_start3A_470 : memref<128xi32, #tpu.memory_space<vmem>>) semaphore(%arg19 : memref<!tpu.dma_semaphore, #tpu.memory_space<semaphore_mem>>) {add = true}
      %dma_start3A_474 = arith.constant 6 : i32
      %dma_start3A_475 = arith.constant 0 : i32
      %dma_start3A_476 = tpu.memref_slice %arg13[%select_n3A_188, %dma_start3A_474, %dma_start3A_475] : memref<2x8x128xi32, #tpu.memory_space<vmem>> -> memref<1x1x128xi32, #tpu.memory_space<vmem>>
      %dma_start3A_477 = tpu.memref_squeeze %dma_start3A_476 : memref<1x1x128xi32, #tpu.memory_space<vmem>> -> memref<128xi32, #tpu.memory_space<vmem>>
      %dma_start3A_478 = arith.constant 0 : i32
      %dma_start3A_479 = arith.constant 0 : i32
      %dma_start3A_480 = tpu.memref_slice %arg11[%dma_start3A_478, %dma_start3A_479] : memref<10240x16xf32, #tpu.memory_space<vmem_shared>> -> memref<10240x16xf32, #tpu.memory_space<vmem_shared>>
      tpu.enqueue_indirect_dma source(%arg16 : memref<128x16xf32, #tpu.memory_space<vmem>>) target(%dma_start3A_480 : memref<10240x16xf32, #tpu.memory_space<vmem_shared>>) offsets(%dma_start3A_477 : memref<128xi32, #tpu.memory_space<vmem>>) semaphore(%arg20 : memref<!tpu.dma_semaphore, #tpu.memory_space<semaphore_mem>>) {add = true}
      %dma_start3A_481 = arith.constant 7 : i32
      %dma_start3A_482 = arith.constant 384 : i32
      %dma_start3A_483 = arith.constant 0 : i32
      %dma_start3A_484 = tpu.memref_slice %arg15[%dma_start3A_482, %dma_start3A_483] : memref<512x64xbf16, #tpu.memory_space<vmem>> -> memref<128x64xbf16, #tpu.memory_space<vmem>>
      %dma_start3A_485 = arith.constant 0 : i32
      %dma_start3A_486 = tpu.memref_slice %arg13[%select_n3A_188, %dma_start3A_481, %dma_start3A_485] : memref<2x8x128xi32, #tpu.memory_space<vmem>> -> memref<1x1x128xi32, #tpu.memory_space<vmem>>
      %dma_start3A_487 = tpu.memref_squeeze %dma_start3A_486 : memref<1x1x128xi32, #tpu.memory_space<vmem>> -> memref<128xi32, #tpu.memory_space<vmem>>
      %dma_start3A_488 = arith.constant 0 : i32
      %dma_start3A_489 = arith.constant 0 : i32
      %dma_start3A_490 = tpu.memref_slice %arg10[%dma_start3A_488, %dma_start3A_489] : memref<10240x64xbf16, #tpu.memory_space<vmem_shared>> -> memref<10240x64xbf16, #tpu.memory_space<vmem_shared>>
      tpu.enqueue_indirect_dma source(%dma_start3A_484 : memref<128x64xbf16, #tpu.memory_space<vmem>>) target(%dma_start3A_490 : memref<10240x64xbf16, #tpu.memory_space<vmem_shared>>) offsets(%dma_start3A_487 : memref<128xi32, #tpu.memory_space<vmem>>) semaphore(%arg19 : memref<!tpu.dma_semaphore, #tpu.memory_space<semaphore_mem>>) {add = true}
      %dma_start3A_491 = arith.constant 7 : i32
      %dma_start3A_492 = arith.constant 0 : i32
      %dma_start3A_493 = tpu.memref_slice %arg13[%select_n3A_188, %dma_start3A_491, %dma_start3A_492] : memref<2x8x128xi32, #tpu.memory_space<vmem>> -> memref<1x1x128xi32, #tpu.memory_space<vmem>>
      %dma_start3A_494 = tpu.memref_squeeze %dma_start3A_493 : memref<1x1x128xi32, #tpu.memory_space<vmem>> -> memref<128xi32, #tpu.memory_space<vmem>>
      %dma_start3A_495 = arith.constant 0 : i32
      %dma_start3A_496 = arith.constant 0 : i32
      %dma_start3A_497 = tpu.memref_slice %arg11[%dma_start3A_495, %dma_start3A_496] : memref<10240x16xf32, #tpu.memory_space<vmem_shared>> -> memref<10240x16xf32, #tpu.memory_space<vmem_shared>>
      tpu.enqueue_indirect_dma source(%arg16 : memref<128x16xf32, #tpu.memory_space<vmem>>) target(%dma_start3A_497 : memref<10240x16xf32, #tpu.memory_space<vmem_shared>>) offsets(%dma_start3A_494 : memref<128xi32, #tpu.memory_space<vmem>>) semaphore(%arg20 : memref<!tpu.dma_semaphore, #tpu.memory_space<semaphore_mem>>) {add = true}
    }
    %while3A_29 = arith.constant 1 : i32
    scf.for %while3A_174 = %while3A_27 to %while3A_23 step %while3A_29  : i32 {
      %mul3A_175 = arith.muli %while3A_174, %while3A : i32
      %add3A_176 = arith.addi %while3A_20, %mul3A_175 : i32
      %jit3A_177 = arith.constant 2 : i32
      %eq3A_178 = arith.constant 0 : i32
      %eq3A_179 = arith.cmpi eq, %jit3A_177, %eq3A_178 : i32
      %jit3A_180 = arith.constant 1 : i32
      %select_n3A_181 = arith.select %eq3A_179, %jit3A_180, %jit3A_177 : i32
      %rem3A = arith.remsi %add3A_176, %select_n3A_181 : i32
      %ne3A = arith.constant 0 : i32
      %ne3A_182 = arith.cmpi ne, %rem3A, %ne3A : i32
      %lt3A = arith.constant 0 : i32
      %lt3A_183 = arith.cmpi slt, %rem3A, %lt3A : i32
      %lt3A_184 = arith.constant 0 : i32
      %lt3A_185 = arith.cmpi slt, %select_n3A_181, %lt3A_184 : i32
      %ne3A_186 = arith.xori %lt3A_183, %lt3A_185 : i1
      %and3A = arith.andi %ne3A_186, %ne3A_182 : i1
      %add3A_187 = arith.addi %rem3A, %select_n3A_181 : i32
      %select_n3A_188 = arith.select %and3A, %add3A_187, %rem3A : i32
      %ne3A_189 = arith.constant 0 : i32
      %ne3A_190 = arith.cmpi ne, %add3A_176, %ne3A_189 : i32
      %convert_element_type3A = arith.extui %ne3A_190 : i1 to i32
      %cond3A = arith.constant 0 : i32
      %cond3A_191 = arith.cmpi ne, %convert_element_type3A, %cond3A : i32
      scf.if %cond3A_191 {
        %dma_wait3A_498 = arith.constant 0 : i32
        %dma_wait3A_499 = arith.constant 0 : i32
        %dma_wait3A_500 = tpu.memref_slice %arg14[%dma_wait3A_498, %dma_wait3A_499] : memref<512x64xbf16, #tpu.memory_space<vmem>> -> memref<128x64xbf16, #tpu.memory_space<vmem>>
        %dma_wait3A_501 = arith.constant 0 : i32
        %dma_wait3A_502 = arith.constant 0 : i32
        %dma_wait3A_503 = tpu.memref_slice %arg10[%dma_wait3A_501, %dma_wait3A_502] : memref<10240x64xbf16, #tpu.memory_space<vmem_shared>> -> memref<128x64xbf16, #tpu.memory_space<vmem_shared>>
        %dma_wait3A_504 = arith.constant 0 : i32
        %dma_wait3A_505 = arith.constant 0 : i32
        %dma_wait3A_506 = tpu.memref_slice %arg10[%dma_wait3A_504, %dma_wait3A_505] : memref<10240x64xbf16, #tpu.memory_space<vmem_shared>> -> memref<128x64xbf16, #tpu.memory_space<vmem_shared>>
        %dma_wait3A_507 = arith.constant 0 : i32
        %dma_wait3A_508 = arith.constant 0 : i32
        %dma_wait3A_509 = tpu.memref_slice %arg14[%dma_wait3A_507, %dma_wait3A_508] : memref<512x64xbf16, #tpu.memory_space<vmem>> -> memref<128x64xbf16, #tpu.memory_space<vmem>>
        tpu.wait_dma2 semaphore(%arg18 : memref<!tpu.dma_semaphore, #tpu.memory_space<semaphore_mem>>) src(%dma_wait3A_509 : memref<128x64xbf16, #tpu.memory_space<vmem>>) dst(%dma_wait3A_506 : memref<128x64xbf16, #tpu.memory_space<vmem_shared>>)
        %dma_wait3A_510 = arith.constant 128 : i32
        %dma_wait3A_511 = arith.constant 0 : i32
        %dma_wait3A_512 = tpu.memref_slice %arg14[%dma_wait3A_510, %dma_wait3A_511] : memref<512x64xbf16, #tpu.memory_space<vmem>> -> memref<128x64xbf16, #tpu.memory_space<vmem>>
        %dma_wait3A_513 = arith.constant 0 : i32
        %dma_wait3A_514 = arith.constant 0 : i32
        %dma_wait3A_515 = tpu.memref_slice %arg10[%dma_wait3A_513, %dma_wait3A_514] : memref<10240x64xbf16, #tpu.memory_space<vmem_shared>> -> memref<128x64xbf16, #tpu.memory_space<vmem_shared>>
        %dma_wait3A_516 = arith.constant 0 : i32
        %dma_wait3A_517 = arith.constant 0 : i32
        %dma_wait3A_518 = tpu.memref_slice %arg10[%dma_wait3A_516, %dma_wait3A_517] : memref<10240x64xbf16, #tpu.memory_space<vmem_shared>> -> memref<128x64xbf16, #tpu.memory_space<vmem_shared>>
        %dma_wait3A_519 = arith.constant 128 : i32
        %dma_wait3A_520 = arith.constant 0 : i32
        %dma_wait3A_521 = tpu.memref_slice %arg14[%dma_wait3A_519, %dma_wait3A_520] : memref<512x64xbf16, #tpu.memory_space<vmem>> -> memref<128x64xbf16, #tpu.memory_space<vmem>>
        tpu.wait_dma2 semaphore(%arg18 : memref<!tpu.dma_semaphore, #tpu.memory_space<semaphore_mem>>) src(%dma_wait3A_521 : memref<128x64xbf16, #tpu.memory_space<vmem>>) dst(%dma_wait3A_518 : memref<128x64xbf16, #tpu.memory_space<vmem_shared>>)
        %dma_wait3A_522 = arith.constant 256 : i32
        %dma_wait3A_523 = arith.constant 0 : i32
        %dma_wait3A_524 = tpu.memref_slice %arg14[%dma_wait3A_522, %dma_wait3A_523] : memref<512x64xbf16, #tpu.memory_space<vmem>> -> memref<128x64xbf16, #tpu.memory_space<vmem>>
        %dma_wait3A_525 = arith.constant 0 : i32
        %dma_wait3A_526 = arith.constant 0 : i32
        %dma_wait3A_527 = tpu.memref_slice %arg10[%dma_wait3A_525, %dma_wait3A_526] : memref<10240x64xbf16, #tpu.memory_space<vmem_shared>> -> memref<128x64xbf16, #tpu.memory_space<vmem_shared>>
        %dma_wait3A_528 = arith.constant 0 : i32
        %dma_wait3A_529 = arith.constant 0 : i32
        %dma_wait3A_530 = tpu.memref_slice %arg10[%dma_wait3A_528, %dma_wait3A_529] : memref<10240x64xbf16, #tpu.memory_space<vmem_shared>> -> memref<128x64xbf16, #tpu.memory_space<vmem_shared>>
        %dma_wait3A_531 = arith.constant 256 : i32
        %dma_wait3A_532 = arith.constant 0 : i32
        %dma_wait3A_533 = tpu.memref_slice %arg14[%dma_wait3A_531, %dma_wait3A_532] : memref<512x64xbf16, #tpu.memory_space<vmem>> -> memref<128x64xbf16, #tpu.memory_space<vmem>>
        tpu.wait_dma2 semaphore(%arg18 : memref<!tpu.dma_semaphore, #tpu.memory_space<semaphore_mem>>) src(%dma_wait3A_533 : memref<128x64xbf16, #tpu.memory_space<vmem>>) dst(%dma_wait3A_530 : memref<128x64xbf16, #tpu.memory_space<vmem_shared>>)
        %dma_wait3A_534 = arith.constant 384 : i32
        %dma_wait3A_535 = arith.constant 0 : i32
        %dma_wait3A_536 = tpu.memref_slice %arg14[%dma_wait3A_534, %dma_wait3A_535] : memref<512x64xbf16, #tpu.memory_space<vmem>> -> memref<128x64xbf16, #tpu.memory_space<vmem>>
        %dma_wait3A_537 = arith.constant 0 : i32
        %dma_wait3A_538 = arith.constant 0 : i32
        %dma_wait3A_539 = tpu.memref_slice %arg10[%dma_wait3A_537, %dma_wait3A_538] : memref<10240x64xbf16, #tpu.memory_space<vmem_shared>> -> memref<128x64xbf16, #tpu.memory_space<vmem_shared>>
        %dma_wait3A_540 = arith.constant 0 : i32
        %dma_wait3A_541 = arith.constant 0 : i32
        %dma_wait3A_542 = tpu.memref_slice %arg10[%dma_wait3A_540, %dma_wait3A_541] : memref<10240x64xbf16, #tpu.memory_space<vmem_shared>> -> memref<128x64xbf16, #tpu.memory_space<vmem_shared>>
        %dma_wait3A_543 = arith.constant 384 : i32
        %dma_wait3A_544 = arith.constant 0 : i32
        %dma_wait3A_545 = tpu.memref_slice %arg14[%dma_wait3A_543, %dma_wait3A_544] : memref<512x64xbf16, #tpu.memory_space<vmem>> -> memref<128x64xbf16, #tpu.memory_space<vmem>>
        tpu.wait_dma2 semaphore(%arg18 : memref<!tpu.dma_semaphore, #tpu.memory_space<semaphore_mem>>) src(%dma_wait3A_545 : memref<128x64xbf16, #tpu.memory_space<vmem>>) dst(%dma_wait3A_542 : memref<128x64xbf16, #tpu.memory_space<vmem_shared>>)
      } else {
      }
      %dma_start3A = arith.constant 0 : i32
      %dma_start3A_192 = arith.constant 0 : i32
      %dma_start3A_193 = arith.constant 0 : i32
      %dma_start3A_194 = tpu.memref_slice %arg14[%dma_start3A_192, %dma_start3A_193] : memref<512x64xbf16, #tpu.memory_space<vmem>> -> memref<128x64xbf16, #tpu.memory_space<vmem>>
      %dma_start3A_195 = arith.constant 0 : i32
      %dma_start3A_196 = tpu.memref_slice %arg12[%select_n3A_188, %dma_start3A, %dma_start3A_195] : memref<2x8x128xi32, #tpu.memory_space<vmem>> -> memref<1x1x128xi32, #tpu.memory_space<vmem>>
      %dma_start3A_197 = tpu.memref_squeeze %dma_start3A_196 : memref<1x1x128xi32, #tpu.memory_space<vmem>> -> memref<128xi32, #tpu.memory_space<vmem>>
      %dma_start3A_198 = arith.constant 0 : i32
      %dma_start3A_199 = arith.constant 0 : i32
      %dma_start3A_200 = tpu.memref_slice %arg2[%dma_start3A_198, %dma_start3A_199] : memref<10240x64xbf16, #tpu.memory_space<hbm>> -> memref<10240x64xbf16, #tpu.memory_space<hbm>>
      tpu.enqueue_indirect_dma source(%dma_start3A_200 : memref<10240x64xbf16, #tpu.memory_space<hbm>>) target(%dma_start3A_194 : memref<128x64xbf16, #tpu.memory_space<vmem>>) offsets(%dma_start3A_197 : memref<128xi32, #tpu.memory_space<vmem>>) semaphore(%arg17 : memref<!tpu.dma_semaphore, #tpu.memory_space<semaphore_mem>>)
      %dma_start3A_201 = arith.constant 1 : i32
      %dma_start3A_202 = arith.constant 128 : i32
      %dma_start3A_203 = arith.constant 0 : i32
      %dma_start3A_204 = tpu.memref_slice %arg14[%dma_start3A_202, %dma_start3A_203] : memref<512x64xbf16, #tpu.memory_space<vmem>> -> memref<128x64xbf16, #tpu.memory_space<vmem>>
      %dma_start3A_205 = arith.constant 0 : i32
      %dma_start3A_206 = tpu.memref_slice %arg12[%select_n3A_188, %dma_start3A_201, %dma_start3A_205] : memref<2x8x128xi32, #tpu.memory_space<vmem>> -> memref<1x1x128xi32, #tpu.memory_space<vmem>>
      %dma_start3A_207 = tpu.memref_squeeze %dma_start3A_206 : memref<1x1x128xi32, #tpu.memory_space<vmem>> -> memref<128xi32, #tpu.memory_space<vmem>>
      %dma_start3A_208 = arith.constant 0 : i32
      %dma_start3A_209 = arith.constant 0 : i32
      %dma_start3A_210 = tpu.memref_slice %arg2[%dma_start3A_208, %dma_start3A_209] : memref<10240x64xbf16, #tpu.memory_space<hbm>> -> memref<10240x64xbf16, #tpu.memory_space<hbm>>
      tpu.enqueue_indirect_dma source(%dma_start3A_210 : memref<10240x64xbf16, #tpu.memory_space<hbm>>) target(%dma_start3A_204 : memref<128x64xbf16, #tpu.memory_space<vmem>>) offsets(%dma_start3A_207 : memref<128xi32, #tpu.memory_space<vmem>>) semaphore(%arg17 : memref<!tpu.dma_semaphore, #tpu.memory_space<semaphore_mem>>)
      %dma_start3A_211 = arith.constant 2 : i32
      %dma_start3A_212 = arith.constant 256 : i32
      %dma_start3A_213 = arith.constant 0 : i32
      %dma_start3A_214 = tpu.memref_slice %arg14[%dma_start3A_212, %dma_start3A_213] : memref<512x64xbf16, #tpu.memory_space<vmem>> -> memref<128x64xbf16, #tpu.memory_space<vmem>>
      %dma_start3A_215 = arith.constant 0 : i32
      %dma_start3A_216 = tpu.memref_slice %arg12[%select_n3A_188, %dma_start3A_211, %dma_start3A_215] : memref<2x8x128xi32, #tpu.memory_space<vmem>> -> memref<1x1x128xi32, #tpu.memory_space<vmem>>
      %dma_start3A_217 = tpu.memref_squeeze %dma_start3A_216 : memref<1x1x128xi32, #tpu.memory_space<vmem>> -> memref<128xi32, #tpu.memory_space<vmem>>
      %dma_start3A_218 = arith.constant 0 : i32
      %dma_start3A_219 = arith.constant 0 : i32
      %dma_start3A_220 = tpu.memref_slice %arg2[%dma_start3A_218, %dma_start3A_219] : memref<10240x64xbf16, #tpu.memory_space<hbm>> -> memref<10240x64xbf16, #tpu.memory_space<hbm>>
      tpu.enqueue_indirect_dma source(%dma_start3A_220 : memref<10240x64xbf16, #tpu.memory_space<hbm>>) target(%dma_start3A_214 : memref<128x64xbf16, #tpu.memory_space<vmem>>) offsets(%dma_start3A_217 : memref<128xi32, #tpu.memory_space<vmem>>) semaphore(%arg17 : memref<!tpu.dma_semaphore, #tpu.memory_space<semaphore_mem>>)
      %dma_start3A_221 = arith.constant 3 : i32
      %dma_start3A_222 = arith.constant 384 : i32
      %dma_start3A_223 = arith.constant 0 : i32
      %dma_start3A_224 = tpu.memref_slice %arg14[%dma_start3A_222, %dma_start3A_223] : memref<512x64xbf16, #tpu.memory_space<vmem>> -> memref<128x64xbf16, #tpu.memory_space<vmem>>
      %dma_start3A_225 = arith.constant 0 : i32
      %dma_start3A_226 = tpu.memref_slice %arg12[%select_n3A_188, %dma_start3A_221, %dma_start3A_225] : memref<2x8x128xi32, #tpu.memory_space<vmem>> -> memref<1x1x128xi32, #tpu.memory_space<vmem>>
      %dma_start3A_227 = tpu.memref_squeeze %dma_start3A_226 : memref<1x1x128xi32, #tpu.memory_space<vmem>> -> memref<128xi32, #tpu.memory_space<vmem>>
      %dma_start3A_228 = arith.constant 0 : i32
      %dma_start3A_229 = arith.constant 0 : i32
      %dma_start3A_230 = tpu.memref_slice %arg2[%dma_start3A_228, %dma_start3A_229] : memref<10240x64xbf16, #tpu.memory_space<hbm>> -> memref<10240x64xbf16, #tpu.memory_space<hbm>>
      tpu.enqueue_indirect_dma source(%dma_start3A_230 : memref<10240x64xbf16, #tpu.memory_space<hbm>>) target(%dma_start3A_224 : memref<128x64xbf16, #tpu.memory_space<vmem>>) offsets(%dma_start3A_227 : memref<128xi32, #tpu.memory_space<vmem>>) semaphore(%arg17 : memref<!tpu.dma_semaphore, #tpu.memory_space<semaphore_mem>>)
      %ne3A_231 = arith.constant 0 : i32
      %ne3A_232 = arith.cmpi ne, %add3A_176, %ne3A_231 : i32
      %convert_element_type3A_233 = arith.extui %ne3A_232 : i1 to i32
      %cond3A_234 = arith.constant 0 : i32
      %cond3A_235 = arith.cmpi ne, %convert_element_type3A_233, %cond3A_234 : i32
      scf.if %cond3A_235 {
        %dma_wait3A_498 = arith.constant 0 : i32
        %dma_wait3A_499 = arith.constant 0 : i32
        %dma_wait3A_500 = tpu.memref_slice %arg15[%dma_wait3A_498, %dma_wait3A_499] : memref<512x64xbf16, #tpu.memory_space<vmem>> -> memref<128x64xbf16, #tpu.memory_space<vmem>>
        %dma_wait3A_501 = arith.constant 0 : i32
        %dma_wait3A_502 = arith.constant 0 : i32
        %dma_wait3A_503 = tpu.memref_slice %arg10[%dma_wait3A_501, %dma_wait3A_502] : memref<10240x64xbf16, #tpu.memory_space<vmem_shared>> -> memref<128x64xbf16, #tpu.memory_space<vmem_shared>>
        %dma_wait3A_504 = arith.constant 0 : i32
        %dma_wait3A_505 = arith.constant 0 : i32
        %dma_wait3A_506 = tpu.memref_slice %arg10[%dma_wait3A_504, %dma_wait3A_505] : memref<10240x64xbf16, #tpu.memory_space<vmem_shared>> -> memref<128x64xbf16, #tpu.memory_space<vmem_shared>>
        %dma_wait3A_507 = arith.constant 0 : i32
        %dma_wait3A_508 = arith.constant 0 : i32
        %dma_wait3A_509 = tpu.memref_slice %arg15[%dma_wait3A_507, %dma_wait3A_508] : memref<512x64xbf16, #tpu.memory_space<vmem>> -> memref<128x64xbf16, #tpu.memory_space<vmem>>
        tpu.wait_dma2 semaphore(%arg19 : memref<!tpu.dma_semaphore, #tpu.memory_space<semaphore_mem>>) src(%dma_wait3A_509 : memref<128x64xbf16, #tpu.memory_space<vmem>>) dst(%dma_wait3A_506 : memref<128x64xbf16, #tpu.memory_space<vmem_shared>>)
        %dma_wait3A_510 = arith.constant 128 : i32
        %dma_wait3A_511 = arith.constant 0 : i32
        %dma_wait3A_512 = tpu.memref_slice %arg15[%dma_wait3A_510, %dma_wait3A_511] : memref<512x64xbf16, #tpu.memory_space<vmem>> -> memref<128x64xbf16, #tpu.memory_space<vmem>>
        %dma_wait3A_513 = arith.constant 0 : i32
        %dma_wait3A_514 = arith.constant 0 : i32
        %dma_wait3A_515 = tpu.memref_slice %arg10[%dma_wait3A_513, %dma_wait3A_514] : memref<10240x64xbf16, #tpu.memory_space<vmem_shared>> -> memref<128x64xbf16, #tpu.memory_space<vmem_shared>>
        %dma_wait3A_516 = arith.constant 0 : i32
        %dma_wait3A_517 = arith.constant 0 : i32
        %dma_wait3A_518 = tpu.memref_slice %arg10[%dma_wait3A_516, %dma_wait3A_517] : memref<10240x64xbf16, #tpu.memory_space<vmem_shared>> -> memref<128x64xbf16, #tpu.memory_space<vmem_shared>>
        %dma_wait3A_519 = arith.constant 128 : i32
        %dma_wait3A_520 = arith.constant 0 : i32
        %dma_wait3A_521 = tpu.memref_slice %arg15[%dma_wait3A_519, %dma_wait3A_520] : memref<512x64xbf16, #tpu.memory_space<vmem>> -> memref<128x64xbf16, #tpu.memory_space<vmem>>
        tpu.wait_dma2 semaphore(%arg19 : memref<!tpu.dma_semaphore, #tpu.memory_space<semaphore_mem>>) src(%dma_wait3A_521 : memref<128x64xbf16, #tpu.memory_space<vmem>>) dst(%dma_wait3A_518 : memref<128x64xbf16, #tpu.memory_space<vmem_shared>>)
        %dma_wait3A_522 = arith.constant 256 : i32
        %dma_wait3A_523 = arith.constant 0 : i32
        %dma_wait3A_524 = tpu.memref_slice %arg15[%dma_wait3A_522, %dma_wait3A_523] : memref<512x64xbf16, #tpu.memory_space<vmem>> -> memref<128x64xbf16, #tpu.memory_space<vmem>>
        %dma_wait3A_525 = arith.constant 0 : i32
        %dma_wait3A_526 = arith.constant 0 : i32
        %dma_wait3A_527 = tpu.memref_slice %arg10[%dma_wait3A_525, %dma_wait3A_526] : memref<10240x64xbf16, #tpu.memory_space<vmem_shared>> -> memref<128x64xbf16, #tpu.memory_space<vmem_shared>>
        %dma_wait3A_528 = arith.constant 0 : i32
        %dma_wait3A_529 = arith.constant 0 : i32
        %dma_wait3A_530 = tpu.memref_slice %arg10[%dma_wait3A_528, %dma_wait3A_529] : memref<10240x64xbf16, #tpu.memory_space<vmem_shared>> -> memref<128x64xbf16, #tpu.memory_space<vmem_shared>>
        %dma_wait3A_531 = arith.constant 256 : i32
        %dma_wait3A_532 = arith.constant 0 : i32
        %dma_wait3A_533 = tpu.memref_slice %arg15[%dma_wait3A_531, %dma_wait3A_532] : memref<512x64xbf16, #tpu.memory_space<vmem>> -> memref<128x64xbf16, #tpu.memory_space<vmem>>
        tpu.wait_dma2 semaphore(%arg19 : memref<!tpu.dma_semaphore, #tpu.memory_space<semaphore_mem>>) src(%dma_wait3A_533 : memref<128x64xbf16, #tpu.memory_space<vmem>>) dst(%dma_wait3A_530 : memref<128x64xbf16, #tpu.memory_space<vmem_shared>>)
        %dma_wait3A_534 = arith.constant 384 : i32
        %dma_wait3A_535 = arith.constant 0 : i32
        %dma_wait3A_536 = tpu.memref_slice %arg15[%dma_wait3A_534, %dma_wait3A_535] : memref<512x64xbf16, #tpu.memory_space<vmem>> -> memref<128x64xbf16, #tpu.memory_space<vmem>>
        %dma_wait3A_537 = arith.constant 0 : i32
        %dma_wait3A_538 = arith.constant 0 : i32
        %dma_wait3A_539 = tpu.memref_slice %arg10[%dma_wait3A_537, %dma_wait3A_538] : memref<10240x64xbf16, #tpu.memory_space<vmem_shared>> -> memref<128x64xbf16, #tpu.memory_space<vmem_shared>>
        %dma_wait3A_540 = arith.constant 0 : i32
        %dma_wait3A_541 = arith.constant 0 : i32
        %dma_wait3A_542 = tpu.memref_slice %arg10[%dma_wait3A_540, %dma_wait3A_541] : memref<10240x64xbf16, #tpu.memory_space<vmem_shared>> -> memref<128x64xbf16, #tpu.memory_space<vmem_shared>>
        %dma_wait3A_543 = arith.constant 384 : i32
        %dma_wait3A_544 = arith.constant 0 : i32
        %dma_wait3A_545 = tpu.memref_slice %arg15[%dma_wait3A_543, %dma_wait3A_544] : memref<512x64xbf16, #tpu.memory_space<vmem>> -> memref<128x64xbf16, #tpu.memory_space<vmem>>
        tpu.wait_dma2 semaphore(%arg19 : memref<!tpu.dma_semaphore, #tpu.memory_space<semaphore_mem>>) src(%dma_wait3A_545 : memref<128x64xbf16, #tpu.memory_space<vmem>>) dst(%dma_wait3A_542 : memref<128x64xbf16, #tpu.memory_space<vmem_shared>>)
        %dma_wait3A_546 = arith.constant 0 : i32
        %dma_wait3A_547 = arith.constant 0 : i32
        %dma_wait3A_548 = tpu.memref_slice %arg11[%dma_wait3A_546, %dma_wait3A_547] : memref<10240x16xf32, #tpu.memory_space<vmem_shared>> -> memref<128x16xf32, #tpu.memory_space<vmem_shared>>
        %dma_wait3A_549 = arith.constant 0 : i32
        %dma_wait3A_550 = arith.constant 0 : i32
        %dma_wait3A_551 = tpu.memref_slice %arg11[%dma_wait3A_549, %dma_wait3A_550] : memref<10240x16xf32, #tpu.memory_space<vmem_shared>> -> memref<128x16xf32, #tpu.memory_space<vmem_shared>>
        tpu.wait_dma2 semaphore(%arg20 : memref<!tpu.dma_semaphore, #tpu.memory_space<semaphore_mem>>) src(%arg16 : memref<128x16xf32, #tpu.memory_space<vmem>>) dst(%dma_wait3A_551 : memref<128x16xf32, #tpu.memory_space<vmem_shared>>)
        %dma_wait3A_552 = arith.constant 0 : i32
        %dma_wait3A_553 = arith.constant 0 : i32
        %dma_wait3A_554 = tpu.memref_slice %arg11[%dma_wait3A_552, %dma_wait3A_553] : memref<10240x16xf32, #tpu.memory_space<vmem_shared>> -> memref<128x16xf32, #tpu.memory_space<vmem_shared>>
        %dma_wait3A_555 = arith.constant 0 : i32
        %dma_wait3A_556 = arith.constant 0 : i32
        %dma_wait3A_557 = tpu.memref_slice %arg11[%dma_wait3A_555, %dma_wait3A_556] : memref<10240x16xf32, #tpu.memory_space<vmem_shared>> -> memref<128x16xf32, #tpu.memory_space<vmem_shared>>
        tpu.wait_dma2 semaphore(%arg20 : memref<!tpu.dma_semaphore, #tpu.memory_space<semaphore_mem>>) src(%arg16 : memref<128x16xf32, #tpu.memory_space<vmem>>) dst(%dma_wait3A_557 : memref<128x16xf32, #tpu.memory_space<vmem_shared>>)
        %dma_wait3A_558 = arith.constant 0 : i32
        %dma_wait3A_559 = arith.constant 0 : i32
        %dma_wait3A_560 = tpu.memref_slice %arg11[%dma_wait3A_558, %dma_wait3A_559] : memref<10240x16xf32, #tpu.memory_space<vmem_shared>> -> memref<128x16xf32, #tpu.memory_space<vmem_shared>>
        %dma_wait3A_561 = arith.constant 0 : i32
        %dma_wait3A_562 = arith.constant 0 : i32
        %dma_wait3A_563 = tpu.memref_slice %arg11[%dma_wait3A_561, %dma_wait3A_562] : memref<10240x16xf32, #tpu.memory_space<vmem_shared>> -> memref<128x16xf32, #tpu.memory_space<vmem_shared>>
        tpu.wait_dma2 semaphore(%arg20 : memref<!tpu.dma_semaphore, #tpu.memory_space<semaphore_mem>>) src(%arg16 : memref<128x16xf32, #tpu.memory_space<vmem>>) dst(%dma_wait3A_563 : memref<128x16xf32, #tpu.memory_space<vmem_shared>>)
        %dma_wait3A_564 = arith.constant 0 : i32
        %dma_wait3A_565 = arith.constant 0 : i32
        %dma_wait3A_566 = tpu.memref_slice %arg11[%dma_wait3A_564, %dma_wait3A_565] : memref<10240x16xf32, #tpu.memory_space<vmem_shared>> -> memref<128x16xf32, #tpu.memory_space<vmem_shared>>
        %dma_wait3A_567 = arith.constant 0 : i32
        %dma_wait3A_568 = arith.constant 0 : i32
        %dma_wait3A_569 = tpu.memref_slice %arg11[%dma_wait3A_567, %dma_wait3A_568] : memref<10240x16xf32, #tpu.memory_space<vmem_shared>> -> memref<128x16xf32, #tpu.memory_space<vmem_shared>>
        tpu.wait_dma2 semaphore(%arg20 : memref<!tpu.dma_semaphore, #tpu.memory_space<semaphore_mem>>) src(%arg16 : memref<128x16xf32, #tpu.memory_space<vmem>>) dst(%dma_wait3A_569 : memref<128x16xf32, #tpu.memory_space<vmem_shared>>)
        %dma_wait3A_570 = arith.constant 0 : i32
        %dma_wait3A_571 = arith.constant 0 : i32
        %dma_wait3A_572 = tpu.memref_slice %arg11[%dma_wait3A_570, %dma_wait3A_571] : memref<10240x16xf32, #tpu.memory_space<vmem_shared>> -> memref<128x16xf32, #tpu.memory_space<vmem_shared>>
        %dma_wait3A_573 = arith.constant 0 : i32
        %dma_wait3A_574 = arith.constant 0 : i32
        %dma_wait3A_575 = tpu.memref_slice %arg11[%dma_wait3A_573, %dma_wait3A_574] : memref<10240x16xf32, #tpu.memory_space<vmem_shared>> -> memref<128x16xf32, #tpu.memory_space<vmem_shared>>
        tpu.wait_dma2 semaphore(%arg20 : memref<!tpu.dma_semaphore, #tpu.memory_space<semaphore_mem>>) src(%arg16 : memref<128x16xf32, #tpu.memory_space<vmem>>) dst(%dma_wait3A_575 : memref<128x16xf32, #tpu.memory_space<vmem_shared>>)
        %dma_wait3A_576 = arith.constant 0 : i32
        %dma_wait3A_577 = arith.constant 0 : i32
        %dma_wait3A_578 = tpu.memref_slice %arg11[%dma_wait3A_576, %dma_wait3A_577] : memref<10240x16xf32, #tpu.memory_space<vmem_shared>> -> memref<128x16xf32, #tpu.memory_space<vmem_shared>>
        %dma_wait3A_579 = arith.constant 0 : i32
        %dma_wait3A_580 = arith.constant 0 : i32
        %dma_wait3A_581 = tpu.memref_slice %arg11[%dma_wait3A_579, %dma_wait3A_580] : memref<10240x16xf32, #tpu.memory_space<vmem_shared>> -> memref<128x16xf32, #tpu.memory_space<vmem_shared>>
        tpu.wait_dma2 semaphore(%arg20 : memref<!tpu.dma_semaphore, #tpu.memory_space<semaphore_mem>>) src(%arg16 : memref<128x16xf32, #tpu.memory_space<vmem>>) dst(%dma_wait3A_581 : memref<128x16xf32, #tpu.memory_space<vmem_shared>>)
        %dma_wait3A_582 = arith.constant 0 : i32
        %dma_wait3A_583 = arith.constant 0 : i32
        %dma_wait3A_584 = tpu.memref_slice %arg11[%dma_wait3A_582, %dma_wait3A_583] : memref<10240x16xf32, #tpu.memory_space<vmem_shared>> -> memref<128x16xf32, #tpu.memory_space<vmem_shared>>
        %dma_wait3A_585 = arith.constant 0 : i32
        %dma_wait3A_586 = arith.constant 0 : i32
        %dma_wait3A_587 = tpu.memref_slice %arg11[%dma_wait3A_585, %dma_wait3A_586] : memref<10240x16xf32, #tpu.memory_space<vmem_shared>> -> memref<128x16xf32, #tpu.memory_space<vmem_shared>>
        tpu.wait_dma2 semaphore(%arg20 : memref<!tpu.dma_semaphore, #tpu.memory_space<semaphore_mem>>) src(%arg16 : memref<128x16xf32, #tpu.memory_space<vmem>>) dst(%dma_wait3A_587 : memref<128x16xf32, #tpu.memory_space<vmem_shared>>)
        %dma_wait3A_588 = arith.constant 0 : i32
        %dma_wait3A_589 = arith.constant 0 : i32
        %dma_wait3A_590 = tpu.memref_slice %arg11[%dma_wait3A_588, %dma_wait3A_589] : memref<10240x16xf32, #tpu.memory_space<vmem_shared>> -> memref<128x16xf32, #tpu.memory_space<vmem_shared>>
        %dma_wait3A_591 = arith.constant 0 : i32
        %dma_wait3A_592 = arith.constant 0 : i32
        %dma_wait3A_593 = tpu.memref_slice %arg11[%dma_wait3A_591, %dma_wait3A_592] : memref<10240x16xf32, #tpu.memory_space<vmem_shared>> -> memref<128x16xf32, #tpu.memory_space<vmem_shared>>
        tpu.wait_dma2 semaphore(%arg20 : memref<!tpu.dma_semaphore, #tpu.memory_space<semaphore_mem>>) src(%arg16 : memref<128x16xf32, #tpu.memory_space<vmem>>) dst(%dma_wait3A_593 : memref<128x16xf32, #tpu.memory_space<vmem_shared>>)
      } else {
      }
      %dma_wait3A_236 = arith.constant 0 : i32
      %dma_wait3A_237 = arith.constant 0 : i32
      %dma_wait3A_238 = arith.constant 0 : i32
      %dma_wait3A_239 = tpu.memref_slice %arg14[%dma_wait3A_237, %dma_wait3A_238] : memref<512x64xbf16, #tpu.memory_space<vmem>> -> memref<128x64xbf16, #tpu.memory_space<vmem>>
      %dma_wait3A_240 = arith.constant 0 : i32
      %dma_wait3A_241 = tpu.memref_slice %arg12[%select_n3A_188, %dma_wait3A_236, %dma_wait3A_240] : memref<2x8x128xi32, #tpu.memory_space<vmem>> -> memref<1x1x128xi32, #tpu.memory_space<vmem>>
      %dma_wait3A_242 = tpu.memref_squeeze %dma_wait3A_241 : memref<1x1x128xi32, #tpu.memory_space<vmem>> -> memref<128xi32, #tpu.memory_space<vmem>>
      %dma_wait3A_243 = arith.constant 0 : i32
      %dma_wait3A_244 = arith.constant 0 : i32
      %dma_wait3A_245 = tpu.memref_slice %arg2[%dma_wait3A_243, %dma_wait3A_244] : memref<10240x64xbf16, #tpu.memory_space<hbm>> -> memref<10240x64xbf16, #tpu.memory_space<hbm>>
      tpu.wait_indirect_dma semaphore(%arg17 : memref<!tpu.dma_semaphore, #tpu.memory_space<semaphore_mem>>) src(%dma_wait3A_245 : memref<10240x64xbf16, #tpu.memory_space<hbm>>) dst(%dma_wait3A_239 : memref<128x64xbf16, #tpu.memory_space<vmem>>)
      %dma_wait3A_246 = arith.constant 1 : i32
      %dma_wait3A_247 = arith.constant 128 : i32
      %dma_wait3A_248 = arith.constant 0 : i32
      %dma_wait3A_249 = tpu.memref_slice %arg14[%dma_wait3A_247, %dma_wait3A_248] : memref<512x64xbf16, #tpu.memory_space<vmem>> -> memref<128x64xbf16, #tpu.memory_space<vmem>>
      %dma_wait3A_250 = arith.constant 0 : i32
      %dma_wait3A_251 = tpu.memref_slice %arg12[%select_n3A_188, %dma_wait3A_246, %dma_wait3A_250] : memref<2x8x128xi32, #tpu.memory_space<vmem>> -> memref<1x1x128xi32, #tpu.memory_space<vmem>>
      %dma_wait3A_252 = tpu.memref_squeeze %dma_wait3A_251 : memref<1x1x128xi32, #tpu.memory_space<vmem>> -> memref<128xi32, #tpu.memory_space<vmem>>
      %dma_wait3A_253 = arith.constant 0 : i32
      %dma_wait3A_254 = arith.constant 0 : i32
      %dma_wait3A_255 = tpu.memref_slice %arg2[%dma_wait3A_253, %dma_wait3A_254] : memref<10240x64xbf16, #tpu.memory_space<hbm>> -> memref<10240x64xbf16, #tpu.memory_space<hbm>>
      tpu.wait_indirect_dma semaphore(%arg17 : memref<!tpu.dma_semaphore, #tpu.memory_space<semaphore_mem>>) src(%dma_wait3A_255 : memref<10240x64xbf16, #tpu.memory_space<hbm>>) dst(%dma_wait3A_249 : memref<128x64xbf16, #tpu.memory_space<vmem>>)
      %dma_wait3A_256 = arith.constant 2 : i32
      %dma_wait3A_257 = arith.constant 256 : i32
      %dma_wait3A_258 = arith.constant 0 : i32
      %dma_wait3A_259 = tpu.memref_slice %arg14[%dma_wait3A_257, %dma_wait3A_258] : memref<512x64xbf16, #tpu.memory_space<vmem>> -> memref<128x64xbf16, #tpu.memory_space<vmem>>
      %dma_wait3A_260 = arith.constant 0 : i32
      %dma_wait3A_261 = tpu.memref_slice %arg12[%select_n3A_188, %dma_wait3A_256, %dma_wait3A_260] : memref<2x8x128xi32, #tpu.memory_space<vmem>> -> memref<1x1x128xi32, #tpu.memory_space<vmem>>
      %dma_wait3A_262 = tpu.memref_squeeze %dma_wait3A_261 : memref<1x1x128xi32, #tpu.memory_space<vmem>> -> memref<128xi32, #tpu.memory_space<vmem>>
      %dma_wait3A_263 = arith.constant 0 : i32
      %dma_wait3A_264 = arith.constant 0 : i32
      %dma_wait3A_265 = tpu.memref_slice %arg2[%dma_wait3A_263, %dma_wait3A_264] : memref<10240x64xbf16, #tpu.memory_space<hbm>> -> memref<10240x64xbf16, #tpu.memory_space<hbm>>
      tpu.wait_indirect_dma semaphore(%arg17 : memref<!tpu.dma_semaphore, #tpu.memory_space<semaphore_mem>>) src(%dma_wait3A_265 : memref<10240x64xbf16, #tpu.memory_space<hbm>>) dst(%dma_wait3A_259 : memref<128x64xbf16, #tpu.memory_space<vmem>>)
      %dma_wait3A_266 = arith.constant 3 : i32
      %dma_wait3A_267 = arith.constant 384 : i32
      %dma_wait3A_268 = arith.constant 0 : i32
      %dma_wait3A_269 = tpu.memref_slice %arg14[%dma_wait3A_267, %dma_wait3A_268] : memref<512x64xbf16, #tpu.memory_space<vmem>> -> memref<128x64xbf16, #tpu.memory_space<vmem>>
      %dma_wait3A_270 = arith.constant 0 : i32
      %dma_wait3A_271 = tpu.memref_slice %arg12[%select_n3A_188, %dma_wait3A_266, %dma_wait3A_270] : memref<2x8x128xi32, #tpu.memory_space<vmem>> -> memref<1x1x128xi32, #tpu.memory_space<vmem>>
      %dma_wait3A_272 = tpu.memref_squeeze %dma_wait3A_271 : memref<1x1x128xi32, #tpu.memory_space<vmem>> -> memref<128xi32, #tpu.memory_space<vmem>>
      %dma_wait3A_273 = arith.constant 0 : i32
      %dma_wait3A_274 = arith.constant 0 : i32
      %dma_wait3A_275 = tpu.memref_slice %arg2[%dma_wait3A_273, %dma_wait3A_274] : memref<10240x64xbf16, #tpu.memory_space<hbm>> -> memref<10240x64xbf16, #tpu.memory_space<hbm>>
      tpu.wait_indirect_dma semaphore(%arg17 : memref<!tpu.dma_semaphore, #tpu.memory_space<semaphore_mem>>) src(%dma_wait3A_275 : memref<10240x64xbf16, #tpu.memory_space<hbm>>) dst(%dma_wait3A_269 : memref<128x64xbf16, #tpu.memory_space<vmem>>)
      %dma_start3A_276 = arith.constant 0 : i32
      %dma_start3A_277 = arith.constant 0 : i32
      %dma_start3A_278 = arith.constant 0 : i32
      %dma_start3A_279 = tpu.memref_slice %arg14[%dma_start3A_277, %dma_start3A_278] : memref<512x64xbf16, #tpu.memory_space<vmem>> -> memref<128x64xbf16, #tpu.memory_space<vmem>>
      %dma_start3A_280 = arith.constant 0 : i32
      %dma_start3A_281 = tpu.memref_slice %arg13[%select_n3A_188, %dma_start3A_276, %dma_start3A_280] : memref<2x8x128xi32, #tpu.memory_space<vmem>> -> memref<1x1x128xi32, #tpu.memory_space<vmem>>
      %dma_start3A_282 = tpu.memref_squeeze %dma_start3A_281 : memref<1x1x128xi32, #tpu.memory_space<vmem>> -> memref<128xi32, #tpu.memory_space<vmem>>
      %dma_start3A_283 = arith.constant 0 : i32
      %dma_start3A_284 = arith.constant 0 : i32
      %dma_start3A_285 = tpu.memref_slice %arg10[%dma_start3A_283, %dma_start3A_284] : memref<10240x64xbf16, #tpu.memory_space<vmem_shared>> -> memref<10240x64xbf16, #tpu.memory_space<vmem_shared>>
      tpu.enqueue_indirect_dma source(%dma_start3A_279 : memref<128x64xbf16, #tpu.memory_space<vmem>>) target(%dma_start3A_285 : memref<10240x64xbf16, #tpu.memory_space<vmem_shared>>) offsets(%dma_start3A_282 : memref<128xi32, #tpu.memory_space<vmem>>) semaphore(%arg18 : memref<!tpu.dma_semaphore, #tpu.memory_space<semaphore_mem>>) {add = true}
      %dma_start3A_286 = arith.constant 0 : i32
      %dma_start3A_287 = arith.constant 0 : i32
      %dma_start3A_288 = tpu.memref_slice %arg13[%select_n3A_188, %dma_start3A_286, %dma_start3A_287] : memref<2x8x128xi32, #tpu.memory_space<vmem>> -> memref<1x1x128xi32, #tpu.memory_space<vmem>>
      %dma_start3A_289 = tpu.memref_squeeze %dma_start3A_288 : memref<1x1x128xi32, #tpu.memory_space<vmem>> -> memref<128xi32, #tpu.memory_space<vmem>>
      %dma_start3A_290 = arith.constant 0 : i32
      %dma_start3A_291 = arith.constant 0 : i32
      %dma_start3A_292 = tpu.memref_slice %arg11[%dma_start3A_290, %dma_start3A_291] : memref<10240x16xf32, #tpu.memory_space<vmem_shared>> -> memref<10240x16xf32, #tpu.memory_space<vmem_shared>>
      tpu.enqueue_indirect_dma source(%arg16 : memref<128x16xf32, #tpu.memory_space<vmem>>) target(%dma_start3A_292 : memref<10240x16xf32, #tpu.memory_space<vmem_shared>>) offsets(%dma_start3A_289 : memref<128xi32, #tpu.memory_space<vmem>>) semaphore(%arg20 : memref<!tpu.dma_semaphore, #tpu.memory_space<semaphore_mem>>) {add = true}
      %dma_start3A_293 = arith.constant 1 : i32
      %dma_start3A_294 = arith.constant 128 : i32
      %dma_start3A_295 = arith.constant 0 : i32
      %dma_start3A_296 = tpu.memref_slice %arg14[%dma_start3A_294, %dma_start3A_295] : memref<512x64xbf16, #tpu.memory_space<vmem>> -> memref<128x64xbf16, #tpu.memory_space<vmem>>
      %dma_start3A_297 = arith.constant 0 : i32
      %dma_start3A_298 = tpu.memref_slice %arg13[%select_n3A_188, %dma_start3A_293, %dma_start3A_297] : memref<2x8x128xi32, #tpu.memory_space<vmem>> -> memref<1x1x128xi32, #tpu.memory_space<vmem>>
      %dma_start3A_299 = tpu.memref_squeeze %dma_start3A_298 : memref<1x1x128xi32, #tpu.memory_space<vmem>> -> memref<128xi32, #tpu.memory_space<vmem>>
      %dma_start3A_300 = arith.constant 0 : i32
      %dma_start3A_301 = arith.constant 0 : i32
      %dma_start3A_302 = tpu.memref_slice %arg10[%dma_start3A_300, %dma_start3A_301] : memref<10240x64xbf16, #tpu.memory_space<vmem_shared>> -> memref<10240x64xbf16, #tpu.memory_space<vmem_shared>>
      tpu.enqueue_indirect_dma source(%dma_start3A_296 : memref<128x64xbf16, #tpu.memory_space<vmem>>) target(%dma_start3A_302 : memref<10240x64xbf16, #tpu.memory_space<vmem_shared>>) offsets(%dma_start3A_299 : memref<128xi32, #tpu.memory_space<vmem>>) semaphore(%arg18 : memref<!tpu.dma_semaphore, #tpu.memory_space<semaphore_mem>>) {add = true}
      %dma_start3A_303 = arith.constant 1 : i32
      %dma_start3A_304 = arith.constant 0 : i32
      %dma_start3A_305 = tpu.memref_slice %arg13[%select_n3A_188, %dma_start3A_303, %dma_start3A_304] : memref<2x8x128xi32, #tpu.memory_space<vmem>> -> memref<1x1x128xi32, #tpu.memory_space<vmem>>
      %dma_start3A_306 = tpu.memref_squeeze %dma_start3A_305 : memref<1x1x128xi32, #tpu.memory_space<vmem>> -> memref<128xi32, #tpu.memory_space<vmem>>
      %dma_start3A_307 = arith.constant 0 : i32
      %dma_start3A_308 = arith.constant 0 : i32
      %dma_start3A_309 = tpu.memref_slice %arg11[%dma_start3A_307, %dma_start3A_308] : memref<10240x16xf32, #tpu.memory_space<vmem_shared>> -> memref<10240x16xf32, #tpu.memory_space<vmem_shared>>
      tpu.enqueue_indirect_dma source(%arg16 : memref<128x16xf32, #tpu.memory_space<vmem>>) target(%dma_start3A_309 : memref<10240x16xf32, #tpu.memory_space<vmem_shared>>) offsets(%dma_start3A_306 : memref<128xi32, #tpu.memory_space<vmem>>) semaphore(%arg20 : memref<!tpu.dma_semaphore, #tpu.memory_space<semaphore_mem>>) {add = true}
      %dma_start3A_310 = arith.constant 2 : i32
      %dma_start3A_311 = arith.constant 256 : i32
      %dma_start3A_312 = arith.constant 0 : i32
      %dma_start3A_313 = tpu.memref_slice %arg14[%dma_start3A_311, %dma_start3A_312] : memref<512x64xbf16, #tpu.memory_space<vmem>> -> memref<128x64xbf16, #tpu.memory_space<vmem>>
      %dma_start3A_314 = arith.constant 0 : i32
      %dma_start3A_315 = tpu.memref_slice %arg13[%select_n3A_188, %dma_start3A_310, %dma_start3A_314] : memref<2x8x128xi32, #tpu.memory_space<vmem>> -> memref<1x1x128xi32, #tpu.memory_space<vmem>>
      %dma_start3A_316 = tpu.memref_squeeze %dma_start3A_315 : memref<1x1x128xi32, #tpu.memory_space<vmem>> -> memref<128xi32, #tpu.memory_space<vmem>>
      %dma_start3A_317 = arith.constant 0 : i32
      %dma_start3A_318 = arith.constant 0 : i32
      %dma_start3A_319 = tpu.memref_slice %arg10[%dma_start3A_317, %dma_start3A_318] : memref<10240x64xbf16, #tpu.memory_space<vmem_shared>> -> memref<10240x64xbf16, #tpu.memory_space<vmem_shared>>
      tpu.enqueue_indirect_dma source(%dma_start3A_313 : memref<128x64xbf16, #tpu.memory_space<vmem>>) target(%dma_start3A_319 : memref<10240x64xbf16, #tpu.memory_space<vmem_shared>>) offsets(%dma_start3A_316 : memref<128xi32, #tpu.memory_space<vmem>>) semaphore(%arg18 : memref<!tpu.dma_semaphore, #tpu.memory_space<semaphore_mem>>) {add = true}
      %dma_start3A_320 = arith.constant 2 : i32
      %dma_start3A_321 = arith.constant 0 : i32
      %dma_start3A_322 = tpu.memref_slice %arg13[%select_n3A_188, %dma_start3A_320, %dma_start3A_321] : memref<2x8x128xi32, #tpu.memory_space<vmem>> -> memref<1x1x128xi32, #tpu.memory_space<vmem>>
      %dma_start3A_323 = tpu.memref_squeeze %dma_start3A_322 : memref<1x1x128xi32, #tpu.memory_space<vmem>> -> memref<128xi32, #tpu.memory_space<vmem>>
      %dma_start3A_324 = arith.constant 0 : i32
      %dma_start3A_325 = arith.constant 0 : i32
      %dma_start3A_326 = tpu.memref_slice %arg11[%dma_start3A_324, %dma_start3A_325] : memref<10240x16xf32, #tpu.memory_space<vmem_shared>> -> memref<10240x16xf32, #tpu.memory_space<vmem_shared>>
      tpu.enqueue_indirect_dma source(%arg16 : memref<128x16xf32, #tpu.memory_space<vmem>>) target(%dma_start3A_326 : memref<10240x16xf32, #tpu.memory_space<vmem_shared>>) offsets(%dma_start3A_323 : memref<128xi32, #tpu.memory_space<vmem>>) semaphore(%arg20 : memref<!tpu.dma_semaphore, #tpu.memory_space<semaphore_mem>>) {add = true}
      %dma_start3A_327 = arith.constant 3 : i32
      %dma_start3A_328 = arith.constant 384 : i32
      %dma_start3A_329 = arith.constant 0 : i32
      %dma_start3A_330 = tpu.memref_slice %arg14[%dma_start3A_328, %dma_start3A_329] : memref<512x64xbf16, #tpu.memory_space<vmem>> -> memref<128x64xbf16, #tpu.memory_space<vmem>>
      %dma_start3A_331 = arith.constant 0 : i32
      %dma_start3A_332 = tpu.memref_slice %arg13[%select_n3A_188, %dma_start3A_327, %dma_start3A_331] : memref<2x8x128xi32, #tpu.memory_space<vmem>> -> memref<1x1x128xi32, #tpu.memory_space<vmem>>
      %dma_start3A_333 = tpu.memref_squeeze %dma_start3A_332 : memref<1x1x128xi32, #tpu.memory_space<vmem>> -> memref<128xi32, #tpu.memory_space<vmem>>
      %dma_start3A_334 = arith.constant 0 : i32
      %dma_start3A_335 = arith.constant 0 : i32
      %dma_start3A_336 = tpu.memref_slice %arg10[%dma_start3A_334, %dma_start3A_335] : memref<10240x64xbf16, #tpu.memory_space<vmem_shared>> -> memref<10240x64xbf16, #tpu.memory_space<vmem_shared>>
      tpu.enqueue_indirect_dma source(%dma_start3A_330 : memref<128x64xbf16, #tpu.memory_space<vmem>>) target(%dma_start3A_336 : memref<10240x64xbf16, #tpu.memory_space<vmem_shared>>) offsets(%dma_start3A_333 : memref<128xi32, #tpu.memory_space<vmem>>) semaphore(%arg18 : memref<!tpu.dma_semaphore, #tpu.memory_space<semaphore_mem>>) {add = true}
      %dma_start3A_337 = arith.constant 3 : i32
      %dma_start3A_338 = arith.constant 0 : i32
      %dma_start3A_339 = tpu.memref_slice %arg13[%select_n3A_188, %dma_start3A_337, %dma_start3A_338] : memref<2x8x128xi32, #tpu.memory_space<vmem>> -> memref<1x1x128xi32, #tpu.memory_space<vmem>>
      %dma_start3A_340 = tpu.memref_squeeze %dma_start3A_339 : memref<1x1x128xi32, #tpu.memory_space<vmem>> -> memref<128xi32, #tpu.memory_space<vmem>>
      %dma_start3A_341 = arith.constant 0 : i32
      %dma_start3A_342 = arith.constant 0 : i32
      %dma_start3A_343 = tpu.memref_slice %arg11[%dma_start3A_341, %dma_start3A_342] : memref<10240x16xf32, #tpu.memory_space<vmem_shared>> -> memref<10240x16xf32, #tpu.memory_space<vmem_shared>>
      tpu.enqueue_indirect_dma source(%arg16 : memref<128x16xf32, #tpu.memory_space<vmem>>) target(%dma_start3A_343 : memref<10240x16xf32, #tpu.memory_space<vmem_shared>>) offsets(%dma_start3A_340 : memref<128xi32, #tpu.memory_space<vmem>>) semaphore(%arg20 : memref<!tpu.dma_semaphore, #tpu.memory_space<semaphore_mem>>) {add = true}
      %dma_start3A_344 = arith.constant 4 : i32
      %dma_start3A_345 = arith.constant 0 : i32
      %dma_start3A_346 = arith.constant 0 : i32
      %dma_start3A_347 = tpu.memref_slice %arg15[%dma_start3A_345, %dma_start3A_346] : memref<512x64xbf16, #tpu.memory_space<vmem>> -> memref<128x64xbf16, #tpu.memory_space<vmem>>
      %dma_start3A_348 = arith.constant 0 : i32
      %dma_start3A_349 = tpu.memref_slice %arg12[%select_n3A_188, %dma_start3A_344, %dma_start3A_348] : memref<2x8x128xi32, #tpu.memory_space<vmem>> -> memref<1x1x128xi32, #tpu.memory_space<vmem>>
      %dma_start3A_350 = tpu.memref_squeeze %dma_start3A_349 : memref<1x1x128xi32, #tpu.memory_space<vmem>> -> memref<128xi32, #tpu.memory_space<vmem>>
      %dma_start3A_351 = arith.constant 0 : i32
      %dma_start3A_352 = arith.constant 0 : i32
      %dma_start3A_353 = tpu.memref_slice %arg2[%dma_start3A_351, %dma_start3A_352] : memref<10240x64xbf16, #tpu.memory_space<hbm>> -> memref<10240x64xbf16, #tpu.memory_space<hbm>>
      tpu.enqueue_indirect_dma source(%dma_start3A_353 : memref<10240x64xbf16, #tpu.memory_space<hbm>>) target(%dma_start3A_347 : memref<128x64xbf16, #tpu.memory_space<vmem>>) offsets(%dma_start3A_350 : memref<128xi32, #tpu.memory_space<vmem>>) semaphore(%arg17 : memref<!tpu.dma_semaphore, #tpu.memory_space<semaphore_mem>>)
      %dma_start3A_354 = arith.constant 5 : i32
      %dma_start3A_355 = arith.constant 128 : i32
      %dma_start3A_356 = arith.constant 0 : i32
      %dma_start3A_357 = tpu.memref_slice %arg15[%dma_start3A_355, %dma_start3A_356] : memref<512x64xbf16, #tpu.memory_space<vmem>> -> memref<128x64xbf16, #tpu.memory_space<vmem>>
      %dma_start3A_358 = arith.constant 0 : i32
      %dma_start3A_359 = tpu.memref_slice %arg12[%select_n3A_188, %dma_start3A_354, %dma_start3A_358] : memref<2x8x128xi32, #tpu.memory_space<vmem>> -> memref<1x1x128xi32, #tpu.memory_space<vmem>>
      %dma_start3A_360 = tpu.memref_squeeze %dma_start3A_359 : memref<1x1x128xi32, #tpu.memory_space<vmem>> -> memref<128xi32, #tpu.memory_space<vmem>>
      %dma_start3A_361 = arith.constant 0 : i32
      %dma_start3A_362 = arith.constant 0 : i32
      %dma_start3A_363 = tpu.memref_slice %arg2[%dma_start3A_361, %dma_start3A_362] : memref<10240x64xbf16, #tpu.memory_space<hbm>> -> memref<10240x64xbf16, #tpu.memory_space<hbm>>
      tpu.enqueue_indirect_dma source(%dma_start3A_363 : memref<10240x64xbf16, #tpu.memory_space<hbm>>) target(%dma_start3A_357 : memref<128x64xbf16, #tpu.memory_space<vmem>>) offsets(%dma_start3A_360 : memref<128xi32, #tpu.memory_space<vmem>>) semaphore(%arg17 : memref<!tpu.dma_semaphore, #tpu.memory_space<semaphore_mem>>)
      %dma_start3A_364 = arith.constant 6 : i32
      %dma_start3A_365 = arith.constant 256 : i32
      %dma_start3A_366 = arith.constant 0 : i32
      %dma_start3A_367 = tpu.memref_slice %arg15[%dma_start3A_365, %dma_start3A_366] : memref<512x64xbf16, #tpu.memory_space<vmem>> -> memref<128x64xbf16, #tpu.memory_space<vmem>>
      %dma_start3A_368 = arith.constant 0 : i32
      %dma_start3A_369 = tpu.memref_slice %arg12[%select_n3A_188, %dma_start3A_364, %dma_start3A_368] : memref<2x8x128xi32, #tpu.memory_space<vmem>> -> memref<1x1x128xi32, #tpu.memory_space<vmem>>
      %dma_start3A_370 = tpu.memref_squeeze %dma_start3A_369 : memref<1x1x128xi32, #tpu.memory_space<vmem>> -> memref<128xi32, #tpu.memory_space<vmem>>
      %dma_start3A_371 = arith.constant 0 : i32
      %dma_start3A_372 = arith.constant 0 : i32
      %dma_start3A_373 = tpu.memref_slice %arg2[%dma_start3A_371, %dma_start3A_372] : memref<10240x64xbf16, #tpu.memory_space<hbm>> -> memref<10240x64xbf16, #tpu.memory_space<hbm>>
      tpu.enqueue_indirect_dma source(%dma_start3A_373 : memref<10240x64xbf16, #tpu.memory_space<hbm>>) target(%dma_start3A_367 : memref<128x64xbf16, #tpu.memory_space<vmem>>) offsets(%dma_start3A_370 : memref<128xi32, #tpu.memory_space<vmem>>) semaphore(%arg17 : memref<!tpu.dma_semaphore, #tpu.memory_space<semaphore_mem>>)
      %dma_start3A_374 = arith.constant 7 : i32
      %dma_start3A_375 = arith.constant 384 : i32
      %dma_start3A_376 = arith.constant 0 : i32
      %dma_start3A_377 = tpu.memref_slice %arg15[%dma_start3A_375, %dma_start3A_376] : memref<512x64xbf16, #tpu.memory_space<vmem>> -> memref<128x64xbf16, #tpu.memory_space<vmem>>
      %dma_start3A_378 = arith.constant 0 : i32
      %dma_start3A_379 = tpu.memref_slice %arg12[%select_n3A_188, %dma_start3A_374, %dma_start3A_378] : memref<2x8x128xi32, #tpu.memory_space<vmem>> -> memref<1x1x128xi32, #tpu.memory_space<vmem>>
      %dma_start3A_380 = tpu.memref_squeeze %dma_start3A_379 : memref<1x1x128xi32, #tpu.memory_space<vmem>> -> memref<128xi32, #tpu.memory_space<vmem>>
      %dma_start3A_381 = arith.constant 0 : i32
      %dma_start3A_382 = arith.constant 0 : i32
      %dma_start3A_383 = tpu.memref_slice %arg2[%dma_start3A_381, %dma_start3A_382] : memref<10240x64xbf16, #tpu.memory_space<hbm>> -> memref<10240x64xbf16, #tpu.memory_space<hbm>>
      tpu.enqueue_indirect_dma source(%dma_start3A_383 : memref<10240x64xbf16, #tpu.memory_space<hbm>>) target(%dma_start3A_377 : memref<128x64xbf16, #tpu.memory_space<vmem>>) offsets(%dma_start3A_380 : memref<128xi32, #tpu.memory_space<vmem>>) semaphore(%arg17 : memref<!tpu.dma_semaphore, #tpu.memory_space<semaphore_mem>>)
      %sub3A_384 = arith.constant 1 : i32
      %sub3A_385 = arith.subi %select_n3A_10, %sub3A_384 : i32
      %ne3A_386 = arith.cmpi ne, %add3A_176, %sub3A_385 : i32
      %convert_element_type3A_387 = arith.extui %ne3A_386 : i1 to i32
      %cond3A_388 = arith.constant 0 : i32
      %cond3A_389 = arith.cmpi ne, %convert_element_type3A_387, %cond3A_388 : i32
      scf.if %cond3A_389 {
        %add3A_498 = arith.constant 1 : i32
        %add3A_499 = arith.addi %add3A_176, %add3A_498 : i32
        %sub3A_500 = arith.constant 1 : i32
        %sub3A_501 = arith.subi %sub3A_500, %select_n3A_188 : i32
        %mul3A_502 = arith.constant 8 : i32
        %mul3A_503 = arith.muli %add3A_499, %mul3A_502 : i32
        %add3A_504 = arith.addi %select_n3A, %mul3A_503 : i32
        "tpu.region"() ({
          %run_scoped3A_505 = tpu.sem_alloc : memref<!tpu.dma_semaphore, #tpu.memory_space<semaphore_mem>>
          %dma_start3A_506 = arith.constant 0 : i32
          %dma_start3A_507 = arith.constant 0 : i32
          %dma_start3A_508 = tpu.memref_slice %arg12[%sub3A_501, %dma_start3A_506, %dma_start3A_507] : memref<2x8x128xi32, #tpu.memory_space<vmem>> -> memref<1x8x128xi32, #tpu.memory_space<vmem>>
          %dma_start3A_509 = tpu.memref_squeeze %dma_start3A_508 : memref<1x8x128xi32, #tpu.memory_space<vmem>> -> memref<8x128xi32, #tpu.memory_space<vmem>>
          %dma_start3A_510 = arith.constant 0 : i32
          %dma_start3A_511 = tpu.memref_slice %arg3[%add3A_504, %dma_start3A_510] : memref<2560x128xi32, #tpu.memory_space<hbm>> -> memref<8x128xi32, #tpu.memory_space<hbm>>
          %dma_start3A_512 = arith.constant 0 : i32
          %dma_start3A_513 = arith.constant 0 : i32
          %dma_start3A_514 = tpu.memref_slice %arg12[%sub3A_501, %dma_start3A_512, %dma_start3A_513] : memref<2x8x128xi32, #tpu.memory_space<vmem>> -> memref<1x8x128xi32, #tpu.memory_space<vmem>>
          %dma_start3A_515 = tpu.memref_squeeze %dma_start3A_514 : memref<1x8x128xi32, #tpu.memory_space<vmem>> -> memref<8x128xi32, #tpu.memory_space<vmem>>
          %dma_start3A_516 = arith.constant 0 : i32
          %dma_start3A_517 = tpu.memref_slice %arg3[%add3A_504, %dma_start3A_516] : memref<2560x128xi32, #tpu.memory_space<hbm>> -> memref<8x128xi32, #tpu.memory_space<hbm>>
          tpu.enqueue_dma source(%dma_start3A_517 : memref<8x128xi32, #tpu.memory_space<hbm>>) target(%dma_start3A_515 : memref<8x128xi32, #tpu.memory_space<vmem>>) target_semaphore(%run_scoped3A_505 : memref<!tpu.dma_semaphore, #tpu.memory_space<semaphore_mem>>)
          %dma_wait3A_518 = arith.constant 0 : i32
          %dma_wait3A_519 = arith.constant 0 : i32
          %dma_wait3A_520 = tpu.memref_slice %arg12[%sub3A_501, %dma_wait3A_518, %dma_wait3A_519] : memref<2x8x128xi32, #tpu.memory_space<vmem>> -> memref<1x8x128xi32, #tpu.memory_space<vmem>>
          %dma_wait3A_521 = tpu.memref_squeeze %dma_wait3A_520 : memref<1x8x128xi32, #tpu.memory_space<vmem>> -> memref<8x128xi32, #tpu.memory_space<vmem>>
          %dma_wait3A_522 = arith.constant 0 : i32
          %dma_wait3A_523 = tpu.memref_slice %arg3[%add3A_504, %dma_wait3A_522] : memref<2560x128xi32, #tpu.memory_space<hbm>> -> memref<8x128xi32, #tpu.memory_space<hbm>>
          %dma_wait3A_524 = arith.constant 0 : i32
          %dma_wait3A_525 = arith.constant 0 : i32
          %dma_wait3A_526 = tpu.memref_slice %arg12[%sub3A_501, %dma_wait3A_524, %dma_wait3A_525] : memref<2x8x128xi32, #tpu.memory_space<vmem>> -> memref<1x8x128xi32, #tpu.memory_space<vmem>>
          %dma_wait3A_527 = tpu.memref_squeeze %dma_wait3A_526 : memref<1x8x128xi32, #tpu.memory_space<vmem>> -> memref<8x128xi32, #tpu.memory_space<vmem>>
          %dma_wait3A_528 = arith.constant 0 : i32
          %dma_wait3A_529 = tpu.memref_slice %arg3[%add3A_504, %dma_wait3A_528] : memref<2560x128xi32, #tpu.memory_space<hbm>> -> memref<8x128xi32, #tpu.memory_space<hbm>>
          tpu.wait_dma2 semaphore(%run_scoped3A_505 : memref<!tpu.dma_semaphore, #tpu.memory_space<semaphore_mem>>) src(%dma_wait3A_529 : memref<8x128xi32, #tpu.memory_space<hbm>>) dst(%dma_wait3A_527 : memref<8x128xi32, #tpu.memory_space<vmem>>)
          tpu.yield
        }) : () -> ()
        "tpu.region"() ({
          %run_scoped3A_505 = tpu.sem_alloc : memref<!tpu.dma_semaphore, #tpu.memory_space<semaphore_mem>>
          %dma_start3A_506 = arith.constant 0 : i32
          %dma_start3A_507 = arith.constant 0 : i32
          %dma_start3A_508 = tpu.memref_slice %arg13[%sub3A_501, %dma_start3A_506, %dma_start3A_507] : memref<2x8x128xi32, #tpu.memory_space<vmem>> -> memref<1x8x128xi32, #tpu.memory_space<vmem>>
          %dma_start3A_509 = tpu.memref_squeeze %dma_start3A_508 : memref<1x8x128xi32, #tpu.memory_space<vmem>> -> memref<8x128xi32, #tpu.memory_space<vmem>>
          %dma_start3A_510 = arith.constant 0 : i32
          %dma_start3A_511 = tpu.memref_slice %arg4[%add3A_504, %dma_start3A_510] : memref<2560x128xi32, #tpu.memory_space<hbm>> -> memref<8x128xi32, #tpu.memory_space<hbm>>
          %dma_start3A_512 = arith.constant 0 : i32
          %dma_start3A_513 = arith.constant 0 : i32
          %dma_start3A_514 = tpu.memref_slice %arg13[%sub3A_501, %dma_start3A_512, %dma_start3A_513] : memref<2x8x128xi32, #tpu.memory_space<vmem>> -> memref<1x8x128xi32, #tpu.memory_space<vmem>>
          %dma_start3A_515 = tpu.memref_squeeze %dma_start3A_514 : memref<1x8x128xi32, #tpu.memory_space<vmem>> -> memref<8x128xi32, #tpu.memory_space<vmem>>
          %dma_start3A_516 = arith.constant 0 : i32
          %dma_start3A_517 = tpu.memref_slice %arg4[%add3A_504, %dma_start3A_516] : memref<2560x128xi32, #tpu.memory_space<hbm>> -> memref<8x128xi32, #tpu.memory_space<hbm>>
          tpu.enqueue_dma source(%dma_start3A_517 : memref<8x128xi32, #tpu.memory_space<hbm>>) target(%dma_start3A_515 : memref<8x128xi32, #tpu.memory_space<vmem>>) target_semaphore(%run_scoped3A_505 : memref<!tpu.dma_semaphore, #tpu.memory_space<semaphore_mem>>)
          %dma_wait3A_518 = arith.constant 0 : i32
          %dma_wait3A_519 = arith.constant 0 : i32
          %dma_wait3A_520 = tpu.memref_slice %arg13[%sub3A_501, %dma_wait3A_518, %dma_wait3A_519] : memref<2x8x128xi32, #tpu.memory_space<vmem>> -> memref<1x8x128xi32, #tpu.memory_space<vmem>>
          %dma_wait3A_521 = tpu.memref_squeeze %dma_wait3A_520 : memref<1x8x128xi32, #tpu.memory_space<vmem>> -> memref<8x128xi32, #tpu.memory_space<vmem>>
          %dma_wait3A_522 = arith.constant 0 : i32
          %dma_wait3A_523 = tpu.memref_slice %arg4[%add3A_504, %dma_wait3A_522] : memref<2560x128xi32, #tpu.memory_space<hbm>> -> memref<8x128xi32, #tpu.memory_space<hbm>>
          %dma_wait3A_524 = arith.constant 0 : i32
          %dma_wait3A_525 = arith.constant 0 : i32
          %dma_wait3A_526 = tpu.memref_slice %arg13[%sub3A_501, %dma_wait3A_524, %dma_wait3A_525] : memref<2x8x128xi32, #tpu.memory_space<vmem>> -> memref<1x8x128xi32, #tpu.memory_space<vmem>>
          %dma_wait3A_527 = tpu.memref_squeeze %dma_wait3A_526 : memref<1x8x128xi32, #tpu.memory_space<vmem>> -> memref<8x128xi32, #tpu.memory_space<vmem>>
          %dma_wait3A_528 = arith.constant 0 : i32
          %dma_wait3A_529 = tpu.memref_slice %arg4[%add3A_504, %dma_wait3A_528] : memref<2560x128xi32, #tpu.memory_space<hbm>> -> memref<8x128xi32, #tpu.memory_space<hbm>>
          tpu.wait_dma2 semaphore(%run_scoped3A_505 : memref<!tpu.dma_semaphore, #tpu.memory_space<semaphore_mem>>) src(%dma_wait3A_529 : memref<8x128xi32, #tpu.memory_space<hbm>>) dst(%dma_wait3A_527 : memref<8x128xi32, #tpu.memory_space<vmem>>)
          tpu.yield
        }) : () -> ()
      } else {
      }
      %dma_wait3A_390 = arith.constant 4 : i32
      %dma_wait3A_391 = arith.constant 0 : i32
      %dma_wait3A_392 = arith.constant 0 : i32
      %dma_wait3A_393 = tpu.memref_slice %arg15[%dma_wait3A_391, %dma_wait3A_392] : memref<512x64xbf16, #tpu.memory_space<vmem>> -> memref<128x64xbf16, #tpu.memory_space<vmem>>
      %dma_wait3A_394 = arith.constant 0 : i32
      %dma_wait3A_395 = tpu.memref_slice %arg12[%select_n3A_188, %dma_wait3A_390, %dma_wait3A_394] : memref<2x8x128xi32, #tpu.memory_space<vmem>> -> memref<1x1x128xi32, #tpu.memory_space<vmem>>
      %dma_wait3A_396 = tpu.memref_squeeze %dma_wait3A_395 : memref<1x1x128xi32, #tpu.memory_space<vmem>> -> memref<128xi32, #tpu.memory_space<vmem>>
      %dma_wait3A_397 = arith.constant 0 : i32
      %dma_wait3A_398 = arith.constant 0 : i32
      %dma_wait3A_399 = tpu.memref_slice %arg2[%dma_wait3A_397, %dma_wait3A_398] : memref<10240x64xbf16, #tpu.memory_space<hbm>> -> memref<10240x64xbf16, #tpu.memory_space<hbm>>
      tpu.wait_indirect_dma semaphore(%arg17 : memref<!tpu.dma_semaphore, #tpu.memory_space<semaphore_mem>>) src(%dma_wait3A_399 : memref<10240x64xbf16, #tpu.memory_space<hbm>>) dst(%dma_wait3A_393 : memref<128x64xbf16, #tpu.memory_space<vmem>>)
      %dma_wait3A_400 = arith.constant 5 : i32
      %dma_wait3A_401 = arith.constant 128 : i32
      %dma_wait3A_402 = arith.constant 0 : i32
      %dma_wait3A_403 = tpu.memref_slice %arg15[%dma_wait3A_401, %dma_wait3A_402] : memref<512x64xbf16, #tpu.memory_space<vmem>> -> memref<128x64xbf16, #tpu.memory_space<vmem>>
      %dma_wait3A_404 = arith.constant 0 : i32
      %dma_wait3A_405 = tpu.memref_slice %arg12[%select_n3A_188, %dma_wait3A_400, %dma_wait3A_404] : memref<2x8x128xi32, #tpu.memory_space<vmem>> -> memref<1x1x128xi32, #tpu.memory_space<vmem>>
      %dma_wait3A_406 = tpu.memref_squeeze %dma_wait3A_405 : memref<1x1x128xi32, #tpu.memory_space<vmem>> -> memref<128xi32, #tpu.memory_space<vmem>>
      %dma_wait3A_407 = arith.constant 0 : i32
      %dma_wait3A_408 = arith.constant 0 : i32
      %dma_wait3A_409 = tpu.memref_slice %arg2[%dma_wait3A_407, %dma_wait3A_408] : memref<10240x64xbf16, #tpu.memory_space<hbm>> -> memref<10240x64xbf16, #tpu.memory_space<hbm>>
      tpu.wait_indirect_dma semaphore(%arg17 : memref<!tpu.dma_semaphore, #tpu.memory_space<semaphore_mem>>) src(%dma_wait3A_409 : memref<10240x64xbf16, #tpu.memory_space<hbm>>) dst(%dma_wait3A_403 : memref<128x64xbf16, #tpu.memory_space<vmem>>)
      %dma_wait3A_410 = arith.constant 6 : i32
      %dma_wait3A_411 = arith.constant 256 : i32
      %dma_wait3A_412 = arith.constant 0 : i32
      %dma_wait3A_413 = tpu.memref_slice %arg15[%dma_wait3A_411, %dma_wait3A_412] : memref<512x64xbf16, #tpu.memory_space<vmem>> -> memref<128x64xbf16, #tpu.memory_space<vmem>>
      %dma_wait3A_414 = arith.constant 0 : i32
      %dma_wait3A_415 = tpu.memref_slice %arg12[%select_n3A_188, %dma_wait3A_410, %dma_wait3A_414] : memref<2x8x128xi32, #tpu.memory_space<vmem>> -> memref<1x1x128xi32, #tpu.memory_space<vmem>>
      %dma_wait3A_416 = tpu.memref_squeeze %dma_wait3A_415 : memref<1x1x128xi32, #tpu.memory_space<vmem>> -> memref<128xi32, #tpu.memory_space<vmem>>
      %dma_wait3A_417 = arith.constant 0 : i32
      %dma_wait3A_418 = arith.constant 0 : i32
      %dma_wait3A_419 = tpu.memref_slice %arg2[%dma_wait3A_417, %dma_wait3A_418] : memref<10240x64xbf16, #tpu.memory_space<hbm>> -> memref<10240x64xbf16, #tpu.memory_space<hbm>>
      tpu.wait_indirect_dma semaphore(%arg17 : memref<!tpu.dma_semaphore, #tpu.memory_space<semaphore_mem>>) src(%dma_wait3A_419 : memref<10240x64xbf16, #tpu.memory_space<hbm>>) dst(%dma_wait3A_413 : memref<128x64xbf16, #tpu.memory_space<vmem>>)
      %dma_wait3A_420 = arith.constant 7 : i32
      %dma_wait3A_421 = arith.constant 384 : i32
      %dma_wait3A_422 = arith.constant 0 : i32
      %dma_wait3A_423 = tpu.memref_slice %arg15[%dma_wait3A_421, %dma_wait3A_422] : memref<512x64xbf16, #tpu.memory_space<vmem>> -> memref<128x64xbf16, #tpu.memory_space<vmem>>
      %dma_wait3A_424 = arith.constant 0 : i32
      %dma_wait3A_425 = tpu.memref_slice %arg12[%select_n3A_188, %dma_wait3A_420, %dma_wait3A_424] : memref<2x8x128xi32, #tpu.memory_space<vmem>> -> memref<1x1x128xi32, #tpu.memory_space<vmem>>
      %dma_wait3A_426 = tpu.memref_squeeze %dma_wait3A_425 : memref<1x1x128xi32, #tpu.memory_space<vmem>> -> memref<128xi32, #tpu.memory_space<vmem>>
      %dma_wait3A_427 = arith.constant 0 : i32
      %dma_wait3A_428 = arith.constant 0 : i32
      %dma_wait3A_429 = tpu.memref_slice %arg2[%dma_wait3A_427, %dma_wait3A_428] : memref<10240x64xbf16, #tpu.memory_space<hbm>> -> memref<10240x64xbf16, #tpu.memory_space<hbm>>
      tpu.wait_indirect_dma semaphore(%arg17 : memref<!tpu.dma_semaphore, #tpu.memory_space<semaphore_mem>>) src(%dma_wait3A_429 : memref<10240x64xbf16, #tpu.memory_space<hbm>>) dst(%dma_wait3A_423 : memref<128x64xbf16, #tpu.memory_space<vmem>>)
      %dma_start3A_430 = arith.constant 4 : i32
      %dma_start3A_431 = arith.constant 0 : i32
      %dma_start3A_432 = arith.constant 0 : i32
      %dma_start3A_433 = tpu.memref_slice %arg15[%dma_start3A_431, %dma_start3A_432] : memref<512x64xbf16, #tpu.memory_space<vmem>> -> memref<128x64xbf16, #tpu.memory_space<vmem>>
      %dma_start3A_434 = arith.constant 0 : i32
      %dma_start3A_435 = tpu.memref_slice %arg13[%select_n3A_188, %dma_start3A_430, %dma_start3A_434] : memref<2x8x128xi32, #tpu.memory_space<vmem>> -> memref<1x1x128xi32, #tpu.memory_space<vmem>>
      %dma_start3A_436 = tpu.memref_squeeze %dma_start3A_435 : memref<1x1x128xi32, #tpu.memory_space<vmem>> -> memref<128xi32, #tpu.memory_space<vmem>>
      %dma_start3A_437 = arith.constant 0 : i32
      %dma_start3A_438 = arith.constant 0 : i32
      %dma_start3A_439 = tpu.memref_slice %arg10[%dma_start3A_437, %dma_start3A_438] : memref<10240x64xbf16, #tpu.memory_space<vmem_shared>> -> memref<10240x64xbf16, #tpu.memory_space<vmem_shared>>
      tpu.enqueue_indirect_dma source(%dma_start3A_433 : memref<128x64xbf16, #tpu.memory_space<vmem>>) target(%dma_start3A_439 : memref<10240x64xbf16, #tpu.memory_space<vmem_shared>>) offsets(%dma_start3A_436 : memref<128xi32, #tpu.memory_space<vmem>>) semaphore(%arg19 : memref<!tpu.dma_semaphore, #tpu.memory_space<semaphore_mem>>) {add = true}
      %dma_start3A_440 = arith.constant 4 : i32
      %dma_start3A_441 = arith.constant 0 : i32
      %dma_start3A_442 = tpu.memref_slice %arg13[%select_n3A_188, %dma_start3A_440, %dma_start3A_441] : memref<2x8x128xi32, #tpu.memory_space<vmem>> -> memref<1x1x128xi32, #tpu.memory_space<vmem>>
      %dma_start3A_443 = tpu.memref_squeeze %dma_start3A_442 : memref<1x1x128xi32, #tpu.memory_space<vmem>> -> memref<128xi32, #tpu.memory_space<vmem>>
      %dma_start3A_444 = arith.constant 0 : i32
      %dma_start3A_445 = arith.constant 0 : i32
      %dma_start3A_446 = tpu.memref_slice %arg11[%dma_start3A_444, %dma_start3A_445] : memref<10240x16xf32, #tpu.memory_space<vmem_shared>> -> memref<10240x16xf32, #tpu.memory_space<vmem_shared>>
      tpu.enqueue_indirect_dma source(%arg16 : memref<128x16xf32, #tpu.memory_space<vmem>>) target(%dma_start3A_446 : memref<10240x16xf32, #tpu.memory_space<vmem_shared>>) offsets(%dma_start3A_443 : memref<128xi32, #tpu.memory_space<vmem>>) semaphore(%arg20 : memref<!tpu.dma_semaphore, #tpu.memory_space<semaphore_mem>>) {add = true}
      %dma_start3A_447 = arith.constant 5 : i32
      %dma_start3A_448 = arith.constant 128 : i32
      %dma_start3A_449 = arith.constant 0 : i32
      %dma_start3A_450 = tpu.memref_slice %arg15[%dma_start3A_448, %dma_start3A_449] : memref<512x64xbf16, #tpu.memory_space<vmem>> -> memref<128x64xbf16, #tpu.memory_space<vmem>>
      %dma_start3A_451 = arith.constant 0 : i32
      %dma_start3A_452 = tpu.memref_slice %arg13[%select_n3A_188, %dma_start3A_447, %dma_start3A_451] : memref<2x8x128xi32, #tpu.memory_space<vmem>> -> memref<1x1x128xi32, #tpu.memory_space<vmem>>
      %dma_start3A_453 = tpu.memref_squeeze %dma_start3A_452 : memref<1x1x128xi32, #tpu.memory_space<vmem>> -> memref<128xi32, #tpu.memory_space<vmem>>
      %dma_start3A_454 = arith.constant 0 : i32
      %dma_start3A_455 = arith.constant 0 : i32
      %dma_start3A_456 = tpu.memref_slice %arg10[%dma_start3A_454, %dma_start3A_455] : memref<10240x64xbf16, #tpu.memory_space<vmem_shared>> -> memref<10240x64xbf16, #tpu.memory_space<vmem_shared>>
      tpu.enqueue_indirect_dma source(%dma_start3A_450 : memref<128x64xbf16, #tpu.memory_space<vmem>>) target(%dma_start3A_456 : memref<10240x64xbf16, #tpu.memory_space<vmem_shared>>) offsets(%dma_start3A_453 : memref<128xi32, #tpu.memory_space<vmem>>) semaphore(%arg19 : memref<!tpu.dma_semaphore, #tpu.memory_space<semaphore_mem>>) {add = true}
      %dma_start3A_457 = arith.constant 5 : i32
      %dma_start3A_458 = arith.constant 0 : i32
      %dma_start3A_459 = tpu.memref_slice %arg13[%select_n3A_188, %dma_start3A_457, %dma_start3A_458] : memref<2x8x128xi32, #tpu.memory_space<vmem>> -> memref<1x1x128xi32, #tpu.memory_space<vmem>>
      %dma_start3A_460 = tpu.memref_squeeze %dma_start3A_459 : memref<1x1x128xi32, #tpu.memory_space<vmem>> -> memref<128xi32, #tpu.memory_space<vmem>>
      %dma_start3A_461 = arith.constant 0 : i32
      %dma_start3A_462 = arith.constant 0 : i32
      %dma_start3A_463 = tpu.memref_slice %arg11[%dma_start3A_461, %dma_start3A_462] : memref<10240x16xf32, #tpu.memory_space<vmem_shared>> -> memref<10240x16xf32, #tpu.memory_space<vmem_shared>>
      tpu.enqueue_indirect_dma source(%arg16 : memref<128x16xf32, #tpu.memory_space<vmem>>) target(%dma_start3A_463 : memref<10240x16xf32, #tpu.memory_space<vmem_shared>>) offsets(%dma_start3A_460 : memref<128xi32, #tpu.memory_space<vmem>>) semaphore(%arg20 : memref<!tpu.dma_semaphore, #tpu.memory_space<semaphore_mem>>) {add = true}
      %dma_start3A_464 = arith.constant 6 : i32
      %dma_start3A_465 = arith.constant 256 : i32
      %dma_start3A_466 = arith.constant 0 : i32
      %dma_start3A_467 = tpu.memref_slice %arg15[%dma_start3A_465, %dma_start3A_466] : memref<512x64xbf16, #tpu.memory_space<vmem>> -> memref<128x64xbf16, #tpu.memory_space<vmem>>
      %dma_start3A_468 = arith.constant 0 : i32
      %dma_start3A_469 = tpu.memref_slice %arg13[%select_n3A_188, %dma_start3A_464, %dma_start3A_468] : memref<2x8x128xi32, #tpu.memory_space<vmem>> -> memref<1x1x128xi32, #tpu.memory_space<vmem>>
      %dma_start3A_470 = tpu.memref_squeeze %dma_start3A_469 : memref<1x1x128xi32, #tpu.memory_space<vmem>> -> memref<128xi32, #tpu.memory_space<vmem>>
      %dma_start3A_471 = arith.constant 0 : i32
      %dma_start3A_472 = arith.constant 0 : i32
      %dma_start3A_473 = tpu.memref_slice %arg10[%dma_start3A_471, %dma_start3A_472] : memref<10240x64xbf16, #tpu.memory_space<vmem_shared>> -> memref<10240x64xbf16, #tpu.memory_space<vmem_shared>>
      tpu.enqueue_indirect_dma source(%dma_start3A_467 : memref<128x64xbf16, #tpu.memory_space<vmem>>) target(%dma_start3A_473 : memref<10240x64xbf16, #tpu.memory_space<vmem_shared>>) offsets(%dma_start3A_470 : memref<128xi32, #tpu.memory_space<vmem>>) semaphore(%arg19 : memref<!tpu.dma_semaphore, #tpu.memory_space<semaphore_mem>>) {add = true}
      %dma_start3A_474 = arith.constant 6 : i32
      %dma_start3A_475 = arith.constant 0 : i32
      %dma_start3A_476 = tpu.memref_slice %arg13[%select_n3A_188, %dma_start3A_474, %dma_start3A_475] : memref<2x8x128xi32, #tpu.memory_space<vmem>> -> memref<1x1x128xi32, #tpu.memory_space<vmem>>
      %dma_start3A_477 = tpu.memref_squeeze %dma_start3A_476 : memref<1x1x128xi32, #tpu.memory_space<vmem>> -> memref<128xi32, #tpu.memory_space<vmem>>
      %dma_start3A_478 = arith.constant 0 : i32
      %dma_start3A_479 = arith.constant 0 : i32
      %dma_start3A_480 = tpu.memref_slice %arg11[%dma_start3A_478, %dma_start3A_479] : memref<10240x16xf32, #tpu.memory_space<vmem_shared>> -> memref<10240x16xf32, #tpu.memory_space<vmem_shared>>
      tpu.enqueue_indirect_dma source(%arg16 : memref<128x16xf32, #tpu.memory_space<vmem>>) target(%dma_start3A_480 : memref<10240x16xf32, #tpu.memory_space<vmem_shared>>) offsets(%dma_start3A_477 : memref<128xi32, #tpu.memory_space<vmem>>) semaphore(%arg20 : memref<!tpu.dma_semaphore, #tpu.memory_space<semaphore_mem>>) {add = true}
      %dma_start3A_481 = arith.constant 7 : i32
      %dma_start3A_482 = arith.constant 384 : i32
      %dma_start3A_483 = arith.constant 0 : i32
      %dma_start3A_484 = tpu.memref_slice %arg15[%dma_start3A_482, %dma_start3A_483] : memref<512x64xbf16, #tpu.memory_space<vmem>> -> memref<128x64xbf16, #tpu.memory_space<vmem>>
      %dma_start3A_485 = arith.constant 0 : i32
      %dma_start3A_486 = tpu.memref_slice %arg13[%select_n3A_188, %dma_start3A_481, %dma_start3A_485] : memref<2x8x128xi32, #tpu.memory_space<vmem>> -> memref<1x1x128xi32, #tpu.memory_space<vmem>>
      %dma_start3A_487 = tpu.memref_squeeze %dma_start3A_486 : memref<1x1x128xi32, #tpu.memory_space<vmem>> -> memref<128xi32, #tpu.memory_space<vmem>>
      %dma_start3A_488 = arith.constant 0 : i32
      %dma_start3A_489 = arith.constant 0 : i32
      %dma_start3A_490 = tpu.memref_slice %arg10[%dma_start3A_488, %dma_start3A_489] : memref<10240x64xbf16, #tpu.memory_space<vmem_shared>> -> memref<10240x64xbf16, #tpu.memory_space<vmem_shared>>
      tpu.enqueue_indirect_dma source(%dma_start3A_484 : memref<128x64xbf16, #tpu.memory_space<vmem>>) target(%dma_start3A_490 : memref<10240x64xbf16, #tpu.memory_space<vmem_shared>>) offsets(%dma_start3A_487 : memref<128xi32, #tpu.memory_space<vmem>>) semaphore(%arg19 : memref<!tpu.dma_semaphore, #tpu.memory_space<semaphore_mem>>) {add = true}
      %dma_start3A_491 = arith.constant 7 : i32
      %dma_start3A_492 = arith.constant 0 : i32
      %dma_start3A_493 = tpu.memref_slice %arg13[%select_n3A_188, %dma_start3A_491, %dma_start3A_492] : memref<2x8x128xi32, #tpu.memory_space<vmem>> -> memref<1x1x128xi32, #tpu.memory_space<vmem>>
      %dma_start3A_494 = tpu.memref_squeeze %dma_start3A_493 : memref<1x1x128xi32, #tpu.memory_space<vmem>> -> memref<128xi32, #tpu.memory_space<vmem>>
      %dma_start3A_495 = arith.constant 0 : i32
      %dma_start3A_496 = arith.constant 0 : i32
      %dma_start3A_497 = tpu.memref_slice %arg11[%dma_start3A_495, %dma_start3A_496] : memref<10240x16xf32, #tpu.memory_space<vmem_shared>> -> memref<10240x16xf32, #tpu.memory_space<vmem_shared>>
      tpu.enqueue_indirect_dma source(%arg16 : memref<128x16xf32, #tpu.memory_space<vmem>>) target(%dma_start3A_497 : memref<10240x16xf32, #tpu.memory_space<vmem_shared>>) offsets(%dma_start3A_494 : memref<128xi32, #tpu.memory_space<vmem>>) semaphore(%arg20 : memref<!tpu.dma_semaphore, #tpu.memory_space<semaphore_mem>>) {add = true}
    }
    %dma_wait3A = arith.constant 0 : i32
    %dma_wait3A_30 = arith.constant 0 : i32
    %dma_wait3A_31 = tpu.memref_slice %arg14[%dma_wait3A, %dma_wait3A_30] : memref<512x64xbf16, #tpu.memory_space<vmem>> -> memref<128x64xbf16, #tpu.memory_space<vmem>>
    %dma_wait3A_32 = arith.constant 0 : i32
    %dma_wait3A_33 = arith.constant 0 : i32
    %dma_wait3A_34 = tpu.memref_slice %arg10[%dma_wait3A_32, %dma_wait3A_33] : memref<10240x64xbf16, #tpu.memory_space<vmem_shared>> -> memref<128x64xbf16, #tpu.memory_space<vmem_shared>>
    %dma_wait3A_35 = arith.constant 0 : i32
    %dma_wait3A_36 = arith.constant 0 : i32
    %dma_wait3A_37 = tpu.memref_slice %arg10[%dma_wait3A_35, %dma_wait3A_36] : memref<10240x64xbf16, #tpu.memory_space<vmem_shared>> -> memref<128x64xbf16, #tpu.memory_space<vmem_shared>>
    %dma_wait3A_38 = arith.constant 0 : i32
    %dma_wait3A_39 = arith.constant 0 : i32
    %dma_wait3A_40 = tpu.memref_slice %arg14[%dma_wait3A_38, %dma_wait3A_39] : memref<512x64xbf16, #tpu.memory_space<vmem>> -> memref<128x64xbf16, #tpu.memory_space<vmem>>
    tpu.wait_dma2 semaphore(%arg18 : memref<!tpu.dma_semaphore, #tpu.memory_space<semaphore_mem>>) src(%dma_wait3A_40 : memref<128x64xbf16, #tpu.memory_space<vmem>>) dst(%dma_wait3A_37 : memref<128x64xbf16, #tpu.memory_space<vmem_shared>>)
    %dma_wait3A_41 = arith.constant 128 : i32
    %dma_wait3A_42 = arith.constant 0 : i32
    %dma_wait3A_43 = tpu.memref_slice %arg14[%dma_wait3A_41, %dma_wait3A_42] : memref<512x64xbf16, #tpu.memory_space<vmem>> -> memref<128x64xbf16, #tpu.memory_space<vmem>>
    %dma_wait3A_44 = arith.constant 0 : i32
    %dma_wait3A_45 = arith.constant 0 : i32
    %dma_wait3A_46 = tpu.memref_slice %arg10[%dma_wait3A_44, %dma_wait3A_45] : memref<10240x64xbf16, #tpu.memory_space<vmem_shared>> -> memref<128x64xbf16, #tpu.memory_space<vmem_shared>>
    %dma_wait3A_47 = arith.constant 0 : i32
    %dma_wait3A_48 = arith.constant 0 : i32
    %dma_wait3A_49 = tpu.memref_slice %arg10[%dma_wait3A_47, %dma_wait3A_48] : memref<10240x64xbf16, #tpu.memory_space<vmem_shared>> -> memref<128x64xbf16, #tpu.memory_space<vmem_shared>>
    %dma_wait3A_50 = arith.constant 128 : i32
    %dma_wait3A_51 = arith.constant 0 : i32
    %dma_wait3A_52 = tpu.memref_slice %arg14[%dma_wait3A_50, %dma_wait3A_51] : memref<512x64xbf16, #tpu.memory_space<vmem>> -> memref<128x64xbf16, #tpu.memory_space<vmem>>
    tpu.wait_dma2 semaphore(%arg18 : memref<!tpu.dma_semaphore, #tpu.memory_space<semaphore_mem>>) src(%dma_wait3A_52 : memref<128x64xbf16, #tpu.memory_space<vmem>>) dst(%dma_wait3A_49 : memref<128x64xbf16, #tpu.memory_space<vmem_shared>>)
    %dma_wait3A_53 = arith.constant 256 : i32
    %dma_wait3A_54 = arith.constant 0 : i32
    %dma_wait3A_55 = tpu.memref_slice %arg14[%dma_wait3A_53, %dma_wait3A_54] : memref<512x64xbf16, #tpu.memory_space<vmem>> -> memref<128x64xbf16, #tpu.memory_space<vmem>>
    %dma_wait3A_56 = arith.constant 0 : i32
    %dma_wait3A_57 = arith.constant 0 : i32
    %dma_wait3A_58 = tpu.memref_slice %arg10[%dma_wait3A_56, %dma_wait3A_57] : memref<10240x64xbf16, #tpu.memory_space<vmem_shared>> -> memref<128x64xbf16, #tpu.memory_space<vmem_shared>>
    %dma_wait3A_59 = arith.constant 0 : i32
    %dma_wait3A_60 = arith.constant 0 : i32
    %dma_wait3A_61 = tpu.memref_slice %arg10[%dma_wait3A_59, %dma_wait3A_60] : memref<10240x64xbf16, #tpu.memory_space<vmem_shared>> -> memref<128x64xbf16, #tpu.memory_space<vmem_shared>>
    %dma_wait3A_62 = arith.constant 256 : i32
    %dma_wait3A_63 = arith.constant 0 : i32
    %dma_wait3A_64 = tpu.memref_slice %arg14[%dma_wait3A_62, %dma_wait3A_63] : memref<512x64xbf16, #tpu.memory_space<vmem>> -> memref<128x64xbf16, #tpu.memory_space<vmem>>
    tpu.wait_dma2 semaphore(%arg18 : memref<!tpu.dma_semaphore, #tpu.memory_space<semaphore_mem>>) src(%dma_wait3A_64 : memref<128x64xbf16, #tpu.memory_space<vmem>>) dst(%dma_wait3A_61 : memref<128x64xbf16, #tpu.memory_space<vmem_shared>>)
    %dma_wait3A_65 = arith.constant 384 : i32
    %dma_wait3A_66 = arith.constant 0 : i32
    %dma_wait3A_67 = tpu.memref_slice %arg14[%dma_wait3A_65, %dma_wait3A_66] : memref<512x64xbf16, #tpu.memory_space<vmem>> -> memref<128x64xbf16, #tpu.memory_space<vmem>>
    %dma_wait3A_68 = arith.constant 0 : i32
    %dma_wait3A_69 = arith.constant 0 : i32
    %dma_wait3A_70 = tpu.memref_slice %arg10[%dma_wait3A_68, %dma_wait3A_69] : memref<10240x64xbf16, #tpu.memory_space<vmem_shared>> -> memref<128x64xbf16, #tpu.memory_space<vmem_shared>>
    %dma_wait3A_71 = arith.constant 0 : i32
    %dma_wait3A_72 = arith.constant 0 : i32
    %dma_wait3A_73 = tpu.memref_slice %arg10[%dma_wait3A_71, %dma_wait3A_72] : memref<10240x64xbf16, #tpu.memory_space<vmem_shared>> -> memref<128x64xbf16, #tpu.memory_space<vmem_shared>>
    %dma_wait3A_74 = arith.constant 384 : i32
    %dma_wait3A_75 = arith.constant 0 : i32
    %dma_wait3A_76 = tpu.memref_slice %arg14[%dma_wait3A_74, %dma_wait3A_75] : memref<512x64xbf16, #tpu.memory_space<vmem>> -> memref<128x64xbf16, #tpu.memory_space<vmem>>
    tpu.wait_dma2 semaphore(%arg18 : memref<!tpu.dma_semaphore, #tpu.memory_space<semaphore_mem>>) src(%dma_wait3A_76 : memref<128x64xbf16, #tpu.memory_space<vmem>>) dst(%dma_wait3A_73 : memref<128x64xbf16, #tpu.memory_space<vmem_shared>>)
    %dma_wait3A_77 = arith.constant 0 : i32
    %dma_wait3A_78 = arith.constant 0 : i32
    %dma_wait3A_79 = tpu.memref_slice %arg15[%dma_wait3A_77, %dma_wait3A_78] : memref<512x64xbf16, #tpu.memory_space<vmem>> -> memref<128x64xbf16, #tpu.memory_space<vmem>>
    %dma_wait3A_80 = arith.constant 0 : i32
    %dma_wait3A_81 = arith.constant 0 : i32
    %dma_wait3A_82 = tpu.memref_slice %arg10[%dma_wait3A_80, %dma_wait3A_81] : memref<10240x64xbf16, #tpu.memory_space<vmem_shared>> -> memref<128x64xbf16, #tpu.memory_space<vmem_shared>>
    %dma_wait3A_83 = arith.constant 0 : i32
    %dma_wait3A_84 = arith.constant 0 : i32
    %dma_wait3A_85 = tpu.memref_slice %arg10[%dma_wait3A_83, %dma_wait3A_84] : memref<10240x64xbf16, #tpu.memory_space<vmem_shared>> -> memref<128x64xbf16, #tpu.memory_space<vmem_shared>>
    %dma_wait3A_86 = arith.constant 0 : i32
    %dma_wait3A_87 = arith.constant 0 : i32
    %dma_wait3A_88 = tpu.memref_slice %arg15[%dma_wait3A_86, %dma_wait3A_87] : memref<512x64xbf16, #tpu.memory_space<vmem>> -> memref<128x64xbf16, #tpu.memory_space<vmem>>
    tpu.wait_dma2 semaphore(%arg19 : memref<!tpu.dma_semaphore, #tpu.memory_space<semaphore_mem>>) src(%dma_wait3A_88 : memref<128x64xbf16, #tpu.memory_space<vmem>>) dst(%dma_wait3A_85 : memref<128x64xbf16, #tpu.memory_space<vmem_shared>>)
    %dma_wait3A_89 = arith.constant 128 : i32
    %dma_wait3A_90 = arith.constant 0 : i32
    %dma_wait3A_91 = tpu.memref_slice %arg15[%dma_wait3A_89, %dma_wait3A_90] : memref<512x64xbf16, #tpu.memory_space<vmem>> -> memref<128x64xbf16, #tpu.memory_space<vmem>>
    %dma_wait3A_92 = arith.constant 0 : i32
    %dma_wait3A_93 = arith.constant 0 : i32
    %dma_wait3A_94 = tpu.memref_slice %arg10[%dma_wait3A_92, %dma_wait3A_93] : memref<10240x64xbf16, #tpu.memory_space<vmem_shared>> -> memref<128x64xbf16, #tpu.memory_space<vmem_shared>>
    %dma_wait3A_95 = arith.constant 0 : i32
    %dma_wait3A_96 = arith.constant 0 : i32
    %dma_wait3A_97 = tpu.memref_slice %arg10[%dma_wait3A_95, %dma_wait3A_96] : memref<10240x64xbf16, #tpu.memory_space<vmem_shared>> -> memref<128x64xbf16, #tpu.memory_space<vmem_shared>>
    %dma_wait3A_98 = arith.constant 128 : i32
    %dma_wait3A_99 = arith.constant 0 : i32
    %dma_wait3A_100 = tpu.memref_slice %arg15[%dma_wait3A_98, %dma_wait3A_99] : memref<512x64xbf16, #tpu.memory_space<vmem>> -> memref<128x64xbf16, #tpu.memory_space<vmem>>
    tpu.wait_dma2 semaphore(%arg19 : memref<!tpu.dma_semaphore, #tpu.memory_space<semaphore_mem>>) src(%dma_wait3A_100 : memref<128x64xbf16, #tpu.memory_space<vmem>>) dst(%dma_wait3A_97 : memref<128x64xbf16, #tpu.memory_space<vmem_shared>>)
    %dma_wait3A_101 = arith.constant 256 : i32
    %dma_wait3A_102 = arith.constant 0 : i32
    %dma_wait3A_103 = tpu.memref_slice %arg15[%dma_wait3A_101, %dma_wait3A_102] : memref<512x64xbf16, #tpu.memory_space<vmem>> -> memref<128x64xbf16, #tpu.memory_space<vmem>>
    %dma_wait3A_104 = arith.constant 0 : i32
    %dma_wait3A_105 = arith.constant 0 : i32
    %dma_wait3A_106 = tpu.memref_slice %arg10[%dma_wait3A_104, %dma_wait3A_105] : memref<10240x64xbf16, #tpu.memory_space<vmem_shared>> -> memref<128x64xbf16, #tpu.memory_space<vmem_shared>>
    %dma_wait3A_107 = arith.constant 0 : i32
    %dma_wait3A_108 = arith.constant 0 : i32
    %dma_wait3A_109 = tpu.memref_slice %arg10[%dma_wait3A_107, %dma_wait3A_108] : memref<10240x64xbf16, #tpu.memory_space<vmem_shared>> -> memref<128x64xbf16, #tpu.memory_space<vmem_shared>>
    %dma_wait3A_110 = arith.constant 256 : i32
    %dma_wait3A_111 = arith.constant 0 : i32
    %dma_wait3A_112 = tpu.memref_slice %arg15[%dma_wait3A_110, %dma_wait3A_111] : memref<512x64xbf16, #tpu.memory_space<vmem>> -> memref<128x64xbf16, #tpu.memory_space<vmem>>
    tpu.wait_dma2 semaphore(%arg19 : memref<!tpu.dma_semaphore, #tpu.memory_space<semaphore_mem>>) src(%dma_wait3A_112 : memref<128x64xbf16, #tpu.memory_space<vmem>>) dst(%dma_wait3A_109 : memref<128x64xbf16, #tpu.memory_space<vmem_shared>>)
    %dma_wait3A_113 = arith.constant 384 : i32
    %dma_wait3A_114 = arith.constant 0 : i32
    %dma_wait3A_115 = tpu.memref_slice %arg15[%dma_wait3A_113, %dma_wait3A_114] : memref<512x64xbf16, #tpu.memory_space<vmem>> -> memref<128x64xbf16, #tpu.memory_space<vmem>>
    %dma_wait3A_116 = arith.constant 0 : i32
    %dma_wait3A_117 = arith.constant 0 : i32
    %dma_wait3A_118 = tpu.memref_slice %arg10[%dma_wait3A_116, %dma_wait3A_117] : memref<10240x64xbf16, #tpu.memory_space<vmem_shared>> -> memref<128x64xbf16, #tpu.memory_space<vmem_shared>>
    %dma_wait3A_119 = arith.constant 0 : i32
    %dma_wait3A_120 = arith.constant 0 : i32
    %dma_wait3A_121 = tpu.memref_slice %arg10[%dma_wait3A_119, %dma_wait3A_120] : memref<10240x64xbf16, #tpu.memory_space<vmem_shared>> -> memref<128x64xbf16, #tpu.memory_space<vmem_shared>>
    %dma_wait3A_122 = arith.constant 384 : i32
    %dma_wait3A_123 = arith.constant 0 : i32
    %dma_wait3A_124 = tpu.memref_slice %arg15[%dma_wait3A_122, %dma_wait3A_123] : memref<512x64xbf16, #tpu.memory_space<vmem>> -> memref<128x64xbf16, #tpu.memory_space<vmem>>
    tpu.wait_dma2 semaphore(%arg19 : memref<!tpu.dma_semaphore, #tpu.memory_space<semaphore_mem>>) src(%dma_wait3A_124 : memref<128x64xbf16, #tpu.memory_space<vmem>>) dst(%dma_wait3A_121 : memref<128x64xbf16, #tpu.memory_space<vmem_shared>>)
    %dma_wait3A_125 = arith.constant 0 : i32
    %dma_wait3A_126 = arith.constant 0 : i32
    %dma_wait3A_127 = tpu.memref_slice %arg11[%dma_wait3A_125, %dma_wait3A_126] : memref<10240x16xf32, #tpu.memory_space<vmem_shared>> -> memref<128x16xf32, #tpu.memory_space<vmem_shared>>
    %dma_wait3A_128 = arith.constant 0 : i32
    %dma_wait3A_129 = arith.constant 0 : i32
    %dma_wait3A_130 = tpu.memref_slice %arg11[%dma_wait3A_128, %dma_wait3A_129] : memref<10240x16xf32, #tpu.memory_space<vmem_shared>> -> memref<128x16xf32, #tpu.memory_space<vmem_shared>>
    tpu.wait_dma2 semaphore(%arg20 : memref<!tpu.dma_semaphore, #tpu.memory_space<semaphore_mem>>) src(%arg16 : memref<128x16xf32, #tpu.memory_space<vmem>>) dst(%dma_wait3A_130 : memref<128x16xf32, #tpu.memory_space<vmem_shared>>)
    %dma_wait3A_131 = arith.constant 0 : i32
    %dma_wait3A_132 = arith.constant 0 : i32
    %dma_wait3A_133 = tpu.memref_slice %arg11[%dma_wait3A_131, %dma_wait3A_132] : memref<10240x16xf32, #tpu.memory_space<vmem_shared>> -> memref<128x16xf32, #tpu.memory_space<vmem_shared>>
    %dma_wait3A_134 = arith.constant 0 : i32
    %dma_wait3A_135 = arith.constant 0 : i32
    %dma_wait3A_136 = tpu.memref_slice %arg11[%dma_wait3A_134, %dma_wait3A_135] : memref<10240x16xf32, #tpu.memory_space<vmem_shared>> -> memref<128x16xf32, #tpu.memory_space<vmem_shared>>
    tpu.wait_dma2 semaphore(%arg20 : memref<!tpu.dma_semaphore, #tpu.memory_space<semaphore_mem>>) src(%arg16 : memref<128x16xf32, #tpu.memory_space<vmem>>) dst(%dma_wait3A_136 : memref<128x16xf32, #tpu.memory_space<vmem_shared>>)
    %dma_wait3A_137 = arith.constant 0 : i32
    %dma_wait3A_138 = arith.constant 0 : i32
    %dma_wait3A_139 = tpu.memref_slice %arg11[%dma_wait3A_137, %dma_wait3A_138] : memref<10240x16xf32, #tpu.memory_space<vmem_shared>> -> memref<128x16xf32, #tpu.memory_space<vmem_shared>>
    %dma_wait3A_140 = arith.constant 0 : i32
    %dma_wait3A_141 = arith.constant 0 : i32
    %dma_wait3A_142 = tpu.memref_slice %arg11[%dma_wait3A_140, %dma_wait3A_141] : memref<10240x16xf32, #tpu.memory_space<vmem_shared>> -> memref<128x16xf32, #tpu.memory_space<vmem_shared>>
    tpu.wait_dma2 semaphore(%arg20 : memref<!tpu.dma_semaphore, #tpu.memory_space<semaphore_mem>>) src(%arg16 : memref<128x16xf32, #tpu.memory_space<vmem>>) dst(%dma_wait3A_142 : memref<128x16xf32, #tpu.memory_space<vmem_shared>>)
    %dma_wait3A_143 = arith.constant 0 : i32
    %dma_wait3A_144 = arith.constant 0 : i32
    %dma_wait3A_145 = tpu.memref_slice %arg11[%dma_wait3A_143, %dma_wait3A_144] : memref<10240x16xf32, #tpu.memory_space<vmem_shared>> -> memref<128x16xf32, #tpu.memory_space<vmem_shared>>
    %dma_wait3A_146 = arith.constant 0 : i32
    %dma_wait3A_147 = arith.constant 0 : i32
    %dma_wait3A_148 = tpu.memref_slice %arg11[%dma_wait3A_146, %dma_wait3A_147] : memref<10240x16xf32, #tpu.memory_space<vmem_shared>> -> memref<128x16xf32, #tpu.memory_space<vmem_shared>>
    tpu.wait_dma2 semaphore(%arg20 : memref<!tpu.dma_semaphore, #tpu.memory_space<semaphore_mem>>) src(%arg16 : memref<128x16xf32, #tpu.memory_space<vmem>>) dst(%dma_wait3A_148 : memref<128x16xf32, #tpu.memory_space<vmem_shared>>)
    %dma_wait3A_149 = arith.constant 0 : i32
    %dma_wait3A_150 = arith.constant 0 : i32
    %dma_wait3A_151 = tpu.memref_slice %arg11[%dma_wait3A_149, %dma_wait3A_150] : memref<10240x16xf32, #tpu.memory_space<vmem_shared>> -> memref<128x16xf32, #tpu.memory_space<vmem_shared>>
    %dma_wait3A_152 = arith.constant 0 : i32
    %dma_wait3A_153 = arith.constant 0 : i32
    %dma_wait3A_154 = tpu.memref_slice %arg11[%dma_wait3A_152, %dma_wait3A_153] : memref<10240x16xf32, #tpu.memory_space<vmem_shared>> -> memref<128x16xf32, #tpu.memory_space<vmem_shared>>
    tpu.wait_dma2 semaphore(%arg20 : memref<!tpu.dma_semaphore, #tpu.memory_space<semaphore_mem>>) src(%arg16 : memref<128x16xf32, #tpu.memory_space<vmem>>) dst(%dma_wait3A_154 : memref<128x16xf32, #tpu.memory_space<vmem_shared>>)
    %dma_wait3A_155 = arith.constant 0 : i32
    %dma_wait3A_156 = arith.constant 0 : i32
    %dma_wait3A_157 = tpu.memref_slice %arg11[%dma_wait3A_155, %dma_wait3A_156] : memref<10240x16xf32, #tpu.memory_space<vmem_shared>> -> memref<128x16xf32, #tpu.memory_space<vmem_shared>>
    %dma_wait3A_158 = arith.constant 0 : i32
    %dma_wait3A_159 = arith.constant 0 : i32
    %dma_wait3A_160 = tpu.memref_slice %arg11[%dma_wait3A_158, %dma_wait3A_159] : memref<10240x16xf32, #tpu.memory_space<vmem_shared>> -> memref<128x16xf32, #tpu.memory_space<vmem_shared>>
    tpu.wait_dma2 semaphore(%arg20 : memref<!tpu.dma_semaphore, #tpu.memory_space<semaphore_mem>>) src(%arg16 : memref<128x16xf32, #tpu.memory_space<vmem>>) dst(%dma_wait3A_160 : memref<128x16xf32, #tpu.memory_space<vmem_shared>>)
    %dma_wait3A_161 = arith.constant 0 : i32
    %dma_wait3A_162 = arith.constant 0 : i32
    %dma_wait3A_163 = tpu.memref_slice %arg11[%dma_wait3A_161, %dma_wait3A_162] : memref<10240x16xf32, #tpu.memory_space<vmem_shared>> -> memref<128x16xf32, #tpu.memory_space<vmem_shared>>
    %dma_wait3A_164 = arith.constant 0 : i32
    %dma_wait3A_165 = arith.constant 0 : i32
    %dma_wait3A_166 = tpu.memref_slice %arg11[%dma_wait3A_164, %dma_wait3A_165] : memref<10240x16xf32, #tpu.memory_space<vmem_shared>> -> memref<128x16xf32, #tpu.memory_space<vmem_shared>>
    tpu.wait_dma2 semaphore(%arg20 : memref<!tpu.dma_semaphore, #tpu.memory_space<semaphore_mem>>) src(%arg16 : memref<128x16xf32, #tpu.memory_space<vmem>>) dst(%dma_wait3A_166 : memref<128x16xf32, #tpu.memory_space<vmem_shared>>)
    %dma_wait3A_167 = arith.constant 0 : i32
    %dma_wait3A_168 = arith.constant 0 : i32
    %dma_wait3A_169 = tpu.memref_slice %arg11[%dma_wait3A_167, %dma_wait3A_168] : memref<10240x16xf32, #tpu.memory_space<vmem_shared>> -> memref<128x16xf32, #tpu.memory_space<vmem_shared>>
    %dma_wait3A_170 = arith.constant 0 : i32
    %dma_wait3A_171 = arith.constant 0 : i32
    %dma_wait3A_172 = tpu.memref_slice %arg11[%dma_wait3A_170, %dma_wait3A_171] : memref<10240x16xf32, #tpu.memory_space<vmem_shared>> -> memref<128x16xf32, #tpu.memory_space<vmem_shared>>
    tpu.wait_dma2 semaphore(%arg20 : memref<!tpu.dma_semaphore, #tpu.memory_space<semaphore_mem>>) src(%arg16 : memref<128x16xf32, #tpu.memory_space<vmem>>) dst(%dma_wait3A_172 : memref<128x16xf32, #tpu.memory_space<vmem_shared>>)
    %barrier3A_173 = arith.constant 0 : index
    tpu.barrier barrier_id(%barrier3A_173)
    "tpu.region"() ({
      %run_scoped3A_174 = tpu.sem_alloc : memref<!tpu.dma_semaphore, #tpu.memory_space<semaphore_mem>>
      %dma_start3A = arith.constant 0 : i32
      %dma_start3A_175 = tpu.memref_slice %arg8[%arg0, %mul3A_0, %dma_start3A] : memref<2x10240x64xbf16, #tpu.memory_space<hbm>> -> memref<1x640x64xbf16, #tpu.memory_space<hbm>>
      %dma_start3A_176 = tpu.memref_squeeze %dma_start3A_175 : memref<1x640x64xbf16, #tpu.memory_space<hbm>> -> memref<640x64xbf16, #tpu.memory_space<hbm>>
      %dma_start3A_177 = arith.constant 0 : i32
      %dma_start3A_178 = tpu.memref_slice %arg10[%mul3A_0, %dma_start3A_177] : memref<10240x64xbf16, #tpu.memory_space<vmem_shared>> -> memref<640x64xbf16, #tpu.memory_space<vmem_shared>>
      tpu.enqueue_dma source(%dma_start3A_178 : memref<640x64xbf16, #tpu.memory_space<vmem_shared>>) target(%dma_start3A_176 : memref<640x64xbf16, #tpu.memory_space<hbm>>) target_semaphore(%run_scoped3A_174 : memref<!tpu.dma_semaphore, #tpu.memory_space<semaphore_mem>>)
      %dma_wait3A_179 = arith.constant 0 : i32
      %dma_wait3A_180 = tpu.memref_slice %arg8[%arg0, %mul3A_0, %dma_wait3A_179] : memref<2x10240x64xbf16, #tpu.memory_space<hbm>> -> memref<1x640x64xbf16, #tpu.memory_space<hbm>>
      %dma_wait3A_181 = tpu.memref_squeeze %dma_wait3A_180 : memref<1x640x64xbf16, #tpu.memory_space<hbm>> -> memref<640x64xbf16, #tpu.memory_space<hbm>>
      %dma_wait3A_182 = arith.constant 0 : i32
      %dma_wait3A_183 = tpu.memref_slice %arg10[%mul3A_0, %dma_wait3A_182] : memref<10240x64xbf16, #tpu.memory_space<vmem_shared>> -> memref<640x64xbf16, #tpu.memory_space<vmem_shared>>
      tpu.wait_dma2 semaphore(%run_scoped3A_174 : memref<!tpu.dma_semaphore, #tpu.memory_space<semaphore_mem>>) src(%dma_wait3A_183 : memref<640x64xbf16, #tpu.memory_space<vmem_shared>>) dst(%dma_wait3A_181 : memref<640x64xbf16, #tpu.memory_space<hbm>>)
      tpu.yield
    }) : () -> ()
    "tpu.region"() ({
      %run_scoped3A_174 = tpu.sem_alloc : memref<!tpu.dma_semaphore, #tpu.memory_space<semaphore_mem>>
      %dma_start3A = arith.constant 0 : i32
      %dma_start3A_175 = tpu.memref_slice %arg9[%arg0, %mul3A_0, %dma_start3A] : memref<2x10240x16xf32, #tpu.memory_space<hbm>> -> memref<1x640x16xf32, #tpu.memory_space<hbm>>
      %dma_start3A_176 = tpu.memref_squeeze %dma_start3A_175 : memref<1x640x16xf32, #tpu.memory_space<hbm>> -> memref<640x16xf32, #tpu.memory_space<hbm>>
      %dma_start3A_177 = arith.constant 0 : i32
      %dma_start3A_178 = tpu.memref_slice %arg11[%mul3A_0, %dma_start3A_177] : memref<10240x16xf32, #tpu.memory_space<vmem_shared>> -> memref<640x16xf32, #tpu.memory_space<vmem_shared>>
      tpu.enqueue_dma source(%dma_start3A_178 : memref<640x16xf32, #tpu.memory_space<vmem_shared>>) target(%dma_start3A_176 : memref<640x16xf32, #tpu.memory_space<hbm>>) target_semaphore(%run_scoped3A_174 : memref<!tpu.dma_semaphore, #tpu.memory_space<semaphore_mem>>)
      %dma_wait3A_179 = arith.constant 0 : i32
      %dma_wait3A_180 = tpu.memref_slice %arg9[%arg0, %mul3A_0, %dma_wait3A_179] : memref<2x10240x16xf32, #tpu.memory_space<hbm>> -> memref<1x640x16xf32, #tpu.memory_space<hbm>>
      %dma_wait3A_181 = tpu.memref_squeeze %dma_wait3A_180 : memref<1x640x16xf32, #tpu.memory_space<hbm>> -> memref<640x16xf32, #tpu.memory_space<hbm>>
      %dma_wait3A_182 = arith.constant 0 : i32
      %dma_wait3A_183 = tpu.memref_slice %arg11[%mul3A_0, %dma_wait3A_182] : memref<10240x16xf32, #tpu.memory_space<vmem_shared>> -> memref<640x16xf32, #tpu.memory_space<vmem_shared>>
      tpu.wait_dma2 semaphore(%run_scoped3A_174 : memref<!tpu.dma_semaphore, #tpu.memory_space<semaphore_mem>>) src(%dma_wait3A_183 : memref<640x16xf32, #tpu.memory_space<vmem_shared>>) dst(%dma_wait3A_181 : memref<640x16xf32, #tpu.memory_space<hbm>>)
      tpu.yield
    }) : () -> ()
    return
  }
}

#map = affine_map<(d0, d1) -> (0, 0)>
#map1 = affine_map<(d0, d1) -> (0, 0, 0)>
module attributes {stable_mosaic.version = 14 : i64} {
  func.func @sage_edge_pass(%arg0: i32, %arg1: i32, %arg2: memref<10240x64xbf16, #tpu.memory_space<hbm>>, %arg3: memref<2560x128xi32, #tpu.memory_space<hbm>>, %arg4: memref<2560x128xi32, #tpu.memory_space<hbm>>, %arg5: memref<640x64xbf16, #tpu.memory_space<hbm>>, %arg6: memref<2x10240x64xbf16, #tpu.memory_space<hbm>>, %arg7: memref<10240x64xbf16, #tpu.memory_space<vmem_shared>>, %arg8: memref<2x8x128xi32, #tpu.memory_space<vmem>>, %arg9: memref<2x8x128xi32, #tpu.memory_space<vmem>>, %arg10: memref<512x64xbf16, #tpu.memory_space<vmem>>, %arg11: memref<512x64xbf16, #tpu.memory_space<vmem>>, %arg12: memref<!tpu.dma_semaphore, #tpu.memory_space<semaphore_mem>>, %arg13: memref<!tpu.dma_semaphore, #tpu.memory_space<semaphore_mem>>, %arg14: memref<!tpu.dma_semaphore, #tpu.memory_space<semaphore_mem>>, %arg15: memref<!tpu.dma_semaphore, #tpu.memory_space<semaphore_mem>>) attributes {dimension_semantics = [#tpu.dimension_semantics<core_parallel>, #tpu.dimension_semantics<subcore_parallel>], iteration_bounds = array<i64: 2, 16>, scalar_prefetch = 0 : i64, scratch_operands = 9 : i64, tpu.core_type = #tpu.core_type<sc_vector_subcore>, window_params = [{transform_indices = #map}, {transform_indices = #map}, {transform_indices = #map}, {transform_indices = #map}, {transform_indices = #map1}]} {
    %mul3A = arith.constant 640 : i32
    %mul3A_0 = arith.muli %arg1, %mul3A : i32
    "tpu.region"() ({
      %run_scoped3A_126 = tpu.sem_alloc : memref<!tpu.dma_semaphore, #tpu.memory_space<semaphore_mem>>
      %dma_start3A = arith.constant 0 : i32
      %dma_start3A_127 = tpu.memref_slice %arg7[%mul3A_0, %dma_start3A] : memref<10240x64xbf16, #tpu.memory_space<vmem_shared>> -> memref<640x64xbf16, #tpu.memory_space<vmem_shared>>
      tpu.enqueue_dma source(%arg5 : memref<640x64xbf16, #tpu.memory_space<hbm>>) target(%dma_start3A_127 : memref<640x64xbf16, #tpu.memory_space<vmem_shared>>) target_semaphore(%run_scoped3A_126 : memref<!tpu.dma_semaphore, #tpu.memory_space<semaphore_mem>>)
      %dma_wait3A_128 = arith.constant 0 : i32
      %dma_wait3A_129 = tpu.memref_slice %arg7[%mul3A_0, %dma_wait3A_128] : memref<10240x64xbf16, #tpu.memory_space<vmem_shared>> -> memref<640x64xbf16, #tpu.memory_space<vmem_shared>>
      tpu.wait_dma2 semaphore(%run_scoped3A_126 : memref<!tpu.dma_semaphore, #tpu.memory_space<semaphore_mem>>) src(%arg5 : memref<640x64xbf16, #tpu.memory_space<hbm>>) dst(%dma_wait3A_129 : memref<640x64xbf16, #tpu.memory_space<vmem_shared>>)
      tpu.yield
    }) : () -> ()
    %barrier3A = arith.constant 0 : index
    tpu.barrier barrier_id(%barrier3A)
    %eq3A = arith.constant 0 : i32
    %eq3A_1 = arith.cmpi eq, %arg0, %eq3A : i32
    %mul3A_2 = arith.constant 152 : i32
    %mul3A_3 = arith.muli %arg1, %mul3A_2 : i32
    %mul3A_4 = arith.constant 8 : i32
    %mul3A_5 = arith.muli %arg1, %mul3A_4 : i32
    %add3A = arith.constant 2432 : i32
    %add3A_6 = arith.addi %add3A, %mul3A_5 : i32
    %select_n3A = arith.select %eq3A_1, %mul3A_3, %add3A_6 : i32
    %eq3A_7 = arith.constant 0 : i32
    %eq3A_8 = arith.cmpi eq, %arg0, %eq3A_7 : i32
    %jit3A = arith.constant 19 : i32
    %jit3A_9 = arith.constant 1 : i32
    %select_n3A_10 = arith.select %eq3A_8, %jit3A, %jit3A_9 : i32
    %add3A_11 = arith.constant 0 : i32
    %add3A_12 = arith.addi %select_n3A, %add3A_11 : i32
    %run_scoped3A = arith.constant 0 : i32
    "tpu.region"() ({
      %run_scoped3A_126 = tpu.sem_alloc : memref<!tpu.dma_semaphore, #tpu.memory_space<semaphore_mem>>
      %dma_start3A = arith.constant 0 : i32
      %dma_start3A_127 = arith.constant 0 : i32
      %dma_start3A_128 = tpu.memref_slice %arg8[%run_scoped3A, %dma_start3A, %dma_start3A_127] : memref<2x8x128xi32, #tpu.memory_space<vmem>> -> memref<1x8x128xi32, #tpu.memory_space<vmem>>
      %dma_start3A_129 = tpu.memref_squeeze %dma_start3A_128 : memref<1x8x128xi32, #tpu.memory_space<vmem>> -> memref<8x128xi32, #tpu.memory_space<vmem>>
      %dma_start3A_130 = arith.constant 0 : i32
      %dma_start3A_131 = tpu.memref_slice %arg3[%add3A_12, %dma_start3A_130] : memref<2560x128xi32, #tpu.memory_space<hbm>> -> memref<8x128xi32, #tpu.memory_space<hbm>>
      %dma_start3A_132 = arith.constant 0 : i32
      %dma_start3A_133 = arith.constant 0 : i32
      %dma_start3A_134 = tpu.memref_slice %arg8[%run_scoped3A, %dma_start3A_132, %dma_start3A_133] : memref<2x8x128xi32, #tpu.memory_space<vmem>> -> memref<1x8x128xi32, #tpu.memory_space<vmem>>
      %dma_start3A_135 = tpu.memref_squeeze %dma_start3A_134 : memref<1x8x128xi32, #tpu.memory_space<vmem>> -> memref<8x128xi32, #tpu.memory_space<vmem>>
      %dma_start3A_136 = arith.constant 0 : i32
      %dma_start3A_137 = tpu.memref_slice %arg3[%add3A_12, %dma_start3A_136] : memref<2560x128xi32, #tpu.memory_space<hbm>> -> memref<8x128xi32, #tpu.memory_space<hbm>>
      tpu.enqueue_dma source(%dma_start3A_137 : memref<8x128xi32, #tpu.memory_space<hbm>>) target(%dma_start3A_135 : memref<8x128xi32, #tpu.memory_space<vmem>>) target_semaphore(%run_scoped3A_126 : memref<!tpu.dma_semaphore, #tpu.memory_space<semaphore_mem>>)
      %dma_wait3A_138 = arith.constant 0 : i32
      %dma_wait3A_139 = arith.constant 0 : i32
      %dma_wait3A_140 = tpu.memref_slice %arg8[%run_scoped3A, %dma_wait3A_138, %dma_wait3A_139] : memref<2x8x128xi32, #tpu.memory_space<vmem>> -> memref<1x8x128xi32, #tpu.memory_space<vmem>>
      %dma_wait3A_141 = tpu.memref_squeeze %dma_wait3A_140 : memref<1x8x128xi32, #tpu.memory_space<vmem>> -> memref<8x128xi32, #tpu.memory_space<vmem>>
      %dma_wait3A_142 = arith.constant 0 : i32
      %dma_wait3A_143 = tpu.memref_slice %arg3[%add3A_12, %dma_wait3A_142] : memref<2560x128xi32, #tpu.memory_space<hbm>> -> memref<8x128xi32, #tpu.memory_space<hbm>>
      %dma_wait3A_144 = arith.constant 0 : i32
      %dma_wait3A_145 = arith.constant 0 : i32
      %dma_wait3A_146 = tpu.memref_slice %arg8[%run_scoped3A, %dma_wait3A_144, %dma_wait3A_145] : memref<2x8x128xi32, #tpu.memory_space<vmem>> -> memref<1x8x128xi32, #tpu.memory_space<vmem>>
      %dma_wait3A_147 = tpu.memref_squeeze %dma_wait3A_146 : memref<1x8x128xi32, #tpu.memory_space<vmem>> -> memref<8x128xi32, #tpu.memory_space<vmem>>
      %dma_wait3A_148 = arith.constant 0 : i32
      %dma_wait3A_149 = tpu.memref_slice %arg3[%add3A_12, %dma_wait3A_148] : memref<2560x128xi32, #tpu.memory_space<hbm>> -> memref<8x128xi32, #tpu.memory_space<hbm>>
      tpu.wait_dma2 semaphore(%run_scoped3A_126 : memref<!tpu.dma_semaphore, #tpu.memory_space<semaphore_mem>>) src(%dma_wait3A_149 : memref<8x128xi32, #tpu.memory_space<hbm>>) dst(%dma_wait3A_147 : memref<8x128xi32, #tpu.memory_space<vmem>>)
      tpu.yield
    }) : () -> ()
    %run_scoped3A_13 = arith.constant 0 : i32
    "tpu.region"() ({
      %run_scoped3A_126 = tpu.sem_alloc : memref<!tpu.dma_semaphore, #tpu.memory_space<semaphore_mem>>
      %dma_start3A = arith.constant 0 : i32
      %dma_start3A_127 = arith.constant 0 : i32
      %dma_start3A_128 = tpu.memref_slice %arg9[%run_scoped3A_13, %dma_start3A, %dma_start3A_127] : memref<2x8x128xi32, #tpu.memory_space<vmem>> -> memref<1x8x128xi32, #tpu.memory_space<vmem>>
      %dma_start3A_129 = tpu.memref_squeeze %dma_start3A_128 : memref<1x8x128xi32, #tpu.memory_space<vmem>> -> memref<8x128xi32, #tpu.memory_space<vmem>>
      %dma_start3A_130 = arith.constant 0 : i32
      %dma_start3A_131 = tpu.memref_slice %arg4[%add3A_12, %dma_start3A_130] : memref<2560x128xi32, #tpu.memory_space<hbm>> -> memref<8x128xi32, #tpu.memory_space<hbm>>
      %dma_start3A_132 = arith.constant 0 : i32
      %dma_start3A_133 = arith.constant 0 : i32
      %dma_start3A_134 = tpu.memref_slice %arg9[%run_scoped3A_13, %dma_start3A_132, %dma_start3A_133] : memref<2x8x128xi32, #tpu.memory_space<vmem>> -> memref<1x8x128xi32, #tpu.memory_space<vmem>>
      %dma_start3A_135 = tpu.memref_squeeze %dma_start3A_134 : memref<1x8x128xi32, #tpu.memory_space<vmem>> -> memref<8x128xi32, #tpu.memory_space<vmem>>
      %dma_start3A_136 = arith.constant 0 : i32
      %dma_start3A_137 = tpu.memref_slice %arg4[%add3A_12, %dma_start3A_136] : memref<2560x128xi32, #tpu.memory_space<hbm>> -> memref<8x128xi32, #tpu.memory_space<hbm>>
      tpu.enqueue_dma source(%dma_start3A_137 : memref<8x128xi32, #tpu.memory_space<hbm>>) target(%dma_start3A_135 : memref<8x128xi32, #tpu.memory_space<vmem>>) target_semaphore(%run_scoped3A_126 : memref<!tpu.dma_semaphore, #tpu.memory_space<semaphore_mem>>)
      %dma_wait3A_138 = arith.constant 0 : i32
      %dma_wait3A_139 = arith.constant 0 : i32
      %dma_wait3A_140 = tpu.memref_slice %arg9[%run_scoped3A_13, %dma_wait3A_138, %dma_wait3A_139] : memref<2x8x128xi32, #tpu.memory_space<vmem>> -> memref<1x8x128xi32, #tpu.memory_space<vmem>>
      %dma_wait3A_141 = tpu.memref_squeeze %dma_wait3A_140 : memref<1x8x128xi32, #tpu.memory_space<vmem>> -> memref<8x128xi32, #tpu.memory_space<vmem>>
      %dma_wait3A_142 = arith.constant 0 : i32
      %dma_wait3A_143 = tpu.memref_slice %arg4[%add3A_12, %dma_wait3A_142] : memref<2560x128xi32, #tpu.memory_space<hbm>> -> memref<8x128xi32, #tpu.memory_space<hbm>>
      %dma_wait3A_144 = arith.constant 0 : i32
      %dma_wait3A_145 = arith.constant 0 : i32
      %dma_wait3A_146 = tpu.memref_slice %arg9[%run_scoped3A_13, %dma_wait3A_144, %dma_wait3A_145] : memref<2x8x128xi32, #tpu.memory_space<vmem>> -> memref<1x8x128xi32, #tpu.memory_space<vmem>>
      %dma_wait3A_147 = tpu.memref_squeeze %dma_wait3A_146 : memref<1x8x128xi32, #tpu.memory_space<vmem>> -> memref<8x128xi32, #tpu.memory_space<vmem>>
      %dma_wait3A_148 = arith.constant 0 : i32
      %dma_wait3A_149 = tpu.memref_slice %arg4[%add3A_12, %dma_wait3A_148] : memref<2560x128xi32, #tpu.memory_space<hbm>> -> memref<8x128xi32, #tpu.memory_space<hbm>>
      tpu.wait_dma2 semaphore(%run_scoped3A_126 : memref<!tpu.dma_semaphore, #tpu.memory_space<semaphore_mem>>) src(%dma_wait3A_149 : memref<8x128xi32, #tpu.memory_space<hbm>>) dst(%dma_wait3A_147 : memref<8x128xi32, #tpu.memory_space<vmem>>)
      tpu.yield
    }) : () -> ()
    %sub3A = arith.constant 0 : i32
    %sub3A_14 = arith.subi %select_n3A_10, %sub3A : i32
    %sub3A_15 = arith.constant 1 : i32
    %sub3A_16 = arith.constant 1 : i32
    %sub3A_17 = arith.subi %sub3A_15, %sub3A_16 : i32
    %add3A_18 = arith.addi %sub3A_14, %sub3A_17 : i32
    %div3A = arith.constant 1 : i32
    %div3A_19 = arith.divsi %add3A_18, %div3A : i32
    %while3A = arith.constant 1 : i32
    %while3A_20 = arith.constant 0 : i32
    %while3A_21 = arith.constant 0 : i32
    %while3A_22 = arith.subi %div3A_19, %while3A_21 : i32
    %while3A_23 = arith.addi %while3A_21, %while3A_22 : i32
    %while3A_24 = arith.constant 1 : i32
    %while3A_25 = arith.divsi %while3A_22, %while3A_24 : i32
    %while3A_26 = arith.muli %while3A_25, %while3A_24 : i32
    %while3A_27 = arith.addi %while3A_21, %while3A_26 : i32
    %while3A_28 = arith.constant 1 : i32
    scf.for %while3A_126 = %while3A_21 to %while3A_27 step %while3A_28  : i32 {
      %mul3A_127 = arith.muli %while3A_126, %while3A : i32
      %add3A_128 = arith.addi %while3A_20, %mul3A_127 : i32
      %jit3A_129 = arith.constant 2 : i32
      %eq3A_130 = arith.constant 0 : i32
      %eq3A_131 = arith.cmpi eq, %jit3A_129, %eq3A_130 : i32
      %jit3A_132 = arith.constant 1 : i32
      %select_n3A_133 = arith.select %eq3A_131, %jit3A_132, %jit3A_129 : i32
      %rem3A = arith.remsi %add3A_128, %select_n3A_133 : i32
      %ne3A = arith.constant 0 : i32
      %ne3A_134 = arith.cmpi ne, %rem3A, %ne3A : i32
      %lt3A = arith.constant 0 : i32
      %lt3A_135 = arith.cmpi slt, %rem3A, %lt3A : i32
      %lt3A_136 = arith.constant 0 : i32
      %lt3A_137 = arith.cmpi slt, %select_n3A_133, %lt3A_136 : i32
      %ne3A_138 = arith.xori %lt3A_135, %lt3A_137 : i1
      %and3A = arith.andi %ne3A_138, %ne3A_134 : i1
      %add3A_139 = arith.addi %rem3A, %select_n3A_133 : i32
      %select_n3A_140 = arith.select %and3A, %add3A_139, %rem3A : i32
      %ne3A_141 = arith.constant 0 : i32
      %ne3A_142 = arith.cmpi ne, %add3A_128, %ne3A_141 : i32
      %convert_element_type3A = arith.extui %ne3A_142 : i1 to i32
      %cond3A = arith.constant 0 : i32
      %cond3A_143 = arith.cmpi ne, %convert_element_type3A, %cond3A : i32
      scf.if %cond3A_143 {
        %dma_wait3A_394 = arith.constant 0 : i32
        %dma_wait3A_395 = arith.constant 0 : i32
        %dma_wait3A_396 = tpu.memref_slice %arg10[%dma_wait3A_394, %dma_wait3A_395] : memref<512x64xbf16, #tpu.memory_space<vmem>> -> memref<128x64xbf16, #tpu.memory_space<vmem>>
        %dma_wait3A_397 = arith.constant 0 : i32
        %dma_wait3A_398 = arith.constant 0 : i32
        %dma_wait3A_399 = tpu.memref_slice %arg7[%dma_wait3A_397, %dma_wait3A_398] : memref<10240x64xbf16, #tpu.memory_space<vmem_shared>> -> memref<128x64xbf16, #tpu.memory_space<vmem_shared>>
        %dma_wait3A_400 = arith.constant 0 : i32
        %dma_wait3A_401 = arith.constant 0 : i32
        %dma_wait3A_402 = tpu.memref_slice %arg7[%dma_wait3A_400, %dma_wait3A_401] : memref<10240x64xbf16, #tpu.memory_space<vmem_shared>> -> memref<128x64xbf16, #tpu.memory_space<vmem_shared>>
        %dma_wait3A_403 = arith.constant 0 : i32
        %dma_wait3A_404 = arith.constant 0 : i32
        %dma_wait3A_405 = tpu.memref_slice %arg10[%dma_wait3A_403, %dma_wait3A_404] : memref<512x64xbf16, #tpu.memory_space<vmem>> -> memref<128x64xbf16, #tpu.memory_space<vmem>>
        tpu.wait_dma2 semaphore(%arg13 : memref<!tpu.dma_semaphore, #tpu.memory_space<semaphore_mem>>) src(%dma_wait3A_405 : memref<128x64xbf16, #tpu.memory_space<vmem>>) dst(%dma_wait3A_402 : memref<128x64xbf16, #tpu.memory_space<vmem_shared>>)
        %dma_wait3A_406 = arith.constant 128 : i32
        %dma_wait3A_407 = arith.constant 0 : i32
        %dma_wait3A_408 = tpu.memref_slice %arg10[%dma_wait3A_406, %dma_wait3A_407] : memref<512x64xbf16, #tpu.memory_space<vmem>> -> memref<128x64xbf16, #tpu.memory_space<vmem>>
        %dma_wait3A_409 = arith.constant 0 : i32
        %dma_wait3A_410 = arith.constant 0 : i32
        %dma_wait3A_411 = tpu.memref_slice %arg7[%dma_wait3A_409, %dma_wait3A_410] : memref<10240x64xbf16, #tpu.memory_space<vmem_shared>> -> memref<128x64xbf16, #tpu.memory_space<vmem_shared>>
        %dma_wait3A_412 = arith.constant 0 : i32
        %dma_wait3A_413 = arith.constant 0 : i32
        %dma_wait3A_414 = tpu.memref_slice %arg7[%dma_wait3A_412, %dma_wait3A_413] : memref<10240x64xbf16, #tpu.memory_space<vmem_shared>> -> memref<128x64xbf16, #tpu.memory_space<vmem_shared>>
        %dma_wait3A_415 = arith.constant 128 : i32
        %dma_wait3A_416 = arith.constant 0 : i32
        %dma_wait3A_417 = tpu.memref_slice %arg10[%dma_wait3A_415, %dma_wait3A_416] : memref<512x64xbf16, #tpu.memory_space<vmem>> -> memref<128x64xbf16, #tpu.memory_space<vmem>>
        tpu.wait_dma2 semaphore(%arg13 : memref<!tpu.dma_semaphore, #tpu.memory_space<semaphore_mem>>) src(%dma_wait3A_417 : memref<128x64xbf16, #tpu.memory_space<vmem>>) dst(%dma_wait3A_414 : memref<128x64xbf16, #tpu.memory_space<vmem_shared>>)
        %dma_wait3A_418 = arith.constant 256 : i32
        %dma_wait3A_419 = arith.constant 0 : i32
        %dma_wait3A_420 = tpu.memref_slice %arg10[%dma_wait3A_418, %dma_wait3A_419] : memref<512x64xbf16, #tpu.memory_space<vmem>> -> memref<128x64xbf16, #tpu.memory_space<vmem>>
        %dma_wait3A_421 = arith.constant 0 : i32
        %dma_wait3A_422 = arith.constant 0 : i32
        %dma_wait3A_423 = tpu.memref_slice %arg7[%dma_wait3A_421, %dma_wait3A_422] : memref<10240x64xbf16, #tpu.memory_space<vmem_shared>> -> memref<128x64xbf16, #tpu.memory_space<vmem_shared>>
        %dma_wait3A_424 = arith.constant 0 : i32
        %dma_wait3A_425 = arith.constant 0 : i32
        %dma_wait3A_426 = tpu.memref_slice %arg7[%dma_wait3A_424, %dma_wait3A_425] : memref<10240x64xbf16, #tpu.memory_space<vmem_shared>> -> memref<128x64xbf16, #tpu.memory_space<vmem_shared>>
        %dma_wait3A_427 = arith.constant 256 : i32
        %dma_wait3A_428 = arith.constant 0 : i32
        %dma_wait3A_429 = tpu.memref_slice %arg10[%dma_wait3A_427, %dma_wait3A_428] : memref<512x64xbf16, #tpu.memory_space<vmem>> -> memref<128x64xbf16, #tpu.memory_space<vmem>>
        tpu.wait_dma2 semaphore(%arg13 : memref<!tpu.dma_semaphore, #tpu.memory_space<semaphore_mem>>) src(%dma_wait3A_429 : memref<128x64xbf16, #tpu.memory_space<vmem>>) dst(%dma_wait3A_426 : memref<128x64xbf16, #tpu.memory_space<vmem_shared>>)
        %dma_wait3A_430 = arith.constant 384 : i32
        %dma_wait3A_431 = arith.constant 0 : i32
        %dma_wait3A_432 = tpu.memref_slice %arg10[%dma_wait3A_430, %dma_wait3A_431] : memref<512x64xbf16, #tpu.memory_space<vmem>> -> memref<128x64xbf16, #tpu.memory_space<vmem>>
        %dma_wait3A_433 = arith.constant 0 : i32
        %dma_wait3A_434 = arith.constant 0 : i32
        %dma_wait3A_435 = tpu.memref_slice %arg7[%dma_wait3A_433, %dma_wait3A_434] : memref<10240x64xbf16, #tpu.memory_space<vmem_shared>> -> memref<128x64xbf16, #tpu.memory_space<vmem_shared>>
        %dma_wait3A_436 = arith.constant 0 : i32
        %dma_wait3A_437 = arith.constant 0 : i32
        %dma_wait3A_438 = tpu.memref_slice %arg7[%dma_wait3A_436, %dma_wait3A_437] : memref<10240x64xbf16, #tpu.memory_space<vmem_shared>> -> memref<128x64xbf16, #tpu.memory_space<vmem_shared>>
        %dma_wait3A_439 = arith.constant 384 : i32
        %dma_wait3A_440 = arith.constant 0 : i32
        %dma_wait3A_441 = tpu.memref_slice %arg10[%dma_wait3A_439, %dma_wait3A_440] : memref<512x64xbf16, #tpu.memory_space<vmem>> -> memref<128x64xbf16, #tpu.memory_space<vmem>>
        tpu.wait_dma2 semaphore(%arg13 : memref<!tpu.dma_semaphore, #tpu.memory_space<semaphore_mem>>) src(%dma_wait3A_441 : memref<128x64xbf16, #tpu.memory_space<vmem>>) dst(%dma_wait3A_438 : memref<128x64xbf16, #tpu.memory_space<vmem_shared>>)
      } else {
      }
      %dma_start3A = arith.constant 0 : i32
      %dma_start3A_144 = arith.constant 0 : i32
      %dma_start3A_145 = arith.constant 0 : i32
      %dma_start3A_146 = tpu.memref_slice %arg10[%dma_start3A_144, %dma_start3A_145] : memref<512x64xbf16, #tpu.memory_space<vmem>> -> memref<128x64xbf16, #tpu.memory_space<vmem>>
      %dma_start3A_147 = arith.constant 0 : i32
      %dma_start3A_148 = tpu.memref_slice %arg8[%select_n3A_140, %dma_start3A, %dma_start3A_147] : memref<2x8x128xi32, #tpu.memory_space<vmem>> -> memref<1x1x128xi32, #tpu.memory_space<vmem>>
      %dma_start3A_149 = tpu.memref_squeeze %dma_start3A_148 : memref<1x1x128xi32, #tpu.memory_space<vmem>> -> memref<128xi32, #tpu.memory_space<vmem>>
      %dma_start3A_150 = arith.constant 0 : i32
      %dma_start3A_151 = arith.constant 0 : i32
      %dma_start3A_152 = tpu.memref_slice %arg2[%dma_start3A_150, %dma_start3A_151] : memref<10240x64xbf16, #tpu.memory_space<hbm>> -> memref<10240x64xbf16, #tpu.memory_space<hbm>>
      tpu.enqueue_indirect_dma source(%dma_start3A_152 : memref<10240x64xbf16, #tpu.memory_space<hbm>>) target(%dma_start3A_146 : memref<128x64xbf16, #tpu.memory_space<vmem>>) offsets(%dma_start3A_149 : memref<128xi32, #tpu.memory_space<vmem>>) semaphore(%arg12 : memref<!tpu.dma_semaphore, #tpu.memory_space<semaphore_mem>>)
      %dma_start3A_153 = arith.constant 1 : i32
      %dma_start3A_154 = arith.constant 128 : i32
      %dma_start3A_155 = arith.constant 0 : i32
      %dma_start3A_156 = tpu.memref_slice %arg10[%dma_start3A_154, %dma_start3A_155] : memref<512x64xbf16, #tpu.memory_space<vmem>> -> memref<128x64xbf16, #tpu.memory_space<vmem>>
      %dma_start3A_157 = arith.constant 0 : i32
      %dma_start3A_158 = tpu.memref_slice %arg8[%select_n3A_140, %dma_start3A_153, %dma_start3A_157] : memref<2x8x128xi32, #tpu.memory_space<vmem>> -> memref<1x1x128xi32, #tpu.memory_space<vmem>>
      %dma_start3A_159 = tpu.memref_squeeze %dma_start3A_158 : memref<1x1x128xi32, #tpu.memory_space<vmem>> -> memref<128xi32, #tpu.memory_space<vmem>>
      %dma_start3A_160 = arith.constant 0 : i32
      %dma_start3A_161 = arith.constant 0 : i32
      %dma_start3A_162 = tpu.memref_slice %arg2[%dma_start3A_160, %dma_start3A_161] : memref<10240x64xbf16, #tpu.memory_space<hbm>> -> memref<10240x64xbf16, #tpu.memory_space<hbm>>
      tpu.enqueue_indirect_dma source(%dma_start3A_162 : memref<10240x64xbf16, #tpu.memory_space<hbm>>) target(%dma_start3A_156 : memref<128x64xbf16, #tpu.memory_space<vmem>>) offsets(%dma_start3A_159 : memref<128xi32, #tpu.memory_space<vmem>>) semaphore(%arg12 : memref<!tpu.dma_semaphore, #tpu.memory_space<semaphore_mem>>)
      %dma_start3A_163 = arith.constant 2 : i32
      %dma_start3A_164 = arith.constant 256 : i32
      %dma_start3A_165 = arith.constant 0 : i32
      %dma_start3A_166 = tpu.memref_slice %arg10[%dma_start3A_164, %dma_start3A_165] : memref<512x64xbf16, #tpu.memory_space<vmem>> -> memref<128x64xbf16, #tpu.memory_space<vmem>>
      %dma_start3A_167 = arith.constant 0 : i32
      %dma_start3A_168 = tpu.memref_slice %arg8[%select_n3A_140, %dma_start3A_163, %dma_start3A_167] : memref<2x8x128xi32, #tpu.memory_space<vmem>> -> memref<1x1x128xi32, #tpu.memory_space<vmem>>
      %dma_start3A_169 = tpu.memref_squeeze %dma_start3A_168 : memref<1x1x128xi32, #tpu.memory_space<vmem>> -> memref<128xi32, #tpu.memory_space<vmem>>
      %dma_start3A_170 = arith.constant 0 : i32
      %dma_start3A_171 = arith.constant 0 : i32
      %dma_start3A_172 = tpu.memref_slice %arg2[%dma_start3A_170, %dma_start3A_171] : memref<10240x64xbf16, #tpu.memory_space<hbm>> -> memref<10240x64xbf16, #tpu.memory_space<hbm>>
      tpu.enqueue_indirect_dma source(%dma_start3A_172 : memref<10240x64xbf16, #tpu.memory_space<hbm>>) target(%dma_start3A_166 : memref<128x64xbf16, #tpu.memory_space<vmem>>) offsets(%dma_start3A_169 : memref<128xi32, #tpu.memory_space<vmem>>) semaphore(%arg12 : memref<!tpu.dma_semaphore, #tpu.memory_space<semaphore_mem>>)
      %dma_start3A_173 = arith.constant 3 : i32
      %dma_start3A_174 = arith.constant 384 : i32
      %dma_start3A_175 = arith.constant 0 : i32
      %dma_start3A_176 = tpu.memref_slice %arg10[%dma_start3A_174, %dma_start3A_175] : memref<512x64xbf16, #tpu.memory_space<vmem>> -> memref<128x64xbf16, #tpu.memory_space<vmem>>
      %dma_start3A_177 = arith.constant 0 : i32
      %dma_start3A_178 = tpu.memref_slice %arg8[%select_n3A_140, %dma_start3A_173, %dma_start3A_177] : memref<2x8x128xi32, #tpu.memory_space<vmem>> -> memref<1x1x128xi32, #tpu.memory_space<vmem>>
      %dma_start3A_179 = tpu.memref_squeeze %dma_start3A_178 : memref<1x1x128xi32, #tpu.memory_space<vmem>> -> memref<128xi32, #tpu.memory_space<vmem>>
      %dma_start3A_180 = arith.constant 0 : i32
      %dma_start3A_181 = arith.constant 0 : i32
      %dma_start3A_182 = tpu.memref_slice %arg2[%dma_start3A_180, %dma_start3A_181] : memref<10240x64xbf16, #tpu.memory_space<hbm>> -> memref<10240x64xbf16, #tpu.memory_space<hbm>>
      tpu.enqueue_indirect_dma source(%dma_start3A_182 : memref<10240x64xbf16, #tpu.memory_space<hbm>>) target(%dma_start3A_176 : memref<128x64xbf16, #tpu.memory_space<vmem>>) offsets(%dma_start3A_179 : memref<128xi32, #tpu.memory_space<vmem>>) semaphore(%arg12 : memref<!tpu.dma_semaphore, #tpu.memory_space<semaphore_mem>>)
      %ne3A_183 = arith.constant 0 : i32
      %ne3A_184 = arith.cmpi ne, %add3A_128, %ne3A_183 : i32
      %convert_element_type3A_185 = arith.extui %ne3A_184 : i1 to i32
      %cond3A_186 = arith.constant 0 : i32
      %cond3A_187 = arith.cmpi ne, %convert_element_type3A_185, %cond3A_186 : i32
      scf.if %cond3A_187 {
        %dma_wait3A_394 = arith.constant 0 : i32
        %dma_wait3A_395 = arith.constant 0 : i32
        %dma_wait3A_396 = tpu.memref_slice %arg11[%dma_wait3A_394, %dma_wait3A_395] : memref<512x64xbf16, #tpu.memory_space<vmem>> -> memref<128x64xbf16, #tpu.memory_space<vmem>>
        %dma_wait3A_397 = arith.constant 0 : i32
        %dma_wait3A_398 = arith.constant 0 : i32
        %dma_wait3A_399 = tpu.memref_slice %arg7[%dma_wait3A_397, %dma_wait3A_398] : memref<10240x64xbf16, #tpu.memory_space<vmem_shared>> -> memref<128x64xbf16, #tpu.memory_space<vmem_shared>>
        %dma_wait3A_400 = arith.constant 0 : i32
        %dma_wait3A_401 = arith.constant 0 : i32
        %dma_wait3A_402 = tpu.memref_slice %arg7[%dma_wait3A_400, %dma_wait3A_401] : memref<10240x64xbf16, #tpu.memory_space<vmem_shared>> -> memref<128x64xbf16, #tpu.memory_space<vmem_shared>>
        %dma_wait3A_403 = arith.constant 0 : i32
        %dma_wait3A_404 = arith.constant 0 : i32
        %dma_wait3A_405 = tpu.memref_slice %arg11[%dma_wait3A_403, %dma_wait3A_404] : memref<512x64xbf16, #tpu.memory_space<vmem>> -> memref<128x64xbf16, #tpu.memory_space<vmem>>
        tpu.wait_dma2 semaphore(%arg14 : memref<!tpu.dma_semaphore, #tpu.memory_space<semaphore_mem>>) src(%dma_wait3A_405 : memref<128x64xbf16, #tpu.memory_space<vmem>>) dst(%dma_wait3A_402 : memref<128x64xbf16, #tpu.memory_space<vmem_shared>>)
        %dma_wait3A_406 = arith.constant 128 : i32
        %dma_wait3A_407 = arith.constant 0 : i32
        %dma_wait3A_408 = tpu.memref_slice %arg11[%dma_wait3A_406, %dma_wait3A_407] : memref<512x64xbf16, #tpu.memory_space<vmem>> -> memref<128x64xbf16, #tpu.memory_space<vmem>>
        %dma_wait3A_409 = arith.constant 0 : i32
        %dma_wait3A_410 = arith.constant 0 : i32
        %dma_wait3A_411 = tpu.memref_slice %arg7[%dma_wait3A_409, %dma_wait3A_410] : memref<10240x64xbf16, #tpu.memory_space<vmem_shared>> -> memref<128x64xbf16, #tpu.memory_space<vmem_shared>>
        %dma_wait3A_412 = arith.constant 0 : i32
        %dma_wait3A_413 = arith.constant 0 : i32
        %dma_wait3A_414 = tpu.memref_slice %arg7[%dma_wait3A_412, %dma_wait3A_413] : memref<10240x64xbf16, #tpu.memory_space<vmem_shared>> -> memref<128x64xbf16, #tpu.memory_space<vmem_shared>>
        %dma_wait3A_415 = arith.constant 128 : i32
        %dma_wait3A_416 = arith.constant 0 : i32
        %dma_wait3A_417 = tpu.memref_slice %arg11[%dma_wait3A_415, %dma_wait3A_416] : memref<512x64xbf16, #tpu.memory_space<vmem>> -> memref<128x64xbf16, #tpu.memory_space<vmem>>
        tpu.wait_dma2 semaphore(%arg14 : memref<!tpu.dma_semaphore, #tpu.memory_space<semaphore_mem>>) src(%dma_wait3A_417 : memref<128x64xbf16, #tpu.memory_space<vmem>>) dst(%dma_wait3A_414 : memref<128x64xbf16, #tpu.memory_space<vmem_shared>>)
        %dma_wait3A_418 = arith.constant 256 : i32
        %dma_wait3A_419 = arith.constant 0 : i32
        %dma_wait3A_420 = tpu.memref_slice %arg11[%dma_wait3A_418, %dma_wait3A_419] : memref<512x64xbf16, #tpu.memory_space<vmem>> -> memref<128x64xbf16, #tpu.memory_space<vmem>>
        %dma_wait3A_421 = arith.constant 0 : i32
        %dma_wait3A_422 = arith.constant 0 : i32
        %dma_wait3A_423 = tpu.memref_slice %arg7[%dma_wait3A_421, %dma_wait3A_422] : memref<10240x64xbf16, #tpu.memory_space<vmem_shared>> -> memref<128x64xbf16, #tpu.memory_space<vmem_shared>>
        %dma_wait3A_424 = arith.constant 0 : i32
        %dma_wait3A_425 = arith.constant 0 : i32
        %dma_wait3A_426 = tpu.memref_slice %arg7[%dma_wait3A_424, %dma_wait3A_425] : memref<10240x64xbf16, #tpu.memory_space<vmem_shared>> -> memref<128x64xbf16, #tpu.memory_space<vmem_shared>>
        %dma_wait3A_427 = arith.constant 256 : i32
        %dma_wait3A_428 = arith.constant 0 : i32
        %dma_wait3A_429 = tpu.memref_slice %arg11[%dma_wait3A_427, %dma_wait3A_428] : memref<512x64xbf16, #tpu.memory_space<vmem>> -> memref<128x64xbf16, #tpu.memory_space<vmem>>
        tpu.wait_dma2 semaphore(%arg14 : memref<!tpu.dma_semaphore, #tpu.memory_space<semaphore_mem>>) src(%dma_wait3A_429 : memref<128x64xbf16, #tpu.memory_space<vmem>>) dst(%dma_wait3A_426 : memref<128x64xbf16, #tpu.memory_space<vmem_shared>>)
        %dma_wait3A_430 = arith.constant 384 : i32
        %dma_wait3A_431 = arith.constant 0 : i32
        %dma_wait3A_432 = tpu.memref_slice %arg11[%dma_wait3A_430, %dma_wait3A_431] : memref<512x64xbf16, #tpu.memory_space<vmem>> -> memref<128x64xbf16, #tpu.memory_space<vmem>>
        %dma_wait3A_433 = arith.constant 0 : i32
        %dma_wait3A_434 = arith.constant 0 : i32
        %dma_wait3A_435 = tpu.memref_slice %arg7[%dma_wait3A_433, %dma_wait3A_434] : memref<10240x64xbf16, #tpu.memory_space<vmem_shared>> -> memref<128x64xbf16, #tpu.memory_space<vmem_shared>>
        %dma_wait3A_436 = arith.constant 0 : i32
        %dma_wait3A_437 = arith.constant 0 : i32
        %dma_wait3A_438 = tpu.memref_slice %arg7[%dma_wait3A_436, %dma_wait3A_437] : memref<10240x64xbf16, #tpu.memory_space<vmem_shared>> -> memref<128x64xbf16, #tpu.memory_space<vmem_shared>>
        %dma_wait3A_439 = arith.constant 384 : i32
        %dma_wait3A_440 = arith.constant 0 : i32
        %dma_wait3A_441 = tpu.memref_slice %arg11[%dma_wait3A_439, %dma_wait3A_440] : memref<512x64xbf16, #tpu.memory_space<vmem>> -> memref<128x64xbf16, #tpu.memory_space<vmem>>
        tpu.wait_dma2 semaphore(%arg14 : memref<!tpu.dma_semaphore, #tpu.memory_space<semaphore_mem>>) src(%dma_wait3A_441 : memref<128x64xbf16, #tpu.memory_space<vmem>>) dst(%dma_wait3A_438 : memref<128x64xbf16, #tpu.memory_space<vmem_shared>>)
      } else {
      }
      %dma_wait3A_188 = arith.constant 0 : i32
      %dma_wait3A_189 = arith.constant 0 : i32
      %dma_wait3A_190 = arith.constant 0 : i32
      %dma_wait3A_191 = tpu.memref_slice %arg10[%dma_wait3A_189, %dma_wait3A_190] : memref<512x64xbf16, #tpu.memory_space<vmem>> -> memref<128x64xbf16, #tpu.memory_space<vmem>>
      %dma_wait3A_192 = arith.constant 0 : i32
      %dma_wait3A_193 = tpu.memref_slice %arg8[%select_n3A_140, %dma_wait3A_188, %dma_wait3A_192] : memref<2x8x128xi32, #tpu.memory_space<vmem>> -> memref<1x1x128xi32, #tpu.memory_space<vmem>>
      %dma_wait3A_194 = tpu.memref_squeeze %dma_wait3A_193 : memref<1x1x128xi32, #tpu.memory_space<vmem>> -> memref<128xi32, #tpu.memory_space<vmem>>
      %dma_wait3A_195 = arith.constant 0 : i32
      %dma_wait3A_196 = arith.constant 0 : i32
      %dma_wait3A_197 = tpu.memref_slice %arg2[%dma_wait3A_195, %dma_wait3A_196] : memref<10240x64xbf16, #tpu.memory_space<hbm>> -> memref<10240x64xbf16, #tpu.memory_space<hbm>>
      tpu.wait_indirect_dma semaphore(%arg12 : memref<!tpu.dma_semaphore, #tpu.memory_space<semaphore_mem>>) src(%dma_wait3A_197 : memref<10240x64xbf16, #tpu.memory_space<hbm>>) dst(%dma_wait3A_191 : memref<128x64xbf16, #tpu.memory_space<vmem>>)
      %dma_wait3A_198 = arith.constant 1 : i32
      %dma_wait3A_199 = arith.constant 128 : i32
      %dma_wait3A_200 = arith.constant 0 : i32
      %dma_wait3A_201 = tpu.memref_slice %arg10[%dma_wait3A_199, %dma_wait3A_200] : memref<512x64xbf16, #tpu.memory_space<vmem>> -> memref<128x64xbf16, #tpu.memory_space<vmem>>
      %dma_wait3A_202 = arith.constant 0 : i32
      %dma_wait3A_203 = tpu.memref_slice %arg8[%select_n3A_140, %dma_wait3A_198, %dma_wait3A_202] : memref<2x8x128xi32, #tpu.memory_space<vmem>> -> memref<1x1x128xi32, #tpu.memory_space<vmem>>
      %dma_wait3A_204 = tpu.memref_squeeze %dma_wait3A_203 : memref<1x1x128xi32, #tpu.memory_space<vmem>> -> memref<128xi32, #tpu.memory_space<vmem>>
      %dma_wait3A_205 = arith.constant 0 : i32
      %dma_wait3A_206 = arith.constant 0 : i32
      %dma_wait3A_207 = tpu.memref_slice %arg2[%dma_wait3A_205, %dma_wait3A_206] : memref<10240x64xbf16, #tpu.memory_space<hbm>> -> memref<10240x64xbf16, #tpu.memory_space<hbm>>
      tpu.wait_indirect_dma semaphore(%arg12 : memref<!tpu.dma_semaphore, #tpu.memory_space<semaphore_mem>>) src(%dma_wait3A_207 : memref<10240x64xbf16, #tpu.memory_space<hbm>>) dst(%dma_wait3A_201 : memref<128x64xbf16, #tpu.memory_space<vmem>>)
      %dma_wait3A_208 = arith.constant 2 : i32
      %dma_wait3A_209 = arith.constant 256 : i32
      %dma_wait3A_210 = arith.constant 0 : i32
      %dma_wait3A_211 = tpu.memref_slice %arg10[%dma_wait3A_209, %dma_wait3A_210] : memref<512x64xbf16, #tpu.memory_space<vmem>> -> memref<128x64xbf16, #tpu.memory_space<vmem>>
      %dma_wait3A_212 = arith.constant 0 : i32
      %dma_wait3A_213 = tpu.memref_slice %arg8[%select_n3A_140, %dma_wait3A_208, %dma_wait3A_212] : memref<2x8x128xi32, #tpu.memory_space<vmem>> -> memref<1x1x128xi32, #tpu.memory_space<vmem>>
      %dma_wait3A_214 = tpu.memref_squeeze %dma_wait3A_213 : memref<1x1x128xi32, #tpu.memory_space<vmem>> -> memref<128xi32, #tpu.memory_space<vmem>>
      %dma_wait3A_215 = arith.constant 0 : i32
      %dma_wait3A_216 = arith.constant 0 : i32
      %dma_wait3A_217 = tpu.memref_slice %arg2[%dma_wait3A_215, %dma_wait3A_216] : memref<10240x64xbf16, #tpu.memory_space<hbm>> -> memref<10240x64xbf16, #tpu.memory_space<hbm>>
      tpu.wait_indirect_dma semaphore(%arg12 : memref<!tpu.dma_semaphore, #tpu.memory_space<semaphore_mem>>) src(%dma_wait3A_217 : memref<10240x64xbf16, #tpu.memory_space<hbm>>) dst(%dma_wait3A_211 : memref<128x64xbf16, #tpu.memory_space<vmem>>)
      %dma_wait3A_218 = arith.constant 3 : i32
      %dma_wait3A_219 = arith.constant 384 : i32
      %dma_wait3A_220 = arith.constant 0 : i32
      %dma_wait3A_221 = tpu.memref_slice %arg10[%dma_wait3A_219, %dma_wait3A_220] : memref<512x64xbf16, #tpu.memory_space<vmem>> -> memref<128x64xbf16, #tpu.memory_space<vmem>>
      %dma_wait3A_222 = arith.constant 0 : i32
      %dma_wait3A_223 = tpu.memref_slice %arg8[%select_n3A_140, %dma_wait3A_218, %dma_wait3A_222] : memref<2x8x128xi32, #tpu.memory_space<vmem>> -> memref<1x1x128xi32, #tpu.memory_space<vmem>>
      %dma_wait3A_224 = tpu.memref_squeeze %dma_wait3A_223 : memref<1x1x128xi32, #tpu.memory_space<vmem>> -> memref<128xi32, #tpu.memory_space<vmem>>
      %dma_wait3A_225 = arith.constant 0 : i32
      %dma_wait3A_226 = arith.constant 0 : i32
      %dma_wait3A_227 = tpu.memref_slice %arg2[%dma_wait3A_225, %dma_wait3A_226] : memref<10240x64xbf16, #tpu.memory_space<hbm>> -> memref<10240x64xbf16, #tpu.memory_space<hbm>>
      tpu.wait_indirect_dma semaphore(%arg12 : memref<!tpu.dma_semaphore, #tpu.memory_space<semaphore_mem>>) src(%dma_wait3A_227 : memref<10240x64xbf16, #tpu.memory_space<hbm>>) dst(%dma_wait3A_221 : memref<128x64xbf16, #tpu.memory_space<vmem>>)
      %dma_start3A_228 = arith.constant 0 : i32
      %dma_start3A_229 = arith.constant 0 : i32
      %dma_start3A_230 = arith.constant 0 : i32
      %dma_start3A_231 = tpu.memref_slice %arg10[%dma_start3A_229, %dma_start3A_230] : memref<512x64xbf16, #tpu.memory_space<vmem>> -> memref<128x64xbf16, #tpu.memory_space<vmem>>
      %dma_start3A_232 = arith.constant 0 : i32
      %dma_start3A_233 = tpu.memref_slice %arg9[%select_n3A_140, %dma_start3A_228, %dma_start3A_232] : memref<2x8x128xi32, #tpu.memory_space<vmem>> -> memref<1x1x128xi32, #tpu.memory_space<vmem>>
      %dma_start3A_234 = tpu.memref_squeeze %dma_start3A_233 : memref<1x1x128xi32, #tpu.memory_space<vmem>> -> memref<128xi32, #tpu.memory_space<vmem>>
      %dma_start3A_235 = arith.constant 0 : i32
      %dma_start3A_236 = arith.constant 0 : i32
      %dma_start3A_237 = tpu.memref_slice %arg7[%dma_start3A_235, %dma_start3A_236] : memref<10240x64xbf16, #tpu.memory_space<vmem_shared>> -> memref<10240x64xbf16, #tpu.memory_space<vmem_shared>>
      tpu.enqueue_indirect_dma source(%dma_start3A_231 : memref<128x64xbf16, #tpu.memory_space<vmem>>) target(%dma_start3A_237 : memref<10240x64xbf16, #tpu.memory_space<vmem_shared>>) offsets(%dma_start3A_234 : memref<128xi32, #tpu.memory_space<vmem>>) semaphore(%arg13 : memref<!tpu.dma_semaphore, #tpu.memory_space<semaphore_mem>>) {add = true}
      %dma_start3A_238 = arith.constant 1 : i32
      %dma_start3A_239 = arith.constant 128 : i32
      %dma_start3A_240 = arith.constant 0 : i32
      %dma_start3A_241 = tpu.memref_slice %arg10[%dma_start3A_239, %dma_start3A_240] : memref<512x64xbf16, #tpu.memory_space<vmem>> -> memref<128x64xbf16, #tpu.memory_space<vmem>>
      %dma_start3A_242 = arith.constant 0 : i32
      %dma_start3A_243 = tpu.memref_slice %arg9[%select_n3A_140, %dma_start3A_238, %dma_start3A_242] : memref<2x8x128xi32, #tpu.memory_space<vmem>> -> memref<1x1x128xi32, #tpu.memory_space<vmem>>
      %dma_start3A_244 = tpu.memref_squeeze %dma_start3A_243 : memref<1x1x128xi32, #tpu.memory_space<vmem>> -> memref<128xi32, #tpu.memory_space<vmem>>
      %dma_start3A_245 = arith.constant 0 : i32
      %dma_start3A_246 = arith.constant 0 : i32
      %dma_start3A_247 = tpu.memref_slice %arg7[%dma_start3A_245, %dma_start3A_246] : memref<10240x64xbf16, #tpu.memory_space<vmem_shared>> -> memref<10240x64xbf16, #tpu.memory_space<vmem_shared>>
      tpu.enqueue_indirect_dma source(%dma_start3A_241 : memref<128x64xbf16, #tpu.memory_space<vmem>>) target(%dma_start3A_247 : memref<10240x64xbf16, #tpu.memory_space<vmem_shared>>) offsets(%dma_start3A_244 : memref<128xi32, #tpu.memory_space<vmem>>) semaphore(%arg13 : memref<!tpu.dma_semaphore, #tpu.memory_space<semaphore_mem>>) {add = true}
      %dma_start3A_248 = arith.constant 2 : i32
      %dma_start3A_249 = arith.constant 256 : i32
      %dma_start3A_250 = arith.constant 0 : i32
      %dma_start3A_251 = tpu.memref_slice %arg10[%dma_start3A_249, %dma_start3A_250] : memref<512x64xbf16, #tpu.memory_space<vmem>> -> memref<128x64xbf16, #tpu.memory_space<vmem>>
      %dma_start3A_252 = arith.constant 0 : i32
      %dma_start3A_253 = tpu.memref_slice %arg9[%select_n3A_140, %dma_start3A_248, %dma_start3A_252] : memref<2x8x128xi32, #tpu.memory_space<vmem>> -> memref<1x1x128xi32, #tpu.memory_space<vmem>>
      %dma_start3A_254 = tpu.memref_squeeze %dma_start3A_253 : memref<1x1x128xi32, #tpu.memory_space<vmem>> -> memref<128xi32, #tpu.memory_space<vmem>>
      %dma_start3A_255 = arith.constant 0 : i32
      %dma_start3A_256 = arith.constant 0 : i32
      %dma_start3A_257 = tpu.memref_slice %arg7[%dma_start3A_255, %dma_start3A_256] : memref<10240x64xbf16, #tpu.memory_space<vmem_shared>> -> memref<10240x64xbf16, #tpu.memory_space<vmem_shared>>
      tpu.enqueue_indirect_dma source(%dma_start3A_251 : memref<128x64xbf16, #tpu.memory_space<vmem>>) target(%dma_start3A_257 : memref<10240x64xbf16, #tpu.memory_space<vmem_shared>>) offsets(%dma_start3A_254 : memref<128xi32, #tpu.memory_space<vmem>>) semaphore(%arg13 : memref<!tpu.dma_semaphore, #tpu.memory_space<semaphore_mem>>) {add = true}
      %dma_start3A_258 = arith.constant 3 : i32
      %dma_start3A_259 = arith.constant 384 : i32
      %dma_start3A_260 = arith.constant 0 : i32
      %dma_start3A_261 = tpu.memref_slice %arg10[%dma_start3A_259, %dma_start3A_260] : memref<512x64xbf16, #tpu.memory_space<vmem>> -> memref<128x64xbf16, #tpu.memory_space<vmem>>
      %dma_start3A_262 = arith.constant 0 : i32
      %dma_start3A_263 = tpu.memref_slice %arg9[%select_n3A_140, %dma_start3A_258, %dma_start3A_262] : memref<2x8x128xi32, #tpu.memory_space<vmem>> -> memref<1x1x128xi32, #tpu.memory_space<vmem>>
      %dma_start3A_264 = tpu.memref_squeeze %dma_start3A_263 : memref<1x1x128xi32, #tpu.memory_space<vmem>> -> memref<128xi32, #tpu.memory_space<vmem>>
      %dma_start3A_265 = arith.constant 0 : i32
      %dma_start3A_266 = arith.constant 0 : i32
      %dma_start3A_267 = tpu.memref_slice %arg7[%dma_start3A_265, %dma_start3A_266] : memref<10240x64xbf16, #tpu.memory_space<vmem_shared>> -> memref<10240x64xbf16, #tpu.memory_space<vmem_shared>>
      tpu.enqueue_indirect_dma source(%dma_start3A_261 : memref<128x64xbf16, #tpu.memory_space<vmem>>) target(%dma_start3A_267 : memref<10240x64xbf16, #tpu.memory_space<vmem_shared>>) offsets(%dma_start3A_264 : memref<128xi32, #tpu.memory_space<vmem>>) semaphore(%arg13 : memref<!tpu.dma_semaphore, #tpu.memory_space<semaphore_mem>>) {add = true}
      %dma_start3A_268 = arith.constant 4 : i32
      %dma_start3A_269 = arith.constant 0 : i32
      %dma_start3A_270 = arith.constant 0 : i32
      %dma_start3A_271 = tpu.memref_slice %arg11[%dma_start3A_269, %dma_start3A_270] : memref<512x64xbf16, #tpu.memory_space<vmem>> -> memref<128x64xbf16, #tpu.memory_space<vmem>>
      %dma_start3A_272 = arith.constant 0 : i32
      %dma_start3A_273 = tpu.memref_slice %arg8[%select_n3A_140, %dma_start3A_268, %dma_start3A_272] : memref<2x8x128xi32, #tpu.memory_space<vmem>> -> memref<1x1x128xi32, #tpu.memory_space<vmem>>
      %dma_start3A_274 = tpu.memref_squeeze %dma_start3A_273 : memref<1x1x128xi32, #tpu.memory_space<vmem>> -> memref<128xi32, #tpu.memory_space<vmem>>
      %dma_start3A_275 = arith.constant 0 : i32
      %dma_start3A_276 = arith.constant 0 : i32
      %dma_start3A_277 = tpu.memref_slice %arg2[%dma_start3A_275, %dma_start3A_276] : memref<10240x64xbf16, #tpu.memory_space<hbm>> -> memref<10240x64xbf16, #tpu.memory_space<hbm>>
      tpu.enqueue_indirect_dma source(%dma_start3A_277 : memref<10240x64xbf16, #tpu.memory_space<hbm>>) target(%dma_start3A_271 : memref<128x64xbf16, #tpu.memory_space<vmem>>) offsets(%dma_start3A_274 : memref<128xi32, #tpu.memory_space<vmem>>) semaphore(%arg12 : memref<!tpu.dma_semaphore, #tpu.memory_space<semaphore_mem>>)
      %dma_start3A_278 = arith.constant 5 : i32
      %dma_start3A_279 = arith.constant 128 : i32
      %dma_start3A_280 = arith.constant 0 : i32
      %dma_start3A_281 = tpu.memref_slice %arg11[%dma_start3A_279, %dma_start3A_280] : memref<512x64xbf16, #tpu.memory_space<vmem>> -> memref<128x64xbf16, #tpu.memory_space<vmem>>
      %dma_start3A_282 = arith.constant 0 : i32
      %dma_start3A_283 = tpu.memref_slice %arg8[%select_n3A_140, %dma_start3A_278, %dma_start3A_282] : memref<2x8x128xi32, #tpu.memory_space<vmem>> -> memref<1x1x128xi32, #tpu.memory_space<vmem>>
      %dma_start3A_284 = tpu.memref_squeeze %dma_start3A_283 : memref<1x1x128xi32, #tpu.memory_space<vmem>> -> memref<128xi32, #tpu.memory_space<vmem>>
      %dma_start3A_285 = arith.constant 0 : i32
      %dma_start3A_286 = arith.constant 0 : i32
      %dma_start3A_287 = tpu.memref_slice %arg2[%dma_start3A_285, %dma_start3A_286] : memref<10240x64xbf16, #tpu.memory_space<hbm>> -> memref<10240x64xbf16, #tpu.memory_space<hbm>>
      tpu.enqueue_indirect_dma source(%dma_start3A_287 : memref<10240x64xbf16, #tpu.memory_space<hbm>>) target(%dma_start3A_281 : memref<128x64xbf16, #tpu.memory_space<vmem>>) offsets(%dma_start3A_284 : memref<128xi32, #tpu.memory_space<vmem>>) semaphore(%arg12 : memref<!tpu.dma_semaphore, #tpu.memory_space<semaphore_mem>>)
      %dma_start3A_288 = arith.constant 6 : i32
      %dma_start3A_289 = arith.constant 256 : i32
      %dma_start3A_290 = arith.constant 0 : i32
      %dma_start3A_291 = tpu.memref_slice %arg11[%dma_start3A_289, %dma_start3A_290] : memref<512x64xbf16, #tpu.memory_space<vmem>> -> memref<128x64xbf16, #tpu.memory_space<vmem>>
      %dma_start3A_292 = arith.constant 0 : i32
      %dma_start3A_293 = tpu.memref_slice %arg8[%select_n3A_140, %dma_start3A_288, %dma_start3A_292] : memref<2x8x128xi32, #tpu.memory_space<vmem>> -> memref<1x1x128xi32, #tpu.memory_space<vmem>>
      %dma_start3A_294 = tpu.memref_squeeze %dma_start3A_293 : memref<1x1x128xi32, #tpu.memory_space<vmem>> -> memref<128xi32, #tpu.memory_space<vmem>>
      %dma_start3A_295 = arith.constant 0 : i32
      %dma_start3A_296 = arith.constant 0 : i32
      %dma_start3A_297 = tpu.memref_slice %arg2[%dma_start3A_295, %dma_start3A_296] : memref<10240x64xbf16, #tpu.memory_space<hbm>> -> memref<10240x64xbf16, #tpu.memory_space<hbm>>
      tpu.enqueue_indirect_dma source(%dma_start3A_297 : memref<10240x64xbf16, #tpu.memory_space<hbm>>) target(%dma_start3A_291 : memref<128x64xbf16, #tpu.memory_space<vmem>>) offsets(%dma_start3A_294 : memref<128xi32, #tpu.memory_space<vmem>>) semaphore(%arg12 : memref<!tpu.dma_semaphore, #tpu.memory_space<semaphore_mem>>)
      %dma_start3A_298 = arith.constant 7 : i32
      %dma_start3A_299 = arith.constant 384 : i32
      %dma_start3A_300 = arith.constant 0 : i32
      %dma_start3A_301 = tpu.memref_slice %arg11[%dma_start3A_299, %dma_start3A_300] : memref<512x64xbf16, #tpu.memory_space<vmem>> -> memref<128x64xbf16, #tpu.memory_space<vmem>>
      %dma_start3A_302 = arith.constant 0 : i32
      %dma_start3A_303 = tpu.memref_slice %arg8[%select_n3A_140, %dma_start3A_298, %dma_start3A_302] : memref<2x8x128xi32, #tpu.memory_space<vmem>> -> memref<1x1x128xi32, #tpu.memory_space<vmem>>
      %dma_start3A_304 = tpu.memref_squeeze %dma_start3A_303 : memref<1x1x128xi32, #tpu.memory_space<vmem>> -> memref<128xi32, #tpu.memory_space<vmem>>
      %dma_start3A_305 = arith.constant 0 : i32
      %dma_start3A_306 = arith.constant 0 : i32
      %dma_start3A_307 = tpu.memref_slice %arg2[%dma_start3A_305, %dma_start3A_306] : memref<10240x64xbf16, #tpu.memory_space<hbm>> -> memref<10240x64xbf16, #tpu.memory_space<hbm>>
      tpu.enqueue_indirect_dma source(%dma_start3A_307 : memref<10240x64xbf16, #tpu.memory_space<hbm>>) target(%dma_start3A_301 : memref<128x64xbf16, #tpu.memory_space<vmem>>) offsets(%dma_start3A_304 : memref<128xi32, #tpu.memory_space<vmem>>) semaphore(%arg12 : memref<!tpu.dma_semaphore, #tpu.memory_space<semaphore_mem>>)
      %sub3A_308 = arith.constant 1 : i32
      %sub3A_309 = arith.subi %select_n3A_10, %sub3A_308 : i32
      %ne3A_310 = arith.cmpi ne, %add3A_128, %sub3A_309 : i32
      %convert_element_type3A_311 = arith.extui %ne3A_310 : i1 to i32
      %cond3A_312 = arith.constant 0 : i32
      %cond3A_313 = arith.cmpi ne, %convert_element_type3A_311, %cond3A_312 : i32
      scf.if %cond3A_313 {
        %add3A_394 = arith.constant 1 : i32
        %add3A_395 = arith.addi %add3A_128, %add3A_394 : i32
        %sub3A_396 = arith.constant 1 : i32
        %sub3A_397 = arith.subi %sub3A_396, %select_n3A_140 : i32
        %mul3A_398 = arith.constant 8 : i32
        %mul3A_399 = arith.muli %add3A_395, %mul3A_398 : i32
        %add3A_400 = arith.addi %select_n3A, %mul3A_399 : i32
        "tpu.region"() ({
          %run_scoped3A_401 = tpu.sem_alloc : memref<!tpu.dma_semaphore, #tpu.memory_space<semaphore_mem>>
          %dma_start3A_402 = arith.constant 0 : i32
          %dma_start3A_403 = arith.constant 0 : i32
          %dma_start3A_404 = tpu.memref_slice %arg8[%sub3A_397, %dma_start3A_402, %dma_start3A_403] : memref<2x8x128xi32, #tpu.memory_space<vmem>> -> memref<1x8x128xi32, #tpu.memory_space<vmem>>
          %dma_start3A_405 = tpu.memref_squeeze %dma_start3A_404 : memref<1x8x128xi32, #tpu.memory_space<vmem>> -> memref<8x128xi32, #tpu.memory_space<vmem>>
          %dma_start3A_406 = arith.constant 0 : i32
          %dma_start3A_407 = tpu.memref_slice %arg3[%add3A_400, %dma_start3A_406] : memref<2560x128xi32, #tpu.memory_space<hbm>> -> memref<8x128xi32, #tpu.memory_space<hbm>>
          %dma_start3A_408 = arith.constant 0 : i32
          %dma_start3A_409 = arith.constant 0 : i32
          %dma_start3A_410 = tpu.memref_slice %arg8[%sub3A_397, %dma_start3A_408, %dma_start3A_409] : memref<2x8x128xi32, #tpu.memory_space<vmem>> -> memref<1x8x128xi32, #tpu.memory_space<vmem>>
          %dma_start3A_411 = tpu.memref_squeeze %dma_start3A_410 : memref<1x8x128xi32, #tpu.memory_space<vmem>> -> memref<8x128xi32, #tpu.memory_space<vmem>>
          %dma_start3A_412 = arith.constant 0 : i32
          %dma_start3A_413 = tpu.memref_slice %arg3[%add3A_400, %dma_start3A_412] : memref<2560x128xi32, #tpu.memory_space<hbm>> -> memref<8x128xi32, #tpu.memory_space<hbm>>
          tpu.enqueue_dma source(%dma_start3A_413 : memref<8x128xi32, #tpu.memory_space<hbm>>) target(%dma_start3A_411 : memref<8x128xi32, #tpu.memory_space<vmem>>) target_semaphore(%run_scoped3A_401 : memref<!tpu.dma_semaphore, #tpu.memory_space<semaphore_mem>>)
          %dma_wait3A_414 = arith.constant 0 : i32
          %dma_wait3A_415 = arith.constant 0 : i32
          %dma_wait3A_416 = tpu.memref_slice %arg8[%sub3A_397, %dma_wait3A_414, %dma_wait3A_415] : memref<2x8x128xi32, #tpu.memory_space<vmem>> -> memref<1x8x128xi32, #tpu.memory_space<vmem>>
          %dma_wait3A_417 = tpu.memref_squeeze %dma_wait3A_416 : memref<1x8x128xi32, #tpu.memory_space<vmem>> -> memref<8x128xi32, #tpu.memory_space<vmem>>
          %dma_wait3A_418 = arith.constant 0 : i32
          %dma_wait3A_419 = tpu.memref_slice %arg3[%add3A_400, %dma_wait3A_418] : memref<2560x128xi32, #tpu.memory_space<hbm>> -> memref<8x128xi32, #tpu.memory_space<hbm>>
          %dma_wait3A_420 = arith.constant 0 : i32
          %dma_wait3A_421 = arith.constant 0 : i32
          %dma_wait3A_422 = tpu.memref_slice %arg8[%sub3A_397, %dma_wait3A_420, %dma_wait3A_421] : memref<2x8x128xi32, #tpu.memory_space<vmem>> -> memref<1x8x128xi32, #tpu.memory_space<vmem>>
          %dma_wait3A_423 = tpu.memref_squeeze %dma_wait3A_422 : memref<1x8x128xi32, #tpu.memory_space<vmem>> -> memref<8x128xi32, #tpu.memory_space<vmem>>
          %dma_wait3A_424 = arith.constant 0 : i32
          %dma_wait3A_425 = tpu.memref_slice %arg3[%add3A_400, %dma_wait3A_424] : memref<2560x128xi32, #tpu.memory_space<hbm>> -> memref<8x128xi32, #tpu.memory_space<hbm>>
          tpu.wait_dma2 semaphore(%run_scoped3A_401 : memref<!tpu.dma_semaphore, #tpu.memory_space<semaphore_mem>>) src(%dma_wait3A_425 : memref<8x128xi32, #tpu.memory_space<hbm>>) dst(%dma_wait3A_423 : memref<8x128xi32, #tpu.memory_space<vmem>>)
          tpu.yield
        }) : () -> ()
        "tpu.region"() ({
          %run_scoped3A_401 = tpu.sem_alloc : memref<!tpu.dma_semaphore, #tpu.memory_space<semaphore_mem>>
          %dma_start3A_402 = arith.constant 0 : i32
          %dma_start3A_403 = arith.constant 0 : i32
          %dma_start3A_404 = tpu.memref_slice %arg9[%sub3A_397, %dma_start3A_402, %dma_start3A_403] : memref<2x8x128xi32, #tpu.memory_space<vmem>> -> memref<1x8x128xi32, #tpu.memory_space<vmem>>
          %dma_start3A_405 = tpu.memref_squeeze %dma_start3A_404 : memref<1x8x128xi32, #tpu.memory_space<vmem>> -> memref<8x128xi32, #tpu.memory_space<vmem>>
          %dma_start3A_406 = arith.constant 0 : i32
          %dma_start3A_407 = tpu.memref_slice %arg4[%add3A_400, %dma_start3A_406] : memref<2560x128xi32, #tpu.memory_space<hbm>> -> memref<8x128xi32, #tpu.memory_space<hbm>>
          %dma_start3A_408 = arith.constant 0 : i32
          %dma_start3A_409 = arith.constant 0 : i32
          %dma_start3A_410 = tpu.memref_slice %arg9[%sub3A_397, %dma_start3A_408, %dma_start3A_409] : memref<2x8x128xi32, #tpu.memory_space<vmem>> -> memref<1x8x128xi32, #tpu.memory_space<vmem>>
          %dma_start3A_411 = tpu.memref_squeeze %dma_start3A_410 : memref<1x8x128xi32, #tpu.memory_space<vmem>> -> memref<8x128xi32, #tpu.memory_space<vmem>>
          %dma_start3A_412 = arith.constant 0 : i32
          %dma_start3A_413 = tpu.memref_slice %arg4[%add3A_400, %dma_start3A_412] : memref<2560x128xi32, #tpu.memory_space<hbm>> -> memref<8x128xi32, #tpu.memory_space<hbm>>
          tpu.enqueue_dma source(%dma_start3A_413 : memref<8x128xi32, #tpu.memory_space<hbm>>) target(%dma_start3A_411 : memref<8x128xi32, #tpu.memory_space<vmem>>) target_semaphore(%run_scoped3A_401 : memref<!tpu.dma_semaphore, #tpu.memory_space<semaphore_mem>>)
          %dma_wait3A_414 = arith.constant 0 : i32
          %dma_wait3A_415 = arith.constant 0 : i32
          %dma_wait3A_416 = tpu.memref_slice %arg9[%sub3A_397, %dma_wait3A_414, %dma_wait3A_415] : memref<2x8x128xi32, #tpu.memory_space<vmem>> -> memref<1x8x128xi32, #tpu.memory_space<vmem>>
          %dma_wait3A_417 = tpu.memref_squeeze %dma_wait3A_416 : memref<1x8x128xi32, #tpu.memory_space<vmem>> -> memref<8x128xi32, #tpu.memory_space<vmem>>
          %dma_wait3A_418 = arith.constant 0 : i32
          %dma_wait3A_419 = tpu.memref_slice %arg4[%add3A_400, %dma_wait3A_418] : memref<2560x128xi32, #tpu.memory_space<hbm>> -> memref<8x128xi32, #tpu.memory_space<hbm>>
          %dma_wait3A_420 = arith.constant 0 : i32
          %dma_wait3A_421 = arith.constant 0 : i32
          %dma_wait3A_422 = tpu.memref_slice %arg9[%sub3A_397, %dma_wait3A_420, %dma_wait3A_421] : memref<2x8x128xi32, #tpu.memory_space<vmem>> -> memref<1x8x128xi32, #tpu.memory_space<vmem>>
          %dma_wait3A_423 = tpu.memref_squeeze %dma_wait3A_422 : memref<1x8x128xi32, #tpu.memory_space<vmem>> -> memref<8x128xi32, #tpu.memory_space<vmem>>
          %dma_wait3A_424 = arith.constant 0 : i32
          %dma_wait3A_425 = tpu.memref_slice %arg4[%add3A_400, %dma_wait3A_424] : memref<2560x128xi32, #tpu.memory_space<hbm>> -> memref<8x128xi32, #tpu.memory_space<hbm>>
          tpu.wait_dma2 semaphore(%run_scoped3A_401 : memref<!tpu.dma_semaphore, #tpu.memory_space<semaphore_mem>>) src(%dma_wait3A_425 : memref<8x128xi32, #tpu.memory_space<hbm>>) dst(%dma_wait3A_423 : memref<8x128xi32, #tpu.memory_space<vmem>>)
          tpu.yield
        }) : () -> ()
      } else {
      }
      %dma_wait3A_314 = arith.constant 4 : i32
      %dma_wait3A_315 = arith.constant 0 : i32
      %dma_wait3A_316 = arith.constant 0 : i32
      %dma_wait3A_317 = tpu.memref_slice %arg11[%dma_wait3A_315, %dma_wait3A_316] : memref<512x64xbf16, #tpu.memory_space<vmem>> -> memref<128x64xbf16, #tpu.memory_space<vmem>>
      %dma_wait3A_318 = arith.constant 0 : i32
      %dma_wait3A_319 = tpu.memref_slice %arg8[%select_n3A_140, %dma_wait3A_314, %dma_wait3A_318] : memref<2x8x128xi32, #tpu.memory_space<vmem>> -> memref<1x1x128xi32, #tpu.memory_space<vmem>>
      %dma_wait3A_320 = tpu.memref_squeeze %dma_wait3A_319 : memref<1x1x128xi32, #tpu.memory_space<vmem>> -> memref<128xi32, #tpu.memory_space<vmem>>
      %dma_wait3A_321 = arith.constant 0 : i32
      %dma_wait3A_322 = arith.constant 0 : i32
      %dma_wait3A_323 = tpu.memref_slice %arg2[%dma_wait3A_321, %dma_wait3A_322] : memref<10240x64xbf16, #tpu.memory_space<hbm>> -> memref<10240x64xbf16, #tpu.memory_space<hbm>>
      tpu.wait_indirect_dma semaphore(%arg12 : memref<!tpu.dma_semaphore, #tpu.memory_space<semaphore_mem>>) src(%dma_wait3A_323 : memref<10240x64xbf16, #tpu.memory_space<hbm>>) dst(%dma_wait3A_317 : memref<128x64xbf16, #tpu.memory_space<vmem>>)
      %dma_wait3A_324 = arith.constant 5 : i32
      %dma_wait3A_325 = arith.constant 128 : i32
      %dma_wait3A_326 = arith.constant 0 : i32
      %dma_wait3A_327 = tpu.memref_slice %arg11[%dma_wait3A_325, %dma_wait3A_326] : memref<512x64xbf16, #tpu.memory_space<vmem>> -> memref<128x64xbf16, #tpu.memory_space<vmem>>
      %dma_wait3A_328 = arith.constant 0 : i32
      %dma_wait3A_329 = tpu.memref_slice %arg8[%select_n3A_140, %dma_wait3A_324, %dma_wait3A_328] : memref<2x8x128xi32, #tpu.memory_space<vmem>> -> memref<1x1x128xi32, #tpu.memory_space<vmem>>
      %dma_wait3A_330 = tpu.memref_squeeze %dma_wait3A_329 : memref<1x1x128xi32, #tpu.memory_space<vmem>> -> memref<128xi32, #tpu.memory_space<vmem>>
      %dma_wait3A_331 = arith.constant 0 : i32
      %dma_wait3A_332 = arith.constant 0 : i32
      %dma_wait3A_333 = tpu.memref_slice %arg2[%dma_wait3A_331, %dma_wait3A_332] : memref<10240x64xbf16, #tpu.memory_space<hbm>> -> memref<10240x64xbf16, #tpu.memory_space<hbm>>
      tpu.wait_indirect_dma semaphore(%arg12 : memref<!tpu.dma_semaphore, #tpu.memory_space<semaphore_mem>>) src(%dma_wait3A_333 : memref<10240x64xbf16, #tpu.memory_space<hbm>>) dst(%dma_wait3A_327 : memref<128x64xbf16, #tpu.memory_space<vmem>>)
      %dma_wait3A_334 = arith.constant 6 : i32
      %dma_wait3A_335 = arith.constant 256 : i32
      %dma_wait3A_336 = arith.constant 0 : i32
      %dma_wait3A_337 = tpu.memref_slice %arg11[%dma_wait3A_335, %dma_wait3A_336] : memref<512x64xbf16, #tpu.memory_space<vmem>> -> memref<128x64xbf16, #tpu.memory_space<vmem>>
      %dma_wait3A_338 = arith.constant 0 : i32
      %dma_wait3A_339 = tpu.memref_slice %arg8[%select_n3A_140, %dma_wait3A_334, %dma_wait3A_338] : memref<2x8x128xi32, #tpu.memory_space<vmem>> -> memref<1x1x128xi32, #tpu.memory_space<vmem>>
      %dma_wait3A_340 = tpu.memref_squeeze %dma_wait3A_339 : memref<1x1x128xi32, #tpu.memory_space<vmem>> -> memref<128xi32, #tpu.memory_space<vmem>>
      %dma_wait3A_341 = arith.constant 0 : i32
      %dma_wait3A_342 = arith.constant 0 : i32
      %dma_wait3A_343 = tpu.memref_slice %arg2[%dma_wait3A_341, %dma_wait3A_342] : memref<10240x64xbf16, #tpu.memory_space<hbm>> -> memref<10240x64xbf16, #tpu.memory_space<hbm>>
      tpu.wait_indirect_dma semaphore(%arg12 : memref<!tpu.dma_semaphore, #tpu.memory_space<semaphore_mem>>) src(%dma_wait3A_343 : memref<10240x64xbf16, #tpu.memory_space<hbm>>) dst(%dma_wait3A_337 : memref<128x64xbf16, #tpu.memory_space<vmem>>)
      %dma_wait3A_344 = arith.constant 7 : i32
      %dma_wait3A_345 = arith.constant 384 : i32
      %dma_wait3A_346 = arith.constant 0 : i32
      %dma_wait3A_347 = tpu.memref_slice %arg11[%dma_wait3A_345, %dma_wait3A_346] : memref<512x64xbf16, #tpu.memory_space<vmem>> -> memref<128x64xbf16, #tpu.memory_space<vmem>>
      %dma_wait3A_348 = arith.constant 0 : i32
      %dma_wait3A_349 = tpu.memref_slice %arg8[%select_n3A_140, %dma_wait3A_344, %dma_wait3A_348] : memref<2x8x128xi32, #tpu.memory_space<vmem>> -> memref<1x1x128xi32, #tpu.memory_space<vmem>>
      %dma_wait3A_350 = tpu.memref_squeeze %dma_wait3A_349 : memref<1x1x128xi32, #tpu.memory_space<vmem>> -> memref<128xi32, #tpu.memory_space<vmem>>
      %dma_wait3A_351 = arith.constant 0 : i32
      %dma_wait3A_352 = arith.constant 0 : i32
      %dma_wait3A_353 = tpu.memref_slice %arg2[%dma_wait3A_351, %dma_wait3A_352] : memref<10240x64xbf16, #tpu.memory_space<hbm>> -> memref<10240x64xbf16, #tpu.memory_space<hbm>>
      tpu.wait_indirect_dma semaphore(%arg12 : memref<!tpu.dma_semaphore, #tpu.memory_space<semaphore_mem>>) src(%dma_wait3A_353 : memref<10240x64xbf16, #tpu.memory_space<hbm>>) dst(%dma_wait3A_347 : memref<128x64xbf16, #tpu.memory_space<vmem>>)
      %dma_start3A_354 = arith.constant 4 : i32
      %dma_start3A_355 = arith.constant 0 : i32
      %dma_start3A_356 = arith.constant 0 : i32
      %dma_start3A_357 = tpu.memref_slice %arg11[%dma_start3A_355, %dma_start3A_356] : memref<512x64xbf16, #tpu.memory_space<vmem>> -> memref<128x64xbf16, #tpu.memory_space<vmem>>
      %dma_start3A_358 = arith.constant 0 : i32
      %dma_start3A_359 = tpu.memref_slice %arg9[%select_n3A_140, %dma_start3A_354, %dma_start3A_358] : memref<2x8x128xi32, #tpu.memory_space<vmem>> -> memref<1x1x128xi32, #tpu.memory_space<vmem>>
      %dma_start3A_360 = tpu.memref_squeeze %dma_start3A_359 : memref<1x1x128xi32, #tpu.memory_space<vmem>> -> memref<128xi32, #tpu.memory_space<vmem>>
      %dma_start3A_361 = arith.constant 0 : i32
      %dma_start3A_362 = arith.constant 0 : i32
      %dma_start3A_363 = tpu.memref_slice %arg7[%dma_start3A_361, %dma_start3A_362] : memref<10240x64xbf16, #tpu.memory_space<vmem_shared>> -> memref<10240x64xbf16, #tpu.memory_space<vmem_shared>>
      tpu.enqueue_indirect_dma source(%dma_start3A_357 : memref<128x64xbf16, #tpu.memory_space<vmem>>) target(%dma_start3A_363 : memref<10240x64xbf16, #tpu.memory_space<vmem_shared>>) offsets(%dma_start3A_360 : memref<128xi32, #tpu.memory_space<vmem>>) semaphore(%arg14 : memref<!tpu.dma_semaphore, #tpu.memory_space<semaphore_mem>>) {add = true}
      %dma_start3A_364 = arith.constant 5 : i32
      %dma_start3A_365 = arith.constant 128 : i32
      %dma_start3A_366 = arith.constant 0 : i32
      %dma_start3A_367 = tpu.memref_slice %arg11[%dma_start3A_365, %dma_start3A_366] : memref<512x64xbf16, #tpu.memory_space<vmem>> -> memref<128x64xbf16, #tpu.memory_space<vmem>>
      %dma_start3A_368 = arith.constant 0 : i32
      %dma_start3A_369 = tpu.memref_slice %arg9[%select_n3A_140, %dma_start3A_364, %dma_start3A_368] : memref<2x8x128xi32, #tpu.memory_space<vmem>> -> memref<1x1x128xi32, #tpu.memory_space<vmem>>
      %dma_start3A_370 = tpu.memref_squeeze %dma_start3A_369 : memref<1x1x128xi32, #tpu.memory_space<vmem>> -> memref<128xi32, #tpu.memory_space<vmem>>
      %dma_start3A_371 = arith.constant 0 : i32
      %dma_start3A_372 = arith.constant 0 : i32
      %dma_start3A_373 = tpu.memref_slice %arg7[%dma_start3A_371, %dma_start3A_372] : memref<10240x64xbf16, #tpu.memory_space<vmem_shared>> -> memref<10240x64xbf16, #tpu.memory_space<vmem_shared>>
      tpu.enqueue_indirect_dma source(%dma_start3A_367 : memref<128x64xbf16, #tpu.memory_space<vmem>>) target(%dma_start3A_373 : memref<10240x64xbf16, #tpu.memory_space<vmem_shared>>) offsets(%dma_start3A_370 : memref<128xi32, #tpu.memory_space<vmem>>) semaphore(%arg14 : memref<!tpu.dma_semaphore, #tpu.memory_space<semaphore_mem>>) {add = true}
      %dma_start3A_374 = arith.constant 6 : i32
      %dma_start3A_375 = arith.constant 256 : i32
      %dma_start3A_376 = arith.constant 0 : i32
      %dma_start3A_377 = tpu.memref_slice %arg11[%dma_start3A_375, %dma_start3A_376] : memref<512x64xbf16, #tpu.memory_space<vmem>> -> memref<128x64xbf16, #tpu.memory_space<vmem>>
      %dma_start3A_378 = arith.constant 0 : i32
      %dma_start3A_379 = tpu.memref_slice %arg9[%select_n3A_140, %dma_start3A_374, %dma_start3A_378] : memref<2x8x128xi32, #tpu.memory_space<vmem>> -> memref<1x1x128xi32, #tpu.memory_space<vmem>>
      %dma_start3A_380 = tpu.memref_squeeze %dma_start3A_379 : memref<1x1x128xi32, #tpu.memory_space<vmem>> -> memref<128xi32, #tpu.memory_space<vmem>>
      %dma_start3A_381 = arith.constant 0 : i32
      %dma_start3A_382 = arith.constant 0 : i32
      %dma_start3A_383 = tpu.memref_slice %arg7[%dma_start3A_381, %dma_start3A_382] : memref<10240x64xbf16, #tpu.memory_space<vmem_shared>> -> memref<10240x64xbf16, #tpu.memory_space<vmem_shared>>
      tpu.enqueue_indirect_dma source(%dma_start3A_377 : memref<128x64xbf16, #tpu.memory_space<vmem>>) target(%dma_start3A_383 : memref<10240x64xbf16, #tpu.memory_space<vmem_shared>>) offsets(%dma_start3A_380 : memref<128xi32, #tpu.memory_space<vmem>>) semaphore(%arg14 : memref<!tpu.dma_semaphore, #tpu.memory_space<semaphore_mem>>) {add = true}
      %dma_start3A_384 = arith.constant 7 : i32
      %dma_start3A_385 = arith.constant 384 : i32
      %dma_start3A_386 = arith.constant 0 : i32
      %dma_start3A_387 = tpu.memref_slice %arg11[%dma_start3A_385, %dma_start3A_386] : memref<512x64xbf16, #tpu.memory_space<vmem>> -> memref<128x64xbf16, #tpu.memory_space<vmem>>
      %dma_start3A_388 = arith.constant 0 : i32
      %dma_start3A_389 = tpu.memref_slice %arg9[%select_n3A_140, %dma_start3A_384, %dma_start3A_388] : memref<2x8x128xi32, #tpu.memory_space<vmem>> -> memref<1x1x128xi32, #tpu.memory_space<vmem>>
      %dma_start3A_390 = tpu.memref_squeeze %dma_start3A_389 : memref<1x1x128xi32, #tpu.memory_space<vmem>> -> memref<128xi32, #tpu.memory_space<vmem>>
      %dma_start3A_391 = arith.constant 0 : i32
      %dma_start3A_392 = arith.constant 0 : i32
      %dma_start3A_393 = tpu.memref_slice %arg7[%dma_start3A_391, %dma_start3A_392] : memref<10240x64xbf16, #tpu.memory_space<vmem_shared>> -> memref<10240x64xbf16, #tpu.memory_space<vmem_shared>>
      tpu.enqueue_indirect_dma source(%dma_start3A_387 : memref<128x64xbf16, #tpu.memory_space<vmem>>) target(%dma_start3A_393 : memref<10240x64xbf16, #tpu.memory_space<vmem_shared>>) offsets(%dma_start3A_390 : memref<128xi32, #tpu.memory_space<vmem>>) semaphore(%arg14 : memref<!tpu.dma_semaphore, #tpu.memory_space<semaphore_mem>>) {add = true}
    }
    %while3A_29 = arith.constant 1 : i32
    scf.for %while3A_126 = %while3A_27 to %while3A_23 step %while3A_29  : i32 {
      %mul3A_127 = arith.muli %while3A_126, %while3A : i32
      %add3A_128 = arith.addi %while3A_20, %mul3A_127 : i32
      %jit3A_129 = arith.constant 2 : i32
      %eq3A_130 = arith.constant 0 : i32
      %eq3A_131 = arith.cmpi eq, %jit3A_129, %eq3A_130 : i32
      %jit3A_132 = arith.constant 1 : i32
      %select_n3A_133 = arith.select %eq3A_131, %jit3A_132, %jit3A_129 : i32
      %rem3A = arith.remsi %add3A_128, %select_n3A_133 : i32
      %ne3A = arith.constant 0 : i32
      %ne3A_134 = arith.cmpi ne, %rem3A, %ne3A : i32
      %lt3A = arith.constant 0 : i32
      %lt3A_135 = arith.cmpi slt, %rem3A, %lt3A : i32
      %lt3A_136 = arith.constant 0 : i32
      %lt3A_137 = arith.cmpi slt, %select_n3A_133, %lt3A_136 : i32
      %ne3A_138 = arith.xori %lt3A_135, %lt3A_137 : i1
      %and3A = arith.andi %ne3A_138, %ne3A_134 : i1
      %add3A_139 = arith.addi %rem3A, %select_n3A_133 : i32
      %select_n3A_140 = arith.select %and3A, %add3A_139, %rem3A : i32
      %ne3A_141 = arith.constant 0 : i32
      %ne3A_142 = arith.cmpi ne, %add3A_128, %ne3A_141 : i32
      %convert_element_type3A = arith.extui %ne3A_142 : i1 to i32
      %cond3A = arith.constant 0 : i32
      %cond3A_143 = arith.cmpi ne, %convert_element_type3A, %cond3A : i32
      scf.if %cond3A_143 {
        %dma_wait3A_394 = arith.constant 0 : i32
        %dma_wait3A_395 = arith.constant 0 : i32
        %dma_wait3A_396 = tpu.memref_slice %arg10[%dma_wait3A_394, %dma_wait3A_395] : memref<512x64xbf16, #tpu.memory_space<vmem>> -> memref<128x64xbf16, #tpu.memory_space<vmem>>
        %dma_wait3A_397 = arith.constant 0 : i32
        %dma_wait3A_398 = arith.constant 0 : i32
        %dma_wait3A_399 = tpu.memref_slice %arg7[%dma_wait3A_397, %dma_wait3A_398] : memref<10240x64xbf16, #tpu.memory_space<vmem_shared>> -> memref<128x64xbf16, #tpu.memory_space<vmem_shared>>
        %dma_wait3A_400 = arith.constant 0 : i32
        %dma_wait3A_401 = arith.constant 0 : i32
        %dma_wait3A_402 = tpu.memref_slice %arg7[%dma_wait3A_400, %dma_wait3A_401] : memref<10240x64xbf16, #tpu.memory_space<vmem_shared>> -> memref<128x64xbf16, #tpu.memory_space<vmem_shared>>
        %dma_wait3A_403 = arith.constant 0 : i32
        %dma_wait3A_404 = arith.constant 0 : i32
        %dma_wait3A_405 = tpu.memref_slice %arg10[%dma_wait3A_403, %dma_wait3A_404] : memref<512x64xbf16, #tpu.memory_space<vmem>> -> memref<128x64xbf16, #tpu.memory_space<vmem>>
        tpu.wait_dma2 semaphore(%arg13 : memref<!tpu.dma_semaphore, #tpu.memory_space<semaphore_mem>>) src(%dma_wait3A_405 : memref<128x64xbf16, #tpu.memory_space<vmem>>) dst(%dma_wait3A_402 : memref<128x64xbf16, #tpu.memory_space<vmem_shared>>)
        %dma_wait3A_406 = arith.constant 128 : i32
        %dma_wait3A_407 = arith.constant 0 : i32
        %dma_wait3A_408 = tpu.memref_slice %arg10[%dma_wait3A_406, %dma_wait3A_407] : memref<512x64xbf16, #tpu.memory_space<vmem>> -> memref<128x64xbf16, #tpu.memory_space<vmem>>
        %dma_wait3A_409 = arith.constant 0 : i32
        %dma_wait3A_410 = arith.constant 0 : i32
        %dma_wait3A_411 = tpu.memref_slice %arg7[%dma_wait3A_409, %dma_wait3A_410] : memref<10240x64xbf16, #tpu.memory_space<vmem_shared>> -> memref<128x64xbf16, #tpu.memory_space<vmem_shared>>
        %dma_wait3A_412 = arith.constant 0 : i32
        %dma_wait3A_413 = arith.constant 0 : i32
        %dma_wait3A_414 = tpu.memref_slice %arg7[%dma_wait3A_412, %dma_wait3A_413] : memref<10240x64xbf16, #tpu.memory_space<vmem_shared>> -> memref<128x64xbf16, #tpu.memory_space<vmem_shared>>
        %dma_wait3A_415 = arith.constant 128 : i32
        %dma_wait3A_416 = arith.constant 0 : i32
        %dma_wait3A_417 = tpu.memref_slice %arg10[%dma_wait3A_415, %dma_wait3A_416] : memref<512x64xbf16, #tpu.memory_space<vmem>> -> memref<128x64xbf16, #tpu.memory_space<vmem>>
        tpu.wait_dma2 semaphore(%arg13 : memref<!tpu.dma_semaphore, #tpu.memory_space<semaphore_mem>>) src(%dma_wait3A_417 : memref<128x64xbf16, #tpu.memory_space<vmem>>) dst(%dma_wait3A_414 : memref<128x64xbf16, #tpu.memory_space<vmem_shared>>)
        %dma_wait3A_418 = arith.constant 256 : i32
        %dma_wait3A_419 = arith.constant 0 : i32
        %dma_wait3A_420 = tpu.memref_slice %arg10[%dma_wait3A_418, %dma_wait3A_419] : memref<512x64xbf16, #tpu.memory_space<vmem>> -> memref<128x64xbf16, #tpu.memory_space<vmem>>
        %dma_wait3A_421 = arith.constant 0 : i32
        %dma_wait3A_422 = arith.constant 0 : i32
        %dma_wait3A_423 = tpu.memref_slice %arg7[%dma_wait3A_421, %dma_wait3A_422] : memref<10240x64xbf16, #tpu.memory_space<vmem_shared>> -> memref<128x64xbf16, #tpu.memory_space<vmem_shared>>
        %dma_wait3A_424 = arith.constant 0 : i32
        %dma_wait3A_425 = arith.constant 0 : i32
        %dma_wait3A_426 = tpu.memref_slice %arg7[%dma_wait3A_424, %dma_wait3A_425] : memref<10240x64xbf16, #tpu.memory_space<vmem_shared>> -> memref<128x64xbf16, #tpu.memory_space<vmem_shared>>
        %dma_wait3A_427 = arith.constant 256 : i32
        %dma_wait3A_428 = arith.constant 0 : i32
        %dma_wait3A_429 = tpu.memref_slice %arg10[%dma_wait3A_427, %dma_wait3A_428] : memref<512x64xbf16, #tpu.memory_space<vmem>> -> memref<128x64xbf16, #tpu.memory_space<vmem>>
        tpu.wait_dma2 semaphore(%arg13 : memref<!tpu.dma_semaphore, #tpu.memory_space<semaphore_mem>>) src(%dma_wait3A_429 : memref<128x64xbf16, #tpu.memory_space<vmem>>) dst(%dma_wait3A_426 : memref<128x64xbf16, #tpu.memory_space<vmem_shared>>)
        %dma_wait3A_430 = arith.constant 384 : i32
        %dma_wait3A_431 = arith.constant 0 : i32
        %dma_wait3A_432 = tpu.memref_slice %arg10[%dma_wait3A_430, %dma_wait3A_431] : memref<512x64xbf16, #tpu.memory_space<vmem>> -> memref<128x64xbf16, #tpu.memory_space<vmem>>
        %dma_wait3A_433 = arith.constant 0 : i32
        %dma_wait3A_434 = arith.constant 0 : i32
        %dma_wait3A_435 = tpu.memref_slice %arg7[%dma_wait3A_433, %dma_wait3A_434] : memref<10240x64xbf16, #tpu.memory_space<vmem_shared>> -> memref<128x64xbf16, #tpu.memory_space<vmem_shared>>
        %dma_wait3A_436 = arith.constant 0 : i32
        %dma_wait3A_437 = arith.constant 0 : i32
        %dma_wait3A_438 = tpu.memref_slice %arg7[%dma_wait3A_436, %dma_wait3A_437] : memref<10240x64xbf16, #tpu.memory_space<vmem_shared>> -> memref<128x64xbf16, #tpu.memory_space<vmem_shared>>
        %dma_wait3A_439 = arith.constant 384 : i32
        %dma_wait3A_440 = arith.constant 0 : i32
        %dma_wait3A_441 = tpu.memref_slice %arg10[%dma_wait3A_439, %dma_wait3A_440] : memref<512x64xbf16, #tpu.memory_space<vmem>> -> memref<128x64xbf16, #tpu.memory_space<vmem>>
        tpu.wait_dma2 semaphore(%arg13 : memref<!tpu.dma_semaphore, #tpu.memory_space<semaphore_mem>>) src(%dma_wait3A_441 : memref<128x64xbf16, #tpu.memory_space<vmem>>) dst(%dma_wait3A_438 : memref<128x64xbf16, #tpu.memory_space<vmem_shared>>)
      } else {
      }
      %dma_start3A = arith.constant 0 : i32
      %dma_start3A_144 = arith.constant 0 : i32
      %dma_start3A_145 = arith.constant 0 : i32
      %dma_start3A_146 = tpu.memref_slice %arg10[%dma_start3A_144, %dma_start3A_145] : memref<512x64xbf16, #tpu.memory_space<vmem>> -> memref<128x64xbf16, #tpu.memory_space<vmem>>
      %dma_start3A_147 = arith.constant 0 : i32
      %dma_start3A_148 = tpu.memref_slice %arg8[%select_n3A_140, %dma_start3A, %dma_start3A_147] : memref<2x8x128xi32, #tpu.memory_space<vmem>> -> memref<1x1x128xi32, #tpu.memory_space<vmem>>
      %dma_start3A_149 = tpu.memref_squeeze %dma_start3A_148 : memref<1x1x128xi32, #tpu.memory_space<vmem>> -> memref<128xi32, #tpu.memory_space<vmem>>
      %dma_start3A_150 = arith.constant 0 : i32
      %dma_start3A_151 = arith.constant 0 : i32
      %dma_start3A_152 = tpu.memref_slice %arg2[%dma_start3A_150, %dma_start3A_151] : memref<10240x64xbf16, #tpu.memory_space<hbm>> -> memref<10240x64xbf16, #tpu.memory_space<hbm>>
      tpu.enqueue_indirect_dma source(%dma_start3A_152 : memref<10240x64xbf16, #tpu.memory_space<hbm>>) target(%dma_start3A_146 : memref<128x64xbf16, #tpu.memory_space<vmem>>) offsets(%dma_start3A_149 : memref<128xi32, #tpu.memory_space<vmem>>) semaphore(%arg12 : memref<!tpu.dma_semaphore, #tpu.memory_space<semaphore_mem>>)
      %dma_start3A_153 = arith.constant 1 : i32
      %dma_start3A_154 = arith.constant 128 : i32
      %dma_start3A_155 = arith.constant 0 : i32
      %dma_start3A_156 = tpu.memref_slice %arg10[%dma_start3A_154, %dma_start3A_155] : memref<512x64xbf16, #tpu.memory_space<vmem>> -> memref<128x64xbf16, #tpu.memory_space<vmem>>
      %dma_start3A_157 = arith.constant 0 : i32
      %dma_start3A_158 = tpu.memref_slice %arg8[%select_n3A_140, %dma_start3A_153, %dma_start3A_157] : memref<2x8x128xi32, #tpu.memory_space<vmem>> -> memref<1x1x128xi32, #tpu.memory_space<vmem>>
      %dma_start3A_159 = tpu.memref_squeeze %dma_start3A_158 : memref<1x1x128xi32, #tpu.memory_space<vmem>> -> memref<128xi32, #tpu.memory_space<vmem>>
      %dma_start3A_160 = arith.constant 0 : i32
      %dma_start3A_161 = arith.constant 0 : i32
      %dma_start3A_162 = tpu.memref_slice %arg2[%dma_start3A_160, %dma_start3A_161] : memref<10240x64xbf16, #tpu.memory_space<hbm>> -> memref<10240x64xbf16, #tpu.memory_space<hbm>>
      tpu.enqueue_indirect_dma source(%dma_start3A_162 : memref<10240x64xbf16, #tpu.memory_space<hbm>>) target(%dma_start3A_156 : memref<128x64xbf16, #tpu.memory_space<vmem>>) offsets(%dma_start3A_159 : memref<128xi32, #tpu.memory_space<vmem>>) semaphore(%arg12 : memref<!tpu.dma_semaphore, #tpu.memory_space<semaphore_mem>>)
      %dma_start3A_163 = arith.constant 2 : i32
      %dma_start3A_164 = arith.constant 256 : i32
      %dma_start3A_165 = arith.constant 0 : i32
      %dma_start3A_166 = tpu.memref_slice %arg10[%dma_start3A_164, %dma_start3A_165] : memref<512x64xbf16, #tpu.memory_space<vmem>> -> memref<128x64xbf16, #tpu.memory_space<vmem>>
      %dma_start3A_167 = arith.constant 0 : i32
      %dma_start3A_168 = tpu.memref_slice %arg8[%select_n3A_140, %dma_start3A_163, %dma_start3A_167] : memref<2x8x128xi32, #tpu.memory_space<vmem>> -> memref<1x1x128xi32, #tpu.memory_space<vmem>>
      %dma_start3A_169 = tpu.memref_squeeze %dma_start3A_168 : memref<1x1x128xi32, #tpu.memory_space<vmem>> -> memref<128xi32, #tpu.memory_space<vmem>>
      %dma_start3A_170 = arith.constant 0 : i32
      %dma_start3A_171 = arith.constant 0 : i32
      %dma_start3A_172 = tpu.memref_slice %arg2[%dma_start3A_170, %dma_start3A_171] : memref<10240x64xbf16, #tpu.memory_space<hbm>> -> memref<10240x64xbf16, #tpu.memory_space<hbm>>
      tpu.enqueue_indirect_dma source(%dma_start3A_172 : memref<10240x64xbf16, #tpu.memory_space<hbm>>) target(%dma_start3A_166 : memref<128x64xbf16, #tpu.memory_space<vmem>>) offsets(%dma_start3A_169 : memref<128xi32, #tpu.memory_space<vmem>>) semaphore(%arg12 : memref<!tpu.dma_semaphore, #tpu.memory_space<semaphore_mem>>)
      %dma_start3A_173 = arith.constant 3 : i32
      %dma_start3A_174 = arith.constant 384 : i32
      %dma_start3A_175 = arith.constant 0 : i32
      %dma_start3A_176 = tpu.memref_slice %arg10[%dma_start3A_174, %dma_start3A_175] : memref<512x64xbf16, #tpu.memory_space<vmem>> -> memref<128x64xbf16, #tpu.memory_space<vmem>>
      %dma_start3A_177 = arith.constant 0 : i32
      %dma_start3A_178 = tpu.memref_slice %arg8[%select_n3A_140, %dma_start3A_173, %dma_start3A_177] : memref<2x8x128xi32, #tpu.memory_space<vmem>> -> memref<1x1x128xi32, #tpu.memory_space<vmem>>
      %dma_start3A_179 = tpu.memref_squeeze %dma_start3A_178 : memref<1x1x128xi32, #tpu.memory_space<vmem>> -> memref<128xi32, #tpu.memory_space<vmem>>
      %dma_start3A_180 = arith.constant 0 : i32
      %dma_start3A_181 = arith.constant 0 : i32
      %dma_start3A_182 = tpu.memref_slice %arg2[%dma_start3A_180, %dma_start3A_181] : memref<10240x64xbf16, #tpu.memory_space<hbm>> -> memref<10240x64xbf16, #tpu.memory_space<hbm>>
      tpu.enqueue_indirect_dma source(%dma_start3A_182 : memref<10240x64xbf16, #tpu.memory_space<hbm>>) target(%dma_start3A_176 : memref<128x64xbf16, #tpu.memory_space<vmem>>) offsets(%dma_start3A_179 : memref<128xi32, #tpu.memory_space<vmem>>) semaphore(%arg12 : memref<!tpu.dma_semaphore, #tpu.memory_space<semaphore_mem>>)
      %ne3A_183 = arith.constant 0 : i32
      %ne3A_184 = arith.cmpi ne, %add3A_128, %ne3A_183 : i32
      %convert_element_type3A_185 = arith.extui %ne3A_184 : i1 to i32
      %cond3A_186 = arith.constant 0 : i32
      %cond3A_187 = arith.cmpi ne, %convert_element_type3A_185, %cond3A_186 : i32
      scf.if %cond3A_187 {
        %dma_wait3A_394 = arith.constant 0 : i32
        %dma_wait3A_395 = arith.constant 0 : i32
        %dma_wait3A_396 = tpu.memref_slice %arg11[%dma_wait3A_394, %dma_wait3A_395] : memref<512x64xbf16, #tpu.memory_space<vmem>> -> memref<128x64xbf16, #tpu.memory_space<vmem>>
        %dma_wait3A_397 = arith.constant 0 : i32
        %dma_wait3A_398 = arith.constant 0 : i32
        %dma_wait3A_399 = tpu.memref_slice %arg7[%dma_wait3A_397, %dma_wait3A_398] : memref<10240x64xbf16, #tpu.memory_space<vmem_shared>> -> memref<128x64xbf16, #tpu.memory_space<vmem_shared>>
        %dma_wait3A_400 = arith.constant 0 : i32
        %dma_wait3A_401 = arith.constant 0 : i32
        %dma_wait3A_402 = tpu.memref_slice %arg7[%dma_wait3A_400, %dma_wait3A_401] : memref<10240x64xbf16, #tpu.memory_space<vmem_shared>> -> memref<128x64xbf16, #tpu.memory_space<vmem_shared>>
        %dma_wait3A_403 = arith.constant 0 : i32
        %dma_wait3A_404 = arith.constant 0 : i32
        %dma_wait3A_405 = tpu.memref_slice %arg11[%dma_wait3A_403, %dma_wait3A_404] : memref<512x64xbf16, #tpu.memory_space<vmem>> -> memref<128x64xbf16, #tpu.memory_space<vmem>>
        tpu.wait_dma2 semaphore(%arg14 : memref<!tpu.dma_semaphore, #tpu.memory_space<semaphore_mem>>) src(%dma_wait3A_405 : memref<128x64xbf16, #tpu.memory_space<vmem>>) dst(%dma_wait3A_402 : memref<128x64xbf16, #tpu.memory_space<vmem_shared>>)
        %dma_wait3A_406 = arith.constant 128 : i32
        %dma_wait3A_407 = arith.constant 0 : i32
        %dma_wait3A_408 = tpu.memref_slice %arg11[%dma_wait3A_406, %dma_wait3A_407] : memref<512x64xbf16, #tpu.memory_space<vmem>> -> memref<128x64xbf16, #tpu.memory_space<vmem>>
        %dma_wait3A_409 = arith.constant 0 : i32
        %dma_wait3A_410 = arith.constant 0 : i32
        %dma_wait3A_411 = tpu.memref_slice %arg7[%dma_wait3A_409, %dma_wait3A_410] : memref<10240x64xbf16, #tpu.memory_space<vmem_shared>> -> memref<128x64xbf16, #tpu.memory_space<vmem_shared>>
        %dma_wait3A_412 = arith.constant 0 : i32
        %dma_wait3A_413 = arith.constant 0 : i32
        %dma_wait3A_414 = tpu.memref_slice %arg7[%dma_wait3A_412, %dma_wait3A_413] : memref<10240x64xbf16, #tpu.memory_space<vmem_shared>> -> memref<128x64xbf16, #tpu.memory_space<vmem_shared>>
        %dma_wait3A_415 = arith.constant 128 : i32
        %dma_wait3A_416 = arith.constant 0 : i32
        %dma_wait3A_417 = tpu.memref_slice %arg11[%dma_wait3A_415, %dma_wait3A_416] : memref<512x64xbf16, #tpu.memory_space<vmem>> -> memref<128x64xbf16, #tpu.memory_space<vmem>>
        tpu.wait_dma2 semaphore(%arg14 : memref<!tpu.dma_semaphore, #tpu.memory_space<semaphore_mem>>) src(%dma_wait3A_417 : memref<128x64xbf16, #tpu.memory_space<vmem>>) dst(%dma_wait3A_414 : memref<128x64xbf16, #tpu.memory_space<vmem_shared>>)
        %dma_wait3A_418 = arith.constant 256 : i32
        %dma_wait3A_419 = arith.constant 0 : i32
        %dma_wait3A_420 = tpu.memref_slice %arg11[%dma_wait3A_418, %dma_wait3A_419] : memref<512x64xbf16, #tpu.memory_space<vmem>> -> memref<128x64xbf16, #tpu.memory_space<vmem>>
        %dma_wait3A_421 = arith.constant 0 : i32
        %dma_wait3A_422 = arith.constant 0 : i32
        %dma_wait3A_423 = tpu.memref_slice %arg7[%dma_wait3A_421, %dma_wait3A_422] : memref<10240x64xbf16, #tpu.memory_space<vmem_shared>> -> memref<128x64xbf16, #tpu.memory_space<vmem_shared>>
        %dma_wait3A_424 = arith.constant 0 : i32
        %dma_wait3A_425 = arith.constant 0 : i32
        %dma_wait3A_426 = tpu.memref_slice %arg7[%dma_wait3A_424, %dma_wait3A_425] : memref<10240x64xbf16, #tpu.memory_space<vmem_shared>> -> memref<128x64xbf16, #tpu.memory_space<vmem_shared>>
        %dma_wait3A_427 = arith.constant 256 : i32
        %dma_wait3A_428 = arith.constant 0 : i32
        %dma_wait3A_429 = tpu.memref_slice %arg11[%dma_wait3A_427, %dma_wait3A_428] : memref<512x64xbf16, #tpu.memory_space<vmem>> -> memref<128x64xbf16, #tpu.memory_space<vmem>>
        tpu.wait_dma2 semaphore(%arg14 : memref<!tpu.dma_semaphore, #tpu.memory_space<semaphore_mem>>) src(%dma_wait3A_429 : memref<128x64xbf16, #tpu.memory_space<vmem>>) dst(%dma_wait3A_426 : memref<128x64xbf16, #tpu.memory_space<vmem_shared>>)
        %dma_wait3A_430 = arith.constant 384 : i32
        %dma_wait3A_431 = arith.constant 0 : i32
        %dma_wait3A_432 = tpu.memref_slice %arg11[%dma_wait3A_430, %dma_wait3A_431] : memref<512x64xbf16, #tpu.memory_space<vmem>> -> memref<128x64xbf16, #tpu.memory_space<vmem>>
        %dma_wait3A_433 = arith.constant 0 : i32
        %dma_wait3A_434 = arith.constant 0 : i32
        %dma_wait3A_435 = tpu.memref_slice %arg7[%dma_wait3A_433, %dma_wait3A_434] : memref<10240x64xbf16, #tpu.memory_space<vmem_shared>> -> memref<128x64xbf16, #tpu.memory_space<vmem_shared>>
        %dma_wait3A_436 = arith.constant 0 : i32
        %dma_wait3A_437 = arith.constant 0 : i32
        %dma_wait3A_438 = tpu.memref_slice %arg7[%dma_wait3A_436, %dma_wait3A_437] : memref<10240x64xbf16, #tpu.memory_space<vmem_shared>> -> memref<128x64xbf16, #tpu.memory_space<vmem_shared>>
        %dma_wait3A_439 = arith.constant 384 : i32
        %dma_wait3A_440 = arith.constant 0 : i32
        %dma_wait3A_441 = tpu.memref_slice %arg11[%dma_wait3A_439, %dma_wait3A_440] : memref<512x64xbf16, #tpu.memory_space<vmem>> -> memref<128x64xbf16, #tpu.memory_space<vmem>>
        tpu.wait_dma2 semaphore(%arg14 : memref<!tpu.dma_semaphore, #tpu.memory_space<semaphore_mem>>) src(%dma_wait3A_441 : memref<128x64xbf16, #tpu.memory_space<vmem>>) dst(%dma_wait3A_438 : memref<128x64xbf16, #tpu.memory_space<vmem_shared>>)
      } else {
      }
      %dma_wait3A_188 = arith.constant 0 : i32
      %dma_wait3A_189 = arith.constant 0 : i32
      %dma_wait3A_190 = arith.constant 0 : i32
      %dma_wait3A_191 = tpu.memref_slice %arg10[%dma_wait3A_189, %dma_wait3A_190] : memref<512x64xbf16, #tpu.memory_space<vmem>> -> memref<128x64xbf16, #tpu.memory_space<vmem>>
      %dma_wait3A_192 = arith.constant 0 : i32
      %dma_wait3A_193 = tpu.memref_slice %arg8[%select_n3A_140, %dma_wait3A_188, %dma_wait3A_192] : memref<2x8x128xi32, #tpu.memory_space<vmem>> -> memref<1x1x128xi32, #tpu.memory_space<vmem>>
      %dma_wait3A_194 = tpu.memref_squeeze %dma_wait3A_193 : memref<1x1x128xi32, #tpu.memory_space<vmem>> -> memref<128xi32, #tpu.memory_space<vmem>>
      %dma_wait3A_195 = arith.constant 0 : i32
      %dma_wait3A_196 = arith.constant 0 : i32
      %dma_wait3A_197 = tpu.memref_slice %arg2[%dma_wait3A_195, %dma_wait3A_196] : memref<10240x64xbf16, #tpu.memory_space<hbm>> -> memref<10240x64xbf16, #tpu.memory_space<hbm>>
      tpu.wait_indirect_dma semaphore(%arg12 : memref<!tpu.dma_semaphore, #tpu.memory_space<semaphore_mem>>) src(%dma_wait3A_197 : memref<10240x64xbf16, #tpu.memory_space<hbm>>) dst(%dma_wait3A_191 : memref<128x64xbf16, #tpu.memory_space<vmem>>)
      %dma_wait3A_198 = arith.constant 1 : i32
      %dma_wait3A_199 = arith.constant 128 : i32
      %dma_wait3A_200 = arith.constant 0 : i32
      %dma_wait3A_201 = tpu.memref_slice %arg10[%dma_wait3A_199, %dma_wait3A_200] : memref<512x64xbf16, #tpu.memory_space<vmem>> -> memref<128x64xbf16, #tpu.memory_space<vmem>>
      %dma_wait3A_202 = arith.constant 0 : i32
      %dma_wait3A_203 = tpu.memref_slice %arg8[%select_n3A_140, %dma_wait3A_198, %dma_wait3A_202] : memref<2x8x128xi32, #tpu.memory_space<vmem>> -> memref<1x1x128xi32, #tpu.memory_space<vmem>>
      %dma_wait3A_204 = tpu.memref_squeeze %dma_wait3A_203 : memref<1x1x128xi32, #tpu.memory_space<vmem>> -> memref<128xi32, #tpu.memory_space<vmem>>
      %dma_wait3A_205 = arith.constant 0 : i32
      %dma_wait3A_206 = arith.constant 0 : i32
      %dma_wait3A_207 = tpu.memref_slice %arg2[%dma_wait3A_205, %dma_wait3A_206] : memref<10240x64xbf16, #tpu.memory_space<hbm>> -> memref<10240x64xbf16, #tpu.memory_space<hbm>>
      tpu.wait_indirect_dma semaphore(%arg12 : memref<!tpu.dma_semaphore, #tpu.memory_space<semaphore_mem>>) src(%dma_wait3A_207 : memref<10240x64xbf16, #tpu.memory_space<hbm>>) dst(%dma_wait3A_201 : memref<128x64xbf16, #tpu.memory_space<vmem>>)
      %dma_wait3A_208 = arith.constant 2 : i32
      %dma_wait3A_209 = arith.constant 256 : i32
      %dma_wait3A_210 = arith.constant 0 : i32
      %dma_wait3A_211 = tpu.memref_slice %arg10[%dma_wait3A_209, %dma_wait3A_210] : memref<512x64xbf16, #tpu.memory_space<vmem>> -> memref<128x64xbf16, #tpu.memory_space<vmem>>
      %dma_wait3A_212 = arith.constant 0 : i32
      %dma_wait3A_213 = tpu.memref_slice %arg8[%select_n3A_140, %dma_wait3A_208, %dma_wait3A_212] : memref<2x8x128xi32, #tpu.memory_space<vmem>> -> memref<1x1x128xi32, #tpu.memory_space<vmem>>
      %dma_wait3A_214 = tpu.memref_squeeze %dma_wait3A_213 : memref<1x1x128xi32, #tpu.memory_space<vmem>> -> memref<128xi32, #tpu.memory_space<vmem>>
      %dma_wait3A_215 = arith.constant 0 : i32
      %dma_wait3A_216 = arith.constant 0 : i32
      %dma_wait3A_217 = tpu.memref_slice %arg2[%dma_wait3A_215, %dma_wait3A_216] : memref<10240x64xbf16, #tpu.memory_space<hbm>> -> memref<10240x64xbf16, #tpu.memory_space<hbm>>
      tpu.wait_indirect_dma semaphore(%arg12 : memref<!tpu.dma_semaphore, #tpu.memory_space<semaphore_mem>>) src(%dma_wait3A_217 : memref<10240x64xbf16, #tpu.memory_space<hbm>>) dst(%dma_wait3A_211 : memref<128x64xbf16, #tpu.memory_space<vmem>>)
      %dma_wait3A_218 = arith.constant 3 : i32
      %dma_wait3A_219 = arith.constant 384 : i32
      %dma_wait3A_220 = arith.constant 0 : i32
      %dma_wait3A_221 = tpu.memref_slice %arg10[%dma_wait3A_219, %dma_wait3A_220] : memref<512x64xbf16, #tpu.memory_space<vmem>> -> memref<128x64xbf16, #tpu.memory_space<vmem>>
      %dma_wait3A_222 = arith.constant 0 : i32
      %dma_wait3A_223 = tpu.memref_slice %arg8[%select_n3A_140, %dma_wait3A_218, %dma_wait3A_222] : memref<2x8x128xi32, #tpu.memory_space<vmem>> -> memref<1x1x128xi32, #tpu.memory_space<vmem>>
      %dma_wait3A_224 = tpu.memref_squeeze %dma_wait3A_223 : memref<1x1x128xi32, #tpu.memory_space<vmem>> -> memref<128xi32, #tpu.memory_space<vmem>>
      %dma_wait3A_225 = arith.constant 0 : i32
      %dma_wait3A_226 = arith.constant 0 : i32
      %dma_wait3A_227 = tpu.memref_slice %arg2[%dma_wait3A_225, %dma_wait3A_226] : memref<10240x64xbf16, #tpu.memory_space<hbm>> -> memref<10240x64xbf16, #tpu.memory_space<hbm>>
      tpu.wait_indirect_dma semaphore(%arg12 : memref<!tpu.dma_semaphore, #tpu.memory_space<semaphore_mem>>) src(%dma_wait3A_227 : memref<10240x64xbf16, #tpu.memory_space<hbm>>) dst(%dma_wait3A_221 : memref<128x64xbf16, #tpu.memory_space<vmem>>)
      %dma_start3A_228 = arith.constant 0 : i32
      %dma_start3A_229 = arith.constant 0 : i32
      %dma_start3A_230 = arith.constant 0 : i32
      %dma_start3A_231 = tpu.memref_slice %arg10[%dma_start3A_229, %dma_start3A_230] : memref<512x64xbf16, #tpu.memory_space<vmem>> -> memref<128x64xbf16, #tpu.memory_space<vmem>>
      %dma_start3A_232 = arith.constant 0 : i32
      %dma_start3A_233 = tpu.memref_slice %arg9[%select_n3A_140, %dma_start3A_228, %dma_start3A_232] : memref<2x8x128xi32, #tpu.memory_space<vmem>> -> memref<1x1x128xi32, #tpu.memory_space<vmem>>
      %dma_start3A_234 = tpu.memref_squeeze %dma_start3A_233 : memref<1x1x128xi32, #tpu.memory_space<vmem>> -> memref<128xi32, #tpu.memory_space<vmem>>
      %dma_start3A_235 = arith.constant 0 : i32
      %dma_start3A_236 = arith.constant 0 : i32
      %dma_start3A_237 = tpu.memref_slice %arg7[%dma_start3A_235, %dma_start3A_236] : memref<10240x64xbf16, #tpu.memory_space<vmem_shared>> -> memref<10240x64xbf16, #tpu.memory_space<vmem_shared>>
      tpu.enqueue_indirect_dma source(%dma_start3A_231 : memref<128x64xbf16, #tpu.memory_space<vmem>>) target(%dma_start3A_237 : memref<10240x64xbf16, #tpu.memory_space<vmem_shared>>) offsets(%dma_start3A_234 : memref<128xi32, #tpu.memory_space<vmem>>) semaphore(%arg13 : memref<!tpu.dma_semaphore, #tpu.memory_space<semaphore_mem>>) {add = true}
      %dma_start3A_238 = arith.constant 1 : i32
      %dma_start3A_239 = arith.constant 128 : i32
      %dma_start3A_240 = arith.constant 0 : i32
      %dma_start3A_241 = tpu.memref_slice %arg10[%dma_start3A_239, %dma_start3A_240] : memref<512x64xbf16, #tpu.memory_space<vmem>> -> memref<128x64xbf16, #tpu.memory_space<vmem>>
      %dma_start3A_242 = arith.constant 0 : i32
      %dma_start3A_243 = tpu.memref_slice %arg9[%select_n3A_140, %dma_start3A_238, %dma_start3A_242] : memref<2x8x128xi32, #tpu.memory_space<vmem>> -> memref<1x1x128xi32, #tpu.memory_space<vmem>>
      %dma_start3A_244 = tpu.memref_squeeze %dma_start3A_243 : memref<1x1x128xi32, #tpu.memory_space<vmem>> -> memref<128xi32, #tpu.memory_space<vmem>>
      %dma_start3A_245 = arith.constant 0 : i32
      %dma_start3A_246 = arith.constant 0 : i32
      %dma_start3A_247 = tpu.memref_slice %arg7[%dma_start3A_245, %dma_start3A_246] : memref<10240x64xbf16, #tpu.memory_space<vmem_shared>> -> memref<10240x64xbf16, #tpu.memory_space<vmem_shared>>
      tpu.enqueue_indirect_dma source(%dma_start3A_241 : memref<128x64xbf16, #tpu.memory_space<vmem>>) target(%dma_start3A_247 : memref<10240x64xbf16, #tpu.memory_space<vmem_shared>>) offsets(%dma_start3A_244 : memref<128xi32, #tpu.memory_space<vmem>>) semaphore(%arg13 : memref<!tpu.dma_semaphore, #tpu.memory_space<semaphore_mem>>) {add = true}
      %dma_start3A_248 = arith.constant 2 : i32
      %dma_start3A_249 = arith.constant 256 : i32
      %dma_start3A_250 = arith.constant 0 : i32
      %dma_start3A_251 = tpu.memref_slice %arg10[%dma_start3A_249, %dma_start3A_250] : memref<512x64xbf16, #tpu.memory_space<vmem>> -> memref<128x64xbf16, #tpu.memory_space<vmem>>
      %dma_start3A_252 = arith.constant 0 : i32
      %dma_start3A_253 = tpu.memref_slice %arg9[%select_n3A_140, %dma_start3A_248, %dma_start3A_252] : memref<2x8x128xi32, #tpu.memory_space<vmem>> -> memref<1x1x128xi32, #tpu.memory_space<vmem>>
      %dma_start3A_254 = tpu.memref_squeeze %dma_start3A_253 : memref<1x1x128xi32, #tpu.memory_space<vmem>> -> memref<128xi32, #tpu.memory_space<vmem>>
      %dma_start3A_255 = arith.constant 0 : i32
      %dma_start3A_256 = arith.constant 0 : i32
      %dma_start3A_257 = tpu.memref_slice %arg7[%dma_start3A_255, %dma_start3A_256] : memref<10240x64xbf16, #tpu.memory_space<vmem_shared>> -> memref<10240x64xbf16, #tpu.memory_space<vmem_shared>>
      tpu.enqueue_indirect_dma source(%dma_start3A_251 : memref<128x64xbf16, #tpu.memory_space<vmem>>) target(%dma_start3A_257 : memref<10240x64xbf16, #tpu.memory_space<vmem_shared>>) offsets(%dma_start3A_254 : memref<128xi32, #tpu.memory_space<vmem>>) semaphore(%arg13 : memref<!tpu.dma_semaphore, #tpu.memory_space<semaphore_mem>>) {add = true}
      %dma_start3A_258 = arith.constant 3 : i32
      %dma_start3A_259 = arith.constant 384 : i32
      %dma_start3A_260 = arith.constant 0 : i32
      %dma_start3A_261 = tpu.memref_slice %arg10[%dma_start3A_259, %dma_start3A_260] : memref<512x64xbf16, #tpu.memory_space<vmem>> -> memref<128x64xbf16, #tpu.memory_space<vmem>>
      %dma_start3A_262 = arith.constant 0 : i32
      %dma_start3A_263 = tpu.memref_slice %arg9[%select_n3A_140, %dma_start3A_258, %dma_start3A_262] : memref<2x8x128xi32, #tpu.memory_space<vmem>> -> memref<1x1x128xi32, #tpu.memory_space<vmem>>
      %dma_start3A_264 = tpu.memref_squeeze %dma_start3A_263 : memref<1x1x128xi32, #tpu.memory_space<vmem>> -> memref<128xi32, #tpu.memory_space<vmem>>
      %dma_start3A_265 = arith.constant 0 : i32
      %dma_start3A_266 = arith.constant 0 : i32
      %dma_start3A_267 = tpu.memref_slice %arg7[%dma_start3A_265, %dma_start3A_266] : memref<10240x64xbf16, #tpu.memory_space<vmem_shared>> -> memref<10240x64xbf16, #tpu.memory_space<vmem_shared>>
      tpu.enqueue_indirect_dma source(%dma_start3A_261 : memref<128x64xbf16, #tpu.memory_space<vmem>>) target(%dma_start3A_267 : memref<10240x64xbf16, #tpu.memory_space<vmem_shared>>) offsets(%dma_start3A_264 : memref<128xi32, #tpu.memory_space<vmem>>) semaphore(%arg13 : memref<!tpu.dma_semaphore, #tpu.memory_space<semaphore_mem>>) {add = true}
      %dma_start3A_268 = arith.constant 4 : i32
      %dma_start3A_269 = arith.constant 0 : i32
      %dma_start3A_270 = arith.constant 0 : i32
      %dma_start3A_271 = tpu.memref_slice %arg11[%dma_start3A_269, %dma_start3A_270] : memref<512x64xbf16, #tpu.memory_space<vmem>> -> memref<128x64xbf16, #tpu.memory_space<vmem>>
      %dma_start3A_272 = arith.constant 0 : i32
      %dma_start3A_273 = tpu.memref_slice %arg8[%select_n3A_140, %dma_start3A_268, %dma_start3A_272] : memref<2x8x128xi32, #tpu.memory_space<vmem>> -> memref<1x1x128xi32, #tpu.memory_space<vmem>>
      %dma_start3A_274 = tpu.memref_squeeze %dma_start3A_273 : memref<1x1x128xi32, #tpu.memory_space<vmem>> -> memref<128xi32, #tpu.memory_space<vmem>>
      %dma_start3A_275 = arith.constant 0 : i32
      %dma_start3A_276 = arith.constant 0 : i32
      %dma_start3A_277 = tpu.memref_slice %arg2[%dma_start3A_275, %dma_start3A_276] : memref<10240x64xbf16, #tpu.memory_space<hbm>> -> memref<10240x64xbf16, #tpu.memory_space<hbm>>
      tpu.enqueue_indirect_dma source(%dma_start3A_277 : memref<10240x64xbf16, #tpu.memory_space<hbm>>) target(%dma_start3A_271 : memref<128x64xbf16, #tpu.memory_space<vmem>>) offsets(%dma_start3A_274 : memref<128xi32, #tpu.memory_space<vmem>>) semaphore(%arg12 : memref<!tpu.dma_semaphore, #tpu.memory_space<semaphore_mem>>)
      %dma_start3A_278 = arith.constant 5 : i32
      %dma_start3A_279 = arith.constant 128 : i32
      %dma_start3A_280 = arith.constant 0 : i32
      %dma_start3A_281 = tpu.memref_slice %arg11[%dma_start3A_279, %dma_start3A_280] : memref<512x64xbf16, #tpu.memory_space<vmem>> -> memref<128x64xbf16, #tpu.memory_space<vmem>>
      %dma_start3A_282 = arith.constant 0 : i32
      %dma_start3A_283 = tpu.memref_slice %arg8[%select_n3A_140, %dma_start3A_278, %dma_start3A_282] : memref<2x8x128xi32, #tpu.memory_space<vmem>> -> memref<1x1x128xi32, #tpu.memory_space<vmem>>
      %dma_start3A_284 = tpu.memref_squeeze %dma_start3A_283 : memref<1x1x128xi32, #tpu.memory_space<vmem>> -> memref<128xi32, #tpu.memory_space<vmem>>
      %dma_start3A_285 = arith.constant 0 : i32
      %dma_start3A_286 = arith.constant 0 : i32
      %dma_start3A_287 = tpu.memref_slice %arg2[%dma_start3A_285, %dma_start3A_286] : memref<10240x64xbf16, #tpu.memory_space<hbm>> -> memref<10240x64xbf16, #tpu.memory_space<hbm>>
      tpu.enqueue_indirect_dma source(%dma_start3A_287 : memref<10240x64xbf16, #tpu.memory_space<hbm>>) target(%dma_start3A_281 : memref<128x64xbf16, #tpu.memory_space<vmem>>) offsets(%dma_start3A_284 : memref<128xi32, #tpu.memory_space<vmem>>) semaphore(%arg12 : memref<!tpu.dma_semaphore, #tpu.memory_space<semaphore_mem>>)
      %dma_start3A_288 = arith.constant 6 : i32
      %dma_start3A_289 = arith.constant 256 : i32
      %dma_start3A_290 = arith.constant 0 : i32
      %dma_start3A_291 = tpu.memref_slice %arg11[%dma_start3A_289, %dma_start3A_290] : memref<512x64xbf16, #tpu.memory_space<vmem>> -> memref<128x64xbf16, #tpu.memory_space<vmem>>
      %dma_start3A_292 = arith.constant 0 : i32
      %dma_start3A_293 = tpu.memref_slice %arg8[%select_n3A_140, %dma_start3A_288, %dma_start3A_292] : memref<2x8x128xi32, #tpu.memory_space<vmem>> -> memref<1x1x128xi32, #tpu.memory_space<vmem>>
      %dma_start3A_294 = tpu.memref_squeeze %dma_start3A_293 : memref<1x1x128xi32, #tpu.memory_space<vmem>> -> memref<128xi32, #tpu.memory_space<vmem>>
      %dma_start3A_295 = arith.constant 0 : i32
      %dma_start3A_296 = arith.constant 0 : i32
      %dma_start3A_297 = tpu.memref_slice %arg2[%dma_start3A_295, %dma_start3A_296] : memref<10240x64xbf16, #tpu.memory_space<hbm>> -> memref<10240x64xbf16, #tpu.memory_space<hbm>>
      tpu.enqueue_indirect_dma source(%dma_start3A_297 : memref<10240x64xbf16, #tpu.memory_space<hbm>>) target(%dma_start3A_291 : memref<128x64xbf16, #tpu.memory_space<vmem>>) offsets(%dma_start3A_294 : memref<128xi32, #tpu.memory_space<vmem>>) semaphore(%arg12 : memref<!tpu.dma_semaphore, #tpu.memory_space<semaphore_mem>>)
      %dma_start3A_298 = arith.constant 7 : i32
      %dma_start3A_299 = arith.constant 384 : i32
      %dma_start3A_300 = arith.constant 0 : i32
      %dma_start3A_301 = tpu.memref_slice %arg11[%dma_start3A_299, %dma_start3A_300] : memref<512x64xbf16, #tpu.memory_space<vmem>> -> memref<128x64xbf16, #tpu.memory_space<vmem>>
      %dma_start3A_302 = arith.constant 0 : i32
      %dma_start3A_303 = tpu.memref_slice %arg8[%select_n3A_140, %dma_start3A_298, %dma_start3A_302] : memref<2x8x128xi32, #tpu.memory_space<vmem>> -> memref<1x1x128xi32, #tpu.memory_space<vmem>>
      %dma_start3A_304 = tpu.memref_squeeze %dma_start3A_303 : memref<1x1x128xi32, #tpu.memory_space<vmem>> -> memref<128xi32, #tpu.memory_space<vmem>>
      %dma_start3A_305 = arith.constant 0 : i32
      %dma_start3A_306 = arith.constant 0 : i32
      %dma_start3A_307 = tpu.memref_slice %arg2[%dma_start3A_305, %dma_start3A_306] : memref<10240x64xbf16, #tpu.memory_space<hbm>> -> memref<10240x64xbf16, #tpu.memory_space<hbm>>
      tpu.enqueue_indirect_dma source(%dma_start3A_307 : memref<10240x64xbf16, #tpu.memory_space<hbm>>) target(%dma_start3A_301 : memref<128x64xbf16, #tpu.memory_space<vmem>>) offsets(%dma_start3A_304 : memref<128xi32, #tpu.memory_space<vmem>>) semaphore(%arg12 : memref<!tpu.dma_semaphore, #tpu.memory_space<semaphore_mem>>)
      %sub3A_308 = arith.constant 1 : i32
      %sub3A_309 = arith.subi %select_n3A_10, %sub3A_308 : i32
      %ne3A_310 = arith.cmpi ne, %add3A_128, %sub3A_309 : i32
      %convert_element_type3A_311 = arith.extui %ne3A_310 : i1 to i32
      %cond3A_312 = arith.constant 0 : i32
      %cond3A_313 = arith.cmpi ne, %convert_element_type3A_311, %cond3A_312 : i32
      scf.if %cond3A_313 {
        %add3A_394 = arith.constant 1 : i32
        %add3A_395 = arith.addi %add3A_128, %add3A_394 : i32
        %sub3A_396 = arith.constant 1 : i32
        %sub3A_397 = arith.subi %sub3A_396, %select_n3A_140 : i32
        %mul3A_398 = arith.constant 8 : i32
        %mul3A_399 = arith.muli %add3A_395, %mul3A_398 : i32
        %add3A_400 = arith.addi %select_n3A, %mul3A_399 : i32
        "tpu.region"() ({
          %run_scoped3A_401 = tpu.sem_alloc : memref<!tpu.dma_semaphore, #tpu.memory_space<semaphore_mem>>
          %dma_start3A_402 = arith.constant 0 : i32
          %dma_start3A_403 = arith.constant 0 : i32
          %dma_start3A_404 = tpu.memref_slice %arg8[%sub3A_397, %dma_start3A_402, %dma_start3A_403] : memref<2x8x128xi32, #tpu.memory_space<vmem>> -> memref<1x8x128xi32, #tpu.memory_space<vmem>>
          %dma_start3A_405 = tpu.memref_squeeze %dma_start3A_404 : memref<1x8x128xi32, #tpu.memory_space<vmem>> -> memref<8x128xi32, #tpu.memory_space<vmem>>
          %dma_start3A_406 = arith.constant 0 : i32
          %dma_start3A_407 = tpu.memref_slice %arg3[%add3A_400, %dma_start3A_406] : memref<2560x128xi32, #tpu.memory_space<hbm>> -> memref<8x128xi32, #tpu.memory_space<hbm>>
          %dma_start3A_408 = arith.constant 0 : i32
          %dma_start3A_409 = arith.constant 0 : i32
          %dma_start3A_410 = tpu.memref_slice %arg8[%sub3A_397, %dma_start3A_408, %dma_start3A_409] : memref<2x8x128xi32, #tpu.memory_space<vmem>> -> memref<1x8x128xi32, #tpu.memory_space<vmem>>
          %dma_start3A_411 = tpu.memref_squeeze %dma_start3A_410 : memref<1x8x128xi32, #tpu.memory_space<vmem>> -> memref<8x128xi32, #tpu.memory_space<vmem>>
          %dma_start3A_412 = arith.constant 0 : i32
          %dma_start3A_413 = tpu.memref_slice %arg3[%add3A_400, %dma_start3A_412] : memref<2560x128xi32, #tpu.memory_space<hbm>> -> memref<8x128xi32, #tpu.memory_space<hbm>>
          tpu.enqueue_dma source(%dma_start3A_413 : memref<8x128xi32, #tpu.memory_space<hbm>>) target(%dma_start3A_411 : memref<8x128xi32, #tpu.memory_space<vmem>>) target_semaphore(%run_scoped3A_401 : memref<!tpu.dma_semaphore, #tpu.memory_space<semaphore_mem>>)
          %dma_wait3A_414 = arith.constant 0 : i32
          %dma_wait3A_415 = arith.constant 0 : i32
          %dma_wait3A_416 = tpu.memref_slice %arg8[%sub3A_397, %dma_wait3A_414, %dma_wait3A_415] : memref<2x8x128xi32, #tpu.memory_space<vmem>> -> memref<1x8x128xi32, #tpu.memory_space<vmem>>
          %dma_wait3A_417 = tpu.memref_squeeze %dma_wait3A_416 : memref<1x8x128xi32, #tpu.memory_space<vmem>> -> memref<8x128xi32, #tpu.memory_space<vmem>>
          %dma_wait3A_418 = arith.constant 0 : i32
          %dma_wait3A_419 = tpu.memref_slice %arg3[%add3A_400, %dma_wait3A_418] : memref<2560x128xi32, #tpu.memory_space<hbm>> -> memref<8x128xi32, #tpu.memory_space<hbm>>
          %dma_wait3A_420 = arith.constant 0 : i32
          %dma_wait3A_421 = arith.constant 0 : i32
          %dma_wait3A_422 = tpu.memref_slice %arg8[%sub3A_397, %dma_wait3A_420, %dma_wait3A_421] : memref<2x8x128xi32, #tpu.memory_space<vmem>> -> memref<1x8x128xi32, #tpu.memory_space<vmem>>
          %dma_wait3A_423 = tpu.memref_squeeze %dma_wait3A_422 : memref<1x8x128xi32, #tpu.memory_space<vmem>> -> memref<8x128xi32, #tpu.memory_space<vmem>>
          %dma_wait3A_424 = arith.constant 0 : i32
          %dma_wait3A_425 = tpu.memref_slice %arg3[%add3A_400, %dma_wait3A_424] : memref<2560x128xi32, #tpu.memory_space<hbm>> -> memref<8x128xi32, #tpu.memory_space<hbm>>
          tpu.wait_dma2 semaphore(%run_scoped3A_401 : memref<!tpu.dma_semaphore, #tpu.memory_space<semaphore_mem>>) src(%dma_wait3A_425 : memref<8x128xi32, #tpu.memory_space<hbm>>) dst(%dma_wait3A_423 : memref<8x128xi32, #tpu.memory_space<vmem>>)
          tpu.yield
        }) : () -> ()
        "tpu.region"() ({
          %run_scoped3A_401 = tpu.sem_alloc : memref<!tpu.dma_semaphore, #tpu.memory_space<semaphore_mem>>
          %dma_start3A_402 = arith.constant 0 : i32
          %dma_start3A_403 = arith.constant 0 : i32
          %dma_start3A_404 = tpu.memref_slice %arg9[%sub3A_397, %dma_start3A_402, %dma_start3A_403] : memref<2x8x128xi32, #tpu.memory_space<vmem>> -> memref<1x8x128xi32, #tpu.memory_space<vmem>>
          %dma_start3A_405 = tpu.memref_squeeze %dma_start3A_404 : memref<1x8x128xi32, #tpu.memory_space<vmem>> -> memref<8x128xi32, #tpu.memory_space<vmem>>
          %dma_start3A_406 = arith.constant 0 : i32
          %dma_start3A_407 = tpu.memref_slice %arg4[%add3A_400, %dma_start3A_406] : memref<2560x128xi32, #tpu.memory_space<hbm>> -> memref<8x128xi32, #tpu.memory_space<hbm>>
          %dma_start3A_408 = arith.constant 0 : i32
          %dma_start3A_409 = arith.constant 0 : i32
          %dma_start3A_410 = tpu.memref_slice %arg9[%sub3A_397, %dma_start3A_408, %dma_start3A_409] : memref<2x8x128xi32, #tpu.memory_space<vmem>> -> memref<1x8x128xi32, #tpu.memory_space<vmem>>
          %dma_start3A_411 = tpu.memref_squeeze %dma_start3A_410 : memref<1x8x128xi32, #tpu.memory_space<vmem>> -> memref<8x128xi32, #tpu.memory_space<vmem>>
          %dma_start3A_412 = arith.constant 0 : i32
          %dma_start3A_413 = tpu.memref_slice %arg4[%add3A_400, %dma_start3A_412] : memref<2560x128xi32, #tpu.memory_space<hbm>> -> memref<8x128xi32, #tpu.memory_space<hbm>>
          tpu.enqueue_dma source(%dma_start3A_413 : memref<8x128xi32, #tpu.memory_space<hbm>>) target(%dma_start3A_411 : memref<8x128xi32, #tpu.memory_space<vmem>>) target_semaphore(%run_scoped3A_401 : memref<!tpu.dma_semaphore, #tpu.memory_space<semaphore_mem>>)
          %dma_wait3A_414 = arith.constant 0 : i32
          %dma_wait3A_415 = arith.constant 0 : i32
          %dma_wait3A_416 = tpu.memref_slice %arg9[%sub3A_397, %dma_wait3A_414, %dma_wait3A_415] : memref<2x8x128xi32, #tpu.memory_space<vmem>> -> memref<1x8x128xi32, #tpu.memory_space<vmem>>
          %dma_wait3A_417 = tpu.memref_squeeze %dma_wait3A_416 : memref<1x8x128xi32, #tpu.memory_space<vmem>> -> memref<8x128xi32, #tpu.memory_space<vmem>>
          %dma_wait3A_418 = arith.constant 0 : i32
          %dma_wait3A_419 = tpu.memref_slice %arg4[%add3A_400, %dma_wait3A_418] : memref<2560x128xi32, #tpu.memory_space<hbm>> -> memref<8x128xi32, #tpu.memory_space<hbm>>
          %dma_wait3A_420 = arith.constant 0 : i32
          %dma_wait3A_421 = arith.constant 0 : i32
          %dma_wait3A_422 = tpu.memref_slice %arg9[%sub3A_397, %dma_wait3A_420, %dma_wait3A_421] : memref<2x8x128xi32, #tpu.memory_space<vmem>> -> memref<1x8x128xi32, #tpu.memory_space<vmem>>
          %dma_wait3A_423 = tpu.memref_squeeze %dma_wait3A_422 : memref<1x8x128xi32, #tpu.memory_space<vmem>> -> memref<8x128xi32, #tpu.memory_space<vmem>>
          %dma_wait3A_424 = arith.constant 0 : i32
          %dma_wait3A_425 = tpu.memref_slice %arg4[%add3A_400, %dma_wait3A_424] : memref<2560x128xi32, #tpu.memory_space<hbm>> -> memref<8x128xi32, #tpu.memory_space<hbm>>
          tpu.wait_dma2 semaphore(%run_scoped3A_401 : memref<!tpu.dma_semaphore, #tpu.memory_space<semaphore_mem>>) src(%dma_wait3A_425 : memref<8x128xi32, #tpu.memory_space<hbm>>) dst(%dma_wait3A_423 : memref<8x128xi32, #tpu.memory_space<vmem>>)
          tpu.yield
        }) : () -> ()
      } else {
      }
      %dma_wait3A_314 = arith.constant 4 : i32
      %dma_wait3A_315 = arith.constant 0 : i32
      %dma_wait3A_316 = arith.constant 0 : i32
      %dma_wait3A_317 = tpu.memref_slice %arg11[%dma_wait3A_315, %dma_wait3A_316] : memref<512x64xbf16, #tpu.memory_space<vmem>> -> memref<128x64xbf16, #tpu.memory_space<vmem>>
      %dma_wait3A_318 = arith.constant 0 : i32
      %dma_wait3A_319 = tpu.memref_slice %arg8[%select_n3A_140, %dma_wait3A_314, %dma_wait3A_318] : memref<2x8x128xi32, #tpu.memory_space<vmem>> -> memref<1x1x128xi32, #tpu.memory_space<vmem>>
      %dma_wait3A_320 = tpu.memref_squeeze %dma_wait3A_319 : memref<1x1x128xi32, #tpu.memory_space<vmem>> -> memref<128xi32, #tpu.memory_space<vmem>>
      %dma_wait3A_321 = arith.constant 0 : i32
      %dma_wait3A_322 = arith.constant 0 : i32
      %dma_wait3A_323 = tpu.memref_slice %arg2[%dma_wait3A_321, %dma_wait3A_322] : memref<10240x64xbf16, #tpu.memory_space<hbm>> -> memref<10240x64xbf16, #tpu.memory_space<hbm>>
      tpu.wait_indirect_dma semaphore(%arg12 : memref<!tpu.dma_semaphore, #tpu.memory_space<semaphore_mem>>) src(%dma_wait3A_323 : memref<10240x64xbf16, #tpu.memory_space<hbm>>) dst(%dma_wait3A_317 : memref<128x64xbf16, #tpu.memory_space<vmem>>)
      %dma_wait3A_324 = arith.constant 5 : i32
      %dma_wait3A_325 = arith.constant 128 : i32
      %dma_wait3A_326 = arith.constant 0 : i32
      %dma_wait3A_327 = tpu.memref_slice %arg11[%dma_wait3A_325, %dma_wait3A_326] : memref<512x64xbf16, #tpu.memory_space<vmem>> -> memref<128x64xbf16, #tpu.memory_space<vmem>>
      %dma_wait3A_328 = arith.constant 0 : i32
      %dma_wait3A_329 = tpu.memref_slice %arg8[%select_n3A_140, %dma_wait3A_324, %dma_wait3A_328] : memref<2x8x128xi32, #tpu.memory_space<vmem>> -> memref<1x1x128xi32, #tpu.memory_space<vmem>>
      %dma_wait3A_330 = tpu.memref_squeeze %dma_wait3A_329 : memref<1x1x128xi32, #tpu.memory_space<vmem>> -> memref<128xi32, #tpu.memory_space<vmem>>
      %dma_wait3A_331 = arith.constant 0 : i32
      %dma_wait3A_332 = arith.constant 0 : i32
      %dma_wait3A_333 = tpu.memref_slice %arg2[%dma_wait3A_331, %dma_wait3A_332] : memref<10240x64xbf16, #tpu.memory_space<hbm>> -> memref<10240x64xbf16, #tpu.memory_space<hbm>>
      tpu.wait_indirect_dma semaphore(%arg12 : memref<!tpu.dma_semaphore, #tpu.memory_space<semaphore_mem>>) src(%dma_wait3A_333 : memref<10240x64xbf16, #tpu.memory_space<hbm>>) dst(%dma_wait3A_327 : memref<128x64xbf16, #tpu.memory_space<vmem>>)
      %dma_wait3A_334 = arith.constant 6 : i32
      %dma_wait3A_335 = arith.constant 256 : i32
      %dma_wait3A_336 = arith.constant 0 : i32
      %dma_wait3A_337 = tpu.memref_slice %arg11[%dma_wait3A_335, %dma_wait3A_336] : memref<512x64xbf16, #tpu.memory_space<vmem>> -> memref<128x64xbf16, #tpu.memory_space<vmem>>
      %dma_wait3A_338 = arith.constant 0 : i32
      %dma_wait3A_339 = tpu.memref_slice %arg8[%select_n3A_140, %dma_wait3A_334, %dma_wait3A_338] : memref<2x8x128xi32, #tpu.memory_space<vmem>> -> memref<1x1x128xi32, #tpu.memory_space<vmem>>
      %dma_wait3A_340 = tpu.memref_squeeze %dma_wait3A_339 : memref<1x1x128xi32, #tpu.memory_space<vmem>> -> memref<128xi32, #tpu.memory_space<vmem>>
      %dma_wait3A_341 = arith.constant 0 : i32
      %dma_wait3A_342 = arith.constant 0 : i32
      %dma_wait3A_343 = tpu.memref_slice %arg2[%dma_wait3A_341, %dma_wait3A_342] : memref<10240x64xbf16, #tpu.memory_space<hbm>> -> memref<10240x64xbf16, #tpu.memory_space<hbm>>
      tpu.wait_indirect_dma semaphore(%arg12 : memref<!tpu.dma_semaphore, #tpu.memory_space<semaphore_mem>>) src(%dma_wait3A_343 : memref<10240x64xbf16, #tpu.memory_space<hbm>>) dst(%dma_wait3A_337 : memref<128x64xbf16, #tpu.memory_space<vmem>>)
      %dma_wait3A_344 = arith.constant 7 : i32
      %dma_wait3A_345 = arith.constant 384 : i32
      %dma_wait3A_346 = arith.constant 0 : i32
      %dma_wait3A_347 = tpu.memref_slice %arg11[%dma_wait3A_345, %dma_wait3A_346] : memref<512x64xbf16, #tpu.memory_space<vmem>> -> memref<128x64xbf16, #tpu.memory_space<vmem>>
      %dma_wait3A_348 = arith.constant 0 : i32
      %dma_wait3A_349 = tpu.memref_slice %arg8[%select_n3A_140, %dma_wait3A_344, %dma_wait3A_348] : memref<2x8x128xi32, #tpu.memory_space<vmem>> -> memref<1x1x128xi32, #tpu.memory_space<vmem>>
      %dma_wait3A_350 = tpu.memref_squeeze %dma_wait3A_349 : memref<1x1x128xi32, #tpu.memory_space<vmem>> -> memref<128xi32, #tpu.memory_space<vmem>>
      %dma_wait3A_351 = arith.constant 0 : i32
      %dma_wait3A_352 = arith.constant 0 : i32
      %dma_wait3A_353 = tpu.memref_slice %arg2[%dma_wait3A_351, %dma_wait3A_352] : memref<10240x64xbf16, #tpu.memory_space<hbm>> -> memref<10240x64xbf16, #tpu.memory_space<hbm>>
      tpu.wait_indirect_dma semaphore(%arg12 : memref<!tpu.dma_semaphore, #tpu.memory_space<semaphore_mem>>) src(%dma_wait3A_353 : memref<10240x64xbf16, #tpu.memory_space<hbm>>) dst(%dma_wait3A_347 : memref<128x64xbf16, #tpu.memory_space<vmem>>)
      %dma_start3A_354 = arith.constant 4 : i32
      %dma_start3A_355 = arith.constant 0 : i32
      %dma_start3A_356 = arith.constant 0 : i32
      %dma_start3A_357 = tpu.memref_slice %arg11[%dma_start3A_355, %dma_start3A_356] : memref<512x64xbf16, #tpu.memory_space<vmem>> -> memref<128x64xbf16, #tpu.memory_space<vmem>>
      %dma_start3A_358 = arith.constant 0 : i32
      %dma_start3A_359 = tpu.memref_slice %arg9[%select_n3A_140, %dma_start3A_354, %dma_start3A_358] : memref<2x8x128xi32, #tpu.memory_space<vmem>> -> memref<1x1x128xi32, #tpu.memory_space<vmem>>
      %dma_start3A_360 = tpu.memref_squeeze %dma_start3A_359 : memref<1x1x128xi32, #tpu.memory_space<vmem>> -> memref<128xi32, #tpu.memory_space<vmem>>
      %dma_start3A_361 = arith.constant 0 : i32
      %dma_start3A_362 = arith.constant 0 : i32
      %dma_start3A_363 = tpu.memref_slice %arg7[%dma_start3A_361, %dma_start3A_362] : memref<10240x64xbf16, #tpu.memory_space<vmem_shared>> -> memref<10240x64xbf16, #tpu.memory_space<vmem_shared>>
      tpu.enqueue_indirect_dma source(%dma_start3A_357 : memref<128x64xbf16, #tpu.memory_space<vmem>>) target(%dma_start3A_363 : memref<10240x64xbf16, #tpu.memory_space<vmem_shared>>) offsets(%dma_start3A_360 : memref<128xi32, #tpu.memory_space<vmem>>) semaphore(%arg14 : memref<!tpu.dma_semaphore, #tpu.memory_space<semaphore_mem>>) {add = true}
      %dma_start3A_364 = arith.constant 5 : i32
      %dma_start3A_365 = arith.constant 128 : i32
      %dma_start3A_366 = arith.constant 0 : i32
      %dma_start3A_367 = tpu.memref_slice %arg11[%dma_start3A_365, %dma_start3A_366] : memref<512x64xbf16, #tpu.memory_space<vmem>> -> memref<128x64xbf16, #tpu.memory_space<vmem>>
      %dma_start3A_368 = arith.constant 0 : i32
      %dma_start3A_369 = tpu.memref_slice %arg9[%select_n3A_140, %dma_start3A_364, %dma_start3A_368] : memref<2x8x128xi32, #tpu.memory_space<vmem>> -> memref<1x1x128xi32, #tpu.memory_space<vmem>>
      %dma_start3A_370 = tpu.memref_squeeze %dma_start3A_369 : memref<1x1x128xi32, #tpu.memory_space<vmem>> -> memref<128xi32, #tpu.memory_space<vmem>>
      %dma_start3A_371 = arith.constant 0 : i32
      %dma_start3A_372 = arith.constant 0 : i32
      %dma_start3A_373 = tpu.memref_slice %arg7[%dma_start3A_371, %dma_start3A_372] : memref<10240x64xbf16, #tpu.memory_space<vmem_shared>> -> memref<10240x64xbf16, #tpu.memory_space<vmem_shared>>
      tpu.enqueue_indirect_dma source(%dma_start3A_367 : memref<128x64xbf16, #tpu.memory_space<vmem>>) target(%dma_start3A_373 : memref<10240x64xbf16, #tpu.memory_space<vmem_shared>>) offsets(%dma_start3A_370 : memref<128xi32, #tpu.memory_space<vmem>>) semaphore(%arg14 : memref<!tpu.dma_semaphore, #tpu.memory_space<semaphore_mem>>) {add = true}
      %dma_start3A_374 = arith.constant 6 : i32
      %dma_start3A_375 = arith.constant 256 : i32
      %dma_start3A_376 = arith.constant 0 : i32
      %dma_start3A_377 = tpu.memref_slice %arg11[%dma_start3A_375, %dma_start3A_376] : memref<512x64xbf16, #tpu.memory_space<vmem>> -> memref<128x64xbf16, #tpu.memory_space<vmem>>
      %dma_start3A_378 = arith.constant 0 : i32
      %dma_start3A_379 = tpu.memref_slice %arg9[%select_n3A_140, %dma_start3A_374, %dma_start3A_378] : memref<2x8x128xi32, #tpu.memory_space<vmem>> -> memref<1x1x128xi32, #tpu.memory_space<vmem>>
      %dma_start3A_380 = tpu.memref_squeeze %dma_start3A_379 : memref<1x1x128xi32, #tpu.memory_space<vmem>> -> memref<128xi32, #tpu.memory_space<vmem>>
      %dma_start3A_381 = arith.constant 0 : i32
      %dma_start3A_382 = arith.constant 0 : i32
      %dma_start3A_383 = tpu.memref_slice %arg7[%dma_start3A_381, %dma_start3A_382] : memref<10240x64xbf16, #tpu.memory_space<vmem_shared>> -> memref<10240x64xbf16, #tpu.memory_space<vmem_shared>>
      tpu.enqueue_indirect_dma source(%dma_start3A_377 : memref<128x64xbf16, #tpu.memory_space<vmem>>) target(%dma_start3A_383 : memref<10240x64xbf16, #tpu.memory_space<vmem_shared>>) offsets(%dma_start3A_380 : memref<128xi32, #tpu.memory_space<vmem>>) semaphore(%arg14 : memref<!tpu.dma_semaphore, #tpu.memory_space<semaphore_mem>>) {add = true}
      %dma_start3A_384 = arith.constant 7 : i32
      %dma_start3A_385 = arith.constant 384 : i32
      %dma_start3A_386 = arith.constant 0 : i32
      %dma_start3A_387 = tpu.memref_slice %arg11[%dma_start3A_385, %dma_start3A_386] : memref<512x64xbf16, #tpu.memory_space<vmem>> -> memref<128x64xbf16, #tpu.memory_space<vmem>>
      %dma_start3A_388 = arith.constant 0 : i32
      %dma_start3A_389 = tpu.memref_slice %arg9[%select_n3A_140, %dma_start3A_384, %dma_start3A_388] : memref<2x8x128xi32, #tpu.memory_space<vmem>> -> memref<1x1x128xi32, #tpu.memory_space<vmem>>
      %dma_start3A_390 = tpu.memref_squeeze %dma_start3A_389 : memref<1x1x128xi32, #tpu.memory_space<vmem>> -> memref<128xi32, #tpu.memory_space<vmem>>
      %dma_start3A_391 = arith.constant 0 : i32
      %dma_start3A_392 = arith.constant 0 : i32
      %dma_start3A_393 = tpu.memref_slice %arg7[%dma_start3A_391, %dma_start3A_392] : memref<10240x64xbf16, #tpu.memory_space<vmem_shared>> -> memref<10240x64xbf16, #tpu.memory_space<vmem_shared>>
      tpu.enqueue_indirect_dma source(%dma_start3A_387 : memref<128x64xbf16, #tpu.memory_space<vmem>>) target(%dma_start3A_393 : memref<10240x64xbf16, #tpu.memory_space<vmem_shared>>) offsets(%dma_start3A_390 : memref<128xi32, #tpu.memory_space<vmem>>) semaphore(%arg14 : memref<!tpu.dma_semaphore, #tpu.memory_space<semaphore_mem>>) {add = true}
    }
    %dma_wait3A = arith.constant 0 : i32
    %dma_wait3A_30 = arith.constant 0 : i32
    %dma_wait3A_31 = tpu.memref_slice %arg10[%dma_wait3A, %dma_wait3A_30] : memref<512x64xbf16, #tpu.memory_space<vmem>> -> memref<128x64xbf16, #tpu.memory_space<vmem>>
    %dma_wait3A_32 = arith.constant 0 : i32
    %dma_wait3A_33 = arith.constant 0 : i32
    %dma_wait3A_34 = tpu.memref_slice %arg7[%dma_wait3A_32, %dma_wait3A_33] : memref<10240x64xbf16, #tpu.memory_space<vmem_shared>> -> memref<128x64xbf16, #tpu.memory_space<vmem_shared>>
    %dma_wait3A_35 = arith.constant 0 : i32
    %dma_wait3A_36 = arith.constant 0 : i32
    %dma_wait3A_37 = tpu.memref_slice %arg7[%dma_wait3A_35, %dma_wait3A_36] : memref<10240x64xbf16, #tpu.memory_space<vmem_shared>> -> memref<128x64xbf16, #tpu.memory_space<vmem_shared>>
    %dma_wait3A_38 = arith.constant 0 : i32
    %dma_wait3A_39 = arith.constant 0 : i32
    %dma_wait3A_40 = tpu.memref_slice %arg10[%dma_wait3A_38, %dma_wait3A_39] : memref<512x64xbf16, #tpu.memory_space<vmem>> -> memref<128x64xbf16, #tpu.memory_space<vmem>>
    tpu.wait_dma2 semaphore(%arg13 : memref<!tpu.dma_semaphore, #tpu.memory_space<semaphore_mem>>) src(%dma_wait3A_40 : memref<128x64xbf16, #tpu.memory_space<vmem>>) dst(%dma_wait3A_37 : memref<128x64xbf16, #tpu.memory_space<vmem_shared>>)
    %dma_wait3A_41 = arith.constant 128 : i32
    %dma_wait3A_42 = arith.constant 0 : i32
    %dma_wait3A_43 = tpu.memref_slice %arg10[%dma_wait3A_41, %dma_wait3A_42] : memref<512x64xbf16, #tpu.memory_space<vmem>> -> memref<128x64xbf16, #tpu.memory_space<vmem>>
    %dma_wait3A_44 = arith.constant 0 : i32
    %dma_wait3A_45 = arith.constant 0 : i32
    %dma_wait3A_46 = tpu.memref_slice %arg7[%dma_wait3A_44, %dma_wait3A_45] : memref<10240x64xbf16, #tpu.memory_space<vmem_shared>> -> memref<128x64xbf16, #tpu.memory_space<vmem_shared>>
    %dma_wait3A_47 = arith.constant 0 : i32
    %dma_wait3A_48 = arith.constant 0 : i32
    %dma_wait3A_49 = tpu.memref_slice %arg7[%dma_wait3A_47, %dma_wait3A_48] : memref<10240x64xbf16, #tpu.memory_space<vmem_shared>> -> memref<128x64xbf16, #tpu.memory_space<vmem_shared>>
    %dma_wait3A_50 = arith.constant 128 : i32
    %dma_wait3A_51 = arith.constant 0 : i32
    %dma_wait3A_52 = tpu.memref_slice %arg10[%dma_wait3A_50, %dma_wait3A_51] : memref<512x64xbf16, #tpu.memory_space<vmem>> -> memref<128x64xbf16, #tpu.memory_space<vmem>>
    tpu.wait_dma2 semaphore(%arg13 : memref<!tpu.dma_semaphore, #tpu.memory_space<semaphore_mem>>) src(%dma_wait3A_52 : memref<128x64xbf16, #tpu.memory_space<vmem>>) dst(%dma_wait3A_49 : memref<128x64xbf16, #tpu.memory_space<vmem_shared>>)
    %dma_wait3A_53 = arith.constant 256 : i32
    %dma_wait3A_54 = arith.constant 0 : i32
    %dma_wait3A_55 = tpu.memref_slice %arg10[%dma_wait3A_53, %dma_wait3A_54] : memref<512x64xbf16, #tpu.memory_space<vmem>> -> memref<128x64xbf16, #tpu.memory_space<vmem>>
    %dma_wait3A_56 = arith.constant 0 : i32
    %dma_wait3A_57 = arith.constant 0 : i32
    %dma_wait3A_58 = tpu.memref_slice %arg7[%dma_wait3A_56, %dma_wait3A_57] : memref<10240x64xbf16, #tpu.memory_space<vmem_shared>> -> memref<128x64xbf16, #tpu.memory_space<vmem_shared>>
    %dma_wait3A_59 = arith.constant 0 : i32
    %dma_wait3A_60 = arith.constant 0 : i32
    %dma_wait3A_61 = tpu.memref_slice %arg7[%dma_wait3A_59, %dma_wait3A_60] : memref<10240x64xbf16, #tpu.memory_space<vmem_shared>> -> memref<128x64xbf16, #tpu.memory_space<vmem_shared>>
    %dma_wait3A_62 = arith.constant 256 : i32
    %dma_wait3A_63 = arith.constant 0 : i32
    %dma_wait3A_64 = tpu.memref_slice %arg10[%dma_wait3A_62, %dma_wait3A_63] : memref<512x64xbf16, #tpu.memory_space<vmem>> -> memref<128x64xbf16, #tpu.memory_space<vmem>>
    tpu.wait_dma2 semaphore(%arg13 : memref<!tpu.dma_semaphore, #tpu.memory_space<semaphore_mem>>) src(%dma_wait3A_64 : memref<128x64xbf16, #tpu.memory_space<vmem>>) dst(%dma_wait3A_61 : memref<128x64xbf16, #tpu.memory_space<vmem_shared>>)
    %dma_wait3A_65 = arith.constant 384 : i32
    %dma_wait3A_66 = arith.constant 0 : i32
    %dma_wait3A_67 = tpu.memref_slice %arg10[%dma_wait3A_65, %dma_wait3A_66] : memref<512x64xbf16, #tpu.memory_space<vmem>> -> memref<128x64xbf16, #tpu.memory_space<vmem>>
    %dma_wait3A_68 = arith.constant 0 : i32
    %dma_wait3A_69 = arith.constant 0 : i32
    %dma_wait3A_70 = tpu.memref_slice %arg7[%dma_wait3A_68, %dma_wait3A_69] : memref<10240x64xbf16, #tpu.memory_space<vmem_shared>> -> memref<128x64xbf16, #tpu.memory_space<vmem_shared>>
    %dma_wait3A_71 = arith.constant 0 : i32
    %dma_wait3A_72 = arith.constant 0 : i32
    %dma_wait3A_73 = tpu.memref_slice %arg7[%dma_wait3A_71, %dma_wait3A_72] : memref<10240x64xbf16, #tpu.memory_space<vmem_shared>> -> memref<128x64xbf16, #tpu.memory_space<vmem_shared>>
    %dma_wait3A_74 = arith.constant 384 : i32
    %dma_wait3A_75 = arith.constant 0 : i32
    %dma_wait3A_76 = tpu.memref_slice %arg10[%dma_wait3A_74, %dma_wait3A_75] : memref<512x64xbf16, #tpu.memory_space<vmem>> -> memref<128x64xbf16, #tpu.memory_space<vmem>>
    tpu.wait_dma2 semaphore(%arg13 : memref<!tpu.dma_semaphore, #tpu.memory_space<semaphore_mem>>) src(%dma_wait3A_76 : memref<128x64xbf16, #tpu.memory_space<vmem>>) dst(%dma_wait3A_73 : memref<128x64xbf16, #tpu.memory_space<vmem_shared>>)
    %dma_wait3A_77 = arith.constant 0 : i32
    %dma_wait3A_78 = arith.constant 0 : i32
    %dma_wait3A_79 = tpu.memref_slice %arg11[%dma_wait3A_77, %dma_wait3A_78] : memref<512x64xbf16, #tpu.memory_space<vmem>> -> memref<128x64xbf16, #tpu.memory_space<vmem>>
    %dma_wait3A_80 = arith.constant 0 : i32
    %dma_wait3A_81 = arith.constant 0 : i32
    %dma_wait3A_82 = tpu.memref_slice %arg7[%dma_wait3A_80, %dma_wait3A_81] : memref<10240x64xbf16, #tpu.memory_space<vmem_shared>> -> memref<128x64xbf16, #tpu.memory_space<vmem_shared>>
    %dma_wait3A_83 = arith.constant 0 : i32
    %dma_wait3A_84 = arith.constant 0 : i32
    %dma_wait3A_85 = tpu.memref_slice %arg7[%dma_wait3A_83, %dma_wait3A_84] : memref<10240x64xbf16, #tpu.memory_space<vmem_shared>> -> memref<128x64xbf16, #tpu.memory_space<vmem_shared>>
    %dma_wait3A_86 = arith.constant 0 : i32
    %dma_wait3A_87 = arith.constant 0 : i32
    %dma_wait3A_88 = tpu.memref_slice %arg11[%dma_wait3A_86, %dma_wait3A_87] : memref<512x64xbf16, #tpu.memory_space<vmem>> -> memref<128x64xbf16, #tpu.memory_space<vmem>>
    tpu.wait_dma2 semaphore(%arg14 : memref<!tpu.dma_semaphore, #tpu.memory_space<semaphore_mem>>) src(%dma_wait3A_88 : memref<128x64xbf16, #tpu.memory_space<vmem>>) dst(%dma_wait3A_85 : memref<128x64xbf16, #tpu.memory_space<vmem_shared>>)
    %dma_wait3A_89 = arith.constant 128 : i32
    %dma_wait3A_90 = arith.constant 0 : i32
    %dma_wait3A_91 = tpu.memref_slice %arg11[%dma_wait3A_89, %dma_wait3A_90] : memref<512x64xbf16, #tpu.memory_space<vmem>> -> memref<128x64xbf16, #tpu.memory_space<vmem>>
    %dma_wait3A_92 = arith.constant 0 : i32
    %dma_wait3A_93 = arith.constant 0 : i32
    %dma_wait3A_94 = tpu.memref_slice %arg7[%dma_wait3A_92, %dma_wait3A_93] : memref<10240x64xbf16, #tpu.memory_space<vmem_shared>> -> memref<128x64xbf16, #tpu.memory_space<vmem_shared>>
    %dma_wait3A_95 = arith.constant 0 : i32
    %dma_wait3A_96 = arith.constant 0 : i32
    %dma_wait3A_97 = tpu.memref_slice %arg7[%dma_wait3A_95, %dma_wait3A_96] : memref<10240x64xbf16, #tpu.memory_space<vmem_shared>> -> memref<128x64xbf16, #tpu.memory_space<vmem_shared>>
    %dma_wait3A_98 = arith.constant 128 : i32
    %dma_wait3A_99 = arith.constant 0 : i32
    %dma_wait3A_100 = tpu.memref_slice %arg11[%dma_wait3A_98, %dma_wait3A_99] : memref<512x64xbf16, #tpu.memory_space<vmem>> -> memref<128x64xbf16, #tpu.memory_space<vmem>>
    tpu.wait_dma2 semaphore(%arg14 : memref<!tpu.dma_semaphore, #tpu.memory_space<semaphore_mem>>) src(%dma_wait3A_100 : memref<128x64xbf16, #tpu.memory_space<vmem>>) dst(%dma_wait3A_97 : memref<128x64xbf16, #tpu.memory_space<vmem_shared>>)
    %dma_wait3A_101 = arith.constant 256 : i32
    %dma_wait3A_102 = arith.constant 0 : i32
    %dma_wait3A_103 = tpu.memref_slice %arg11[%dma_wait3A_101, %dma_wait3A_102] : memref<512x64xbf16, #tpu.memory_space<vmem>> -> memref<128x64xbf16, #tpu.memory_space<vmem>>
    %dma_wait3A_104 = arith.constant 0 : i32
    %dma_wait3A_105 = arith.constant 0 : i32
    %dma_wait3A_106 = tpu.memref_slice %arg7[%dma_wait3A_104, %dma_wait3A_105] : memref<10240x64xbf16, #tpu.memory_space<vmem_shared>> -> memref<128x64xbf16, #tpu.memory_space<vmem_shared>>
    %dma_wait3A_107 = arith.constant 0 : i32
    %dma_wait3A_108 = arith.constant 0 : i32
    %dma_wait3A_109 = tpu.memref_slice %arg7[%dma_wait3A_107, %dma_wait3A_108] : memref<10240x64xbf16, #tpu.memory_space<vmem_shared>> -> memref<128x64xbf16, #tpu.memory_space<vmem_shared>>
    %dma_wait3A_110 = arith.constant 256 : i32
    %dma_wait3A_111 = arith.constant 0 : i32
    %dma_wait3A_112 = tpu.memref_slice %arg11[%dma_wait3A_110, %dma_wait3A_111] : memref<512x64xbf16, #tpu.memory_space<vmem>> -> memref<128x64xbf16, #tpu.memory_space<vmem>>
    tpu.wait_dma2 semaphore(%arg14 : memref<!tpu.dma_semaphore, #tpu.memory_space<semaphore_mem>>) src(%dma_wait3A_112 : memref<128x64xbf16, #tpu.memory_space<vmem>>) dst(%dma_wait3A_109 : memref<128x64xbf16, #tpu.memory_space<vmem_shared>>)
    %dma_wait3A_113 = arith.constant 384 : i32
    %dma_wait3A_114 = arith.constant 0 : i32
    %dma_wait3A_115 = tpu.memref_slice %arg11[%dma_wait3A_113, %dma_wait3A_114] : memref<512x64xbf16, #tpu.memory_space<vmem>> -> memref<128x64xbf16, #tpu.memory_space<vmem>>
    %dma_wait3A_116 = arith.constant 0 : i32
    %dma_wait3A_117 = arith.constant 0 : i32
    %dma_wait3A_118 = tpu.memref_slice %arg7[%dma_wait3A_116, %dma_wait3A_117] : memref<10240x64xbf16, #tpu.memory_space<vmem_shared>> -> memref<128x64xbf16, #tpu.memory_space<vmem_shared>>
    %dma_wait3A_119 = arith.constant 0 : i32
    %dma_wait3A_120 = arith.constant 0 : i32
    %dma_wait3A_121 = tpu.memref_slice %arg7[%dma_wait3A_119, %dma_wait3A_120] : memref<10240x64xbf16, #tpu.memory_space<vmem_shared>> -> memref<128x64xbf16, #tpu.memory_space<vmem_shared>>
    %dma_wait3A_122 = arith.constant 384 : i32
    %dma_wait3A_123 = arith.constant 0 : i32
    %dma_wait3A_124 = tpu.memref_slice %arg11[%dma_wait3A_122, %dma_wait3A_123] : memref<512x64xbf16, #tpu.memory_space<vmem>> -> memref<128x64xbf16, #tpu.memory_space<vmem>>
    tpu.wait_dma2 semaphore(%arg14 : memref<!tpu.dma_semaphore, #tpu.memory_space<semaphore_mem>>) src(%dma_wait3A_124 : memref<128x64xbf16, #tpu.memory_space<vmem>>) dst(%dma_wait3A_121 : memref<128x64xbf16, #tpu.memory_space<vmem_shared>>)
    %barrier3A_125 = arith.constant 0 : index
    tpu.barrier barrier_id(%barrier3A_125)
    "tpu.region"() ({
      %run_scoped3A_126 = tpu.sem_alloc : memref<!tpu.dma_semaphore, #tpu.memory_space<semaphore_mem>>
      %dma_start3A = arith.constant 0 : i32
      %dma_start3A_127 = tpu.memref_slice %arg6[%arg0, %mul3A_0, %dma_start3A] : memref<2x10240x64xbf16, #tpu.memory_space<hbm>> -> memref<1x640x64xbf16, #tpu.memory_space<hbm>>
      %dma_start3A_128 = tpu.memref_squeeze %dma_start3A_127 : memref<1x640x64xbf16, #tpu.memory_space<hbm>> -> memref<640x64xbf16, #tpu.memory_space<hbm>>
      %dma_start3A_129 = arith.constant 0 : i32
      %dma_start3A_130 = tpu.memref_slice %arg7[%mul3A_0, %dma_start3A_129] : memref<10240x64xbf16, #tpu.memory_space<vmem_shared>> -> memref<640x64xbf16, #tpu.memory_space<vmem_shared>>
      tpu.enqueue_dma source(%dma_start3A_130 : memref<640x64xbf16, #tpu.memory_space<vmem_shared>>) target(%dma_start3A_128 : memref<640x64xbf16, #tpu.memory_space<hbm>>) target_semaphore(%run_scoped3A_126 : memref<!tpu.dma_semaphore, #tpu.memory_space<semaphore_mem>>)
      %dma_wait3A_131 = arith.constant 0 : i32
      %dma_wait3A_132 = tpu.memref_slice %arg6[%arg0, %mul3A_0, %dma_wait3A_131] : memref<2x10240x64xbf16, #tpu.memory_space<hbm>> -> memref<1x640x64xbf16, #tpu.memory_space<hbm>>
      %dma_wait3A_133 = tpu.memref_squeeze %dma_wait3A_132 : memref<1x640x64xbf16, #tpu.memory_space<hbm>> -> memref<640x64xbf16, #tpu.memory_space<hbm>>
      %dma_wait3A_134 = arith.constant 0 : i32
      %dma_wait3A_135 = tpu.memref_slice %arg7[%mul3A_0, %dma_wait3A_134] : memref<10240x64xbf16, #tpu.memory_space<vmem_shared>> -> memref<640x64xbf16, #tpu.memory_space<vmem_shared>>
      tpu.wait_dma2 semaphore(%run_scoped3A_126 : memref<!tpu.dma_semaphore, #tpu.memory_space<semaphore_mem>>) src(%dma_wait3A_135 : memref<640x64xbf16, #tpu.memory_space<vmem_shared>>) dst(%dma_wait3A_133 : memref<640x64xbf16, #tpu.memory_space<hbm>>)
      tpu.yield
    }) : () -> ()
    return
  }
}

module attributes {stable_mosaic.version = 14 : i64} {
  func.func @_tc_a_body(%arg0: i32, %arg1: memref<1024x128xf32, #tpu.memory_space<vmem>>, %arg2: memref<128x64xf32, #tpu.memory_space<vmem>>, %arg3: memref<128x64xf32, #tpu.memory_space<vmem>>, %arg4: memref<1x64xf32, #tpu.memory_space<vmem>>, %arg5: memref<1024x64xbf16, #tpu.memory_space<vmem>>, %arg6: memref<1024x64xf32, #tpu.memory_space<vmem>>) attributes {dimension_semantics = [#tpu.dimension_semantics<arbitrary>], iteration_bounds = array<i64: 10>, scalar_prefetch = 0 : i64, scratch_operands = 0 : i64, tpu.core_type = #tpu.core_type<tc>, window_params = [{transform_indices = @transform_0, window_bounds = array<i64: 1024, 128>}, {pipeline_mode = #tpu.pipeline_mode<synchronous>, transform_indices = @transform_1, window_bounds = array<i64: 128, 64>}, {pipeline_mode = #tpu.pipeline_mode<synchronous>, transform_indices = @transform_2, window_bounds = array<i64: 128, 64>}, {pipeline_mode = #tpu.pipeline_mode<synchronous>, transform_indices = @transform_3, window_bounds = array<i64: 1, 64>}, {transform_indices = @transform_4, window_bounds = array<i64: 1024, 64>}, {transform_indices = @transform_5, window_bounds = array<i64: 1024, 64>}]} {
    %get3A = arith.constant 0 : index
    %get3A_0 = arith.constant 0 : index
    %get3A_1 = vector.load %arg1[%get3A, %get3A_0] : memref<1024x128xf32, #tpu.memory_space<vmem>>, vector<1024x128xf32>
    %convert_element_type3A = arith.truncf %get3A_1 : vector<1024x128xf32> to vector<1024x128xbf16>
    %get3A_2 = arith.constant 0 : index
    %get3A_3 = arith.constant 0 : index
    %get3A_4 = vector.load %arg2[%get3A_2, %get3A_3] : memref<128x64xf32, #tpu.memory_space<vmem>>, vector<128x64xf32>
    %convert_element_type3A_5 = arith.truncf %get3A_4 : vector<128x64xf32> to vector<128x64xbf16>
    %dot_general3A = arith.constant dense<0.000000e+00> : vector<1024x64xf32>
    %dot_general3A_6 = tpu.matmul %convert_element_type3A, %convert_element_type3A_5, %dot_general3A {dimension_numbers = #tpu.dot_dimension_numbers<[1], [0], [0], [1], [0, 0, 1, 1], [], []>, transpose_lhs_hint = false} : vector<1024x128xbf16>, vector<128x64xbf16>, vector<1024x64xf32> -> vector<1024x64xf32>
    %convert_element_type3A_7 = arith.truncf %dot_general3A_6 : vector<1024x64xf32> to vector<1024x64xbf16>
    %swap3A = arith.constant 0 : index
    %swap3A_8 = arith.constant 0 : index
    %swap3A_9 = vector.load %arg5[%swap3A, %swap3A_8] : memref<1024x64xbf16, #tpu.memory_space<vmem>>, vector<1024x64xbf16>
    tpu.vector_store %arg5[%swap3A, %swap3A_8], %convert_element_type3A_7 {strides = array<i32>} : memref<1024x64xbf16, #tpu.memory_space<vmem>>, vector<1024x64xbf16>,
    %get3A_10 = arith.constant 0 : index
    %get3A_11 = arith.constant 0 : index
    %get3A_12 = vector.load %arg3[%get3A_10, %get3A_11] : memref<128x64xf32, #tpu.memory_space<vmem>>, vector<128x64xf32>
    %convert_element_type3A_13 = arith.truncf %get3A_12 : vector<128x64xf32> to vector<128x64xbf16>
    %dot_general3A_14 = arith.constant dense<0.000000e+00> : vector<1024x64xf32>
    %dot_general3A_15 = tpu.matmul %convert_element_type3A, %convert_element_type3A_13, %dot_general3A_14 {dimension_numbers = #tpu.dot_dimension_numbers<[1], [0], [0], [1], [0, 0, 1, 1], [], []>, transpose_lhs_hint = false} : vector<1024x128xbf16>, vector<128x64xbf16>, vector<1024x64xf32> -> vector<1024x64xf32>
    %get3A_16 = arith.constant 0 : index
    %get3A_17 = arith.constant 0 : index
    %get3A_18 = vector.load %arg4[%get3A_16, %get3A_17] : memref<1x64xf32, #tpu.memory_space<vmem>>, vector<1x64xf32>
    %add3A = vector.broadcast %get3A_18 : vector<1x64xf32> to vector<1024x64xf32>
    %add3A_19 = arith.addf %dot_general3A_15, %add3A : vector<1024x64xf32>
    %swap3A_20 = arith.constant 0 : index
    %swap3A_21 = arith.constant 0 : index
    %swap3A_22 = vector.load %arg6[%swap3A_20, %swap3A_21] : memref<1024x64xf32, #tpu.memory_space<vmem>>, vector<1024x64xf32>
    tpu.vector_store %arg6[%swap3A_20, %swap3A_21], %add3A_19 {strides = array<i32>} : memref<1024x64xf32, #tpu.memory_space<vmem>>, vector<1024x64xf32>,
    return
  }
  func.func @transform_0(%arg0: i32) -> (i32, i32) {
    %c0_i32 = arith.constant 0 : i32
    %c0_i32_0 = arith.constant 0 : i32
    return %arg0, %c0_i32 : i32, i32
  }
  func.func @transform_1(%arg0: i32) -> (i32, i32) {
    %c0_i32 = arith.constant 0 : i32
    %c0_i32_0 = arith.constant 0 : i32
    %c0_i32_1 = arith.constant 0 : i32
    return %c0_i32, %c0_i32_0 : i32, i32
  }
  func.func @transform_2(%arg0: i32) -> (i32, i32) {
    %c0_i32 = arith.constant 0 : i32
    %c0_i32_0 = arith.constant 0 : i32
    %c0_i32_1 = arith.constant 0 : i32
    return %c0_i32, %c0_i32_0 : i32, i32
  }
  func.func @transform_3(%arg0: i32) -> (i32, i32) {
    %c0_i32 = arith.constant 0 : i32
    %c0_i32_0 = arith.constant 0 : i32
    %c0_i32_1 = arith.constant 0 : i32
    return %c0_i32, %c0_i32_0 : i32, i32
  }
  func.func @transform_4(%arg0: i32) -> (i32, i32) {
    %c0_i32 = arith.constant 0 : i32
    %c0_i32_0 = arith.constant 0 : i32
    return %arg0, %c0_i32 : i32, i32
  }
  func.func @transform_5(%arg0: i32) -> (i32, i32) {
    %c0_i32 = arith.constant 0 : i32
    %c0_i32_0 = arith.constant 0 : i32
    return %arg0, %c0_i32 : i32, i32
  }
}

module attributes {stable_mosaic.version = 14 : i64} {
  func.func @_tc_b_body(%arg0: i32, %arg1: memref<2x1024x64xbf16, #tpu.memory_space<vmem>>, %arg2: memref<2x1024x16xf32, #tpu.memory_space<vmem>>, %arg3: memref<1024x64xf32, #tpu.memory_space<vmem>>, %arg4: memref<64x64xf32, #tpu.memory_space<vmem>>, %arg5: memref<64x64xf32, #tpu.memory_space<vmem>>, %arg6: memref<1x64xf32, #tpu.memory_space<vmem>>, %arg7: memref<1024x64xbf16, #tpu.memory_space<vmem>>, %arg8: memref<1024x64xf32, #tpu.memory_space<vmem>>) attributes {dimension_semantics = [#tpu.dimension_semantics<arbitrary>], iteration_bounds = array<i64: 10>, scalar_prefetch = 0 : i64, scratch_operands = 0 : i64, tpu.core_type = #tpu.core_type<tc>, window_params = [{transform_indices = @transform_0, window_bounds = array<i64: 2, 1024, 64>}, {transform_indices = @transform_1, window_bounds = array<i64: 2, 1024, 16>}, {transform_indices = @transform_2, window_bounds = array<i64: 1024, 64>}, {pipeline_mode = #tpu.pipeline_mode<synchronous>, transform_indices = @transform_3, window_bounds = array<i64: 64, 64>}, {pipeline_mode = #tpu.pipeline_mode<synchronous>, transform_indices = @transform_4, window_bounds = array<i64: 64, 64>}, {pipeline_mode = #tpu.pipeline_mode<synchronous>, transform_indices = @transform_5, window_bounds = array<i64: 1, 64>}, {transform_indices = @transform_6, window_bounds = array<i64: 1024, 64>}, {transform_indices = @transform_7, window_bounds = array<i64: 1024, 64>}]} {
    %get3A = arith.constant 0 : index
    %get3A_0 = arith.constant 0 : index
    %get3A_1 = arith.constant 0 : index
    %get3A_2 = vector.load %arg1[%get3A, %get3A_0, %get3A_1] : memref<2x1024x64xbf16, #tpu.memory_space<vmem>>, vector<2x1024x64xbf16>
    %convert_element_type3A = arith.extf %get3A_2 : vector<2x1024x64xbf16> to vector<2x1024x64xf32>
    %get3A_3 = arith.constant 0 : index
    %get3A_4 = arith.constant 0 : index
    %get3A_5 = arith.constant 0 : index
    %get3A_6 = vector.load %arg2[%get3A_3, %get3A_4, %get3A_5] : memref<2x1024x16xf32, #tpu.memory_space<vmem>>, vector<2x1024x16xf32>
    %slice3A = vector.extract_strided_slice %get3A_6 {offsets = [0, 0, 0], sizes = [1, 1024, 16], strides = [1, 1, 1]} : vector<2x1024x16xf32> to vector<1x1024x16xf32>
    %squeeze3A = vector.shape_cast %slice3A : vector<1x1024x16xf32> to vector<1024x16xf32>
    %slice3A_7 = vector.extract_strided_slice %squeeze3A {offsets = [0, 0], sizes = [1024, 1], strides = [1, 1]} : vector<1024x16xf32> to vector<1024x1xf32>
    %slice3A_8 = vector.extract_strided_slice %get3A_6 {offsets = [1, 0, 0], sizes = [1, 1024, 16], strides = [1, 1, 1]} : vector<2x1024x16xf32> to vector<1x1024x16xf32>
    %squeeze3A_9 = vector.shape_cast %slice3A_8 : vector<1x1024x16xf32> to vector<1024x16xf32>
    %slice3A_10 = vector.extract_strided_slice %squeeze3A_9 {offsets = [0, 0], sizes = [1024, 1], strides = [1, 1]} : vector<1024x16xf32> to vector<1024x1xf32>
    %add3A = arith.addf %slice3A_7, %slice3A_10 : vector<1024x1xf32>
    %slice3A_11 = vector.extract_strided_slice %convert_element_type3A {offsets = [0, 0, 0], sizes = [1, 1024, 64], strides = [1, 1, 1]} : vector<2x1024x64xf32> to vector<1x1024x64xf32>
    %squeeze3A_12 = vector.shape_cast %slice3A_11 : vector<1x1024x64xf32> to vector<1024x64xf32>
    %slice3A_13 = vector.extract_strided_slice %convert_element_type3A {offsets = [1, 0, 0], sizes = [1, 1024, 64], strides = [1, 1, 1]} : vector<2x1024x64xf32> to vector<1x1024x64xf32>
    %squeeze3A_14 = vector.shape_cast %slice3A_13 : vector<1x1024x64xf32> to vector<1024x64xf32>
    %add3A_15 = arith.addf %squeeze3A_12, %squeeze3A_14 : vector<1024x64xf32>
    %max3A = arith.constant 1.000000e+00 : f32
    %max3A_16 = vector.broadcast %max3A : f32 to vector<1024x1xf32>
    %max3A_17 = arith.maximumf %add3A, %max3A_16 : vector<1024x1xf32>
    %div3A = vector.broadcast %max3A_17 : vector<1024x1xf32> to vector<1024x64xf32>
    %div3A_18 = arith.divf %add3A_15, %div3A : vector<1024x64xf32>
    %get3A_19 = arith.constant 0 : index
    %get3A_20 = arith.constant 0 : index
    %get3A_21 = vector.load %arg3[%get3A_19, %get3A_20] : memref<1024x64xf32, #tpu.memory_space<vmem>>, vector<1024x64xf32>
    %add3A_22 = arith.addf %div3A_18, %get3A_21 : vector<1024x64xf32>
    %max3A_23 = arith.constant 0.000000e+00 : f32
    %max3A_24 = vector.broadcast %max3A_23 : f32 to vector<1024x64xf32>
    %max3A_25 = arith.maximumf %add3A_22, %max3A_24 : vector<1024x64xf32>
    %convert_element_type3A_26 = arith.truncf %max3A_25 : vector<1024x64xf32> to vector<1024x64xbf16>
    %get3A_27 = arith.constant 0 : index
    %get3A_28 = arith.constant 0 : index
    %get3A_29 = vector.load %arg4[%get3A_27, %get3A_28] : memref<64x64xf32, #tpu.memory_space<vmem>>, vector<64x64xf32>
    %dot_general3A = arith.constant dense<0.000000e+00> : vector<1024x64xf32>
    %dot_general3A_30 = tpu.matmul %convert_element_type3A_26, %get3A_29, %dot_general3A {dimension_numbers = #tpu.dot_dimension_numbers<[1], [0], [0], [1], [0, 0, 1, 1], [], []>, transpose_lhs_hint = false} : vector<1024x64xbf16>, vector<64x64xf32>, vector<1024x64xf32> -> vector<1024x64xf32>
    %convert_element_type3A_31 = arith.truncf %dot_general3A_30 : vector<1024x64xf32> to vector<1024x64xbf16>
    %swap3A = arith.constant 0 : index
    %swap3A_32 = arith.constant 0 : index
    %swap3A_33 = vector.load %arg7[%swap3A, %swap3A_32] : memref<1024x64xbf16, #tpu.memory_space<vmem>>, vector<1024x64xbf16>
    tpu.vector_store %arg7[%swap3A, %swap3A_32], %convert_element_type3A_31 {strides = array<i32>} : memref<1024x64xbf16, #tpu.memory_space<vmem>>, vector<1024x64xbf16>,
    %get3A_34 = arith.constant 0 : index
    %get3A_35 = arith.constant 0 : index
    %get3A_36 = vector.load %arg5[%get3A_34, %get3A_35] : memref<64x64xf32, #tpu.memory_space<vmem>>, vector<64x64xf32>
    %dot_general3A_37 = arith.constant dense<0.000000e+00> : vector<1024x64xf32>
    %dot_general3A_38 = tpu.matmul %convert_element_type3A_26, %get3A_36, %dot_general3A_37 {dimension_numbers = #tpu.dot_dimension_numbers<[1], [0], [0], [1], [0, 0, 1, 1], [], []>, transpose_lhs_hint = false} : vector<1024x64xbf16>, vector<64x64xf32>, vector<1024x64xf32> -> vector<1024x64xf32>
    %get3A_39 = arith.constant 0 : index
    %get3A_40 = arith.constant 0 : index
    %get3A_41 = vector.load %arg6[%get3A_39, %get3A_40] : memref<1x64xf32, #tpu.memory_space<vmem>>, vector<1x64xf32>
    %add3A_42 = vector.broadcast %get3A_41 : vector<1x64xf32> to vector<1024x64xf32>
    %add3A_43 = arith.addf %dot_general3A_38, %add3A_42 : vector<1024x64xf32>
    %swap3A_44 = arith.constant 0 : index
    %swap3A_45 = arith.constant 0 : index
    %swap3A_46 = vector.load %arg8[%swap3A_44, %swap3A_45] : memref<1024x64xf32, #tpu.memory_space<vmem>>, vector<1024x64xf32>
    tpu.vector_store %arg8[%swap3A_44, %swap3A_45], %add3A_43 {strides = array<i32>} : memref<1024x64xf32, #tpu.memory_space<vmem>>, vector<1024x64xf32>,
    return
  }
  func.func @transform_0(%arg0: i32) -> (i32, i32, i32) {
    %c0_i32 = arith.constant 0 : i32
    %c0_i32_0 = arith.constant 0 : i32
    %c0_i32_1 = arith.constant 0 : i32
    return %c0_i32, %arg0, %c0_i32_0 : i32, i32, i32
  }
  func.func @transform_1(%arg0: i32) -> (i32, i32, i32) {
    %c0_i32 = arith.constant 0 : i32
    %c0_i32_0 = arith.constant 0 : i32
    %c0_i32_1 = arith.constant 0 : i32
    return %c0_i32, %arg0, %c0_i32_0 : i32, i32, i32
  }
  func.func @transform_2(%arg0: i32) -> (i32, i32) {
    %c0_i32 = arith.constant 0 : i32
    %c0_i32_0 = arith.constant 0 : i32
    return %arg0, %c0_i32 : i32, i32
  }
  func.func @transform_3(%arg0: i32) -> (i32, i32) {
    %c0_i32 = arith.constant 0 : i32
    %c0_i32_0 = arith.constant 0 : i32
    %c0_i32_1 = arith.constant 0 : i32
    return %c0_i32, %c0_i32_0 : i32, i32
  }
  func.func @transform_4(%arg0: i32) -> (i32, i32) {
    %c0_i32 = arith.constant 0 : i32
    %c0_i32_0 = arith.constant 0 : i32
    %c0_i32_1 = arith.constant 0 : i32
    return %c0_i32, %c0_i32_0 : i32, i32
  }
  func.func @transform_5(%arg0: i32) -> (i32, i32) {
    %c0_i32 = arith.constant 0 : i32
    %c0_i32_0 = arith.constant 0 : i32
    %c0_i32_1 = arith.constant 0 : i32
    return %c0_i32, %c0_i32_0 : i32, i32
  }
  func.func @transform_6(%arg0: i32) -> (i32, i32) {
    %c0_i32 = arith.constant 0 : i32
    %c0_i32_0 = arith.constant 0 : i32
    return %arg0, %c0_i32 : i32, i32
  }
  func.func @transform_7(%arg0: i32) -> (i32, i32) {
    %c0_i32 = arith.constant 0 : i32
    %c0_i32_0 = arith.constant 0 : i32
    return %arg0, %c0_i32 : i32, i32
  }
}

module attributes {stable_mosaic.version = 14 : i64} {
  func.func @_tc_c_body(%arg0: i32, %arg1: memref<2x1024x64xbf16, #tpu.memory_space<vmem>>, %arg2: memref<2x1024x16xf32, #tpu.memory_space<vmem>>, %arg3: memref<1024x64xf32, #tpu.memory_space<vmem>>, %arg4: memref<1x64xf32, #tpu.memory_space<vmem>>, %arg5: memref<1x1xf32, #tpu.memory_space<vmem>>, %arg6: memref<1024xf32, #tpu.memory_space<vmem>>) attributes {dimension_semantics = [#tpu.dimension_semantics<arbitrary>], iteration_bounds = array<i64: 10>, scalar_prefetch = 0 : i64, scratch_operands = 0 : i64, tpu.core_type = #tpu.core_type<tc>, window_params = [{transform_indices = @transform_0, window_bounds = array<i64: 2, 1024, 64>}, {transform_indices = @transform_1, window_bounds = array<i64: 2, 1024, 16>}, {transform_indices = @transform_2, window_bounds = array<i64: 1024, 64>}, {pipeline_mode = #tpu.pipeline_mode<synchronous>, transform_indices = @transform_3, window_bounds = array<i64: 1, 64>}, {pipeline_mode = #tpu.pipeline_mode<synchronous>, transform_indices = @transform_4, window_bounds = array<i64: 1, 1>}, {transform_indices = @transform_5, window_bounds = array<i64: 1024>}]} {
    %get3A = arith.constant 0 : index
    %get3A_0 = arith.constant 0 : index
    %get3A_1 = arith.constant 0 : index
    %get3A_2 = vector.load %arg1[%get3A, %get3A_0, %get3A_1] : memref<2x1024x64xbf16, #tpu.memory_space<vmem>>, vector<2x1024x64xbf16>
    %convert_element_type3A = arith.extf %get3A_2 : vector<2x1024x64xbf16> to vector<2x1024x64xf32>
    %get3A_3 = arith.constant 0 : index
    %get3A_4 = arith.constant 0 : index
    %get3A_5 = arith.constant 0 : index
    %get3A_6 = vector.load %arg2[%get3A_3, %get3A_4, %get3A_5] : memref<2x1024x16xf32, #tpu.memory_space<vmem>>, vector<2x1024x16xf32>
    %slice3A = vector.extract_strided_slice %get3A_6 {offsets = [0, 0, 0], sizes = [1, 1024, 16], strides = [1, 1, 1]} : vector<2x1024x16xf32> to vector<1x1024x16xf32>
    %squeeze3A = vector.shape_cast %slice3A : vector<1x1024x16xf32> to vector<1024x16xf32>
    %slice3A_7 = vector.extract_strided_slice %squeeze3A {offsets = [0, 0], sizes = [1024, 1], strides = [1, 1]} : vector<1024x16xf32> to vector<1024x1xf32>
    %slice3A_8 = vector.extract_strided_slice %get3A_6 {offsets = [1, 0, 0], sizes = [1, 1024, 16], strides = [1, 1, 1]} : vector<2x1024x16xf32> to vector<1x1024x16xf32>
    %squeeze3A_9 = vector.shape_cast %slice3A_8 : vector<1x1024x16xf32> to vector<1024x16xf32>
    %slice3A_10 = vector.extract_strided_slice %squeeze3A_9 {offsets = [0, 0], sizes = [1024, 1], strides = [1, 1]} : vector<1024x16xf32> to vector<1024x1xf32>
    %add3A = arith.addf %slice3A_7, %slice3A_10 : vector<1024x1xf32>
    %slice3A_11 = vector.extract_strided_slice %convert_element_type3A {offsets = [0, 0, 0], sizes = [1, 1024, 64], strides = [1, 1, 1]} : vector<2x1024x64xf32> to vector<1x1024x64xf32>
    %squeeze3A_12 = vector.shape_cast %slice3A_11 : vector<1x1024x64xf32> to vector<1024x64xf32>
    %slice3A_13 = vector.extract_strided_slice %convert_element_type3A {offsets = [1, 0, 0], sizes = [1, 1024, 64], strides = [1, 1, 1]} : vector<2x1024x64xf32> to vector<1x1024x64xf32>
    %squeeze3A_14 = vector.shape_cast %slice3A_13 : vector<1x1024x64xf32> to vector<1024x64xf32>
    %add3A_15 = arith.addf %squeeze3A_12, %squeeze3A_14 : vector<1024x64xf32>
    %max3A = arith.constant 1.000000e+00 : f32
    %max3A_16 = vector.broadcast %max3A : f32 to vector<1024x1xf32>
    %max3A_17 = arith.maximumf %add3A, %max3A_16 : vector<1024x1xf32>
    %div3A = vector.broadcast %max3A_17 : vector<1024x1xf32> to vector<1024x64xf32>
    %div3A_18 = arith.divf %add3A_15, %div3A : vector<1024x64xf32>
    %get3A_19 = arith.constant 0 : index
    %get3A_20 = arith.constant 0 : index
    %get3A_21 = vector.load %arg3[%get3A_19, %get3A_20] : memref<1024x64xf32, #tpu.memory_space<vmem>>, vector<1024x64xf32>
    %add3A_22 = arith.addf %div3A_18, %get3A_21 : vector<1024x64xf32>
    %max3A_23 = arith.constant 0.000000e+00 : f32
    %max3A_24 = vector.broadcast %max3A_23 : f32 to vector<1024x64xf32>
    %max3A_25 = arith.maximumf %add3A_22, %max3A_24 : vector<1024x64xf32>
    %get3A_26 = arith.constant 0 : index
    %get3A_27 = arith.constant 0 : index
    %get3A_28 = vector.load %arg4[%get3A_26, %get3A_27] : memref<1x64xf32, #tpu.memory_space<vmem>>, vector<1x64xf32>
    %mul3A = vector.broadcast %get3A_28 : vector<1x64xf32> to vector<1024x64xf32>
    %mul3A_29 = arith.mulf %max3A_25, %mul3A : vector<1024x64xf32>
    %reduce_sum3A = arith.constant dense<0.000000e+00> : vector<1024xf32>
    %reduce_sum3A_30 = vector.multi_reduction <add>, %mul3A_29, %reduce_sum3A [1] : vector<1024x64xf32> to vector<1024xf32>
    %get3A_31 = arith.constant 0 : index
    %get3A_32 = arith.constant 0 : index
    %get3A_33 = vector.load %arg5[%get3A_31, %get3A_32] : memref<1x1xf32, #tpu.memory_space<vmem>>, vector<1x1xf32>
    %get3A_34 = vector.extract %get3A_33[0, 0] : f32 from vector<1x1xf32>
    %add3A_35 = vector.broadcast %get3A_34 : f32 to vector<1024xf32>
    %add3A_36 = arith.addf %reduce_sum3A_30, %add3A_35 : vector<1024xf32>
    %swap3A = arith.constant 0 : index
    %swap3A_37 = vector.load %arg6[%swap3A] : memref<1024xf32, #tpu.memory_space<vmem>>, vector<1024xf32>
    tpu.vector_store %arg6[%swap3A], %add3A_36 {strides = array<i32>} : memref<1024xf32, #tpu.memory_space<vmem>>, vector<1024xf32>,
    return
  }
  func.func @transform_0(%arg0: i32) -> (i32, i32, i32) {
    %c0_i32 = arith.constant 0 : i32
    %c0_i32_0 = arith.constant 0 : i32
    %c0_i32_1 = arith.constant 0 : i32
    return %c0_i32, %arg0, %c0_i32_0 : i32, i32, i32
  }
  func.func @transform_1(%arg0: i32) -> (i32, i32, i32) {
    %c0_i32 = arith.constant 0 : i32
    %c0_i32_0 = arith.constant 0 : i32
    %c0_i32_1 = arith.constant 0 : i32
    return %c0_i32, %arg0, %c0_i32_0 : i32, i32, i32
  }
  func.func @transform_2(%arg0: i32) -> (i32, i32) {
    %c0_i32 = arith.constant 0 : i32
    %c0_i32_0 = arith.constant 0 : i32
    return %arg0, %c0_i32 : i32, i32
  }
  func.func @transform_3(%arg0: i32) -> (i32, i32) {
    %c0_i32 = arith.constant 0 : i32
    %c0_i32_0 = arith.constant 0 : i32
    %c0_i32_1 = arith.constant 0 : i32
    return %c0_i32, %c0_i32_0 : i32, i32
  }
  func.func @transform_4(%arg0: i32) -> (i32, i32) {
    %c0_i32 = arith.constant 0 : i32
    %c0_i32_0 = arith.constant 0 : i32
    %c0_i32_1 = arith.constant 0 : i32
    return %c0_i32, %c0_i32_0 : i32, i32
  }
  func.func @transform_5(%arg0: i32) -> i32 {
    %c0_i32 = arith.constant 0 : i32
    return %arg0 : i32
  }
}

</mosaic_0001>

<sc_bundles>
// kernel: sage_edge_pass.3.cloned.1.call-start
scs
__scs_entry_jumppad:
0x0: {  	(pc) =	sbr.rel $0x88, $3  }
0x1: {  	(tag) =	ssettag $0x0;
	lr =	simm.s32 $0x1  }
0x2: {  	[smem:$0x3F97] =	sst lr;
	_ =	strace $0xD0000000  }
0x3: {  	_ = 	snop  }
0x4: {  	_ = 	snop  }
0x5: {  	_ = 	snop  }
0x6: {  	_ = 	snop  }
0x7: {  	_ = 	snop  }
__scs_overlays_trampoline_lowered:
0x8: {  	[smem:$0x3FA6] =	sst s0  }
0x9: {  	[smem:$0x3FA7] =	sst s1  }
0xa: {  	[smem:$0x3FA8] =	sst s2  }
0xb: {  	[smem:$0x3FA9] =	sst s3  }
0xc: {  	[smem:$0x3FAA] =	sst s4  }
0xd: {  	[smem:$0x3FAB] =	sst s5  }
0xe: {  	[smem:$0x3FAC] =	sst s6  }
0xf: {  	[smem:$0x3FAD] =	sst s7  }
0x10: {  	[smem:$0x3FAE] =	sst s8  }
0x11: {  	[smem:$0x3FAF] =	sst s9;
	s0 =	simm.s32 @!p0 $0x0  }
0x12: {  	s1 =	sld [smem:$0x3F95];
	s0 =	simm.s32 @p0 $0x1  }
0x13: {  	[smem:$0x3FB0] =	sst s0;
	s0 =	simm.s32 @!p1 $0x0  }
0x14: {  	s2 =	sld [smem:$0x3F94];
	s0 =	simm.s32 @p1 $0x1  }
0x15: {  	[smem:$0x3FB1] =	sst s0;
	s0 =	simm.s32 @!p2 $0x0  }
0x16: {  	s3 =	sld [smem:$0x3FDB];
	s0 =	simm.s32 @p2 $0x1  }
0x17: {  	s4 =	simm.s32 $0x1BF5;
	[smem:$0x3FB3] =	sst s0  }
0x18: {  	s0 =	sld [smem:$0x3F96];
	_ =	swait.ge [sflag:s4], $0x0  }
0x19: {  	s7 =	sld [smem:$0x3F97]  }
0x1a: {  	s8 =	sadd.s32 $0xFFFFE003, lr  }
0x1b: {  	s9 =	sadd.s32 $0xFFFFFEF7, lr;
	s5 =	simm.s32 $0xFFFFFFFF;
	p2 =	slt.u32 s8, $0xFFFFF086  }
0x1c: {  	p1 =	slt.u32 s9, $0xF7A;
	s5 =	simm.s32 @!p2 $0x0  }
0x1d: {  	s5 =	simm.s32 @p1 $0x1;
	p0 =	seq.s32 s7, s2  }
0x1e: {  	s7 =	smul.u32 @!p0 $0xF7A, s2;
	p2 =	seq.s32 @!p0 s5, $0x0  }
0x1f: {  	s9 =	smul.u32 $0xF7A, s1;
	s8 =	simm.s32 @!p0 $0x1BF5;
	p2 =	por !p2, p0  }
0x20: {  	[sflag:s8] =	ssyncset.s32 @!p0 $0xFFFFF086;
	s6 =	sadd.s32 @!p0 s3, s7;
	s7 =	simm.s32 @!p0 $0x108  }
0x21: {  	s3 =	sadd.s32 s3, s9;
	s6 =	sadd.s32 @!p0 $0x88, s6;
	s7 =	simm.s32 @p2 $0x1082  }
0x22: {  	[simem:s7], [sflag:s8] =	dma.local @!p0 [hbm:s6], $0xF7A  }
0x23: {  	s9 =	sor.u32 $0xD0000000, s2;
	s6 =	simm.s32 $0x108;
	_ =	swait.ge @!p0 [sflag:s8], $0x0  }
0x24: {  	s3 =	sadd.s32 $0x88, s3;
	s6 =	simm.s32 @!p1 $0x1082;
	[sflag:s4] =	ssyncset.s32 $0xFFFFF086  }
0x25: {  	[simem:s6], [sflag:s4] =	dma.local [hbm:s3], $0xF7A  }
0x26: {  	[smem:$0x3F97] =	sst s1;
	(tag) =	ssettag s2;
	_ =	strace s9  }
0x27: {  	s1 =	sld [smem:$0x3FA7]  }
0x28: {  	s2 =	sld [smem:$0x3FA8]  }
0x29: {  	s4 =	sld [smem:$0x3FAA]  }
0x2a: {  	p0 =	seq.s32 s5, $0x0;
	s5 =	sld [smem:$0x3FAB]  }
0x2b: {  	s6 =	sld [smem:$0x3FAC]  }
0x2c: {  	s7 =	sld [smem:$0x3FAD]  }
0x2d: {  	s3 =	simm.s32 $0x108;
	s8 =	sld [smem:$0x3FAE]  }
0x2e: {  	s3 =	simm.s32 @!p0 $0x1082;
	s9 =	sld [smem:$0x3FAF]  }
0x2f: {  	lr =	sadd.s32 s0, s3;
	s0 =	sld [smem:$0x3FA6]  }
0x30: {  	s3 =	sld [smem:$0x3FA9]  }
0x31: {  	[smem:$0x3FB2] =	sst s10  }
0x32: {  	s10 =	sld [smem:$0x3FB0];
	_ =	sdelay $0x3  }
0x33: {  	p0 =	seq.s32 s10, $0x1;
	s10 =	sld [smem:$0x3FB2];
	_ =	sdelay $0x3  }
0x34: {  	[smem:$0x3FB2] =	sst s10  }
0x35: {  	s10 =	sld [smem:$0x3FB1];
	_ =	sdelay $0x3  }
0x36: {  	p1 =	seq.s32 s10, $0x1;
	s10 =	sld [smem:$0x3FB2];
	_ =	sdelay $0x3  }
0x37: {  	[smem:$0x3FB2] =	sst s10  }
0x38: {  	s10 =	sld [smem:$0x3FB3]  }
0x39: {  	_ = 	snop;
	(pc) =	sbr.ind lr, $3  }
0x3a: {  	_ = 	snop  }
0x3b: {  	_ = 	snop  }
0x3c: {  	p2 =	seq.s32 s10, $0x1;
	s10 =	sld [smem:$0x3FB2]  }
0x3d: {  	_ =	shalt  }
0x3e: {  	_ =	shalt  }
0x3f: {  	_ =	shalt  }
0x40: {  	_ =	shalt  }
0x41: {  	_ =	shalt  }
0x42: {  	_ =	shalt  }
0x43: {  	_ =	shalt  }
0x44: {  	_ =	shalt  }
0x45: {  	_ =	shalt  }
0x46: {  	_ =	shalt  }
0x47: {  	_ =	shalt  }
0x48: {  	_ =	shalt  }
0x49: {  	_ =	shalt  }
0x4a: {  	_ =	shalt  }
0x4b: {  	_ =	shalt  }
0x4c: {  	_ =	shalt  }
0x4d: {  	_ =	shalt  }
0x4e: {  	_ =	shalt  }
0x4f: {  	_ =	shalt  }
0x50: {  	_ =	shalt  }
0x51: {  	_ =	shalt  }
0x52: {  	_ =	shalt  }
0x53: {  	_ =	shalt  }
0x54: {  	_ =	shalt  }
0x55: {  	_ =	shalt  }
0x56: {  	_ =	shalt  }
0x57: {  	_ =	shalt  }
0x58: {  	_ =	shalt  }
0x59: {  	_ =	shalt  }
0x5a: {  	_ =	shalt  }
0x5b: {  	_ =	shalt  }
0x5c: {  	_ =	shalt  }
0x5d: {  	_ =	shalt  }
0x5e: {  	_ =	shalt  }
0x5f: {  	_ =	shalt  }
0x60: {  	_ =	shalt  }
0x61: {  	_ =	shalt  }
0x62: {  	_ =	shalt  }
0x63: {  	_ =	shalt  }
0x64: {  	_ =	shalt  }
0x65: {  	_ =	shalt  }
0x66: {  	_ =	shalt  }
0x67: {  	_ =	shalt  }
0x68: {  	_ =	shalt  }
0x69: {  	_ =	shalt  }
0x6a: {  	_ =	shalt  }
0x6b: {  	_ =	shalt  }
0x6c: {  	_ =	shalt  }
0x6d: {  	_ =	shalt  }
0x6e: {  	_ =	shalt  }
0x6f: {  	_ =	shalt  }
0x70: {  	_ =	shalt  }
0x71: {  	_ =	shalt  }
0x72: {  	_ =	shalt  }
0x73: {  	_ =	shalt  }
0x74: {  	_ =	shalt  }
0x75: {  	_ =	shalt  }
0x76: {  	_ =	shalt  }
0x77: {  	_ =	shalt  }
0x78: {  	_ =	shalt  }
0x79: {  	_ =	shalt  }
0x7a: {  	_ =	shalt  }
0x7b: {  	_ =	shalt  }
0x7c: {  	_ =	shalt  }
0x7d: {  	_ =	shalt  }
0x7e: {  	_ =	shalt  }
0x7f: {  	_ =	shalt  }
0x80: {  	_ =	shalt  }
0x81: {  	_ =	shalt  }
0x82: {  	_ =	shalt  }
0x83: {  	_ =	shalt  }
0x84: {  	_ =	shalt  }
0x85: {  	_ =	shalt  }
0x86: {  	_ =	shalt  }
0x87: {  	_ =	shalt  }
.Lfunc_end0:
.L_simem_size_0:
called_computation.1_lowered:
.L_overlay_start_0:
0x88: {  	s2 =	sld [smem:$0x3FD9]  }
0x89: {  	s3 =	sld [smem:$0x3FFE];
	_ =	sdelay $0x1  }
0x8a: {  	s1 =	srdreg.scid  }
0x8b: {  	s0 =	sand.u32 $0x1, s1  }
0x8c: {  	s16 =	sshll.u32 s0, $0xA;
	s2 =	sadd.s32 s3, s2  }
0x8d: {  	s2 =	sadd.s32 s2, s16  }
0x8e: {  	[smem:$0x3FBE] =	sst s2  }
0x8f: {  	_ = 	snop  }
0x90: {  	(tm) =	ssettm $0x1  }
0x91: {  	s17 =	sld [smem:$0x3FFB];
	_ =	sdelay $0x3  }
0x92: {  	_ =	strace s17  }
0x93: {  	s2 =	sld [smem:$0x3FFC];
	_ =	sdelay $0x3  }
0x94: {  	_ =	strace s2  }
0x95: {  	s2 =	sld [smem:$0x3FFD];
	_ =	sdelay $0x3  }
0x96: {  	_ =	strace s2  }
0x97: {  	_ =	strace $0x8FFFFFFF  }
0x98: {  	s18 =	sld [smem:$0x3FDB];
	_ =	sdelay $0x1  }
0x99: {  	s19 =	simm.s32 $_scs_section_size  }
0x9a: {  	s4 =	simm.s32 $_size__tile_overlayer_lowered;
	s5 =	simm.s32 $_tile_overlayer_lowered  }
0x9b: {  	s22 =	simm.s32 $0x1BFF;
	s21 =	sshll.u32 s5, $0x1;
	s2 =	sadd.s32 s19, s18  }
0x9c: {  	s6 =	simm.s32 $0x0;
	s20 =	sshll.u32 s4, $0x1;
	s4 =	sadd.s32 s21, s2  }
0x9d: {  	[timem:s6], [sflag:s22] =	dma.local [hbm:s4], s20  }
0x9e: {  	_ =	swait.ge [sflag:s22], s20  }
0x9f: {  	s3 =	ssub.s32 $0x0, s20;
	[sflag:s22] =	ssyncset.done $0x0  }
0xa0: {  	[sflag:s22] =	ssyncadd.s32 s3;
	_ =	sdelay $0x1  }
0xa1: {  	s23 =	simm.s32 $0x1B8B  }
0xa2: {  	_ =	swait.ge [sflag:s23], $0x1  }
0xa3: {  	[sflag:s23] =	ssyncset.done $0x0  }
0xa4: {  	s25 =	simm.s32 $0x1B8E;
	s24 =	sld [smem:$0x3FFE];
	[sflag:s23] =	ssyncadd.s32 $0xFFFFFFFF  }
0xa5: {  	s26 =	simm.s32 $execute0_lowered;
	[smem:$0x3FD2] =	sst s25  }
0xa6: {  	s4 =	sshll.u32 s26, $0x1;
	_ =	strace $0x80000049;
	[dreg:$0x1] =	wrdreg $0xFFFFFFFF  }
0xa7: {  	s28 =	simm.s32 $_size_execute0_lowered;
	s2 =	sadd.s32 s2, s4;
	[dreg:$0x0] =	wrdreg $0x0  }
0xa8: {  	s4 =	sshll.u32 s28, $0x1;
	[dreg:$0x2] =	wrdreg s2  }
0xa9: {  	[dreg:$0x3] =	wrdreg s4  }
0xaa: {  	[dreg:$0x4] =	wrdreg $0xC0  }
0xab: {  	_ =	task [dreg:s6], $0x5FFFF  }
0xac: {  	[dreg:$0x1] =	wrdreg $0xFFFFFFFF  }
0xad: {  	[dreg:$0x0] =	wrdreg $0x60  }
0xae: {  	[dreg:$0x2] =	wrdreg s24  }
0xaf: {  	[dreg:$0x3] =	wrdreg $0x0  }
0xb0: {  	[dreg:$0x4] =	wrdreg $0x9  }
0xb1: {  	_ =	task.clear_ibuf [dreg:s6], $0x5FFFF;
	_ =	strace $0x90000049  }
0xb2: {  	s29 =	simm.s32 $0x9;
	_ =	strace $0x8000004B  }
0xb3: {  	_ =	swait.ge [sflag:s29], $0x1  }
0xb4: {  	[sflag:s29] =	ssyncadd.s32 $0xFFFFFFFF  }
0xb5: {  	_ =	strace $0x9000004B  }
0xb6: {  	_ =	sfence  }
0xb7: {  	s30 =	sld [smem:$0x0];
	_ =	sdelay $0x2  }
0xb8: {  	s31 =	sshll.u32 s1, $0xD;
	s1 =	sshrl.u32 s1, $0x2  }
0xb9: {  	s3 =	sand.u32 $0x4000, s31;
	s1 =	sadd.s32 s1, s30  }
0xba: {  	s0 =	sor.u32 s3, s0;
	s1 =	sshll.u32 s1, $0x11  }
0xbb: {  	s0 =	sor.u32 s1, s0  }
0xbc: {  	s0 =	sadd.s32 $0x8F2B, s0  }
0xbd: {  	[sflag:s0] =	ssyncadd.remote.s32 $0x1  }
0xbe: {  	_ =	sfence.sel $0xFFFF  }
0xbf: {  	[dreg:$0x0] =	wrdreg $0xFFFFFFFF;
	(pc) =	sbr.abs _section_cstart, $3  }
0xc0: {  	[dreg:$0x1] =	wrdreg $0xFFFFFFFF  }
0xc1: {  	_ =	task.clear_ibuf [dreg:s6], $0x2FFFF;
	_ =	strace $0x9FFFFFFF  }
0xc2: {  	(tm) =	ssettm $0x7FFFFFFF  }
0xc3: {  	_ =	shalt  }
tec
execute0_lowered:
.L_overlay_start_1:
0x0: {  	(tag) =	ssettag $0x1  }
0x1: {  	s0 =	rddreg [dreg:$0x0]  }
0x2: {  	s2 =	rddreg [dreg:$0x1];
	s9 =	simm.s32 $0x0  }
0x3: {  	s8 =	stileid.u32;
	s1 =	srdreg.scid;
	s13 =	simm.s32 $0x4  }
0x4: {  	s16 =	simm.s32 $0x80;
	s17 =	simm.s32 $0x6000;
	s18 =	simm.s32 $0x7000  }
0x5: {  	s19 =	simm.s32 $0x8000;
	s20 =	simm.s32 $0x9000;
	s28 =	simm.s32 $0x3  }
0x6: {  	s29 =	simm.s32 $0x0;
	[smem:$0x7FF] =	sst s9;
	s3 =	smul.u32 $0x98, s8  }
0x7: {  	s1 =	sand.u32 $0x1, s1;
	s4 =	sshll.u32 s8, $0x3;
	s5 =	smul.u32 $0xA000, s8  }
0x8: {  	s10 =	sadd.s32 $0x20600, s0;
	s23 =	sshll.u32 s8, $0x6;
	p0 =	seq.s32 s1, $0x0  }
0x9: {  	s6 =	sor.u32 $0x980, s4;
	s7 =	smul.u32 $0xA0000, s1;
	_ =	strace $0x8000004A  }
0xa: {  	s4 =	sadd.s32 $0x16600, s0;
	s1 =	ssub.s32 $0x2, s1;
	[dreg:$0x6] =	wrdreg s10  }
0xb: {  	s10 =	sor.u32 $0x1C04, s23;
	s23 =	simm.s32 $0xB000;
	s6 =	smov.u32 @p0 s3  }
0xc: {  	s22 =	sshrl.u32 s1, $0x1;
	[dreg:$0x7] =	wrdreg s10;
	s3 =	sshll.u32 s6, $0x4  }
0xd: {  	s21 =	sadd.s32 s5, s7;
	s1 =	ssub.s32 s1, s22;
	s5 =	sshrl.u32 s5, $0x1  }
0xe: {  	s22 =	simm.s32 $0xA000;
	s3 =	sadd.s32 s3, s0;
	s1 =	smax.u32 s1, $0x1  }
0xf: {  	s6 =	sshrl.u32 s21, $0x4;
	s24 =	sadd.s32 $0xC600, s3;
	[dreg:$0xb] =	wrdreg s1  }
0x10: {  	s5 =	sadd.s32 s5, s2;
	s25 =	sadd.s32 $0x2600, s3;
	[dreg:$0x8] =	wrdreg s24  }
0x11: {  	s21 =	simm.s32 $0x1;
	s26 =	sadd.s32 $0x2680, s3;
	[dreg:$0x9] =	wrdreg s25  }
0x12: {  	s0 =	sadd.s32 s6, s0;
	s30 =	sadd.s32 $0xC680, s3;
	[dreg:$0x5] =	wrdreg s26  }
0x13: {  	s6 =	simm.s32 $0x980;
	s8 =	sshrl.u32 s5, $0x3;
	[dreg:$0x4] =	wrdreg s30  }
0x14: {  	s6 =	simm.s32 @!p0 $0x80;
	s0 =	sadd.s32 $0x21000, s0;
	[dreg:$0xc] =	wrdreg s8  }
0x15: {  	s24 =	simm.s32 $0xC000;
	[dreg:$0xa] =	wrdreg s0;
	s31 =	sadd.s32 $0xFFFFFF80, s6  }
0x16: {  	s25 =	simm.s32 $0xD000;
	s26 =	simm.s32 $0x2;
	[dreg:$0x3] =	wrdreg s31  }
.LBB2_1:
0x17: {  	s0 =	rddreg [dreg:$0x6]  }
0x18: {  	[spmem:s8], [sflag:s10] =	dma.local [hbm:s0], $0xA00  }
0x19: {  	_ =	swait.ge [sflag:s13], $0xA00  }
0x1a: {  	[sflag:s13] =	ssyncset.done $0x0  }
0x1b: {  	[sflag:s13] =	ssyncadd.s32 $0xFFFFF600  }
0x1c: {  	[bflag:$0x0] =	sbarrier.arrive $0xFFFF  }
0x1d: {  	s1 =	simm.s32 $0x5000;
	s14 =	rddreg [dreg:$0x8]  }
0x1e: {  	[tilespmem:s1], [sflag:$0x4] =	stream.linear.gather [hbm4b:s14+s9], $0x400, $0x38;
	[tilespmem:$0xE000] =	vst v63  }
0x1f: {  	_ =	swait.ge [sflag:s13], $0x400  }
0x20: {  	s31 =	simm.s32 $0x5800;
	p2 =	sne.s32 s6, $0x80;
	[sflag:s13] =	ssyncset.done $0x0  }
.Ltmp0:
0x21: {  	s15 =	rddreg [dreg:$0x9];
	[sflag:s13] =	ssyncadd.s32 $0xFFFFFC00;
	(pc) =	sbr.rel @!p2 .LBB2_2-.Ltmp0, $4  }
0x22: {  	[tilespmem:s31], [sflag:$0x4] =	stream.linear.gather [hbm4b:s15+s9], $0x400, $0x38;
	[tilespmem:$0xE000] =	vst v63  }
0x23: {  	_ =	swait.ge [sflag:s13], $0x400  }
0x24: {  	p0 =	por $0x1, $0x1;
	s30 =	simm.s32 $0x80;
	[sflag:s13] =	ssyncset.done $0x0  }
0x25: {  	p1 =	por $0x0, $0x0;
	p0 =	por p0, p0;
	[sflag:s13] =	ssyncadd.s32 $0xFFFFFC00  }
0x26: {  	s0 =	simm.s32 @!p0 $0x2  }
0x27: {  	_ =	swait.ge @!p0 [sflag:s0], $0x1000  }
0x28: {  	[sflag:s0] =	ssyncset.done @!p0 $0x0  }
0x29: {  	[sflag:s0] =	ssyncadd.s32 @!p0 $0xFFFFF000  }
0x2a: {  	_ =	swait.ge @!p0 [sflag:s0], $0x1000  }
0x2b: {  	[sflag:s0] =	ssyncset.done @!p0 $0x0  }
0x2c: {  	[sflag:s0] =	ssyncadd.s32 @!p0 $0xFFFFF000  }
0x2d: {  	_ =	swait.ge @!p0 [sflag:s0], $0x1000  }
0x2e: {  	[sflag:s0] =	ssyncset.done @!p0 $0x0  }
0x2f: {  	[sflag:s0] =	ssyncadd.s32 @!p0 $0xFFFFF000  }
0x30: {  	_ =	swait.ge @!p0 [sflag:s0], $0x1000  }
0x31: {  	s1 =	sand.u32 $0x400, s9;
	[sflag:s0] =	ssyncset.done @!p0 $0x0  }
0x32: {  	s8 =	sor.u32 $0x5000, s1;
	[sflag:s0] =	ssyncadd.s32 @!p0 $0xFFFFF000  }
0x33: {  	[tilespmem:s17], [sflag:$0x1] =	stream.indirect.gather [hbm4b:s4+s16], $0x20, s8, s16, $0xb8;
	[tilespmem:$0xE000] =	vst v63  }
0x34: {  	s9 =	sor.u32 $0x5080, s1  }
0x35: {  	[tilespmem:s18], [sflag:$0x1] =	stream.indirect.gather [hbm4b:s4+s16], $0x20, s9, s16, $0xb8;
	[tilespmem:$0xE000] =	vst v63  }
0x36: {  	s10 =	sor.u32 $0x5100, s1  }
0x37: {  	[tilespmem:s19], [sflag:$0x1] =	stream.indirect.gather [hbm4b:s4+s16], $0x20, s10, s16, $0xb8;
	[tilespmem:$0xE000] =	vst v63  }
0x38: {  	s3 =	sor.u32 $0x5180, s1;
	s0 =	simm.s32 @!p0 $0x3  }
0x39: {  	[tilespmem:s20], [sflag:$0x1] =	stream.indirect.gather [hbm4b:s4+s16], $0x20, s3, s16, $0xb8;
	[tilespmem:$0xE000] =	vst v63  }
0x3a: {  	_ =	swait.ge @!p0 [sflag:s0], $0x1000  }
0x3b: {  	[sflag:s0] =	ssyncset.done @!p0 $0x0  }
0x3c: {  	[sflag:s0] =	ssyncadd.s32 @!p0 $0xFFFFF000  }
0x3d: {  	_ =	swait.ge @!p0 [sflag:s0], $0x1000  }
0x3e: {  	[sflag:s0] =	ssyncset.done @!p0 $0x0  }
0x3f: {  	[sflag:s0] =	ssyncadd.s32 @!p0 $0xFFFFF000  }
0x40: {  	_ =	swait.ge @!p0 [sflag:s0], $0x1000  }
0x41: {  	[sflag:s0] =	ssyncset.done @!p0 $0x0  }
0x42: {  	[sflag:s0] =	ssyncadd.s32 @!p0 $0xFFFFF000  }
0x43: {  	_ =	swait.ge @!p0 [sflag:s0], $0x1000  }
0x44: {  	[sflag:s0] =	ssyncset.done @!p0 $0x0  }
0x45: {  	[sflag:s0] =	ssyncadd.s32 @!p0 $0xFFFFF000  }
0x46: {  	_ =	swait.ge [sflag:s21], $0x1000  }
0x47: {  	[sflag:s21] =	ssyncset.done $0x0  }
0x48: {  	[sflag:s21] =	ssyncadd.s32 $0xFFFFF000  }
0x49: {  	_ =	swait.ge [sflag:s21], $0x1000  }
0x4a: {  	[sflag:s21] =	ssyncset.done $0x0  }
0x4b: {  	[sflag:s21] =	ssyncadd.s32 $0xFFFFF000  }
0x4c: {  	_ =	swait.ge [sflag:s21], $0x1000  }
0x4d: {  	[sflag:s21] =	ssyncset.done $0x0  }
0x4e: {  	[sflag:s21] =	ssyncadd.s32 $0xFFFFF000  }
0x4f: {  	_ =	swait.ge [sflag:s21], $0x1000  }
0x50: {  	[sflag:s21] =	ssyncset.done $0x0  }
0x51: {  	s11 =	sor.u32 $0x80, s1;
	s12 =	sor.u32 $0x5800, s1;
	[sflag:s21] =	ssyncadd.s32 $0xFFFFF000  }
0x52: {  	[spmem:s2] =	stream.indirect.scatter.add.bf16 [tilespmem:s17], [sflag:$0x2], $0x20, s12, s16, $0xb8;
	[tilespmem:$0xE000] =	vst v63  }
0x53: {  	s14 =	sor.u32 $0x100, s1;
	s0 =	sor.u32 $0x5800, s11  }
0x54: {  	[spmem:s2] =	stream.indirect.scatter.add.bf16 [tilespmem:s18], [sflag:$0x2], $0x20, s0, s16, $0xb8;
	[tilespmem:$0xE000] =	vst v63  }
0x55: {  	s15 =	sor.u32 $0x180, s1;
	s3 =	sor.u32 $0x5800, s14  }
0x56: {  	[spmem:s2] =	stream.indirect.scatter.add.bf16 [tilespmem:s19], [sflag:$0x2], $0x20, s3, s16, $0xb8;
	[tilespmem:$0xE000] =	vst v63  }
0x57: {  	s0 =	sor.u32 $0x5800, s15  }
0x58: {  	[spmem:s2] =	stream.indirect.scatter.add.bf16 [tilespmem:s20], [sflag:$0x2], $0x20, s0, s16, $0xb8;
	[tilespmem:$0xE000] =	vst v63  }
0x59: {  	s3 =	sor.u32 $0x5200, s1  }
0x5a: {  	[tilespmem:s22], [sflag:$0x1] =	stream.indirect.gather [hbm4b:s4+s16], $0x20, s3, s16, $0xb8;
	[tilespmem:$0xE000] =	vst v63  }
0x5b: {  	s5 =	sor.u32 $0x5280, s1;
	s7 =	rddreg [dreg:$0x3]  }
0x5c: {  	[tilespmem:s23], [sflag:$0x1] =	stream.indirect.gather [hbm4b:s4+s16], $0x20, s5, s16, $0xb8;
	[tilespmem:$0xE000] =	vst v63  }
0x5d: {  	s8 =	sor.u32 $0x5300, s1;
	p0 =	seq.s32 s7, $0x0;
	s5 =	rddreg [dreg:$0x4]  }
0x5e: {  	[tilespmem:s24], [sflag:$0x1] =	stream.indirect.gather [hbm4b:s4+s16], $0x20, s8, s16, $0xb8;
	[tilespmem:$0xE000] =	vst v63  }
0x5f: {  	s9 =	sor.u32 $0x5380, s1;
	s0 =	sxor.u32 @!p0 $0x400, s1;
	s3 =	sadd.s32 @!p0 $0x0, s5  }
0x60: {  	[tilespmem:s25], [sflag:$0x1] =	stream.indirect.gather [hbm4b:s4+s16], $0x20, s9, s16, $0xb8;
	[tilespmem:$0xE000] =	vst v63  }
0x61: {  	s5 =	simm.s32 @!p0 $0x0;
	s8 =	sor.u32 @!p0 $0x5000, s0;
	s9 =	simm.s32 @!p0 $0x4  }
0x62: {  	[tilespmem:s8], [sflag:$0x4] =	stream.linear.gather @!p0 [hbm4b:s3+s5], $0x400, $0x38;
	[tilespmem:$0xE000] =	vst v63  }
0x63: {  	_ =	swait.ge @!p0 [sflag:s9], $0x400  }
0x64: {  	s3 =	rddreg [dreg:$0x5];
	[sflag:s9] =	ssyncset.done @!p0 $0x0  }
0x65: {  	s0 =	sor.u32 @!p0 $0x5800, s0;
	[sflag:s9] =	ssyncadd.s32 @!p0 $0xFFFFFC00;
	s3 =	sadd.s32 @!p0 $0x0, s3  }
0x66: {  	[tilespmem:s0], [sflag:$0x4] =	stream.linear.gather @!p0 [hbm4b:s3+s5], $0x400, $0x38;
	[tilespmem:$0xE000] =	vst v63  }
0x67: {  	_ =	swait.ge @!p0 [sflag:s9], $0x400  }
0x68: {  	[sflag:s9] =	ssyncset.done @!p0 $0x0  }
0x69: {  	[sflag:s9] =	ssyncadd.s32 @!p0 $0xFFFFFC00  }
0x6a: {  	_ =	swait.ge [sflag:s21], $0x1000  }
0x6b: {  	[sflag:s21] =	ssyncset.done $0x0  }
0x6c: {  	[sflag:s21] =	ssyncadd.s32 $0xFFFFF000  }
0x6d: {  	_ =	swait.ge [sflag:s21], $0x1000  }
0x6e: {  	[sflag:s21] =	ssyncset.done $0x0  }
0x6f: {  	[sflag:s21] =	ssyncadd.s32 $0xFFFFF000  }
0x70: {  	_ =	swait.ge [sflag:s21], $0x1000  }
0x71: {  	[sflag:s21] =	ssyncset.done $0x0  }
0x72: {  	[sflag:s21] =	ssyncadd.s32 $0xFFFFF000  }
0x73: {  	p6 =	por $0x0, $0x0;
	p2 =	sne.s32 s6, $0x100;
	_ =	swait.ge [sflag:s21], $0x1000  }
0x74: {  	s31 =	simm.s32 $0x400;
	s10 =	sor.u32 $0x200, s1;
	[sflag:s21] =	ssyncset.done $0x0  }
0x75: {  	p1 =	por $0x1, $0x1;
	s0 =	sor.u32 $0x5800, s10;
	[sflag:s21] =	ssyncadd.s32 $0xFFFFF000  }
0x76: {  	[spmem:s2] =	stream.indirect.scatter.add.bf16 [tilespmem:s22], [sflag:$0x3], $0x20, s0, s16, $0xb8;
	[tilespmem:$0xE000] =	vst v63  }
.Ltmp1:
0x77: {  	s11 =	sor.u32 $0x280, s1;
	s12 =	sor.u32 $0x300, s1;
	(pc) =	sbr.rel @!p2 .LBB2_4-.Ltmp1, $4  }
0x78: {  	s14 =	sor.u32 $0x5800, s11;
	s15 =	sor.u32 $0x5800, s12;
	s1 =	sor.u32 $0x380, s1  }
0x79: {  	[spmem:s2] =	stream.indirect.scatter.add.bf16 [tilespmem:s23], [sflag:$0x3], $0x20, s14, s16, $0xb8;
	[tilespmem:$0xE000] =	vst v63  }
0x7a: {  	s3 =	sor.u32 $0x5800, s1;
	p0 =	por p6, p6;
	s0 =	simm.s32 $0x100  }
0x7b: {  	[spmem:s2] =	stream.indirect.scatter.add.bf16 [tilespmem:s24], [sflag:$0x3], $0x20, s15, s16, $0xb8;
	[tilespmem:$0xE000] =	vst v63  }
.LBB2_5:
0x7c: {  	s5 =	simm.s32 @!p0 $0x2  }
0x7d: {  	[spmem:s2] =	stream.indirect.scatter.add.bf16 [tilespmem:s25], [sflag:$0x3], $0x20, s3, s16, $0xb8;
	[tilespmem:$0xE000] =	vst v63  }
0x7e: {  	_ =	swait.ge @!p0 [sflag:s5], $0x1000  }
0x7f: {  	[sflag:s5] =	ssyncset.done @!p0 $0x0  }
0x80: {  	[sflag:s5] =	ssyncadd.s32 @!p0 $0xFFFFF000  }
0x81: {  	_ =	swait.ge @!p0 [sflag:s5], $0x1000  }
0x82: {  	[sflag:s5] =	ssyncset.done @!p0 $0x0  }
0x83: {  	[sflag:s5] =	ssyncadd.s32 @!p0 $0xFFFFF000  }
0x84: {  	_ =	swait.ge @!p0 [sflag:s5], $0x1000  }
0x85: {  	[sflag:s5] =	ssyncset.done @!p0 $0x0  }
0x86: {  	[sflag:s5] =	ssyncadd.s32 @!p0 $0xFFFFF000  }
0x87: {  	_ =	swait.ge @!p0 [sflag:s5], $0x1000  }
0x88: {  	s9 =	sand.u32 $0x400, s31;
	[sflag:s5] =	ssyncset.done @!p0 $0x0  }
0x89: {  	s10 =	sor.u32 $0x5000, s9;
	[sflag:s5] =	ssyncadd.s32 @!p0 $0xFFFFF000  }
0x8a: {  	[tilespmem:s17], [sflag:$0x1] =	stream.indirect.gather [hbm4b:s4+s16], $0x20, s10, s16, $0xb8;
	[tilespmem:$0xE000] =	vst v63  }
0x8b: {  	s12 =	sor.u32 $0x5080, s9  }
0x8c: {  	[tilespmem:s18], [sflag:$0x1] =	stream.indirect.gather [hbm4b:s4+s16], $0x20, s12, s16, $0xb8;
	[tilespmem:$0xE000] =	vst v63  }
0x8d: {  	s14 =	sor.u32 $0x5100, s9  }
0x8e: {  	[tilespmem:s19], [sflag:$0x1] =	stream.indirect.gather [hbm4b:s4+s16], $0x20, s14, s16, $0xb8;
	[tilespmem:$0xE000] =	vst v63  }
0x8f: {  	s7 =	simm.s32 @!p0 $0x3;
	s12 =	sor.u32 $0x5180, s9  }
0x90: {  	[tilespmem:s20], [sflag:$0x1] =	stream.indirect.gather [hbm4b:s4+s16], $0x20, s12, s16, $0xb8;
	[tilespmem:$0xE000] =	vst v63  }
0x91: {  	_ =	swait.ge @!p0 [sflag:s7], $0x1000  }
0x92: {  	[sflag:s7] =	ssyncset.done @!p0 $0x0  }
0x93: {  	[sflag:s7] =	ssyncadd.s32 @!p0 $0xFFFFF000  }
0x94: {  	_ =	swait.ge @!p0 [sflag:s7], $0x1000  }
0x95: {  	[sflag:s7] =	ssyncset.done @!p0 $0x0  }
0x96: {  	[sflag:s7] =	ssyncadd.s32 @!p0 $0xFFFFF000  }
0x97: {  	_ =	swait.ge @!p0 [sflag:s7], $0x1000  }
0x98: {  	[sflag:s7] =	ssyncset.done @!p0 $0x0  }
0x99: {  	[sflag:s7] =	ssyncadd.s32 @!p0 $0xFFFFF000  }
0x9a: {  	_ =	swait.ge @!p0 [sflag:s7], $0x1000  }
0x9b: {  	[sflag:s7] =	ssyncset.done @!p0 $0x0  }
0x9c: {  	[sflag:s7] =	ssyncadd.s32 @!p0 $0xFFFFF000  }
0x9d: {  	_ =	swait.ge [sflag:s21], $0x1000  }
0x9e: {  	[sflag:s21] =	ssyncset.done $0x0  }
0x9f: {  	[sflag:s21] =	ssyncadd.s32 $0xFFFFF000  }
0xa0: {  	_ =	swait.ge [sflag:s21], $0x1000  }
0xa1: {  	[sflag:s21] =	ssyncset.done $0x0  }
0xa2: {  	[sflag:s21] =	ssyncadd.s32 $0xFFFFF000  }
0xa3: {  	_ =	swait.ge [sflag:s21], $0x1000  }
0xa4: {  	[sflag:s21] =	ssyncset.done $0x0  }
0xa5: {  	[sflag:s21] =	ssyncadd.s32 $0xFFFFF000  }
0xa6: {  	_ =	swait.ge [sflag:s21], $0x1000  }
0xa7: {  	[sflag:s21] =	ssyncset.done $0x0  }
0xa8: {  	s11 =	sor.u32 $0x80, s9;
	s12 =	sor.u32 $0x5800, s9;
	[sflag:s21] =	ssyncadd.s32 $0xFFFFF000  }
0xa9: {  	[spmem:s2] =	stream.indirect.scatter.add.bf16 [tilespmem:s17], [sflag:$0x2], $0x20, s12, s16, $0xb8;
	[tilespmem:$0xE000] =	vst v63  }
0xaa: {  	s3 =	sor.u32 $0x100, s9;
	s11 =	sor.u32 $0x5800, s11  }
0xab: {  	[spmem:s2] =	stream.indirect.scatter.add.bf16 [tilespmem:s18], [sflag:$0x2], $0x20, s11, s16, $0xb8;
	[tilespmem:$0xE000] =	vst v63  }
0xac: {  	p3 =	seq.s32 s0, $0x0;
	s3 =	sor.u32 $0x5800, s3;
	s10 =	sor.u32 $0x180, s9  }
0xad: {  	[spmem:s2] =	stream.indirect.scatter.add.bf16 [tilespmem:s19], [sflag:$0x2], $0x20, s3, s16, $0xb8;
	[tilespmem:$0xE000] =	vst v63  }
0xae: {  	s8 =	sor.u32 $0x200, s9;
	s15 =	sor.u32 $0x280, s9;
	s12 =	sor.u32 $0x5800, s10  }
0xaf: {  	[spmem:s2] =	stream.indirect.scatter.add.bf16 [tilespmem:s20], [sflag:$0x2], $0x20, s12, s16, $0xb8;
	[tilespmem:$0xE000] =	vst v63  }
0xb0: {  	s5 =	sor.u32 $0x300, s9;
	s14 =	sor.u32 $0x380, s9;
	s7 =	sor.u32 $0x5200, s9  }
0xb1: {  	[tilespmem:s22], [sflag:$0x1] =	stream.indirect.gather [hbm4b:s4+s16], $0x20, s7, s16, $0xb8;
	[tilespmem:$0xE000] =	vst v63  }
0xb2: {  	p0 =	por p3, p3;
	s10 =	sor.u32 $0x5280, s9;
	s7 =	rddreg [dreg:$0x3]  }
0xb3: {  	[tilespmem:s23], [sflag:$0x1] =	stream.indirect.gather [hbm4b:s4+s16], $0x20, s10, s16, $0xb8;
	[tilespmem:$0xE000] =	vst v63  }
0xb4: {  	s11 =	sor.u32 $0x5300, s9;
	s12 =	sor.u32 $0x5380, s9;
	p3 =	seq.s32 s7, s30  }
0xb5: {  	[tilespmem:s24], [sflag:$0x1] =	stream.indirect.gather [hbm4b:s4+s16], $0x20, s11, s16, $0xb8;
	[tilespmem:$0xE000] =	vst v63  }
0xb6: {  	s10 =	rddreg [dreg:$0x4];
	s3 =	sxor.u32 @!p3 $0x400, s9;
	s9 =	simm.s32 @!p3 $0x0  }
0xb7: {  	[tilespmem:s25], [sflag:$0x1] =	stream.indirect.gather [hbm4b:s4+s16], $0x20, s12, s16, $0xb8;
	[tilespmem:$0xE000] =	vst v63  }
0xb8: {  	s7 =	sadd.s32 @!p3 s30, s10;
	s10 =	sor.u32 @!p3 $0x5000, s3;
	s11 =	simm.s32 @!p3 $0x4  }
0xb9: {  	[tilespmem:s10], [sflag:$0x4] =	stream.linear.gather @!p3 [hbm4b:s7+s9], $0x400, $0x38;
	[tilespmem:$0xE000] =	vst v63  }
0xba: {  	_ =	swait.ge @!p3 [sflag:s11], $0x400  }
0xbb: {  	[sflag:s11] =	ssyncset.done @!p3 $0x0;
	s7 =	rddreg [dreg:$0x5]  }
0xbc: {  	s3 =	sor.u32 @!p3 $0x5800, s3;
	[sflag:s11] =	ssyncadd.s32 @!p3 $0xFFFFFC00;
	s7 =	sadd.s32 @!p3 s30, s7  }
0xbd: {  	[tilespmem:s3], [sflag:$0x4] =	stream.linear.gather @!p3 [hbm4b:s7+s9], $0x400, $0x38;
	[tilespmem:$0xE000] =	vst v63  }
0xbe: {  	_ =	swait.ge @!p3 [sflag:s11], $0x400  }
0xbf: {  	[sflag:s11] =	ssyncset.done @!p3 $0x0  }
0xc0: {  	[sflag:s11] =	ssyncadd.s32 @!p3 $0xFFFFFC00  }
0xc1: {  	_ =	swait.ge [sflag:s21], $0x1000  }
0xc2: {  	[sflag:s21] =	ssyncset.done $0x0  }
0xc3: {  	[sflag:s21] =	ssyncadd.s32 $0xFFFFF000  }
0xc4: {  	_ =	swait.ge [sflag:s21], $0x1000  }
0xc5: {  	[sflag:s21] =	ssyncset.done $0x0  }
0xc6: {  	[sflag:s21] =	ssyncadd.s32 $0xFFFFF000  }
0xc7: {  	_ =	swait.ge [sflag:s21], $0x1000  }
0xc8: {  	[sflag:s21] =	ssyncset.done $0x0  }
0xc9: {  	[sflag:s21] =	ssyncadd.s32 $0xFFFFF000  }
0xca: {  	_ =	swait.ge [sflag:s21], $0x1000  }
0xcb: {  	s1 =	smov.u32 s0;
	s0 =	sadd.s32 $0x80, s0;
	[sflag:s21] =	ssyncset.done $0x0  }
0xcc: {  	p2 =	sne.s32 s6, s0;
	s11 =	sor.u32 $0x5800, s8;
	[sflag:s21] =	ssyncadd.s32 $0xFFFFF000  }
0xcd: {  	[spmem:s2] =	stream.indirect.scatter.add.bf16 [tilespmem:s22], [sflag:$0x3], $0x20, s11, s16, $0xb8;
	[tilespmem:$0xE000] =	vst v63  }
.Ltmp2:
0xce: {  	_ = 	snop;
	(pc) =	sbr.rel @p2 .LBB2_5-.Ltmp2, $4  }
0xcf: {  	s31 =	sadd.s32 $0x400, s31;
	s12 =	sor.u32 $0x5800, s15  }
0xd0: {  	[spmem:s2] =	stream.indirect.scatter.add.bf16 [tilespmem:s23], [sflag:$0x3], $0x20, s12, s16, $0xb8;
	[tilespmem:$0xE000] =	vst v63  }
0xd1: {  	s15 =	sor.u32 $0x5800, s5;
	s30 =	smov.u32 s1;
	s3 =	sor.u32 $0x5800, s14  }
0xd2: {  	[spmem:s2] =	stream.indirect.scatter.add.bf16 [tilespmem:s24], [sflag:$0x3], $0x20, s15, s16, $0xb8;
	[tilespmem:$0xE000] =	vst v63  }
0xd3: {  	s10 =	rddreg [dreg:$0x7]  }
0xd4: {  	s9 =	simm.s32 $0x0;
	s8 =	rddreg [dreg:$0xc]  }
.LBB2_7:
0xd5: {  	s1 =	simm.s32 @!p0 $0x2  }
0xd6: {  	[spmem:s2] =	stream.indirect.scatter.add.bf16 @p1 [tilespmem:s25], [sflag:$0x3], $0x20, s3, s16, $0xb8;
	[tilespmem:$0xE000] =	vst v63  }
0xd7: {  	_ =	swait.ge @!p0 [sflag:s1], $0x1000  }
0xd8: {  	[sflag:s1] =	ssyncset.done @!p0 $0x0  }
0xd9: {  	[sflag:s1] =	ssyncadd.s32 @!p0 $0xFFFFF000  }
0xda: {  	_ =	swait.ge @!p0 [sflag:s1], $0x1000  }
0xdb: {  	[sflag:s1] =	ssyncset.done @!p0 $0x0  }
0xdc: {  	[sflag:s1] =	ssyncadd.s32 @!p0 $0xFFFFF000  }
0xdd: {  	_ =	swait.ge @!p0 [sflag:s1], $0x1000  }
0xde: {  	[sflag:s1] =	ssyncset.done @!p0 $0x0  }
0xdf: {  	[sflag:s1] =	ssyncadd.s32 @!p0 $0xFFFFF000  }
0xe0: {  	_ =	swait.ge @!p0 [sflag:s1], $0x1000  }
0xe1: {  	s0 =	sand.u32 $0x400, s31;
	[sflag:s1] =	ssyncset.done @!p0 $0x0  }
0xe2: {  	s3 =	sor.u32 $0x5000, s0;
	[sflag:s1] =	ssyncadd.s32 @!p0 $0xFFFFF000  }
0xe3: {  	[tilespmem:s17], [sflag:$0x1] =	stream.indirect.gather [hbm4b:s4+s16], $0x20, s3, s16, $0xb8;
	[tilespmem:$0xE000] =	vst v63  }
0xe4: {  	s5 =	sor.u32 $0x5080, s0  }
0xe5: {  	[tilespmem:s18], [sflag:$0x1] =	stream.indirect.gather [hbm4b:s4+s16], $0x20, s5, s16, $0xb8;
	[tilespmem:$0xE000] =	vst v63  }
0xe6: {  	s7 =	sor.u32 $0x5100, s0  }
0xe7: {  	[tilespmem:s19], [sflag:$0x1] =	stream.indirect.gather [hbm4b:s4+s16], $0x20, s7, s16, $0xb8;
	[tilespmem:$0xE000] =	vst v63  }
0xe8: {  	s11 =	sor.u32 $0x5180, s0;
	s1 =	simm.s32 @!p0 $0x3  }
0xe9: {  	[tilespmem:s20], [sflag:$0x1] =	stream.indirect.gather [hbm4b:s4+s16], $0x20, s11, s16, $0xb8;
	[tilespmem:$0xE000] =	vst v63  }
0xea: {  	_ =	swait.ge @!p0 [sflag:s1], $0x1000  }
0xeb: {  	[sflag:s1] =	ssyncset.done @!p0 $0x0  }
0xec: {  	[sflag:s1] =	ssyncadd.s32 @!p0 $0xFFFFF000  }
0xed: {  	_ =	swait.ge @!p0 [sflag:s1], $0x1000  }
0xee: {  	[sflag:s1] =	ssyncset.done @!p0 $0x0  }
0xef: {  	[sflag:s1] =	ssyncadd.s32 @!p0 $0xFFFFF000  }
0xf0: {  	_ =	swait.ge @!p0 [sflag:s1], $0x1000  }
0xf1: {  	[sflag:s1] =	ssyncset.done @!p0 $0x0  }
0xf2: {  	[sflag:s1] =	ssyncadd.s32 @!p0 $0xFFFFF000  }
0xf3: {  	_ =	swait.ge @!p0 [sflag:s1], $0x1000  }
0xf4: {  	[sflag:s1] =	ssyncset.done @!p0 $0x0  }
0xf5: {  	[sflag:s1] =	ssyncadd.s32 @!p0 $0xFFFFF000  }
0xf6: {  	_ =	swait.ge [sflag:s21], $0x1000  }
0xf7: {  	[sflag:s21] =	ssyncset.done $0x0  }
0xf8: {  	[sflag:s21] =	ssyncadd.s32 $0xFFFFF000  }
0xf9: {  	_ =	swait.ge [sflag:s21], $0x1000  }
0xfa: {  	[sflag:s21] =	ssyncset.done $0x0  }
0xfb: {  	[sflag:s21] =	ssyncadd.s32 $0xFFFFF000  }
0xfc: {  	_ =	swait.ge [sflag:s21], $0x1000  }
0xfd: {  	[sflag:s21] =	ssyncset.done $0x0  }
0xfe: {  	[sflag:s21] =	ssyncadd.s32 $0xFFFFF000  }
0xff: {  	_ =	swait.ge [sflag:s21], $0x1000  }
0x100: {  	[sflag:s21] =	ssyncset.done $0x0  }
0x101: {  	s12 =	sor.u32 $0x80, s0;
	s14 =	sor.u32 $0x5800, s0;
	[sflag:s21] =	ssyncadd.s32 $0xFFFFF000  }
0x102: {  	[spmem:s2] =	stream.indirect.scatter.add.bf16 [tilespmem:s17], [sflag:$0x2], $0x20, s14, s16, $0xb8;
	[tilespmem:$0xE000] =	vst v63  }
0x103: {  	s15 =	sor.u32 $0x100, s0;
	s1 =	sor.u32 $0x5800, s12  }
0x104: {  	[spmem:s2] =	stream.indirect.scatter.add.bf16 [tilespmem:s18], [sflag:$0x2], $0x20, s1, s16, $0xb8;
	[tilespmem:$0xE000] =	vst v63  }
0x105: {  	s31 =	sor.u32 $0x180, s0;
	s3 =	sor.u32 $0x5800, s15  }
0x106: {  	[spmem:s2] =	stream.indirect.scatter.add.bf16 [tilespmem:s19], [sflag:$0x2], $0x20, s3, s16, $0xb8;
	[tilespmem:$0xE000] =	vst v63  }
0x107: {  	s1 =	sor.u32 $0x5800, s31  }
0x108: {  	[spmem:s2] =	stream.indirect.scatter.add.bf16 [tilespmem:s20], [sflag:$0x2], $0x20, s1, s16, $0xb8;
	[tilespmem:$0xE000] =	vst v63  }
0x109: {  	s3 =	sor.u32 $0x5200, s0  }
0x10a: {  	[tilespmem:s22], [sflag:$0x1] =	stream.indirect.gather [hbm4b:s4+s16], $0x20, s3, s16, $0xb8;
	[tilespmem:$0xE000] =	vst v63  }
0x10b: {  	s5 =	sor.u32 $0x5280, s0;
	s7 =	rddreg [dreg:$0x3]  }
0x10c: {  	[tilespmem:s23], [sflag:$0x1] =	stream.indirect.gather [hbm4b:s4+s16], $0x20, s5, s16, $0xb8;
	[tilespmem:$0xE000] =	vst v63  }
0x10d: {  	s11 =	sor.u32 $0x5300, s0;
	p0 =	seq.s32 s7, s30  }
0x10e: {  	[tilespmem:s24], [sflag:$0x1] =	stream.indirect.gather [hbm4b:s4+s16], $0x20, s11, s16, $0xb8;
	[tilespmem:$0xE000] =	vst v63  }
0x10f: {  	s1 =	rddreg [dreg:$0x4];
	s3 =	sxor.u32 @!p0 $0x400, s0;
	s5 =	sor.u32 $0x5380, s0  }
0x110: {  	[tilespmem:s25], [sflag:$0x1] =	stream.indirect.gather [hbm4b:s4+s16], $0x20, s5, s16, $0xb8;
	[tilespmem:$0xE000] =	vst v63  }
0x111: {  	s1 =	sadd.s32 @!p0 s30, s1;
	s7 =	sor.u32 @!p0 $0x5000, s3;
	s5 =	simm.s32 @!p0 $0x0  }
0x112: {  	[tilespmem:s7], [sflag:$0x4] =	stream.linear.gather @!p0 [hbm4b:s1+s5], $0x400, $0x38;
	[tilespmem:$0xE000] =	vst v63  }
0x113: {  	s1 =	simm.s32 @!p0 $0x4  }
0x114: {  	_ =	swait.ge @!p0 [sflag:s1], $0x400  }
0x115: {  	s7 =	rddreg [dreg:$0x5];
	[sflag:s1] =	ssyncset.done @!p0 $0x0  }
0x116: {  	s3 =	sor.u32 @!p0 $0x5800, s3;
	s7 =	sadd.s32 @!p0 s30, s7;
	[sflag:s1] =	ssyncadd.s32 @!p0 $0xFFFFFC00  }
0x117: {  	[tilespmem:s3], [sflag:$0x4] =	stream.linear.gather @!p0 [hbm4b:s7+s5], $0x400, $0x38;
	[tilespmem:$0xE000] =	vst v63  }
0x118: {  	_ =	swait.ge @!p0 [sflag:s1], $0x400  }
0x119: {  	[sflag:s1] =	ssyncset.done @!p0 $0x0  }
0x11a: {  	[sflag:s1] =	ssyncadd.s32 @!p0 $0xFFFFFC00  }
0x11b: {  	_ =	swait.ge [sflag:s21], $0x1000  }
0x11c: {  	[sflag:s21] =	ssyncset.done $0x0  }
0x11d: {  	[sflag:s21] =	ssyncadd.s32 $0xFFFFF000  }
0x11e: {  	_ =	swait.ge [sflag:s21], $0x1000  }
0x11f: {  	[sflag:s21] =	ssyncset.done $0x0  }
0x120: {  	[sflag:s21] =	ssyncadd.s32 $0xFFFFF000  }
0x121: {  	_ =	swait.ge [sflag:s21], $0x1000  }
0x122: {  	[sflag:s21] =	ssyncset.done $0x0  }
0x123: {  	[sflag:s21] =	ssyncadd.s32 $0xFFFFF000  }
0x124: {  	_ =	swait.ge [sflag:s21], $0x1000  }
0x125: {  	s12 =	sor.u32 $0x200, s0;
	[sflag:s21] =	ssyncset.done $0x0  }
0x126: {  	s14 =	sor.u32 $0x280, s0;
	s1 =	sor.u32 $0x5800, s12;
	[sflag:s21] =	ssyncadd.s32 $0xFFFFF000  }
0x127: {  	[spmem:s2] =	stream.indirect.scatter.add.bf16 [tilespmem:s22], [sflag:$0x3], $0x20, s1, s16, $0xb8;
	[tilespmem:$0xE000] =	vst v63  }
0x128: {  	s15 =	sor.u32 $0x300, s0;
	s1 =	sor.u32 $0x5800, s14  }
0x129: {  	[spmem:s2] =	stream.indirect.scatter.add.bf16 [tilespmem:s23], [sflag:$0x3], $0x20, s1, s16, $0xb8;
	[tilespmem:$0xE000] =	vst v63  }
0x12a: {  	s0 =	sor.u32 $0x380, s0;
	s1 =	sor.u32 $0x5800, s15  }
0x12b: {  	[spmem:s2] =	stream.indirect.scatter.add.bf16 [tilespmem:s24], [sflag:$0x3], $0x20, s1, s16, $0xb8;
	[tilespmem:$0xE000] =	vst v63  }
0x12c: {  	s0 =	sor.u32 $0x5800, s0  }
0x12d: {  	[spmem:s2] =	stream.indirect.scatter.add.bf16 [tilespmem:s25], [sflag:$0x3], $0x20, s0, s16, $0xb8;
	[tilespmem:$0xE000] =	vst v63  }
0x12e: {  	_ =	swait.ge [sflag:s26], $0x1000  }
0x12f: {  	[sflag:s26] =	ssyncset.done $0x0  }
0x130: {  	[sflag:s26] =	ssyncadd.s32 $0xFFFFF000  }
0x131: {  	_ =	swait.ge [sflag:s26], $0x1000  }
0x132: {  	[sflag:s26] =	ssyncset.done $0x0  }
0x133: {  	[sflag:s26] =	ssyncadd.s32 $0xFFFFF000  }
0x134: {  	_ =	swait.ge [sflag:s26], $0x1000  }
0x135: {  	[sflag:s26] =	ssyncset.done $0x0  }
0x136: {  	[sflag:s26] =	ssyncadd.s32 $0xFFFFF000  }
0x137: {  	_ =	swait.ge [sflag:s26], $0x1000  }
0x138: {  	[sflag:s26] =	ssyncset.done $0x0  }
0x139: {  	[sflag:s26] =	ssyncadd.s32 $0xFFFFF000  }
0x13a: {  	_ =	swait.ge [sflag:s28], $0x1000  }
0x13b: {  	[sflag:s28] =	ssyncset.done $0x0  }
0x13c: {  	[sflag:s28] =	ssyncadd.s32 $0xFFFFF000  }
0x13d: {  	_ =	swait.ge [sflag:s28], $0x1000  }
0x13e: {  	[sflag:s28] =	ssyncset.done $0x0  }
0x13f: {  	[sflag:s28] =	ssyncadd.s32 $0xFFFFF000  }
0x140: {  	_ =	swait.ge [sflag:s28], $0x1000  }
0x141: {  	[sflag:s28] =	ssyncset.done $0x0  }
0x142: {  	[sflag:s28] =	ssyncadd.s32 $0xFFFFF000  }
0x143: {  	_ =	swait.ge [sflag:s28], $0x1000  }
0x144: {  	[sflag:s28] =	ssyncset.done $0x0  }
0x145: {  	[sflag:s28] =	ssyncadd.s32 $0xFFFFF000  }
0x146: {  	[bflag:$0x0] =	sbarrier.arrive $0xFFFF  }
0x147: {  	s30 =	rddreg [dreg:$0xa]  }
0x148: {  	[hbm:s30], [sflag:s10] =	dma.local [spmem:s8], $0xA00  }
0x149: {  	_ =	swait.ge [sflag:s13], $0xA00  }
0x14a: {  	s29 =	sadd.s32 $0x1, s29;
	s31 =	rddreg [dreg:$0xb]  }
0x14b: {  	p0 =	sne.s32 s29, s31  }
.Ltmp3:
0x14c: {  	_ = 	snop;
	(pc) =	sbr.rel @p0 .LBB2_1-.Ltmp3, $4  }
.Ltmp4:
0x14d: {  	_ = 	snop;
	(pc) =	sbr.rel @!p0 .LBB2_8-.Ltmp4, $4  }
0x14e: {  	_ = 	snop  }
0x14f: {  	[sflag:s13] =	ssyncset.done $0x0  }
0x150: {  	[sflag:s13] =	ssyncadd.s32 $0xFFFFF600  }
0x151: {  	_ = 	snop  }
.LBB2_2:
.Ltmp5:
0x152: {  	(pc) =	sbr.rel .LBB2_7-.Ltmp5, $2  }
0x153: {  	_ =	sdelay $0x2  }
0x154: {  	s31 =	simm.s32 $0x0;
	s30 =	simm.s32 $0x0  }
.LBB2_4:
.Ltmp6:
0x155: {  	(pc) =	sbr.rel .LBB2_7-.Ltmp6, $3  }
0x156: {  	_ =	sdelay $0x1  }
0x157: {  	s10 =	rddreg [dreg:$0x7]  }
0x158: {  	s9 =	simm.s32 $0x0;
	s8 =	rddreg [dreg:$0xc]  }
.LBB2_8:
0x159: {  	_ =	sfence.sel $0x180000  }
0x15a: {  	[bflag:$0x0] =	sbarrier.arrive $0xFFFF  }
0x15b: {  	_ =	strace $0x9000004A  }
0x15c: {  	s0 =	stileid.u32;
	[bflag:$0x2] =	sbarrier.arrive $0xFFFF  }
0x15d: {  	p0 =	sne.s32 s0, $0x0;
	s0 =	rddreg [dreg:$0x2]  }
0x15e: {  	s0 =	sadd.s32 @!p0 $0x100000, s0  }
0x15f: {  	[sflag:s0] =	ssyncadd.tile.s32 @!p0 $0x1;
	_ =	shalt  }
.Lfunc_end2:
_tile_overlayer_lowered:
.L_overlay_start_2:
0x160: {  	(tag) =	ssettag $0x2  }
0x161: {  	s0 =	rddreg [dreg:$0x0];
	s2 =	stileid.u32  }
0x162: {  	s1 =	rddreg [dreg:$0x1];
	p0 =	sne.s32 s2, $0x0  }
0x163: {  	s3 =	rddreg [dreg:$0x2];
	[bflag:$0x3] =	sbarrier.arrive $0xFFFF;
	s2 =	simm.s32 @!p0 $0x1C04  }
0x164: {  	[timem:s3], [sflag:s2] =	dma.local @!p0 [hbm:s0], s1  }
0x165: {  	s0 =	simm.s32 @!p0 $0x4  }
0x166: {  	_ =	swait.ge @!p0 [sflag:s0], s1  }
0x167: {  	s1 =	ssub.s32 @!p0 $0x0, s1;
	[sflag:s0] =	ssyncset.done @!p0 $0x0  }
0x168: {  	[sflag:s0] =	ssyncadd.s32 @!p0 s1  }
0x169: {  	[bflag:$0x3] =	sbarrier.arrive $0xFFFF  }
0x16a: {  	_ =	shalt  }

// kernel: sage_edge_pass_cnt.3.cloned.1.call-start
scs
__scs_entry_jumppad:
0x0: {  	(pc) =	sbr.rel $0x88, $3  }
0x1: {  	(tag) =	ssettag $0x0;
	lr =	simm.s32 $0x1  }
0x2: {  	[smem:$0x3F97] =	sst lr;
	_ =	strace $0xD0000000  }
0x3: {  	_ = 	snop  }
0x4: {  	_ = 	snop  }
0x5: {  	_ = 	snop  }
0x6: {  	_ = 	snop  }
0x7: {  	_ = 	snop  }
__scs_overlays_trampoline_lowered:
0x8: {  	[smem:$0x3FA6] =	sst s0  }
0x9: {  	[smem:$0x3FA7] =	sst s1  }
0xa: {  	[smem:$0x3FA8] =	sst s2  }
0xb: {  	[smem:$0x3FA9] =	sst s3  }
0xc: {  	[smem:$0x3FAA] =	sst s4  }
0xd: {  	[smem:$0x3FAB] =	sst s5  }
0xe: {  	[smem:$0x3FAC] =	sst s6  }
0xf: {  	[smem:$0x3FAD] =	sst s7  }
0x10: {  	[smem:$0x3FAE] =	sst s8  }
0x11: {  	[smem:$0x3FAF] =	sst s9;
	s0 =	simm.s32 @!p0 $0x0  }
0x12: {  	s1 =	sld [smem:$0x3F95];
	s0 =	simm.s32 @p0 $0x1  }
0x13: {  	[smem:$0x3FB0] =	sst s0;
	s0 =	simm.s32 @!p1 $0x0  }
0x14: {  	s2 =	sld [smem:$0x3F94];
	s0 =	simm.s32 @p1 $0x1  }
0x15: {  	[smem:$0x3FB1] =	sst s0;
	s0 =	simm.s32 @!p2 $0x0  }
0x16: {  	s3 =	sld [smem:$0x3FDB];
	s0 =	simm.s32 @p2 $0x1  }
0x17: {  	s4 =	simm.s32 $0x1BF5;
	[smem:$0x3FB3] =	sst s0  }
0x18: {  	s0 =	sld [smem:$0x3F96];
	_ =	swait.ge [sflag:s4], $0x0  }
0x19: {  	s7 =	sld [smem:$0x3F97]  }
0x1a: {  	s8 =	sadd.s32 $0xFFFFE003, lr  }
0x1b: {  	s9 =	sadd.s32 $0xFFFFFEF7, lr;
	s5 =	simm.s32 $0xFFFFFFFF;
	p2 =	slt.u32 s8, $0xFFFFF086  }
0x1c: {  	p1 =	slt.u32 s9, $0xF7A;
	s5 =	simm.s32 @!p2 $0x0  }
0x1d: {  	s5 =	simm.s32 @p1 $0x1;
	p0 =	seq.s32 s7, s2  }
0x1e: {  	s7 =	smul.u32 @!p0 $0xF7A, s2;
	p2 =	seq.s32 @!p0 s5, $0x0  }
0x1f: {  	s9 =	smul.u32 $0xF7A, s1;
	s8 =	simm.s32 @!p0 $0x1BF5;
	p2 =	por !p2, p0  }
0x20: {  	[sflag:s8] =	ssyncset.s32 @!p0 $0xFFFFF086;
	s6 =	sadd.s32 @!p0 s3, s7;
	s7 =	simm.s32 @!p0 $0x108  }
0x21: {  	s3 =	sadd.s32 s3, s9;
	s6 =	sadd.s32 @!p0 $0x88, s6;
	s7 =	simm.s32 @p2 $0x1082  }
0x22: {  	[simem:s7], [sflag:s8] =	dma.local @!p0 [hbm:s6], $0xF7A  }
0x23: {  	s9 =	sor.u32 $0xD0000000, s2;
	s6 =	simm.s32 $0x108;
	_ =	swait.ge @!p0 [sflag:s8], $0x0  }
0x24: {  	s3 =	sadd.s32 $0x88, s3;
	s6 =	simm.s32 @!p1 $0x1082;
	[sflag:s4] =	ssyncset.s32 $0xFFFFF086  }
0x25: {  	[simem:s6], [sflag:s4] =	dma.local [hbm:s3], $0xF7A  }
0x26: {  	[smem:$0x3F97] =	sst s1;
	(tag) =	ssettag s2;
	_ =	strace s9  }
0x27: {  	s1 =	sld [smem:$0x3FA7]  }
0x28: {  	s2 =	sld [smem:$0x3FA8]  }
0x29: {  	s4 =	sld [smem:$0x3FAA]  }
0x2a: {  	p0 =	seq.s32 s5, $0x0;
	s5 =	sld [smem:$0x3FAB]  }
0x2b: {  	s6 =	sld [smem:$0x3FAC]  }
0x2c: {  	s7 =	sld [smem:$0x3FAD]  }
0x2d: {  	s3 =	simm.s32 $0x108;
	s8 =	sld [smem:$0x3FAE]  }
0x2e: {  	s3 =	simm.s32 @!p0 $0x1082;
	s9 =	sld [smem:$0x3FAF]  }
0x2f: {  	lr =	sadd.s32 s0, s3;
	s0 =	sld [smem:$0x3FA6]  }
0x30: {  	s3 =	sld [smem:$0x3FA9]  }
0x31: {  	[smem:$0x3FB2] =	sst s10  }
0x32: {  	s10 =	sld [smem:$0x3FB0];
	_ =	sdelay $0x3  }
0x33: {  	p0 =	seq.s32 s10, $0x1;
	s10 =	sld [smem:$0x3FB2];
	_ =	sdelay $0x3  }
0x34: {  	[smem:$0x3FB2] =	sst s10  }
0x35: {  	s10 =	sld [smem:$0x3FB1];
	_ =	sdelay $0x3  }
0x36: {  	p1 =	seq.s32 s10, $0x1;
	s10 =	sld [smem:$0x3FB2];
	_ =	sdelay $0x3  }
0x37: {  	[smem:$0x3FB2] =	sst s10  }
0x38: {  	s10 =	sld [smem:$0x3FB3]  }
0x39: {  	_ = 	snop;
	(pc) =	sbr.ind lr, $3  }
0x3a: {  	_ = 	snop  }
0x3b: {  	_ = 	snop  }
0x3c: {  	p2 =	seq.s32 s10, $0x1;
	s10 =	sld [smem:$0x3FB2]  }
0x3d: {  	_ =	shalt  }
0x3e: {  	_ =	shalt  }
0x3f: {  	_ =	shalt  }
0x40: {  	_ =	shalt  }
0x41: {  	_ =	shalt  }
0x42: {  	_ =	shalt  }
0x43: {  	_ =	shalt  }
0x44: {  	_ =	shalt  }
0x45: {  	_ =	shalt  }
0x46: {  	_ =	shalt  }
0x47: {  	_ =	shalt  }
0x48: {  	_ =	shalt  }
0x49: {  	_ =	shalt  }
0x4a: {  	_ =	shalt  }
0x4b: {  	_ =	shalt  }
0x4c: {  	_ =	shalt  }
0x4d: {  	_ =	shalt  }
0x4e: {  	_ =	shalt  }
0x4f: {  	_ =	shalt  }
0x50: {  	_ =	shalt  }
0x51: {  	_ =	shalt  }
0x52: {  	_ =	shalt  }
0x53: {  	_ =	shalt  }
0x54: {  	_ =	shalt  }
0x55: {  	_ =	shalt  }
0x56: {  	_ =	shalt  }
0x57: {  	_ =	shalt  }
0x58: {  	_ =	shalt  }
0x59: {  	_ =	shalt  }
0x5a: {  	_ =	shalt  }
0x5b: {  	_ =	shalt  }
0x5c: {  	_ =	shalt  }
0x5d: {  	_ =	shalt  }
0x5e: {  	_ =	shalt  }
0x5f: {  	_ =	shalt  }
0x60: {  	_ =	shalt  }
0x61: {  	_ =	shalt  }
0x62: {  	_ =	shalt  }
0x63: {  	_ =	shalt  }
0x64: {  	_ =	shalt  }
0x65: {  	_ =	shalt  }
0x66: {  	_ =	shalt  }
0x67: {  	_ =	shalt  }
0x68: {  	_ =	shalt  }
0x69: {  	_ =	shalt  }
0x6a: {  	_ =	shalt  }
0x6b: {  	_ =	shalt  }
0x6c: {  	_ =	shalt  }
0x6d: {  	_ =	shalt  }
0x6e: {  	_ =	shalt  }
0x6f: {  	_ =	shalt  }
0x70: {  	_ =	shalt  }
0x71: {  	_ =	shalt  }
0x72: {  	_ =	shalt  }
0x73: {  	_ =	shalt  }
0x74: {  	_ =	shalt  }
0x75: {  	_ =	shalt  }
0x76: {  	_ =	shalt  }
0x77: {  	_ =	shalt  }
0x78: {  	_ =	shalt  }
0x79: {  	_ =	shalt  }
0x7a: {  	_ =	shalt  }
0x7b: {  	_ =	shalt  }
0x7c: {  	_ =	shalt  }
0x7d: {  	_ =	shalt  }
0x7e: {  	_ =	shalt  }
0x7f: {  	_ =	shalt  }
0x80: {  	_ =	shalt  }
0x81: {  	_ =	shalt  }
0x82: {  	_ =	shalt  }
0x83: {  	_ =	shalt  }
0x84: {  	_ =	shalt  }
0x85: {  	_ =	shalt  }
0x86: {  	_ =	shalt  }
0x87: {  	_ =	shalt  }
.Lfunc_end0:
.L_simem_size_0:
called_computation_lowered:
.L_overlay_start_0:
0x88: {  	s2 =	sld [smem:$0x3FD9]  }
0x89: {  	s3 =	sld [smem:$0x3FFE];
	_ =	sdelay $0x1  }
0x8a: {  	s1 =	srdreg.scid  }
0x8b: {  	s0 =	sand.u32 $0x1, s1  }
0x8c: {  	s17 =	sshll.u32 s0, $0xA;
	s2 =	sadd.s32 s3, s2  }
0x8d: {  	s2 =	sadd.s32 s2, s17  }
0x8e: {  	[smem:$0x3FBE] =	sst s2  }
0x8f: {  	_ = 	snop  }
0x90: {  	s2 =	sld [smem:$0x3FD0];
	(tm) =	ssettm $0x1  }
0x91: {  	s18 =	sld [smem:$0x3FFB];
	_ =	sdelay $0x3  }
0x92: {  	_ =	strace s18  }
0x93: {  	s3 =	sld [smem:$0x3FFC];
	_ =	sdelay $0x3  }
0x94: {  	_ =	strace s3  }
0x95: {  	s3 =	sld [smem:$0x3FFD];
	_ =	sdelay $0x3  }
0x96: {  	_ =	strace s3  }
0x97: {  	_ =	strace $0x8FFFFFFF  }
0x98: {  	s19 =	sld [smem:$0x3FDB];
	_ =	sdelay $0x1  }
0x99: {  	s4 =	simm.s32 $_scs_section_size  }
0x9a: {  	s5 =	simm.s32 $_size__tile_overlayer_lowered;
	s6 =	simm.s32 $_tile_overlayer_lowered  }
0x9b: {  	s22 =	simm.s32 $0x1BFF;
	s21 =	sshll.u32 s6, $0x1;
	s3 =	sadd.s32 s4, s19  }
0x9c: {  	s7 =	simm.s32 $0x0;
	s20 =	sshll.u32 s5, $0x1;
	s5 =	sadd.s32 s21, s3  }
0x9d: {  	[timem:s7], [sflag:s22] =	dma.local [hbm:s5], s20  }
0x9e: {  	_ =	swait.ge [sflag:s22], s20  }
0x9f: {  	s4 =	ssub.s32 $0x0, s20;
	[sflag:s22] =	ssyncset.done $0x0  }
0xa0: {  	[sflag:s22] =	ssyncadd.s32 s4;
	_ =	sdelay $0x1  }
0xa1: {  	s23 =	simm.s32 $0x1B8B  }
0xa2: {  	_ =	swait.ge [sflag:s23], $0x1  }
0xa3: {  	[sflag:s23] =	ssyncset.done $0x0  }
0xa4: {  	s25 =	simm.s32 $0x1B8E;
	s24 =	sld [smem:$0x3FFE];
	[sflag:s23] =	ssyncadd.s32 $0xFFFFFFFF  }
0xa5: {  	s26 =	simm.s32 $execute0_lowered;
	[smem:$0x3FD2] =	sst s25  }
0xa6: {  	s5 =	sshll.u32 s26, $0x1;
	_ =	strace $0x80000046;
	[dreg:$0x1] =	wrdreg $0xFFFFFFFF  }
0xa7: {  	s28 =	simm.s32 $_size_execute0_lowered;
	s3 =	sadd.s32 s3, s5;
	[dreg:$0x0] =	wrdreg $0x0  }
0xa8: {  	s5 =	sshll.u32 s28, $0x1;
	[dreg:$0x2] =	wrdreg s3  }
0xa9: {  	[dreg:$0x3] =	wrdreg s5  }
0xaa: {  	[dreg:$0x4] =	wrdreg $0xC0  }
0xab: {  	_ =	task [dreg:s7], $0x5FFFF  }
0xac: {  	[dreg:$0x1] =	wrdreg $0xFFFFFFFF  }
0xad: {  	[dreg:$0x0] =	wrdreg $0x60  }
0xae: {  	[dreg:$0x2] =	wrdreg s24  }
0xaf: {  	[dreg:$0x3] =	wrdreg s2  }
0xb0: {  	[dreg:$0x4] =	wrdreg $0x0  }
0xb1: {  	[dreg:$0x5] =	wrdreg $0x50000  }
0xb2: {  	[dreg:$0x6] =	wrdreg $0x9  }
0xb3: {  	_ =	task.clear_ibuf [dreg:s7], $0x7FFFF;
	_ =	strace $0x90000046  }
0xb4: {  	s29 =	simm.s32 $0x9;
	_ =	strace $0x80000048  }
0xb5: {  	_ =	swait.ge [sflag:s29], $0x1  }
0xb6: {  	[sflag:s29] =	ssyncadd.s32 $0xFFFFFFFF  }
0xb7: {  	_ =	strace $0x90000048  }
0xb8: {  	_ =	sfence  }
0xb9: {  	s30 =	sld [smem:$0x0];
	_ =	sdelay $0x2  }
0xba: {  	s31 =	sshll.u32 s1, $0xD;
	s1 =	sshrl.u32 s1, $0x2  }
0xbb: {  	s3 =	sand.u32 $0x4000, s31;
	s1 =	sadd.s32 s1, s30  }
0xbc: {  	s0 =	sor.u32 s3, s0;
	s1 =	sshll.u32 s1, $0x11  }
0xbd: {  	s0 =	sor.u32 s1, s0  }
0xbe: {  	s0 =	sadd.s32 $0x8F2B, s0  }
0xbf: {  	[sflag:s0] =	ssyncadd.remote.s32 $0x1  }
0xc0: {  	_ =	sfence.sel $0xFFFF  }
0xc1: {  	[dreg:$0x0] =	wrdreg $0xFFFFFFFF;
	(pc) =	sbr.abs _section_cstart, $3  }
0xc2: {  	[dreg:$0x1] =	wrdreg $0xFFFFFFFF  }
0xc3: {  	_ =	task.clear_ibuf [dreg:s7], $0x2FFFF;
	_ =	strace $0x9FFFFFFF  }
0xc4: {  	(tm) =	ssettm $0x7FFFFFFF  }
0xc5: {  	_ =	shalt  }
tec
execute0_lowered:
.L_overlay_start_1:
0x0: {  	(tag) =	ssettag $0x1  }
0x1: {  	s0 =	rddreg [dreg:$0x0]  }
0x2: {  	s2 =	rddreg [dreg:$0x2]  }
0x3: {  	s4 =	rddreg [dreg:$0x3];
	s11 =	simm.s32 $0x0  }
0x4: {  	s10 =	stileid.u32;
	s1 =	srdreg.scid;
	s17 =	simm.s32 $0x5  }
0x5: {  	s28 =	simm.s32 $0x1;
	s29 =	simm.s32 $0xC800;
	s30 =	simm.s32 $0xD800  }
0x6: {  	s31 =	simm.s32 $0xE800;
	s15 =	simm.s32 $0x0;
	s3 =	smul.u32 $0x98, s10  }
0x7: {  	[smem:$0x7FF] =	sst s11;
	s1 =	sand.u32 $0x1, s1;
	s7 =	smul.u32 $0xA000, s10  }
0x8: {  	s5 =	sshll.u32 s10, $0x3;
	s18 =	smul.u32 $0x2800, s10;
	s6 =	sadd.s32 $0x16600, s0  }
0x9: {  	s12 =	sadd.s32 $0x20600, s0;
	s19 =	sadd.s32 $0x21000, s0;
	s21 =	sshll.u32 s10, $0x6  }
0xa: {  	s10 =	simm.s32 $0x980;
	p0 =	seq.s32 s1, $0x0;
	s5 =	sor.u32 $0x980, s5  }
0xb: {  	s8 =	smul.u32 $0xA0000, s1;
	_ =	strace $0x80000047;
	[dreg:$0x8] =	wrdreg s12  }
0xc: {  	s9 =	smul.u32 $0x28000, s1;
	[dreg:$0x9] =	wrdreg s19;
	s1 =	ssub.s32 $0x2, s1  }
0xd: {  	s12 =	sor.u32 $0x1C05, s21;
	s19 =	simm.s32 $0x10800;
	s5 =	smov.u32 @p0 s3  }
0xe: {  	s20 =	sshrl.u32 s1, $0x1;
	s3 =	sadd.s32 s18, s4;
	s10 =	simm.s32 @!p0 $0x80  }
0xf: {  	[dreg:$0xa] =	wrdreg s12;
	s5 =	sshll.u32 s5, $0x4;
	s8 =	sadd.s32 s7, s8  }
0x10: {  	s9 =	sadd.s32 s18, s9;
	s1 =	ssub.s32 s1, s20;
	s7 =	sshrl.u32 s7, $0x1  }
0x11: {  	s26 =	sadd.s32 $0xFFFFFF80, s10;
	s14 =	sshrl.u32 s3, $0x3;
	s20 =	simm.s32 $0x4  }
0x12: {  	s5 =	sadd.s32 s5, s0;
	s8 =	sshrl.u32 s8, $0x4;
	[dreg:$0x7] =	wrdreg s26  }
0x13: {  	s9 =	sshrl.u32 s9, $0x3;
	s1 =	smax.u32 s1, $0x1;
	[dreg:$0x11] =	wrdreg s14  }
0x14: {  	s7 =	sadd.s32 s7, s2;
	s22 =	sadd.s32 $0xC600, s5;
	[dreg:$0xf] =	wrdreg s1  }
0x15: {  	s26 =	simm.s32 $0xB800;
	s23 =	sadd.s32 $0x2600, s5;
	[dreg:$0xb] =	wrdreg s22  }
0x16: {  	s8 =	sadd.s32 s8, s0;
	s24 =	sadd.s32 $0x2680, s5;
	[dreg:$0xc] =	wrdreg s23  }
0x17: {  	s0 =	sadd.s32 s9, s0;
	s25 =	sadd.s32 $0xC680, s5;
	[dreg:$0x5] =	wrdreg s24  }
0x18: {  	s13 =	sshrl.u32 s7, $0x3;
	s8 =	sadd.s32 $0x2B200, s8;
	[dreg:$0x6] =	wrdreg s25  }
0x19: {  	s0 =	sadd.s32 $0x21200, s0;
	s22 =	simm.s32 $0x80;
	[dreg:$0x10] =	wrdreg s13  }
0x1a: {  	s23 =	simm.s32 $0x8800;
	s24 =	simm.s32 $0x9800;
	[dreg:$0xd] =	wrdreg s8  }
0x1b: {  	s25 =	simm.s32 $0xA800;
	[dreg:$0xe] =	wrdreg s0;
	s0 =	simm.s32 $0xF800  }
.LBB2_1:
0x1c: {  	s1 =	rddreg [dreg:$0x8]  }
0x1d: {  	[spmem:s13], [sflag:s12] =	dma.local [hbm:s1], $0xA00  }
0x1e: {  	_ =	swait.ge [sflag:s17], $0xA00  }
0x1f: {  	[sflag:s17] =	ssyncset.done $0x0  }
0x20: {  	[sflag:s17] =	ssyncadd.s32 $0xFFFFF600  }
0x21: {  	s8 =	rddreg [dreg:$0x1]  }
0x22: {  	[spmem:s14], [sflag:s12] =	dma.local [hbm:s8], $0x500  }
0x23: {  	_ =	swait.ge [sflag:s17], $0x500  }
0x24: {  	[sflag:s17] =	ssyncset.done $0x0  }
0x25: {  	s9 =	rddreg [dreg:$0x9];
	[sflag:s17] =	ssyncadd.s32 $0xFFFFFB00  }
0x26: {  	[tilespmem:s19], [sflag:$0x5] =	stream.linear.gather [hbm4b:s9+s11], $0x800, $0x38;
	[tilespmem:$0x11000] =	vst v63  }
0x27: {  	_ =	swait.ge [sflag:s17], $0x800  }
0x28: {  	[sflag:s17] =	ssyncset.done $0x0  }
0x29: {  	[sflag:s17] =	ssyncadd.s32 $0xFFFFF800  }
0x2a: {  	[bflag:$0x0] =	sbarrier.arrive $0xFFFF  }
0x2b: {  	s3 =	simm.s32 $0x7800;
	s16 =	rddreg [dreg:$0xb]  }
0x2c: {  	[tilespmem:s3], [sflag:$0x5] =	stream.linear.gather [hbm4b:s16+s11], $0x400, $0x38;
	[tilespmem:$0x11000] =	vst v63  }
0x2d: {  	_ =	swait.ge [sflag:s17], $0x400  }
0x2e: {  	s21 =	simm.s32 $0x8000;
	p2 =	sne.s32 s10, $0x80;
	[sflag:s17] =	ssyncset.done $0x0  }
.Ltmp0:
0x2f: {  	s18 =	rddreg [dreg:$0xc];
	[sflag:s17] =	ssyncadd.s32 $0xFFFFFC00;
	(pc) =	sbr.rel @!p2 .LBB2_2-.Ltmp0, $4  }
0x30: {  	[tilespmem:s21], [sflag:$0x5] =	stream.linear.gather [hbm4b:s18+s11], $0x400, $0x38;
	[tilespmem:$0x11000] =	vst v63  }
0x31: {  	_ =	swait.ge [sflag:s17], $0x400  }
0x32: {  	p0 =	por $0x1, $0x1;
	s7 =	simm.s32 $0x80;
	[sflag:s17] =	ssyncset.done $0x0  }
0x33: {  	p1 =	por $0x0, $0x0;
	p0 =	por p0, p0;
	[sflag:s17] =	ssyncadd.s32 $0xFFFFFC00  }
0x34: {  	[dreg:$0x12] =	wrdreg s15;
	s5 =	simm.s32 @!p0 $0x2  }
0x35: {  	_ =	swait.ge @!p0 [sflag:s5], $0x1000  }
0x36: {  	[sflag:s5] =	ssyncset.done @!p0 $0x0  }
0x37: {  	[sflag:s5] =	ssyncadd.s32 @!p0 $0xFFFFF000  }
0x38: {  	_ =	swait.ge @!p0 [sflag:s5], $0x1000  }
0x39: {  	[sflag:s5] =	ssyncset.done @!p0 $0x0  }
0x3a: {  	[sflag:s5] =	ssyncadd.s32 @!p0 $0xFFFFF000  }
0x3b: {  	_ =	swait.ge @!p0 [sflag:s5], $0x1000  }
0x3c: {  	[sflag:s5] =	ssyncset.done @!p0 $0x0  }
0x3d: {  	[sflag:s5] =	ssyncadd.s32 @!p0 $0xFFFFF000  }
0x3e: {  	_ =	swait.ge @!p0 [sflag:s5], $0x1000  }
0x3f: {  	s3 =	sand.u32 $0x400, s11;
	[sflag:s5] =	ssyncset.done @!p0 $0x0  }
0x40: {  	s11 =	sor.u32 $0x7800, s3;
	[sflag:s5] =	ssyncadd.s32 @!p0 $0xFFFFF000  }
0x41: {  	[tilespmem:s23], [sflag:$0x1] =	stream.indirect.gather [hbm4b:s6+s22], $0x20, s11, s22, $0xb8;
	[tilespmem:$0x11000] =	vst v63  }
0x42: {  	s12 =	sor.u32 $0x7880, s3  }
0x43: {  	[tilespmem:s24], [sflag:$0x1] =	stream.indirect.gather [hbm4b:s6+s22], $0x20, s12, s22, $0xb8;
	[tilespmem:$0x11000] =	vst v63  }
0x44: {  	s13 =	sor.u32 $0x7900, s3  }
0x45: {  	[tilespmem:s25], [sflag:$0x1] =	stream.indirect.gather [hbm4b:s6+s22], $0x20, s13, s22, $0xb8;
	[tilespmem:$0x11000] =	vst v63  }
0x46: {  	s8 =	sor.u32 $0x7980, s3;
	s5 =	simm.s32 @!p0 $0x3  }
0x47: {  	[tilespmem:s26], [sflag:$0x1] =	stream.indirect.gather [hbm4b:s6+s22], $0x20, s8, s22, $0xb8;
	[tilespmem:$0x11000] =	vst v63  }
0x48: {  	_ =	swait.ge @!p0 [sflag:s5], $0x1000  }
0x49: {  	[sflag:s5] =	ssyncset.done @!p0 $0x0  }
0x4a: {  	[sflag:s5] =	ssyncadd.s32 @!p0 $0xFFFFF000  }
0x4b: {  	_ =	swait.ge @!p0 [sflag:s5], $0x1000  }
0x4c: {  	[sflag:s5] =	ssyncset.done @!p0 $0x0  }
0x4d: {  	[sflag:s5] =	ssyncadd.s32 @!p0 $0xFFFFF000  }
0x4e: {  	_ =	swait.ge @!p0 [sflag:s5], $0x1000  }
0x4f: {  	[sflag:s5] =	ssyncset.done @!p0 $0x0  }
0x50: {  	[sflag:s5] =	ssyncadd.s32 @!p0 $0xFFFFF000  }
0x51: {  	_ =	swait.ge @!p0 [sflag:s5], $0x1000  }
0x52: {  	[sflag:s5] =	ssyncset.done @!p0 $0x0  }
0x53: {  	[sflag:s5] =	ssyncadd.s32 @!p0 $0xFFFFF000;
	s5 =	simm.s32 @!p0 $0x4  }
0x54: {  	_ =	swait.ge @!p0 [sflag:s5], $0x800  }
0x55: {  	[sflag:s5] =	ssyncset.done @!p0 $0x0  }
0x56: {  	[sflag:s5] =	ssyncadd.s32 @!p0 $0xFFFFF800  }
0x57: {  	_ =	swait.ge @!p0 [sflag:s5], $0x800  }
0x58: {  	[sflag:s5] =	ssyncset.done @!p0 $0x0  }
0x59: {  	[sflag:s5] =	ssyncadd.s32 @!p0 $0xFFFFF800  }
0x5a: {  	_ =	swait.ge @!p0 [sflag:s5], $0x800  }
0x5b: {  	[sflag:s5] =	ssyncset.done @!p0 $0x0  }
0x5c: {  	[sflag:s5] =	ssyncadd.s32 @!p0 $0xFFFFF800  }
0x5d: {  	_ =	swait.ge @!p0 [sflag:s5], $0x800  }
0x5e: {  	[sflag:s5] =	ssyncset.done @!p0 $0x0  }
0x5f: {  	[sflag:s5] =	ssyncadd.s32 @!p0 $0xFFFFF800  }
0x60: {  	_ =	swait.ge @!p0 [sflag:s5], $0x800  }
0x61: {  	[sflag:s5] =	ssyncset.done @!p0 $0x0  }
0x62: {  	[sflag:s5] =	ssyncadd.s32 @!p0 $0xFFFFF800  }
0x63: {  	_ =	swait.ge @!p0 [sflag:s5], $0x800  }
0x64: {  	[sflag:s5] =	ssyncset.done @!p0 $0x0  }
0x65: {  	[sflag:s5] =	ssyncadd.s32 @!p0 $0xFFFFF800  }
0x66: {  	_ =	swait.ge @!p0 [sflag:s5], $0x800  }
0x67: {  	[sflag:s5] =	ssyncset.done @!p0 $0x0  }
0x68: {  	[sflag:s5] =	ssyncadd.s32 @!p0 $0xFFFFF800  }
0x69: {  	_ =	swait.ge @!p0 [sflag:s5], $0x800  }
0x6a: {  	[sflag:s5] =	ssyncset.done @!p0 $0x0  }
0x6b: {  	[sflag:s5] =	ssyncadd.s32 @!p0 $0xFFFFF800  }
0x6c: {  	_ =	swait.ge [sflag:s28], $0x1000  }
0x6d: {  	[sflag:s28] =	ssyncset.done $0x0  }
0x6e: {  	[sflag:s28] =	ssyncadd.s32 $0xFFFFF000  }
0x6f: {  	_ =	swait.ge [sflag:s28], $0x1000  }
0x70: {  	[sflag:s28] =	ssyncset.done $0x0  }
0x71: {  	[sflag:s28] =	ssyncadd.s32 $0xFFFFF000  }
0x72: {  	_ =	swait.ge [sflag:s28], $0x1000  }
0x73: {  	[sflag:s28] =	ssyncset.done $0x0  }
0x74: {  	[sflag:s28] =	ssyncadd.s32 $0xFFFFF000  }
0x75: {  	_ =	swait.ge [sflag:s28], $0x1000  }
0x76: {  	[sflag:s28] =	ssyncset.done $0x0  }
0x77: {  	s14 =	sor.u32 $0x8000, s3;
	[sflag:s28] =	ssyncadd.s32 $0xFFFFF000  }
0x78: {  	[spmem:s2] =	stream.indirect.scatter.add.bf16 [tilespmem:s23], [sflag:$0x2], $0x20, s14, s22, $0xb8;
	[tilespmem:$0x11000] =	vst v63  }
0x79: {  	s15 =	sor.u32 $0x80, s3  }
0x7a: {  	[spmem:s4] =	stream.indirect.scatter.add.f32 [tilespmem:s19], [sflag:$0x4], $0x10, s14, s22, $0xb8;
	[tilespmem:$0x11000] =	vst v63  }
0x7b: {  	s16 =	sor.u32 $0x8000, s15  }
0x7c: {  	[spmem:s2] =	stream.indirect.scatter.add.bf16 [tilespmem:s24], [sflag:$0x2], $0x20, s16, s22, $0xb8;
	[tilespmem:$0x11000] =	vst v63  }
0x7d: {  	s18 =	sor.u32 $0x100, s3  }
0x7e: {  	[spmem:s4] =	stream.indirect.scatter.add.f32 [tilespmem:s19], [sflag:$0x4], $0x10, s16, s22, $0xb8;
	[tilespmem:$0x11000] =	vst v63  }
0x7f: {  	s21 =	sor.u32 $0x8000, s18  }
0x80: {  	[spmem:s2] =	stream.indirect.scatter.add.bf16 [tilespmem:s25], [sflag:$0x2], $0x20, s21, s22, $0xb8;
	[tilespmem:$0x11000] =	vst v63  }
0x81: {  	s1 =	sor.u32 $0x180, s3  }
0x82: {  	[spmem:s4] =	stream.indirect.scatter.add.f32 [tilespmem:s19], [sflag:$0x4], $0x10, s21, s22, $0xb8;
	[tilespmem:$0x11000] =	vst v63  }
0x83: {  	s8 =	sor.u32 $0x8000, s1  }
0x84: {  	[spmem:s2] =	stream.indirect.scatter.add.bf16 [tilespmem:s26], [sflag:$0x2], $0x20, s8, s22, $0xb8;
	[tilespmem:$0x11000] =	vst v63  }
0x85: {  	_ = 	snop  }
0x86: {  	[spmem:s4] =	stream.indirect.scatter.add.f32 [tilespmem:s19], [sflag:$0x4], $0x10, s8, s22, $0xb8;
	[tilespmem:$0x11000] =	vst v63  }
0x87: {  	s9 =	sor.u32 $0x7A00, s3  }
0x88: {  	[tilespmem:s29], [sflag:$0x1] =	stream.indirect.gather [hbm4b:s6+s22], $0x20, s9, s22, $0xb8;
	[tilespmem:$0x11000] =	vst v63  }
0x89: {  	s11 =	sor.u32 $0x7A80, s3;
	s12 =	rddreg [dreg:$0x7]  }
0x8a: {  	[tilespmem:s30], [sflag:$0x1] =	stream.indirect.gather [hbm4b:s6+s22], $0x20, s11, s22, $0xb8;
	[tilespmem:$0x11000] =	vst v63  }
0x8b: {  	s13 =	sor.u32 $0x7B00, s3;
	p0 =	seq.s32 s12, $0x0  }
0x8c: {  	[tilespmem:s31], [sflag:$0x1] =	stream.indirect.gather [hbm4b:s6+s22], $0x20, s13, s22, $0xb8;
	[tilespmem:$0x11000] =	vst v63  }
0x8d: {  	s5 =	rddreg [dreg:$0x6];
	s8 =	sxor.u32 @!p0 $0x400, s3;
	s9 =	sor.u32 $0x7B80, s3  }
0x8e: {  	[tilespmem:s0], [sflag:$0x1] =	stream.indirect.gather [hbm4b:s6+s22], $0x20, s9, s22, $0xb8;
	[tilespmem:$0x11000] =	vst v63  }
0x8f: {  	s5 =	sadd.s32 @!p0 $0x0, s5;
	s11 =	sor.u32 @!p0 $0x7800, s8;
	s9 =	simm.s32 @!p0 $0x0  }
0x90: {  	[tilespmem:s11], [sflag:$0x5] =	stream.linear.gather @!p0 [hbm4b:s5+s9], $0x400, $0x38;
	[tilespmem:$0x11000] =	vst v63  }
0x91: {  	s5 =	simm.s32 @!p0 $0x5  }
0x92: {  	_ =	swait.ge @!p0 [sflag:s5], $0x400  }
0x93: {  	s11 =	rddreg [dreg:$0x5];
	[sflag:s5] =	ssyncset.done @!p0 $0x0  }
0x94: {  	s8 =	sor.u32 @!p0 $0x8000, s8;
	[sflag:s5] =	ssyncadd.s32 @!p0 $0xFFFFFC00;
	s11 =	sadd.s32 @!p0 $0x0, s11  }
0x95: {  	[tilespmem:s8], [sflag:$0x5] =	stream.linear.gather @!p0 [hbm4b:s11+s9], $0x400, $0x38;
	[tilespmem:$0x11000] =	vst v63  }
0x96: {  	_ =	swait.ge @!p0 [sflag:s5], $0x400  }
0x97: {  	[sflag:s5] =	ssyncset.done @!p0 $0x0  }
0x98: {  	[sflag:s5] =	ssyncadd.s32 @!p0 $0xFFFFFC00  }
0x99: {  	_ =	swait.ge [sflag:s28], $0x1000  }
0x9a: {  	[sflag:s28] =	ssyncset.done $0x0  }
0x9b: {  	[sflag:s28] =	ssyncadd.s32 $0xFFFFF000  }
0x9c: {  	_ =	swait.ge [sflag:s28], $0x1000  }
0x9d: {  	[sflag:s28] =	ssyncset.done $0x0  }
0x9e: {  	[sflag:s28] =	ssyncadd.s32 $0xFFFFF000  }
0x9f: {  	_ =	swait.ge [sflag:s28], $0x1000  }
0xa0: {  	[sflag:s28] =	ssyncset.done $0x0  }
0xa1: {  	[sflag:s28] =	ssyncadd.s32 $0xFFFFF000  }
0xa2: {  	_ =	swait.ge [sflag:s28], $0x1000  }
0xa3: {  	s14 =	sor.u32 $0x200, s3;
	[sflag:s28] =	ssyncset.done $0x0  }
0xa4: {  	s5 =	sor.u32 $0x8000, s14;
	[sflag:s28] =	ssyncadd.s32 $0xFFFFF000  }
0xa5: {  	[spmem:s2] =	stream.indirect.scatter.add.bf16 [tilespmem:s29], [sflag:$0x3], $0x20, s5, s22, $0xb8;
	[tilespmem:$0x11000] =	vst v63  }
0xa6: {  	s15 =	sor.u32 $0x280, s3  }
0xa7: {  	[spmem:s4] =	stream.indirect.scatter.add.f32 [tilespmem:s19], [sflag:$0x4], $0x10, s5, s22, $0xb8;
	[tilespmem:$0x11000] =	vst v63  }
0xa8: {  	s16 =	sor.u32 $0x8000, s15  }
0xa9: {  	[spmem:s2] =	stream.indirect.scatter.add.bf16 [tilespmem:s30], [sflag:$0x3], $0x20, s16, s22, $0xb8;
	[tilespmem:$0x11000] =	vst v63  }
0xaa: {  	s18 =	sor.u32 $0x300, s3  }
0xab: {  	[spmem:s4] =	stream.indirect.scatter.add.f32 [tilespmem:s19], [sflag:$0x4], $0x10, s16, s22, $0xb8;
	[tilespmem:$0x11000] =	vst v63  }
0xac: {  	p2 =	sne.s32 s10, $0x100;
	s21 =	sor.u32 $0x8000, s18  }
0xad: {  	[spmem:s2] =	stream.indirect.scatter.add.bf16 [tilespmem:s31], [sflag:$0x3], $0x20, s21, s22, $0xb8;
	[tilespmem:$0x11000] =	vst v63  }
.Ltmp1:
0xae: {  	s3 =	sor.u32 $0x380, s3;
	(pc) =	sbr.rel @!p2 .LBB2_4-.Ltmp1, $4  }
0xaf: {  	p6 =	por $0x0, $0x0;
	p1 =	por $0x1, $0x1;
	s3 =	sor.u32 $0x8000, s3  }
0xb0: {  	[spmem:s4] =	stream.indirect.scatter.add.f32 [tilespmem:s19], [sflag:$0x4], $0x10, s21, s22, $0xb8;
	[tilespmem:$0x11000] =	vst v63  }
0xb1: {  	s11 =	simm.s32 $0x100;
	s8 =	simm.s32 $0x400;
	p0 =	por p6, p6  }
0xb2: {  	[spmem:s2] =	stream.indirect.scatter.add.bf16 [tilespmem:s0], [sflag:$0x3], $0x20, s3, s22, $0xb8;
	[tilespmem:$0x11000] =	vst v63  }
.LBB2_5:
0xb3: {  	s5 =	simm.s32 @!p0 $0x2  }
0xb4: {  	[spmem:s4] =	stream.indirect.scatter.add.f32 [tilespmem:s19], [sflag:$0x4], $0x10, s3, s22, $0xb8;
	[tilespmem:$0x11000] =	vst v63  }
0xb5: {  	_ =	swait.ge @!p0 [sflag:s5], $0x1000  }
0xb6: {  	[sflag:s5] =	ssyncset.done @!p0 $0x0  }
0xb7: {  	[sflag:s5] =	ssyncadd.s32 @!p0 $0xFFFFF000  }
0xb8: {  	_ =	swait.ge @!p0 [sflag:s5], $0x1000  }
0xb9: {  	[sflag:s5] =	ssyncset.done @!p0 $0x0  }
0xba: {  	[sflag:s5] =	ssyncadd.s32 @!p0 $0xFFFFF000  }
0xbb: {  	_ =	swait.ge @!p0 [sflag:s5], $0x1000  }
0xbc: {  	[sflag:s5] =	ssyncset.done @!p0 $0x0  }
0xbd: {  	[sflag:s5] =	ssyncadd.s32 @!p0 $0xFFFFF000  }
0xbe: {  	_ =	swait.ge @!p0 [sflag:s5], $0x1000  }
0xbf: {  	s16 =	sand.u32 $0x400, s8;
	[sflag:s5] =	ssyncset.done @!p0 $0x0  }
0xc0: {  	s14 =	sor.u32 $0x7800, s16;
	[sflag:s5] =	ssyncadd.s32 @!p0 $0xFFFFF000  }
0xc1: {  	[tilespmem:s23], [sflag:$0x1] =	stream.indirect.gather [hbm4b:s6+s22], $0x20, s14, s22, $0xb8;
	[tilespmem:$0x11000] =	vst v63  }
0xc2: {  	s15 =	sor.u32 $0x7880, s16  }
0xc3: {  	[tilespmem:s24], [sflag:$0x1] =	stream.indirect.gather [hbm4b:s6+s22], $0x20, s15, s22, $0xb8;
	[tilespmem:$0x11000] =	vst v63  }
0xc4: {  	s12 =	sor.u32 $0x7900, s16  }
0xc5: {  	[tilespmem:s25], [sflag:$0x1] =	stream.indirect.gather [hbm4b:s6+s22], $0x20, s12, s22, $0xb8;
	[tilespmem:$0x11000] =	vst v63  }
0xc6: {  	s1 =	simm.s32 @!p0 $0x3;
	s21 =	sor.u32 $0x7980, s16  }
0xc7: {  	[tilespmem:s26], [sflag:$0x1] =	stream.indirect.gather [hbm4b:s6+s22], $0x20, s21, s22, $0xb8;
	[tilespmem:$0x11000] =	vst v63  }
0xc8: {  	_ =	swait.ge @!p0 [sflag:s1], $0x1000  }
0xc9: {  	[sflag:s1] =	ssyncset.done @!p0 $0x0  }
0xca: {  	[sflag:s1] =	ssyncadd.s32 @!p0 $0xFFFFF000  }
0xcb: {  	_ =	swait.ge @!p0 [sflag:s1], $0x1000  }
0xcc: {  	[sflag:s1] =	ssyncset.done @!p0 $0x0  }
0xcd: {  	[sflag:s1] =	ssyncadd.s32 @!p0 $0xFFFFF000  }
0xce: {  	_ =	swait.ge @!p0 [sflag:s1], $0x1000  }
0xcf: {  	[sflag:s1] =	ssyncset.done @!p0 $0x0  }
0xd0: {  	[sflag:s1] =	ssyncadd.s32 @!p0 $0xFFFFF000  }
0xd1: {  	_ =	swait.ge @!p0 [sflag:s1], $0x1000  }
0xd2: {  	[sflag:s1] =	ssyncset.done @!p0 $0x0  }
0xd3: {  	[sflag:s1] =	ssyncadd.s32 @!p0 $0xFFFFF000;
	s1 =	simm.s32 @!p0 $0x4  }
0xd4: {  	_ =	swait.ge @!p0 [sflag:s1], $0x800  }
0xd5: {  	[sflag:s1] =	ssyncset.done @!p0 $0x0  }
0xd6: {  	[sflag:s1] =	ssyncadd.s32 @!p0 $0xFFFFF800  }
0xd7: {  	_ =	swait.ge @!p0 [sflag:s1], $0x800  }
0xd8: {  	[sflag:s1] =	ssyncset.done @!p0 $0x0  }
0xd9: {  	[sflag:s1] =	ssyncadd.s32 @!p0 $0xFFFFF800  }
0xda: {  	_ =	swait.ge @!p0 [sflag:s1], $0x800  }
0xdb: {  	[sflag:s1] =	ssyncset.done @!p0 $0x0  }
0xdc: {  	[sflag:s1] =	ssyncadd.s32 @!p0 $0xFFFFF800  }
0xdd: {  	_ =	swait.ge @!p0 [sflag:s1], $0x800  }
0xde: {  	[sflag:s1] =	ssyncset.done @!p0 $0x0  }
0xdf: {  	[sflag:s1] =	ssyncadd.s32 @!p0 $0xFFFFF800  }
0xe0: {  	_ =	swait.ge @!p0 [sflag:s1], $0x800  }
0xe1: {  	[sflag:s1] =	ssyncset.done @!p0 $0x0  }
0xe2: {  	[sflag:s1] =	ssyncadd.s32 @!p0 $0xFFFFF800  }
0xe3: {  	_ =	swait.ge @!p0 [sflag:s1], $0x800  }
0xe4: {  	[sflag:s1] =	ssyncset.done @!p0 $0x0  }
0xe5: {  	[sflag:s1] =	ssyncadd.s32 @!p0 $0xFFFFF800  }
0xe6: {  	_ =	swait.ge @!p0 [sflag:s1], $0x800  }
0xe7: {  	[sflag:s1] =	ssyncset.done @!p0 $0x0  }
0xe8: {  	[sflag:s1] =	ssyncadd.s32 @!p0 $0xFFFFF800  }
0xe9: {  	_ =	swait.ge @!p0 [sflag:s1], $0x800  }
0xea: {  	[sflag:s1] =	ssyncset.done @!p0 $0x0  }
0xeb: {  	[sflag:s1] =	ssyncadd.s32 @!p0 $0xFFFFF800  }
0xec: {  	_ =	swait.ge [sflag:s28], $0x1000  }
0xed: {  	[sflag:s28] =	ssyncset.done $0x0  }
0xee: {  	[sflag:s28] =	ssyncadd.s32 $0xFFFFF000  }
0xef: {  	_ =	swait.ge [sflag:s28], $0x1000  }
0xf0: {  	[sflag:s28] =	ssyncset.done $0x0  }
0xf1: {  	[sflag:s28] =	ssyncadd.s32 $0xFFFFF000  }
0xf2: {  	_ =	swait.ge [sflag:s28], $0x1000  }
0xf3: {  	[sflag:s28] =	ssyncset.done $0x0  }
0xf4: {  	[sflag:s28] =	ssyncadd.s32 $0xFFFFF000  }
0xf5: {  	_ =	swait.ge [sflag:s28], $0x1000  }
0xf6: {  	[sflag:s28] =	ssyncset.done $0x0  }
0xf7: {  	s21 =	sor.u32 $0x8000, s16;
	[sflag:s28] =	ssyncadd.s32 $0xFFFFF000  }
0xf8: {  	[spmem:s2] =	stream.indirect.scatter.add.bf16 [tilespmem:s23], [sflag:$0x2], $0x20, s21, s22, $0xb8;
	[tilespmem:$0x11000] =	vst v63  }
0xf9: {  	s3 =	sor.u32 $0x80, s16  }
0xfa: {  	[spmem:s4] =	stream.indirect.scatter.add.f32 [tilespmem:s19], [sflag:$0x4], $0x10, s21, s22, $0xb8;
	[tilespmem:$0x11000] =	vst v63  }
0xfb: {  	s3 =	sor.u32 $0x8000, s3  }
0xfc: {  	[spmem:s2] =	stream.indirect.scatter.add.bf16 [tilespmem:s24], [sflag:$0x2], $0x20, s3, s22, $0xb8;
	[tilespmem:$0x11000] =	vst v63  }
0xfd: {  	s9 =	sor.u32 $0x100, s16  }
0xfe: {  	[spmem:s4] =	stream.indirect.scatter.add.f32 [tilespmem:s19], [sflag:$0x4], $0x10, s3, s22, $0xb8;
	[tilespmem:$0x11000] =	vst v63  }
0xff: {  	s9 =	sor.u32 $0x8000, s9  }
0x100: {  	[spmem:s2] =	stream.indirect.scatter.add.bf16 [tilespmem:s25], [sflag:$0x2], $0x20, s9, s22, $0xb8;
	[tilespmem:$0x11000] =	vst v63  }
0x101: {  	s18 =	sor.u32 $0x180, s16  }
0x102: {  	[spmem:s4] =	stream.indirect.scatter.add.f32 [tilespmem:s19], [sflag:$0x4], $0x10, s9, s22, $0xb8;
	[tilespmem:$0x11000] =	vst v63  }
0x103: {  	s21 =	sor.u32 $0x8000, s18  }
0x104: {  	[spmem:s2] =	stream.indirect.scatter.add.bf16 [tilespmem:s26], [sflag:$0x2], $0x20, s21, s22, $0xb8;
	[tilespmem:$0x11000] =	vst v63  }
0x105: {  	p3 =	seq.s32 s11, $0x0;
	s5 =	sor.u32 $0x200, s16;
	s14 =	sor.u32 $0x300, s16  }
0x106: {  	[spmem:s4] =	stream.indirect.scatter.add.f32 [tilespmem:s19], [sflag:$0x4], $0x10, s21, s22, $0xb8;
	[tilespmem:$0x11000] =	vst v63  }
0x107: {  	s15 =	sor.u32 $0x280, s16;
	s12 =	sor.u32 $0x380, s16;
	s3 =	sor.u32 $0x7A00, s16  }
0x108: {  	[tilespmem:s29], [sflag:$0x1] =	stream.indirect.gather [hbm4b:s6+s22], $0x20, s3, s22, $0xb8;
	[tilespmem:$0x11000] =	vst v63  }
0x109: {  	p0 =	por p3, p3;
	s9 =	sor.u32 $0x7A80, s16;
	s3 =	rddreg [dreg:$0x7]  }
0x10a: {  	[tilespmem:s30], [sflag:$0x1] =	stream.indirect.gather [hbm4b:s6+s22], $0x20, s9, s22, $0xb8;
	[tilespmem:$0x11000] =	vst v63  }
0x10b: {  	s18 =	sor.u32 $0x7B00, s16;
	p3 =	seq.s32 s3, s7;
	s9 =	rddreg [dreg:$0x6]  }
0x10c: {  	[tilespmem:s31], [sflag:$0x1] =	stream.indirect.gather [hbm4b:s6+s22], $0x20, s18, s22, $0xb8;
	[tilespmem:$0x11000] =	vst v63  }
0x10d: {  	s21 =	sor.u32 $0x7B80, s16;
	s1 =	sxor.u32 @!p3 $0x400, s16;
	s3 =	sadd.s32 @!p3 s7, s9  }
0x10e: {  	[tilespmem:s0], [sflag:$0x1] =	stream.indirect.gather [hbm4b:s6+s22], $0x20, s21, s22, $0xb8;
	[tilespmem:$0x11000] =	vst v63  }
0x10f: {  	s9 =	simm.s32 @!p3 $0x0;
	s16 =	sor.u32 @!p3 $0x7800, s1;
	s18 =	simm.s32 @!p3 $0x5  }
0x110: {  	[tilespmem:s16], [sflag:$0x5] =	stream.linear.gather @!p3 [hbm4b:s3+s9], $0x400, $0x38;
	[tilespmem:$0x11000] =	vst v63  }
0x111: {  	_ =	swait.ge @!p3 [sflag:s18], $0x400  }
0x112: {  	[sflag:s18] =	ssyncset.done @!p3 $0x0;
	s3 =	rddreg [dreg:$0x5]  }
0x113: {  	s1 =	sor.u32 @!p3 $0x8000, s1;
	[sflag:s18] =	ssyncadd.s32 @!p3 $0xFFFFFC00;
	s3 =	sadd.s32 @!p3 s7, s3  }
0x114: {  	[tilespmem:s1], [sflag:$0x5] =	stream.linear.gather @!p3 [hbm4b:s3+s9], $0x400, $0x38;
	[tilespmem:$0x11000] =	vst v63  }
0x115: {  	_ =	swait.ge @!p3 [sflag:s18], $0x400  }
0x116: {  	[sflag:s18] =	ssyncset.done @!p3 $0x0  }
0x117: {  	[sflag:s18] =	ssyncadd.s32 @!p3 $0xFFFFFC00  }
0x118: {  	_ =	swait.ge [sflag:s28], $0x1000  }
0x119: {  	[sflag:s28] =	ssyncset.done $0x0  }
0x11a: {  	[sflag:s28] =	ssyncadd.s32 $0xFFFFF000  }
0x11b: {  	_ =	swait.ge [sflag:s28], $0x1000  }
0x11c: {  	[sflag:s28] =	ssyncset.done $0x0  }
0x11d: {  	[sflag:s28] =	ssyncadd.s32 $0xFFFFF000  }
0x11e: {  	_ =	swait.ge [sflag:s28], $0x1000  }
0x11f: {  	[sflag:s28] =	ssyncset.done $0x0  }
0x120: {  	[sflag:s28] =	ssyncadd.s32 $0xFFFFF000  }
0x121: {  	_ =	swait.ge [sflag:s28], $0x1000  }
0x122: {  	[sflag:s28] =	ssyncset.done $0x0  }
0x123: {  	s16 =	sor.u32 $0x8000, s5;
	[sflag:s28] =	ssyncadd.s32 $0xFFFFF000  }
0x124: {  	[spmem:s2] =	stream.indirect.scatter.add.bf16 [tilespmem:s29], [sflag:$0x3], $0x20, s16, s22, $0xb8;
	[tilespmem:$0x11000] =	vst v63  }
0x125: {  	_ = 	snop  }
0x126: {  	[spmem:s4] =	stream.indirect.scatter.add.f32 [tilespmem:s19], [sflag:$0x4], $0x10, s16, s22, $0xb8;
	[tilespmem:$0x11000] =	vst v63  }
0x127: {  	s18 =	sor.u32 $0x8000, s15  }
0x128: {  	[spmem:s2] =	stream.indirect.scatter.add.bf16 [tilespmem:s30], [sflag:$0x3], $0x20, s18, s22, $0xb8;
	[tilespmem:$0x11000] =	vst v63  }
0x129: {  	s13 =	smov.u32 s11;
	s11 =	sadd.s32 $0x80, s11  }
0x12a: {  	[spmem:s4] =	stream.indirect.scatter.add.f32 [tilespmem:s19], [sflag:$0x4], $0x10, s18, s22, $0xb8;
	[tilespmem:$0x11000] =	vst v63  }
0x12b: {  	p2 =	sne.s32 s10, s11;
	s21 =	sor.u32 $0x8000, s14  }
0x12c: {  	[spmem:s2] =	stream.indirect.scatter.add.bf16 [tilespmem:s31], [sflag:$0x3], $0x20, s21, s22, $0xb8;
	[tilespmem:$0x11000] =	vst v63  }
.Ltmp2:
0x12d: {  	_ = 	snop;
	(pc) =	sbr.rel @p2 .LBB2_5-.Ltmp2, $4  }
0x12e: {  	_ = 	snop  }
0x12f: {  	[spmem:s4] =	stream.indirect.scatter.add.f32 [tilespmem:s19], [sflag:$0x4], $0x10, s21, s22, $0xb8;
	[tilespmem:$0x11000] =	vst v63  }
0x130: {  	s8 =	sadd.s32 $0x400, s8;
	s7 =	smov.u32 s13;
	s3 =	sor.u32 $0x8000, s12  }
0x131: {  	[spmem:s2] =	stream.indirect.scatter.add.bf16 [tilespmem:s0], [sflag:$0x3], $0x20, s3, s22, $0xb8;
	[tilespmem:$0x11000] =	vst v63  }
0x132: {  	s12 =	rddreg [dreg:$0xa]  }
0x133: {  	s13 =	rddreg [dreg:$0x10]  }
0x134: {  	s14 =	rddreg [dreg:$0x11]  }
0x135: {  	s11 =	simm.s32 $0x0;
	s15 =	rddreg [dreg:$0x12]  }
.LBB2_7:
0x136: {  	s1 =	simm.s32 @!p0 $0x2  }
0x137: {  	[spmem:s4] =	stream.indirect.scatter.add.f32 @p1 [tilespmem:s19], [sflag:$0x4], $0x10, s3, s22, $0xb8;
	[tilespmem:$0x11000] =	vst v63  }
0x138: {  	_ =	swait.ge @!p0 [sflag:s1], $0x1000  }
0x139: {  	[sflag:s1] =	ssyncset.done @!p0 $0x0  }
0x13a: {  	[sflag:s1] =	ssyncadd.s32 @!p0 $0xFFFFF000  }
0x13b: {  	_ =	swait.ge @!p0 [sflag:s1], $0x1000  }
0x13c: {  	[sflag:s1] =	ssyncset.done @!p0 $0x0  }
0x13d: {  	[sflag:s1] =	ssyncadd.s32 @!p0 $0xFFFFF000  }
0x13e: {  	_ =	swait.ge @!p0 [sflag:s1], $0x1000  }
0x13f: {  	[sflag:s1] =	ssyncset.done @!p0 $0x0  }
0x140: {  	[sflag:s1] =	ssyncadd.s32 @!p0 $0xFFFFF000  }
0x141: {  	_ =	swait.ge @!p0 [sflag:s1], $0x1000  }
0x142: {  	s3 =	sand.u32 $0x400, s8;
	[sflag:s1] =	ssyncset.done @!p0 $0x0  }
0x143: {  	s8 =	sor.u32 $0x7800, s3;
	[sflag:s1] =	ssyncadd.s32 @!p0 $0xFFFFF000  }
0x144: {  	[tilespmem:s23], [sflag:$0x1] =	stream.indirect.gather [hbm4b:s6+s22], $0x20, s8, s22, $0xb8;
	[tilespmem:$0x11000] =	vst v63  }
0x145: {  	s9 =	sor.u32 $0x7880, s3  }
0x146: {  	[tilespmem:s24], [sflag:$0x1] =	stream.indirect.gather [hbm4b:s6+s22], $0x20, s9, s22, $0xb8;
	[tilespmem:$0x11000] =	vst v63  }
0x147: {  	s16 =	sor.u32 $0x7900, s3  }
0x148: {  	[tilespmem:s25], [sflag:$0x1] =	stream.indirect.gather [hbm4b:s6+s22], $0x20, s16, s22, $0xb8;
	[tilespmem:$0x11000] =	vst v63  }
0x149: {  	s5 =	sor.u32 $0x7980, s3;
	s1 =	simm.s32 @!p0 $0x3  }
0x14a: {  	[tilespmem:s26], [sflag:$0x1] =	stream.indirect.gather [hbm4b:s6+s22], $0x20, s5, s22, $0xb8;
	[tilespmem:$0x11000] =	vst v63  }
0x14b: {  	_ =	swait.ge @!p0 [sflag:s1], $0x1000  }
0x14c: {  	[sflag:s1] =	ssyncset.done @!p0 $0x0  }
0x14d: {  	[sflag:s1] =	ssyncadd.s32 @!p0 $0xFFFFF000  }
0x14e: {  	_ =	swait.ge @!p0 [sflag:s1], $0x1000  }
0x14f: {  	[sflag:s1] =	ssyncset.done @!p0 $0x0  }
0x150: {  	[sflag:s1] =	ssyncadd.s32 @!p0 $0xFFFFF000  }
0x151: {  	_ =	swait.ge @!p0 [sflag:s1], $0x1000  }
0x152: {  	[sflag:s1] =	ssyncset.done @!p0 $0x0  }
0x153: {  	[sflag:s1] =	ssyncadd.s32 @!p0 $0xFFFFF000  }
0x154: {  	_ =	swait.ge @!p0 [sflag:s1], $0x1000  }
0x155: {  	[sflag:s1] =	ssyncset.done @!p0 $0x0  }
0x156: {  	[sflag:s1] =	ssyncadd.s32 @!p0 $0xFFFFF000;
	s1 =	simm.s32 @!p0 $0x4  }
0x157: {  	_ =	swait.ge @!p0 [sflag:s1], $0x800  }
0x158: {  	[sflag:s1] =	ssyncset.done @!p0 $0x0  }
0x159: {  	[sflag:s1] =	ssyncadd.s32 @!p0 $0xFFFFF800  }
0x15a: {  	_ =	swait.ge @!p0 [sflag:s1], $0x800  }
0x15b: {  	[sflag:s1] =	ssyncset.done @!p0 $0x0  }
0x15c: {  	[sflag:s1] =	ssyncadd.s32 @!p0 $0xFFFFF800  }
0x15d: {  	_ =	swait.ge @!p0 [sflag:s1], $0x800  }
0x15e: {  	[sflag:s1] =	ssyncset.done @!p0 $0x0  }
0x15f: {  	[sflag:s1] =	ssyncadd.s32 @!p0 $0xFFFFF800  }
0x160: {  	_ =	swait.ge @!p0 [sflag:s1], $0x800  }
0x161: {  	[sflag:s1] =	ssyncset.done @!p0 $0x0  }
0x162: {  	[sflag:s1] =	ssyncadd.s32 @!p0 $0xFFFFF800  }
0x163: {  	_ =	swait.ge @!p0 [sflag:s1], $0x800  }
0x164: {  	[sflag:s1] =	ssyncset.done @!p0 $0x0  }
0x165: {  	[sflag:s1] =	ssyncadd.s32 @!p0 $0xFFFFF800  }
0x166: {  	_ =	swait.ge @!p0 [sflag:s1], $0x800  }
0x167: {  	[sflag:s1] =	ssyncset.done @!p0 $0x0  }
0x168: {  	[sflag:s1] =	ssyncadd.s32 @!p0 $0xFFFFF800  }
0x169: {  	_ =	swait.ge @!p0 [sflag:s1], $0x800  }
0x16a: {  	[sflag:s1] =	ssyncset.done @!p0 $0x0  }
0x16b: {  	[sflag:s1] =	ssyncadd.s32 @!p0 $0xFFFFF800  }
0x16c: {  	_ =	swait.ge @!p0 [sflag:s1], $0x800  }
0x16d: {  	[sflag:s1] =	ssyncset.done @!p0 $0x0  }
0x16e: {  	[sflag:s1] =	ssyncadd.s32 @!p0 $0xFFFFF800  }
0x16f: {  	_ =	swait.ge [sflag:s28], $0x1000  }
0x170: {  	[sflag:s28] =	ssyncset.done $0x0  }
0x171: {  	[sflag:s28] =	ssyncadd.s32 $0xFFFFF000  }
0x172: {  	_ =	swait.ge [sflag:s28], $0x1000  }
0x173: {  	[sflag:s28] =	ssyncset.done $0x0  }
0x174: {  	[sflag:s28] =	ssyncadd.s32 $0xFFFFF000  }
0x175: {  	_ =	swait.ge [sflag:s28], $0x1000  }
0x176: {  	[sflag:s28] =	ssyncset.done $0x0  }
0x177: {  	[sflag:s28] =	ssyncadd.s32 $0xFFFFF000  }
0x178: {  	_ =	swait.ge [sflag:s28], $0x1000  }
0x179: {  	[sflag:s28] =	ssyncset.done $0x0  }
0x17a: {  	s18 =	sor.u32 $0x8000, s3;
	[sflag:s28] =	ssyncadd.s32 $0xFFFFF000  }
0x17b: {  	[spmem:s2] =	stream.indirect.scatter.add.bf16 [tilespmem:s23], [sflag:$0x2], $0x20, s18, s22, $0xb8;
	[tilespmem:$0x11000] =	vst v63  }
0x17c: {  	s21 =	sor.u32 $0x80, s3  }
0x17d: {  	[spmem:s4] =	stream.indirect.scatter.add.f32 [tilespmem:s19], [sflag:$0x4], $0x10, s18, s22, $0xb8;
	[tilespmem:$0x11000] =	vst v63  }
0x17e: {  	s8 =	sor.u32 $0x8000, s21  }
0x17f: {  	[spmem:s2] =	stream.indirect.scatter.add.bf16 [tilespmem:s24], [sflag:$0x2], $0x20, s8, s22, $0xb8;
	[tilespmem:$0x11000] =	vst v63  }
0x180: {  	s9 =	sor.u32 $0x100, s3  }
0x181: {  	[spmem:s4] =	stream.indirect.scatter.add.f32 [tilespmem:s19], [sflag:$0x4], $0x10, s8, s22, $0xb8;
	[tilespmem:$0x11000] =	vst v63  }
0x182: {  	s16 =	sor.u32 $0x8000, s9  }
0x183: {  	[spmem:s2] =	stream.indirect.scatter.add.bf16 [tilespmem:s25], [sflag:$0x2], $0x20, s16, s22, $0xb8;
	[tilespmem:$0x11000] =	vst v63  }
0x184: {  	s18 =	sor.u32 $0x180, s3  }
0x185: {  	[spmem:s4] =	stream.indirect.scatter.add.f32 [tilespmem:s19], [sflag:$0x4], $0x10, s16, s22, $0xb8;
	[tilespmem:$0x11000] =	vst v63  }
0x186: {  	s21 =	sor.u32 $0x8000, s18  }
0x187: {  	[spmem:s2] =	stream.indirect.scatter.add.bf16 [tilespmem:s26], [sflag:$0x2], $0x20, s21, s22, $0xb8;
	[tilespmem:$0x11000] =	vst v63  }
0x188: {  	_ = 	snop  }
0x189: {  	[spmem:s4] =	stream.indirect.scatter.add.f32 [tilespmem:s19], [sflag:$0x4], $0x10, s21, s22, $0xb8;
	[tilespmem:$0x11000] =	vst v63  }
0x18a: {  	s5 =	sor.u32 $0x7A00, s3  }
0x18b: {  	[tilespmem:s29], [sflag:$0x1] =	stream.indirect.gather [hbm4b:s6+s22], $0x20, s5, s22, $0xb8;
	[tilespmem:$0x11000] =	vst v63  }
0x18c: {  	s9 =	rddreg [dreg:$0x7];
	s8 =	sor.u32 $0x7A80, s3  }
0x18d: {  	[tilespmem:s30], [sflag:$0x1] =	stream.indirect.gather [hbm4b:s6+s22], $0x20, s8, s22, $0xb8;
	[tilespmem:$0x11000] =	vst v63  }
0x18e: {  	p0 =	seq.s32 s9, s7;
	s16 =	sor.u32 $0x7B00, s3  }
0x18f: {  	[tilespmem:s31], [sflag:$0x1] =	stream.indirect.gather [hbm4b:s6+s22], $0x20, s16, s22, $0xb8;
	[tilespmem:$0x11000] =	vst v63  }
0x190: {  	s1 =	rddreg [dreg:$0x6];
	s5 =	sxor.u32 @!p0 $0x400, s3;
	s8 =	sor.u32 $0x7B80, s3  }
0x191: {  	[tilespmem:s0], [sflag:$0x1] =	stream.indirect.gather [hbm4b:s6+s22], $0x20, s8, s22, $0xb8;
	[tilespmem:$0x11000] =	vst v63  }
0x192: {  	s1 =	sadd.s32 @!p0 s7, s1;
	s9 =	sor.u32 @!p0 $0x7800, s5;
	s8 =	simm.s32 @!p0 $0x0  }
0x193: {  	[tilespmem:s9], [sflag:$0x5] =	stream.linear.gather @!p0 [hbm4b:s1+s8], $0x400, $0x38;
	[tilespmem:$0x11000] =	vst v63  }
0x194: {  	s1 =	simm.s32 @!p0 $0x5  }
0x195: {  	_ =	swait.ge @!p0 [sflag:s1], $0x400  }
0x196: {  	s9 =	rddreg [dreg:$0x5];
	[sflag:s1] =	ssyncset.done @!p0 $0x0  }
0x197: {  	s5 =	sor.u32 @!p0 $0x8000, s5;
	s7 =	sadd.s32 @!p0 s7, s9;
	[sflag:s1] =	ssyncadd.s32 @!p0 $0xFFFFFC00  }
0x198: {  	[tilespmem:s5], [sflag:$0x5] =	stream.linear.gather @!p0 [hbm4b:s7+s8], $0x400, $0x38;
	[tilespmem:$0x11000] =	vst v63  }
0x199: {  	_ =	swait.ge @!p0 [sflag:s1], $0x400  }
0x19a: {  	[sflag:s1] =	ssyncset.done @!p0 $0x0  }
0x19b: {  	[sflag:s1] =	ssyncadd.s32 @!p0 $0xFFFFFC00  }
0x19c: {  	_ =	swait.ge [sflag:s28], $0x1000  }
0x19d: {  	[sflag:s28] =	ssyncset.done $0x0  }
0x19e: {  	[sflag:s28] =	ssyncadd.s32 $0xFFFFF000  }
0x19f: {  	_ =	swait.ge [sflag:s28], $0x1000  }
0x1a0: {  	[sflag:s28] =	ssyncset.done $0x0  }
0x1a1: {  	[sflag:s28] =	ssyncadd.s32 $0xFFFFF000  }
0x1a2: {  	_ =	swait.ge [sflag:s28], $0x1000  }
0x1a3: {  	[sflag:s28] =	ssyncset.done $0x0  }
0x1a4: {  	[sflag:s28] =	ssyncadd.s32 $0xFFFFF000  }
0x1a5: {  	_ =	swait.ge [sflag:s28], $0x1000  }
0x1a6: {  	s18 =	sor.u32 $0x200, s3;
	[sflag:s28] =	ssyncset.done $0x0  }
0x1a7: {  	s1 =	sor.u32 $0x8000, s18;
	[sflag:s28] =	ssyncadd.s32 $0xFFFFF000  }
0x1a8: {  	[spmem:s2] =	stream.indirect.scatter.add.bf16 [tilespmem:s29], [sflag:$0x3], $0x20, s1, s22, $0xb8;
	[tilespmem:$0x11000] =	vst v63  }
0x1a9: {  	s21 =	sor.u32 $0x280, s3  }
0x1aa: {  	[spmem:s4] =	stream.indirect.scatter.add.f32 [tilespmem:s19], [sflag:$0x4], $0x10, s1, s22, $0xb8;
	[tilespmem:$0x11000] =	vst v63  }
0x1ab: {  	s1 =	sor.u32 $0x8000, s21  }
0x1ac: {  	[spmem:s2] =	stream.indirect.scatter.add.bf16 [tilespmem:s30], [sflag:$0x3], $0x20, s1, s22, $0xb8;
	[tilespmem:$0x11000] =	vst v63  }
0x1ad: {  	s5 =	sor.u32 $0x300, s3  }
0x1ae: {  	[spmem:s4] =	stream.indirect.scatter.add.f32 [tilespmem:s19], [sflag:$0x4], $0x10, s1, s22, $0xb8;
	[tilespmem:$0x11000] =	vst v63  }
0x1af: {  	s1 =	sor.u32 $0x8000, s5  }
0x1b0: {  	[spmem:s2] =	stream.indirect.scatter.add.bf16 [tilespmem:s31], [sflag:$0x3], $0x20, s1, s22, $0xb8;
	[tilespmem:$0x11000] =	vst v63  }
0x1b1: {  	s7 =	sor.u32 $0x380, s3  }
0x1b2: {  	[spmem:s4] =	stream.indirect.scatter.add.f32 [tilespmem:s19], [sflag:$0x4], $0x10, s1, s22, $0xb8;
	[tilespmem:$0x11000] =	vst v63  }
0x1b3: {  	s1 =	sor.u32 $0x8000, s7  }
0x1b4: {  	[spmem:s2] =	stream.indirect.scatter.add.bf16 [tilespmem:s0], [sflag:$0x3], $0x20, s1, s22, $0xb8;
	[tilespmem:$0x11000] =	vst v63  }
0x1b5: {  	s8 =	simm.s32 $0x2  }
0x1b6: {  	[spmem:s4] =	stream.indirect.scatter.add.f32 [tilespmem:s19], [sflag:$0x4], $0x10, s1, s22, $0xb8;
	[tilespmem:$0x11000] =	vst v63  }
0x1b7: {  	_ =	swait.ge [sflag:s8], $0x1000  }
0x1b8: {  	[sflag:s8] =	ssyncset.done $0x0  }
0x1b9: {  	[sflag:s8] =	ssyncadd.s32 $0xFFFFF000  }
0x1ba: {  	_ =	swait.ge [sflag:s8], $0x1000  }
0x1bb: {  	[sflag:s8] =	ssyncset.done $0x0  }
0x1bc: {  	[sflag:s8] =	ssyncadd.s32 $0xFFFFF000  }
0x1bd: {  	_ =	swait.ge [sflag:s8], $0x1000  }
0x1be: {  	[sflag:s8] =	ssyncset.done $0x0  }
0x1bf: {  	[sflag:s8] =	ssyncadd.s32 $0xFFFFF000  }
0x1c0: {  	_ =	swait.ge [sflag:s8], $0x1000  }
0x1c1: {  	[sflag:s8] =	ssyncset.done $0x0  }
0x1c2: {  	s9 =	simm.s32 $0x3;
	[sflag:s8] =	ssyncadd.s32 $0xFFFFF000  }
0x1c3: {  	_ =	swait.ge [sflag:s9], $0x1000  }
0x1c4: {  	[sflag:s9] =	ssyncset.done $0x0  }
0x1c5: {  	[sflag:s9] =	ssyncadd.s32 $0xFFFFF000  }
0x1c6: {  	_ =	swait.ge [sflag:s9], $0x1000  }
0x1c7: {  	[sflag:s9] =	ssyncset.done $0x0  }
0x1c8: {  	[sflag:s9] =	ssyncadd.s32 $0xFFFFF000  }
0x1c9: {  	_ =	swait.ge [sflag:s9], $0x1000  }
0x1ca: {  	[sflag:s9] =	ssyncset.done $0x0  }
0x1cb: {  	[sflag:s9] =	ssyncadd.s32 $0xFFFFF000  }
0x1cc: {  	_ =	swait.ge [sflag:s9], $0x1000  }
0x1cd: {  	[sflag:s9] =	ssyncset.done $0x0  }
0x1ce: {  	[sflag:s9] =	ssyncadd.s32 $0xFFFFF000  }
0x1cf: {  	_ =	swait.ge [sflag:s20], $0x800  }
0x1d0: {  	[sflag:s20] =	ssyncset.done $0x0  }
0x1d1: {  	[sflag:s20] =	ssyncadd.s32 $0xFFFFF800  }
0x1d2: {  	_ =	swait.ge [sflag:s20], $0x800  }
0x1d3: {  	[sflag:s20] =	ssyncset.done $0x0  }
0x1d4: {  	[sflag:s20] =	ssyncadd.s32 $0xFFFFF800  }
0x1d5: {  	_ =	swait.ge [sflag:s20], $0x800  }
0x1d6: {  	[sflag:s20] =	ssyncset.done $0x0  }
0x1d7: {  	[sflag:s20] =	ssyncadd.s32 $0xFFFFF800  }
0x1d8: {  	_ =	swait.ge [sflag:s20], $0x800  }
0x1d9: {  	[sflag:s20] =	ssyncset.done $0x0  }
0x1da: {  	[sflag:s20] =	ssyncadd.s32 $0xFFFFF800  }
0x1db: {  	_ =	swait.ge [sflag:s20], $0x800  }
0x1dc: {  	[sflag:s20] =	ssyncset.done $0x0  }
0x1dd: {  	[sflag:s20] =	ssyncadd.s32 $0xFFFFF800  }
0x1de: {  	_ =	swait.ge [sflag:s20], $0x800  }
0x1df: {  	[sflag:s20] =	ssyncset.done $0x0  }
0x1e0: {  	[sflag:s20] =	ssyncadd.s32 $0xFFFFF800  }
0x1e1: {  	_ =	swait.ge [sflag:s20], $0x800  }
0x1e2: {  	[sflag:s20] =	ssyncset.done $0x0  }
0x1e3: {  	[sflag:s20] =	ssyncadd.s32 $0xFFFFF800  }
0x1e4: {  	_ =	swait.ge [sflag:s20], $0x800  }
0x1e5: {  	[sflag:s20] =	ssyncset.done $0x0  }
0x1e6: {  	[sflag:s20] =	ssyncadd.s32 $0xFFFFF800  }
0x1e7: {  	[bflag:$0x0] =	sbarrier.arrive $0xFFFF  }
0x1e8: {  	s16 =	rddreg [dreg:$0xd]  }
0x1e9: {  	[hbm:s16], [sflag:s12] =	dma.local [spmem:s13], $0xA00  }
0x1ea: {  	_ =	swait.ge [sflag:s17], $0xA00  }
0x1eb: {  	[sflag:s17] =	ssyncset.done $0x0  }
0x1ec: {  	s18 =	rddreg [dreg:$0xe];
	[sflag:s17] =	ssyncadd.s32 $0xFFFFF600  }
0x1ed: {  	[hbm:s18], [sflag:s12] =	dma.local [spmem:s14], $0x500  }
0x1ee: {  	_ =	swait.ge [sflag:s17], $0x500  }
0x1ef: {  	s15 =	sadd.s32 $0x1, s15;
	s21 =	rddreg [dreg:$0xf]  }
0x1f0: {  	p0 =	sne.s32 s15, s21  }
.Ltmp3:
0x1f1: {  	_ = 	snop;
	(pc) =	sbr.rel @p0 .LBB2_1-.Ltmp3, $4  }
.Ltmp4:
0x1f2: {  	_ = 	snop;
	(pc) =	sbr.rel @!p0 .LBB2_8-.Ltmp4, $4  }
0x1f3: {  	_ = 	snop  }
0x1f4: {  	[sflag:s17] =	ssyncset.done $0x0  }
0x1f5: {  	[sflag:s17] =	ssyncadd.s32 $0xFFFFFB00  }
0x1f6: {  	_ = 	snop  }
.LBB2_2:
.Ltmp5:
0x1f7: {  	(pc) =	sbr.rel .LBB2_7-.Ltmp5, $2  }
0x1f8: {  	_ =	sdelay $0x2  }
0x1f9: {  	s8 =	simm.s32 $0x0;
	s7 =	simm.s32 $0x0  }
.LBB2_4:
.Ltmp6:
0x1fa: {  	(pc) =	sbr.rel .LBB2_7-.Ltmp6, $4  }
0x1fb: {  	s12 =	rddreg [dreg:$0xa]  }
0x1fc: {  	s13 =	rddreg [dreg:$0x10]  }
0x1fd: {  	s14 =	rddreg [dreg:$0x11]  }
0x1fe: {  	s11 =	simm.s32 $0x0;
	s15 =	rddreg [dreg:$0x12]  }
.LBB2_8:
0x1ff: {  	_ =	sfence.sel $0x180000  }
0x200: {  	[bflag:$0x0] =	sbarrier.arrive $0xFFFF  }
0x201: {  	_ =	strace $0x90000047  }
0x202: {  	s0 =	stileid.u32;
	[bflag:$0x2] =	sbarrier.arrive $0xFFFF  }
0x203: {  	p0 =	sne.s32 s0, $0x0;
	s0 =	rddreg [dreg:$0x4]  }
0x204: {  	s0 =	sadd.s32 @!p0 $0x100000, s0  }
0x205: {  	[sflag:s0] =	ssyncadd.tile.s32 @!p0 $0x1;
	_ =	shalt  }
.Lfunc_end2:
_tile_overlayer_lowered:
.L_overlay_start_2:
0x206: {  	(tag) =	ssettag $0x2  }
0x207: {  	s0 =	rddreg [dreg:$0x0];
	s2 =	stileid.u32  }
0x208: {  	s1 =	rddreg [dreg:$0x1];
	p0 =	sne.s32 s2, $0x0  }
0x209: {  	s3 =	rddreg [dreg:$0x2];
	[bflag:$0x3] =	sbarrier.arrive $0xFFFF;
	s2 =	simm.s32 @!p0 $0x1C05  }
0x20a: {  	[timem:s3], [sflag:s2] =	dma.local @!p0 [hbm:s0], s1  }
0x20b: {  	s0 =	simm.s32 @!p0 $0x5  }
0x20c: {  	_ =	swait.ge @!p0 [sflag:s0], s1  }
0x20d: {  	s1 =	ssub.s32 @!p0 $0x0, s1;
	[sflag:s0] =	ssyncset.done @!p0 $0x0  }
0x20e: {  	[sflag:s0] =	ssyncadd.s32 @!p0 s1  }
0x20f: {  	[bflag:$0x3] =	sbarrier.arrive $0xFFFF  }
0x210: {  	_ =	shalt  }

</sc_bundles>
